<compile_context>
chip_gen: v7x
topology: tpu7x:2x2x1
jax: 0.10.2.dev20260603
libtpu: 0.0.44.dev20260713+nightly
codegen_flags: <defaults>
</compile_context>

<pallas_src>
import functools

import jax
import jax.numpy as jnp
from jax import lax
from jax.experimental import pallas as pl
from jax.experimental.pallas import tpu as pltpu
from jax.experimental.pallas import tpu_sc as plsc

N = 10000
D = 128
E = 320000
NC = 2
NS = 16
NW = NC * NS
EPT = 10240
E_PAD = NW * EPT
C = 128
NCHUNK = EPT // C
RB = 624
TS = NS * RB
N_PAD = N + 128
R = 1000
GRID = N // R

_mesh = plsc.VectorSubcoreMesh(core_axis_name="c", subcore_axis_name="s")


HN = 5008
HRP = 640
ACC_R = 2 * HRP
WB = ACC_R // NS


@functools.partial(
    pl.kernel,
    out_type=jax.ShapeDtypeStruct((NC * ACC_R, D), jnp.float32),
    mesh=_mesh,
    compiler_params=pltpu.CompilerParams(needs_layout_passes=False),
    scratch_types=[
        pltpu.VMEM((EPT,), jnp.int32),
        pltpu.VMEM((HRP, D), jnp.float32),
        pltpu.VMEM((5, C), jnp.int32),
        pltpu.VMEM_SHARED((ACC_R, D), jnp.float32),
    ],
)
def _sc_deg(dst_hbm, iota_hbm, zeros_hbm, out_hbm, dstall, hist, idxb, acc):
    c = lax.axis_index("c")
    s = lax.axis_index("s")
    wid = c * NS + s
    ebase = wid * EPT
    rb = s * WB

    pltpu.sync_copy(zeros_hbm.at[pl.ds(0, WB)], hist.at[pl.ds(0, WB)])
    pltpu.sync_copy(hist.at[pl.ds(0, WB)], acc.at[pl.ds(rb, WB)])
    pltpu.sync_copy(dst_hbm.at[pl.ds(ebase, EPT)], dstall)
    plsc.subcore_barrier()

    lanes = lax.iota(jnp.int32, 16)
    onesv = jnp.ones((16,), jnp.float32)

    for r in (0, 1):
        lo = r * HN
        pltpu.sync_copy(zeros_hbm, hist)

        def sbody(i, carry):
            v = dstall[pl.ds(i * 16, 16)]
            m = (v >= lo) & (v < lo + HN)
            local = jnp.where(m, v - lo, 0)
            row = lax.shift_right_logical(local, 3)
            col = (local & 7) * 16 + lanes
            plsc.addupdate_scatter(hist, [row, col], onesv, mask=m)
            return carry

        lax.fori_loop(0, EPT // 16, sbody, 0)

        for k in range(5):
            pltpu.sync_copy(iota_hbm.at[pl.ds(r * HRP + k * C, C)], idxb.at[k])
            pltpu.sync_copy(hist.at[pl.ds(k * C, C)], acc.at[idxb.at[k]],
                            add=True)

    plsc.subcore_barrier()

    pltpu.sync_copy(acc.at[pl.ds(rb, WB)], hist.at[pl.ds(0, WB)])
    pltpu.sync_copy(hist.at[pl.ds(0, WB)], out_hbm.at[pl.ds(c * ACC_R + rb, WB)])


NBUF = 2
HC = 40


@functools.partial(
    pl.kernel,
    out_type=jax.ShapeDtypeStruct((NC * N, D), jnp.float32),
    mesh=_mesh,
    scratch_types=[
        pltpu.VMEM((HC, C), jnp.int32),
        pltpu.VMEM((HC, C), jnp.int32),
        pltpu.VMEM((NBUF, C, D), jnp.float32),
        pltpu.VMEM_SHARED((N_PAD, D), jnp.float32),
        pltpu.SemaphoreType.DMA,
        pltpu.SemaphoreType.DMA,
    ],
)
def _sc_scatter(y_hbm, src_hbm, dst_hbm, zeros_hbm, out_hbm,
                srcall, dstall, rows, acc, sem0, sem1):
    c = lax.axis_index("c")
    s = lax.axis_index("s")
    wid = c * NS + s
    rbase = s * RB
    sems = (sem0, sem1)
    tail = RB - 4 * C

    pltpu.sync_copy(zeros_hbm, rows.at[0])
    for k in range(4):
        pltpu.sync_copy(rows.at[0], acc.at[pl.ds(rbase + k * C, C)])
    pltpu.sync_copy(rows.at[0, pl.ds(0, tail)],
                    acc.at[pl.ds(rbase + 4 * C, tail)])

    @pl.when(s == NS - 1)
    def _():
        pltpu.sync_copy(rows.at[0, pl.ds(0, N - TS)],
                        acc.at[pl.ds(TS, N - TS)])

    plsc.subcore_barrier()

    def gather(b, g):
        return pltpu.make_async_copy(y_hbm.at[srcall.at[g]], rows.at[b],
                                     sems[b])

    for phase in range(NCHUNK // HC):
        pltpu.sync_copy(src_hbm.at[wid, pl.ds(phase * HC, HC)], srcall)
        pltpu.sync_copy(dst_hbm.at[wid, pl.ds(phase * HC, HC)], dstall)

        for b in range(NBUF):
            gather(b, b).start()

        def body(j, carry):
            for b in range(NBUF):
                g = NBUF * j + b
                gather(b, g).wait()
                pltpu.sync_copy(rows.at[b], acc.at[dstall.at[g]], add=True)
                gather(b, g + NBUF).start()
            return carry

        lax.fori_loop(0, HC // NBUF - 1, body, 0)
        for b in range(NBUF):
            g = HC - NBUF + b
            gather(b, g).wait()
            pltpu.sync_copy(rows.at[b], acc.at[dstall.at[g]], add=True)
    plsc.subcore_barrier()

    pltpu.sync_copy(acc.at[pl.ds(rbase, RB)],
                    out_hbm.at[pl.ds(c * N + rbase, RB)])

    @pl.when(s == NS - 1)
    def _():
        pltpu.sync_copy(acc.at[pl.ds(TS, N - TS)],
                        out_hbm.at[pl.ds(c * N + TS, N - TS)])


def _tc1_body(x_ref, w_ref, degp_ref, y_ref, dinv_ref):
    lanes = degp_ref[0] + degp_ref[1]
    deg = jnp.sum(lanes, axis=1, keepdims=True) + 1.0
    dinv = lax.rsqrt(deg)
    xw = jnp.dot(x_ref[...], w_ref[...], preferred_element_type=jnp.float32)
    y_ref[...] = xw * dinv
    dinv_ref[...] = dinv


def _tc1(x, W1, degp):
    return pl.pallas_call(
        _tc1_body,
        grid=(GRID,),
        in_specs=[
            pl.BlockSpec((R, D), lambda i: (i, 0)),
            pl.BlockSpec((D, D), lambda i: (0, 0)),
            pl.BlockSpec((NC, R, 16), lambda i: (0, i, 0)),
        ],
        out_specs=[
            pl.BlockSpec((R, D), lambda i: (i, 0)),
            pl.BlockSpec((R, 1), lambda i: (i, 0)),
        ],
        out_shape=[
            jax.ShapeDtypeStruct((N, D), jnp.float32),
            jax.ShapeDtypeStruct((N, 1), jnp.float32),
        ],
    )(x, W1, degp)


def _tc2_body(S_ref, y_ref, b_ref, w_ref, dinv_ref, out_ref):
    dinv = dinv_ref[...]
    h = jnp.tanh(dinv * (S_ref[0] + S_ref[1] + y_ref[...]) + b_ref[...])
    out_ref[...] = jnp.dot(h, w_ref[...],
                           preferred_element_type=jnp.float32) * dinv


def _tc2(S, y, b, W, dinv):
    return pl.pallas_call(
        _tc2_body,
        grid=(GRID,),
        in_specs=[
            pl.BlockSpec((NC, R, D), lambda i: (0, i, 0)),
            pl.BlockSpec((R, D), lambda i: (i, 0)),
            pl.BlockSpec((1, D), lambda i: (0, 0)),
            pl.BlockSpec((D, D), lambda i: (0, 0)),
            pl.BlockSpec((R, 1), lambda i: (i, 0)),
        ],
        out_specs=pl.BlockSpec((R, D), lambda i: (i, 0)),
        out_shape=jax.ShapeDtypeStruct((N, D), jnp.float32),
    )(S, y, b, W, dinv)


def _tc3_body(S_ref, y_ref, b_ref, w_ref, bc_ref, dinv_ref, out_ref):
    dinv = dinv_ref[...]
    h = jnp.tanh(dinv * (S_ref[0] + S_ref[1] + y_ref[...]) + b_ref[...])
    out_ref[...] = jnp.dot(h, w_ref[...],
                           preferred_element_type=jnp.float32) + bc_ref[...]


def _tc3(S, y, b, Wc, bc, dinv):
    return pl.pallas_call(
        _tc3_body,
        grid=(GRID,),
        in_specs=[
            pl.BlockSpec((NC, R, D), lambda i: (0, i, 0)),
            pl.BlockSpec((R, D), lambda i: (i, 0)),
            pl.BlockSpec((1, D), lambda i: (0, 0)),
            pl.BlockSpec((D, D), lambda i: (0, 0)),
            pl.BlockSpec((1, D), lambda i: (0, 0)),
            pl.BlockSpec((R, 1), lambda i: (i, 0)),
        ],
        out_specs=pl.BlockSpec((R, D), lambda i: (i, 0)),
        out_shape=jax.ShapeDtypeStruct((N, D), jnp.float32),
    )(S, y, b, Wc, bc, dinv)


@jax.jit
def kernel(x, edge_index, W1, b1, W2, b2, Wc, bc):
    src = edge_index[0].astype(jnp.int32)
    dst = edge_index[1].astype(jnp.int32)
    pad = E_PAD - E
    padi = jnp.arange(pad, dtype=jnp.int32)
    srcp = jnp.concatenate([src, padi % N])
    dstp = jnp.concatenate([dst, N + padi % 128])
    iota = jnp.arange(ACC_R, dtype=jnp.int32)
    zerosD = jnp.zeros((C, D), jnp.float32)

    degw = _sc_deg(dstp, iota, jnp.zeros((HRP, D), jnp.float32))
    degp = degw.reshape(NC, 2, HRP, D)[:, :, : HN // 8, :]
    degp = degp.reshape(NC, 2 * HN, 16)[:, :N, :]
    y1, dinv = _tc1(x, W1, degp)
    src3 = srcp.reshape(NW, NCHUNK, C)
    dst3 = dstp.reshape(NW, NCHUNK, C)
    S1 = _sc_scatter(y1, src3, dst3, zerosD).reshape(NC, N, D)
    y2 = _tc2(S1, y1, b1.reshape(1, D), W2, dinv)
    S2 = _sc_scatter(y2, src3, dst3, zerosD).reshape(NC, N, D)
    return _tc3(S2, y2, b2.reshape(1, D), Wc, bc.reshape(1, D), dinv)

# --- scband reference (transcript-rebuilt; emitter-appended) ---
"""Pipeline reference for scband-gcn-51616916964127 (READ-ONLY COPY).

The authoritative reference and input builder live on the scoring server;
editing this copy changes nothing except your own understanding.
"""

import jax, jax.numpy as jnp
import numpy as np

N_NODES = 10000
D_IN = 128
D_HID = 128
D_OUT = 128
N_EDGES = 320000


def gcn_conv(x, src, dst, W, b, n):
    # Linear transform
    xw = x @ W
    # Add self loops (PyG GCNConv default add_self_loops=True)
    loop = jnp.arange(n, dtype=src.dtype)
    src2 = jnp.concatenate([src, loop])
    dst2 = jnp.concatenate([dst, loop])
    # Symmetric normalization: deg computed on target (col) index with unit edge weights
    deg = jnp.zeros((n,), dtype=xw.dtype).at[dst2].add(1.0)
    dinv = jnp.where(deg > 0, jax.lax.rsqrt(deg), 0.0)
    norm = dinv[src2] * dinv[dst2]
    # Gather messages from source nodes, scale, scatter-add to destination nodes
    msg = xw[src2] * norm[:, None]
    out = jnp.zeros_like(xw).at[dst2].add(msg)
    return out + b


def setup_inputs(seed: int = 0) -> dict:
    key = jax.random.key(seed)
    ks = jax.random.split(key, 8)
    x = jax.random.normal(ks[0], (N_NODES, D_IN), dtype=jnp.float32)
    edge_index = jax.random.randint(ks[1], (2, N_EDGES), 0, N_NODES, dtype=jnp.int64)
    W1 = jax.random.normal(ks[2], (D_IN, D_HID), dtype=jnp.float32) / np.sqrt(D_IN)
    b1 = jnp.zeros((D_HID,), dtype=jnp.float32)
    W2 = jax.random.normal(ks[3], (D_HID, D_OUT), dtype=jnp.float32) / np.sqrt(D_HID)
    b2 = jnp.zeros((D_OUT,), dtype=jnp.float32)
    Wc = jax.random.normal(ks[4], (D_OUT, D_OUT), dtype=jnp.float32) / np.sqrt(D_OUT)
    bc = jnp.zeros((D_OUT,), dtype=jnp.float32)
    return {"x": x, "edge_index": edge_index, "W1": W1, "b1": b1, "W2": W2, "b2": b2, "Wc": Wc, "bc": bc}


def reference(x, edge_index, W1, b1, W2, b2, Wc, bc):
    src = edge_index[0]
    dst = edge_index[1]
    n = x.shape[0]
    h = gcn_conv(x, src, dst, W1, b1, n)
    h = jnp.tanh(h)
    h = gcn_conv(h, src, dst, W2, b2, n)
    h = jnp.tanh(h)
    out = h @ Wc + bc
    return out

if __name__ == "__main__":
    import jax
    _d = setup_inputs()
    print(jax.jit(kernel)(*tuple(_d.values())))

</pallas_src>

<mosaic_0001>
#map = affine_map<(d0, d1) -> (0, 0)>
#map1 = affine_map<(d0, d1) -> (0, 0, 0)>
module attributes {stable_mosaic.version = 14 : i64} {
  func.func @_sc_scatter(%arg0: i32, %arg1: i32, %arg2: memref<10000x128xf32, #tpu.memory_space<hbm>>, %arg3: memref<32x80x128xi32, #tpu.memory_space<hbm>>, %arg4: memref<32x80x128xi32, #tpu.memory_space<hbm>>, %arg5: memref<128x128xf32, #tpu.memory_space<hbm>>, %arg6: memref<20000x128xf32, #tpu.memory_space<hbm>>, %arg7: memref<40x128xi32, #tpu.memory_space<vmem>>, %arg8: memref<40x128xi32, #tpu.memory_space<vmem>>, %arg9: memref<2x128x128xf32, #tpu.memory_space<vmem>>, %arg10: memref<10128x128xf32, #tpu.memory_space<vmem_shared>>, %arg11: memref<!tpu.dma_semaphore, #tpu.memory_space<semaphore_mem>>, %arg12: memref<!tpu.dma_semaphore, #tpu.memory_space<semaphore_mem>>) attributes {dimension_semantics = [#tpu.dimension_semantics<core_parallel>, #tpu.dimension_semantics<subcore_parallel>], iteration_bounds = array<i64: 2, 16>, scalar_prefetch = 0 : i64, scratch_operands = 6 : i64, tpu.core_type = #tpu.core_type<sc_vector_subcore>, window_params = [{transform_indices = #map}, {transform_indices = #map1}, {transform_indices = #map1}, {transform_indices = #map}, {transform_indices = #map}]} {
    %mul3A = arith.constant 16 : i32
    %mul3A_0 = arith.muli %arg0, %mul3A : i32
    %add3A = arith.addi %mul3A_0, %arg1 : i32
    %mul3A_1 = arith.constant 624 : i32
    %mul3A_2 = arith.muli %arg1, %mul3A_1 : i32
    %run_scoped3A = arith.constant 0 : i32
    "tpu.region"() ({
      %run_scoped3A_142 = tpu.sem_alloc : memref<!tpu.dma_semaphore, #tpu.memory_space<semaphore_mem>>
      %dma_start3A_143 = arith.constant 0 : i32
      %dma_start3A_144 = arith.constant 0 : i32
      %dma_start3A_145 = tpu.memref_slice %arg9[%run_scoped3A, %dma_start3A_143, %dma_start3A_144] : memref<2x128x128xf32, #tpu.memory_space<vmem>> -> memref<1x128x128xf32, #tpu.memory_space<vmem>>
      %dma_start3A_146 = tpu.memref_squeeze %dma_start3A_145 : memref<1x128x128xf32, #tpu.memory_space<vmem>> -> memref<128x128xf32, #tpu.memory_space<vmem>>
      %dma_start3A_147 = arith.constant 0 : i32
      %dma_start3A_148 = arith.constant 0 : i32
      %dma_start3A_149 = tpu.memref_slice %arg9[%run_scoped3A, %dma_start3A_147, %dma_start3A_148] : memref<2x128x128xf32, #tpu.memory_space<vmem>> -> memref<1x128x128xf32, #tpu.memory_space<vmem>>
      %dma_start3A_150 = tpu.memref_squeeze %dma_start3A_149 : memref<1x128x128xf32, #tpu.memory_space<vmem>> -> memref<128x128xf32, #tpu.memory_space<vmem>>
      tpu.enqueue_dma source(%arg5 : memref<128x128xf32, #tpu.memory_space<hbm>>) target(%dma_start3A_150 : memref<128x128xf32, #tpu.memory_space<vmem>>) target_semaphore(%run_scoped3A_142 : memref<!tpu.dma_semaphore, #tpu.memory_space<semaphore_mem>>)
      %dma_wait3A_151 = arith.constant 0 : i32
      %dma_wait3A_152 = arith.constant 0 : i32
      %dma_wait3A_153 = tpu.memref_slice %arg9[%run_scoped3A, %dma_wait3A_151, %dma_wait3A_152] : memref<2x128x128xf32, #tpu.memory_space<vmem>> -> memref<1x128x128xf32, #tpu.memory_space<vmem>>
      %dma_wait3A_154 = tpu.memref_squeeze %dma_wait3A_153 : memref<1x128x128xf32, #tpu.memory_space<vmem>> -> memref<128x128xf32, #tpu.memory_space<vmem>>
      %dma_wait3A_155 = arith.constant 0 : i32
      %dma_wait3A_156 = arith.constant 0 : i32
      %dma_wait3A_157 = tpu.memref_slice %arg9[%run_scoped3A, %dma_wait3A_155, %dma_wait3A_156] : memref<2x128x128xf32, #tpu.memory_space<vmem>> -> memref<1x128x128xf32, #tpu.memory_space<vmem>>
      %dma_wait3A_158 = tpu.memref_squeeze %dma_wait3A_157 : memref<1x128x128xf32, #tpu.memory_space<vmem>> -> memref<128x128xf32, #tpu.memory_space<vmem>>
      tpu.wait_dma2 semaphore(%run_scoped3A_142 : memref<!tpu.dma_semaphore, #tpu.memory_space<semaphore_mem>>) src(%arg5 : memref<128x128xf32, #tpu.memory_space<hbm>>) dst(%dma_wait3A_158 : memref<128x128xf32, #tpu.memory_space<vmem>>)
      tpu.yield
    }) : () -> ()
    %add3A_3 = arith.constant 0 : i32
    %add3A_4 = arith.addi %mul3A_2, %add3A_3 : i32
    %run_scoped3A_5 = arith.constant 0 : i32
    "tpu.region"() ({
      %run_scoped3A_142 = tpu.sem_alloc : memref<!tpu.dma_semaphore, #tpu.memory_space<semaphore_mem>>
      %dma_start3A_143 = arith.constant 0 : i32
      %dma_start3A_144 = arith.constant 0 : i32
      %dma_start3A_145 = tpu.memref_slice %arg9[%run_scoped3A_5, %dma_start3A_143, %dma_start3A_144] : memref<2x128x128xf32, #tpu.memory_space<vmem>> -> memref<1x128x128xf32, #tpu.memory_space<vmem>>
      %dma_start3A_146 = tpu.memref_squeeze %dma_start3A_145 : memref<1x128x128xf32, #tpu.memory_space<vmem>> -> memref<128x128xf32, #tpu.memory_space<vmem>>
      %dma_start3A_147 = arith.constant 0 : i32
      %dma_start3A_148 = tpu.memref_slice %arg10[%add3A_4, %dma_start3A_147] : memref<10128x128xf32, #tpu.memory_space<vmem_shared>> -> memref<128x128xf32, #tpu.memory_space<vmem_shared>>
      %dma_start3A_149 = arith.constant 0 : i32
      %dma_start3A_150 = tpu.memref_slice %arg10[%add3A_4, %dma_start3A_149] : memref<10128x128xf32, #tpu.memory_space<vmem_shared>> -> memref<128x128xf32, #tpu.memory_space<vmem_shared>>
      %dma_start3A_151 = arith.constant 0 : i32
      %dma_start3A_152 = arith.constant 0 : i32
      %dma_start3A_153 = tpu.memref_slice %arg9[%run_scoped3A_5, %dma_start3A_151, %dma_start3A_152] : memref<2x128x128xf32, #tpu.memory_space<vmem>> -> memref<1x128x128xf32, #tpu.memory_space<vmem>>
      %dma_start3A_154 = tpu.memref_squeeze %dma_start3A_153 : memref<1x128x128xf32, #tpu.memory_space<vmem>> -> memref<128x128xf32, #tpu.memory_space<vmem>>
      tpu.enqueue_dma source(%dma_start3A_154 : memref<128x128xf32, #tpu.memory_space<vmem>>) target(%dma_start3A_150 : memref<128x128xf32, #tpu.memory_space<vmem_shared>>) target_semaphore(%run_scoped3A_142 : memref<!tpu.dma_semaphore, #tpu.memory_space<semaphore_mem>>)
      %dma_wait3A_155 = arith.constant 0 : i32
      %dma_wait3A_156 = arith.constant 0 : i32
      %dma_wait3A_157 = tpu.memref_slice %arg9[%run_scoped3A_5, %dma_wait3A_155, %dma_wait3A_156] : memref<2x128x128xf32, #tpu.memory_space<vmem>> -> memref<1x128x128xf32, #tpu.memory_space<vmem>>
      %dma_wait3A_158 = tpu.memref_squeeze %dma_wait3A_157 : memref<1x128x128xf32, #tpu.memory_space<vmem>> -> memref<128x128xf32, #tpu.memory_space<vmem>>
      %dma_wait3A_159 = arith.constant 0 : i32
      %dma_wait3A_160 = tpu.memref_slice %arg10[%add3A_4, %dma_wait3A_159] : memref<10128x128xf32, #tpu.memory_space<vmem_shared>> -> memref<128x128xf32, #tpu.memory_space<vmem_shared>>
      %dma_wait3A_161 = arith.constant 0 : i32
      %dma_wait3A_162 = tpu.memref_slice %arg10[%add3A_4, %dma_wait3A_161] : memref<10128x128xf32, #tpu.memory_space<vmem_shared>> -> memref<128x128xf32, #tpu.memory_space<vmem_shared>>
      %dma_wait3A_163 = arith.constant 0 : i32
      %dma_wait3A_164 = arith.constant 0 : i32
      %dma_wait3A_165 = tpu.memref_slice %arg9[%run_scoped3A_5, %dma_wait3A_163, %dma_wait3A_164] : memref<2x128x128xf32, #tpu.memory_space<vmem>> -> memref<1x128x128xf32, #tpu.memory_space<vmem>>
      %dma_wait3A_166 = tpu.memref_squeeze %dma_wait3A_165 : memref<1x128x128xf32, #tpu.memory_space<vmem>> -> memref<128x128xf32, #tpu.memory_space<vmem>>
      tpu.wait_dma2 semaphore(%run_scoped3A_142 : memref<!tpu.dma_semaphore, #tpu.memory_space<semaphore_mem>>) src(%dma_wait3A_166 : memref<128x128xf32, #tpu.memory_space<vmem>>) dst(%dma_wait3A_162 : memref<128x128xf32, #tpu.memory_space<vmem_shared>>)
      tpu.yield
    }) : () -> ()
    %add3A_6 = arith.constant 128 : i32
    %add3A_7 = arith.addi %mul3A_2, %add3A_6 : i32
    %run_scoped3A_8 = arith.constant 0 : i32
    "tpu.region"() ({
      %run_scoped3A_142 = tpu.sem_alloc : memref<!tpu.dma_semaphore, #tpu.memory_space<semaphore_mem>>
      %dma_start3A_143 = arith.constant 0 : i32
      %dma_start3A_144 = arith.constant 0 : i32
      %dma_start3A_145 = tpu.memref_slice %arg9[%run_scoped3A_8, %dma_start3A_143, %dma_start3A_144] : memref<2x128x128xf32, #tpu.memory_space<vmem>> -> memref<1x128x128xf32, #tpu.memory_space<vmem>>
      %dma_start3A_146 = tpu.memref_squeeze %dma_start3A_145 : memref<1x128x128xf32, #tpu.memory_space<vmem>> -> memref<128x128xf32, #tpu.memory_space<vmem>>
      %dma_start3A_147 = arith.constant 0 : i32
      %dma_start3A_148 = tpu.memref_slice %arg10[%add3A_7, %dma_start3A_147] : memref<10128x128xf32, #tpu.memory_space<vmem_shared>> -> memref<128x128xf32, #tpu.memory_space<vmem_shared>>
      %dma_start3A_149 = arith.constant 0 : i32
      %dma_start3A_150 = tpu.memref_slice %arg10[%add3A_7, %dma_start3A_149] : memref<10128x128xf32, #tpu.memory_space<vmem_shared>> -> memref<128x128xf32, #tpu.memory_space<vmem_shared>>
      %dma_start3A_151 = arith.constant 0 : i32
      %dma_start3A_152 = arith.constant 0 : i32
      %dma_start3A_153 = tpu.memref_slice %arg9[%run_scoped3A_8, %dma_start3A_151, %dma_start3A_152] : memref<2x128x128xf32, #tpu.memory_space<vmem>> -> memref<1x128x128xf32, #tpu.memory_space<vmem>>
      %dma_start3A_154 = tpu.memref_squeeze %dma_start3A_153 : memref<1x128x128xf32, #tpu.memory_space<vmem>> -> memref<128x128xf32, #tpu.memory_space<vmem>>
      tpu.enqueue_dma source(%dma_start3A_154 : memref<128x128xf32, #tpu.memory_space<vmem>>) target(%dma_start3A_150 : memref<128x128xf32, #tpu.memory_space<vmem_shared>>) target_semaphore(%run_scoped3A_142 : memref<!tpu.dma_semaphore, #tpu.memory_space<semaphore_mem>>)
      %dma_wait3A_155 = arith.constant 0 : i32
      %dma_wait3A_156 = arith.constant 0 : i32
      %dma_wait3A_157 = tpu.memref_slice %arg9[%run_scoped3A_8, %dma_wait3A_155, %dma_wait3A_156] : memref<2x128x128xf32, #tpu.memory_space<vmem>> -> memref<1x128x128xf32, #tpu.memory_space<vmem>>
      %dma_wait3A_158 = tpu.memref_squeeze %dma_wait3A_157 : memref<1x128x128xf32, #tpu.memory_space<vmem>> -> memref<128x128xf32, #tpu.memory_space<vmem>>
      %dma_wait3A_159 = arith.constant 0 : i32
      %dma_wait3A_160 = tpu.memref_slice %arg10[%add3A_7, %dma_wait3A_159] : memref<10128x128xf32, #tpu.memory_space<vmem_shared>> -> memref<128x128xf32, #tpu.memory_space<vmem_shared>>
      %dma_wait3A_161 = arith.constant 0 : i32
      %dma_wait3A_162 = tpu.memref_slice %arg10[%add3A_7, %dma_wait3A_161] : memref<10128x128xf32, #tpu.memory_space<vmem_shared>> -> memref<128x128xf32, #tpu.memory_space<vmem_shared>>
      %dma_wait3A_163 = arith.constant 0 : i32
      %dma_wait3A_164 = arith.constant 0 : i32
      %dma_wait3A_165 = tpu.memref_slice %arg9[%run_scoped3A_8, %dma_wait3A_163, %dma_wait3A_164] : memref<2x128x128xf32, #tpu.memory_space<vmem>> -> memref<1x128x128xf32, #tpu.memory_space<vmem>>
      %dma_wait3A_166 = tpu.memref_squeeze %dma_wait3A_165 : memref<1x128x128xf32, #tpu.memory_space<vmem>> -> memref<128x128xf32, #tpu.memory_space<vmem>>
      tpu.wait_dma2 semaphore(%run_scoped3A_142 : memref<!tpu.dma_semaphore, #tpu.memory_space<semaphore_mem>>) src(%dma_wait3A_166 : memref<128x128xf32, #tpu.memory_space<vmem>>) dst(%dma_wait3A_162 : memref<128x128xf32, #tpu.memory_space<vmem_shared>>)
      tpu.yield
    }) : () -> ()
    %add3A_9 = arith.constant 256 : i32
    %add3A_10 = arith.addi %mul3A_2, %add3A_9 : i32
    %run_scoped3A_11 = arith.constant 0 : i32
    "tpu.region"() ({
      %run_scoped3A_142 = tpu.sem_alloc : memref<!tpu.dma_semaphore, #tpu.memory_space<semaphore_mem>>
      %dma_start3A_143 = arith.constant 0 : i32
      %dma_start3A_144 = arith.constant 0 : i32
      %dma_start3A_145 = tpu.memref_slice %arg9[%run_scoped3A_11, %dma_start3A_143, %dma_start3A_144] : memref<2x128x128xf32, #tpu.memory_space<vmem>> -> memref<1x128x128xf32, #tpu.memory_space<vmem>>
      %dma_start3A_146 = tpu.memref_squeeze %dma_start3A_145 : memref<1x128x128xf32, #tpu.memory_space<vmem>> -> memref<128x128xf32, #tpu.memory_space<vmem>>
      %dma_start3A_147 = arith.constant 0 : i32
      %dma_start3A_148 = tpu.memref_slice %arg10[%add3A_10, %dma_start3A_147] : memref<10128x128xf32, #tpu.memory_space<vmem_shared>> -> memref<128x128xf32, #tpu.memory_space<vmem_shared>>
      %dma_start3A_149 = arith.constant 0 : i32
      %dma_start3A_150 = tpu.memref_slice %arg10[%add3A_10, %dma_start3A_149] : memref<10128x128xf32, #tpu.memory_space<vmem_shared>> -> memref<128x128xf32, #tpu.memory_space<vmem_shared>>
      %dma_start3A_151 = arith.constant 0 : i32
      %dma_start3A_152 = arith.constant 0 : i32
      %dma_start3A_153 = tpu.memref_slice %arg9[%run_scoped3A_11, %dma_start3A_151, %dma_start3A_152] : memref<2x128x128xf32, #tpu.memory_space<vmem>> -> memref<1x128x128xf32, #tpu.memory_space<vmem>>
      %dma_start3A_154 = tpu.memref_squeeze %dma_start3A_153 : memref<1x128x128xf32, #tpu.memory_space<vmem>> -> memref<128x128xf32, #tpu.memory_space<vmem>>
      tpu.enqueue_dma source(%dma_start3A_154 : memref<128x128xf32, #tpu.memory_space<vmem>>) target(%dma_start3A_150 : memref<128x128xf32, #tpu.memory_space<vmem_shared>>) target_semaphore(%run_scoped3A_142 : memref<!tpu.dma_semaphore, #tpu.memory_space<semaphore_mem>>)
      %dma_wait3A_155 = arith.constant 0 : i32
      %dma_wait3A_156 = arith.constant 0 : i32
      %dma_wait3A_157 = tpu.memref_slice %arg9[%run_scoped3A_11, %dma_wait3A_155, %dma_wait3A_156] : memref<2x128x128xf32, #tpu.memory_space<vmem>> -> memref<1x128x128xf32, #tpu.memory_space<vmem>>
      %dma_wait3A_158 = tpu.memref_squeeze %dma_wait3A_157 : memref<1x128x128xf32, #tpu.memory_space<vmem>> -> memref<128x128xf32, #tpu.memory_space<vmem>>
      %dma_wait3A_159 = arith.constant 0 : i32
      %dma_wait3A_160 = tpu.memref_slice %arg10[%add3A_10, %dma_wait3A_159] : memref<10128x128xf32, #tpu.memory_space<vmem_shared>> -> memref<128x128xf32, #tpu.memory_space<vmem_shared>>
      %dma_wait3A_161 = arith.constant 0 : i32
      %dma_wait3A_162 = tpu.memref_slice %arg10[%add3A_10, %dma_wait3A_161] : memref<10128x128xf32, #tpu.memory_space<vmem_shared>> -> memref<128x128xf32, #tpu.memory_space<vmem_shared>>
      %dma_wait3A_163 = arith.constant 0 : i32
      %dma_wait3A_164 = arith.constant 0 : i32
      %dma_wait3A_165 = tpu.memref_slice %arg9[%run_scoped3A_11, %dma_wait3A_163, %dma_wait3A_164] : memref<2x128x128xf32, #tpu.memory_space<vmem>> -> memref<1x128x128xf32, #tpu.memory_space<vmem>>
      %dma_wait3A_166 = tpu.memref_squeeze %dma_wait3A_165 : memref<1x128x128xf32, #tpu.memory_space<vmem>> -> memref<128x128xf32, #tpu.memory_space<vmem>>
      tpu.wait_dma2 semaphore(%run_scoped3A_142 : memref<!tpu.dma_semaphore, #tpu.memory_space<semaphore_mem>>) src(%dma_wait3A_166 : memref<128x128xf32, #tpu.memory_space<vmem>>) dst(%dma_wait3A_162 : memref<128x128xf32, #tpu.memory_space<vmem_shared>>)
      tpu.yield
    }) : () -> ()
    %add3A_12 = arith.constant 384 : i32
    %add3A_13 = arith.addi %mul3A_2, %add3A_12 : i32
    %run_scoped3A_14 = arith.constant 0 : i32
    "tpu.region"() ({
      %run_scoped3A_142 = tpu.sem_alloc : memref<!tpu.dma_semaphore, #tpu.memory_space<semaphore_mem>>
      %dma_start3A_143 = arith.constant 0 : i32
      %dma_start3A_144 = arith.constant 0 : i32
      %dma_start3A_145 = tpu.memref_slice %arg9[%run_scoped3A_14, %dma_start3A_143, %dma_start3A_144] : memref<2x128x128xf32, #tpu.memory_space<vmem>> -> memref<1x128x128xf32, #tpu.memory_space<vmem>>
      %dma_start3A_146 = tpu.memref_squeeze %dma_start3A_145 : memref<1x128x128xf32, #tpu.memory_space<vmem>> -> memref<128x128xf32, #tpu.memory_space<vmem>>
      %dma_start3A_147 = arith.constant 0 : i32
      %dma_start3A_148 = tpu.memref_slice %arg10[%add3A_13, %dma_start3A_147] : memref<10128x128xf32, #tpu.memory_space<vmem_shared>> -> memref<128x128xf32, #tpu.memory_space<vmem_shared>>
      %dma_start3A_149 = arith.constant 0 : i32
      %dma_start3A_150 = tpu.memref_slice %arg10[%add3A_13, %dma_start3A_149] : memref<10128x128xf32, #tpu.memory_space<vmem_shared>> -> memref<128x128xf32, #tpu.memory_space<vmem_shared>>
      %dma_start3A_151 = arith.constant 0 : i32
      %dma_start3A_152 = arith.constant 0 : i32
      %dma_start3A_153 = tpu.memref_slice %arg9[%run_scoped3A_14, %dma_start3A_151, %dma_start3A_152] : memref<2x128x128xf32, #tpu.memory_space<vmem>> -> memref<1x128x128xf32, #tpu.memory_space<vmem>>
      %dma_start3A_154 = tpu.memref_squeeze %dma_start3A_153 : memref<1x128x128xf32, #tpu.memory_space<vmem>> -> memref<128x128xf32, #tpu.memory_space<vmem>>
      tpu.enqueue_dma source(%dma_start3A_154 : memref<128x128xf32, #tpu.memory_space<vmem>>) target(%dma_start3A_150 : memref<128x128xf32, #tpu.memory_space<vmem_shared>>) target_semaphore(%run_scoped3A_142 : memref<!tpu.dma_semaphore, #tpu.memory_space<semaphore_mem>>)
      %dma_wait3A_155 = arith.constant 0 : i32
      %dma_wait3A_156 = arith.constant 0 : i32
      %dma_wait3A_157 = tpu.memref_slice %arg9[%run_scoped3A_14, %dma_wait3A_155, %dma_wait3A_156] : memref<2x128x128xf32, #tpu.memory_space<vmem>> -> memref<1x128x128xf32, #tpu.memory_space<vmem>>
      %dma_wait3A_158 = tpu.memref_squeeze %dma_wait3A_157 : memref<1x128x128xf32, #tpu.memory_space<vmem>> -> memref<128x128xf32, #tpu.memory_space<vmem>>
      %dma_wait3A_159 = arith.constant 0 : i32
      %dma_wait3A_160 = tpu.memref_slice %arg10[%add3A_13, %dma_wait3A_159] : memref<10128x128xf32, #tpu.memory_space<vmem_shared>> -> memref<128x128xf32, #tpu.memory_space<vmem_shared>>
      %dma_wait3A_161 = arith.constant 0 : i32
      %dma_wait3A_162 = tpu.memref_slice %arg10[%add3A_13, %dma_wait3A_161] : memref<10128x128xf32, #tpu.memory_space<vmem_shared>> -> memref<128x128xf32, #tpu.memory_space<vmem_shared>>
      %dma_wait3A_163 = arith.constant 0 : i32
      %dma_wait3A_164 = arith.constant 0 : i32
      %dma_wait3A_165 = tpu.memref_slice %arg9[%run_scoped3A_14, %dma_wait3A_163, %dma_wait3A_164] : memref<2x128x128xf32, #tpu.memory_space<vmem>> -> memref<1x128x128xf32, #tpu.memory_space<vmem>>
      %dma_wait3A_166 = tpu.memref_squeeze %dma_wait3A_165 : memref<1x128x128xf32, #tpu.memory_space<vmem>> -> memref<128x128xf32, #tpu.memory_space<vmem>>
      tpu.wait_dma2 semaphore(%run_scoped3A_142 : memref<!tpu.dma_semaphore, #tpu.memory_space<semaphore_mem>>) src(%dma_wait3A_166 : memref<128x128xf32, #tpu.memory_space<vmem>>) dst(%dma_wait3A_162 : memref<128x128xf32, #tpu.memory_space<vmem_shared>>)
      tpu.yield
    }) : () -> ()
    %add3A_15 = arith.constant 512 : i32
    %add3A_16 = arith.addi %mul3A_2, %add3A_15 : i32
    %run_scoped3A_17 = arith.constant 0 : i32
    "tpu.region"() ({
      %run_scoped3A_142 = tpu.sem_alloc : memref<!tpu.dma_semaphore, #tpu.memory_space<semaphore_mem>>
      %dma_start3A_143 = arith.constant 0 : i32
      %dma_start3A_144 = arith.constant 0 : i32
      %dma_start3A_145 = tpu.memref_slice %arg9[%run_scoped3A_17, %dma_start3A_143, %dma_start3A_144] : memref<2x128x128xf32, #tpu.memory_space<vmem>> -> memref<1x112x128xf32, #tpu.memory_space<vmem>>
      %dma_start3A_146 = tpu.memref_squeeze %dma_start3A_145 : memref<1x112x128xf32, #tpu.memory_space<vmem>> -> memref<112x128xf32, #tpu.memory_space<vmem>>
      %dma_start3A_147 = arith.constant 0 : i32
      %dma_start3A_148 = tpu.memref_slice %arg10[%add3A_16, %dma_start3A_147] : memref<10128x128xf32, #tpu.memory_space<vmem_shared>> -> memref<112x128xf32, #tpu.memory_space<vmem_shared>>
      %dma_start3A_149 = arith.constant 0 : i32
      %dma_start3A_150 = tpu.memref_slice %arg10[%add3A_16, %dma_start3A_149] : memref<10128x128xf32, #tpu.memory_space<vmem_shared>> -> memref<112x128xf32, #tpu.memory_space<vmem_shared>>
      %dma_start3A_151 = arith.constant 0 : i32
      %dma_start3A_152 = arith.constant 0 : i32
      %dma_start3A_153 = tpu.memref_slice %arg9[%run_scoped3A_17, %dma_start3A_151, %dma_start3A_152] : memref<2x128x128xf32, #tpu.memory_space<vmem>> -> memref<1x112x128xf32, #tpu.memory_space<vmem>>
      %dma_start3A_154 = tpu.memref_squeeze %dma_start3A_153 : memref<1x112x128xf32, #tpu.memory_space<vmem>> -> memref<112x128xf32, #tpu.memory_space<vmem>>
      tpu.enqueue_dma source(%dma_start3A_154 : memref<112x128xf32, #tpu.memory_space<vmem>>) target(%dma_start3A_150 : memref<112x128xf32, #tpu.memory_space<vmem_shared>>) target_semaphore(%run_scoped3A_142 : memref<!tpu.dma_semaphore, #tpu.memory_space<semaphore_mem>>)
      %dma_wait3A_155 = arith.constant 0 : i32
      %dma_wait3A_156 = arith.constant 0 : i32
      %dma_wait3A_157 = tpu.memref_slice %arg9[%run_scoped3A_17, %dma_wait3A_155, %dma_wait3A_156] : memref<2x128x128xf32, #tpu.memory_space<vmem>> -> memref<1x112x128xf32, #tpu.memory_space<vmem>>
      %dma_wait3A_158 = tpu.memref_squeeze %dma_wait3A_157 : memref<1x112x128xf32, #tpu.memory_space<vmem>> -> memref<112x128xf32, #tpu.memory_space<vmem>>
      %dma_wait3A_159 = arith.constant 0 : i32
      %dma_wait3A_160 = tpu.memref_slice %arg10[%add3A_16, %dma_wait3A_159] : memref<10128x128xf32, #tpu.memory_space<vmem_shared>> -> memref<112x128xf32, #tpu.memory_space<vmem_shared>>
      %dma_wait3A_161 = arith.constant 0 : i32
      %dma_wait3A_162 = tpu.memref_slice %arg10[%add3A_16, %dma_wait3A_161] : memref<10128x128xf32, #tpu.memory_space<vmem_shared>> -> memref<112x128xf32, #tpu.memory_space<vmem_shared>>
      %dma_wait3A_163 = arith.constant 0 : i32
      %dma_wait3A_164 = arith.constant 0 : i32
      %dma_wait3A_165 = tpu.memref_slice %arg9[%run_scoped3A_17, %dma_wait3A_163, %dma_wait3A_164] : memref<2x128x128xf32, #tpu.memory_space<vmem>> -> memref<1x112x128xf32, #tpu.memory_space<vmem>>
      %dma_wait3A_166 = tpu.memref_squeeze %dma_wait3A_165 : memref<1x112x128xf32, #tpu.memory_space<vmem>> -> memref<112x128xf32, #tpu.memory_space<vmem>>
      tpu.wait_dma2 semaphore(%run_scoped3A_142 : memref<!tpu.dma_semaphore, #tpu.memory_space<semaphore_mem>>) src(%dma_wait3A_166 : memref<112x128xf32, #tpu.memory_space<vmem>>) dst(%dma_wait3A_162 : memref<112x128xf32, #tpu.memory_space<vmem_shared>>)
      tpu.yield
    }) : () -> ()
    %eq3A = arith.constant 15 : i32
    %eq3A_18 = arith.cmpi eq, %arg1, %eq3A : i32
    %convert_element_type3A = arith.extui %eq3A_18 : i1 to i32
    %cond3A = arith.constant 0 : i32
    %cond3A_19 = arith.cmpi ne, %convert_element_type3A, %cond3A : i32
    scf.if %cond3A_19 {
      %run_scoped3A_142 = arith.constant 0 : i32
      "tpu.region"() ({
        %run_scoped3A_143 = tpu.sem_alloc : memref<!tpu.dma_semaphore, #tpu.memory_space<semaphore_mem>>
        %dma_start3A_144 = arith.constant 0 : i32
        %dma_start3A_145 = arith.constant 0 : i32
        %dma_start3A_146 = tpu.memref_slice %arg9[%run_scoped3A_142, %dma_start3A_144, %dma_start3A_145] : memref<2x128x128xf32, #tpu.memory_space<vmem>> -> memref<1x16x128xf32, #tpu.memory_space<vmem>>
        %dma_start3A_147 = tpu.memref_squeeze %dma_start3A_146 : memref<1x16x128xf32, #tpu.memory_space<vmem>> -> memref<16x128xf32, #tpu.memory_space<vmem>>
        %dma_start3A_148 = arith.constant 9984 : i32
        %dma_start3A_149 = arith.constant 0 : i32
        %dma_start3A_150 = tpu.memref_slice %arg10[%dma_start3A_148, %dma_start3A_149] : memref<10128x128xf32, #tpu.memory_space<vmem_shared>> -> memref<16x128xf32, #tpu.memory_space<vmem_shared>>
        %dma_start3A_151 = arith.constant 9984 : i32
        %dma_start3A_152 = arith.constant 0 : i32
        %dma_start3A_153 = tpu.memref_slice %arg10[%dma_start3A_151, %dma_start3A_152] : memref<10128x128xf32, #tpu.memory_space<vmem_shared>> -> memref<16x128xf32, #tpu.memory_space<vmem_shared>>
        %dma_start3A_154 = arith.constant 0 : i32
        %dma_start3A_155 = arith.constant 0 : i32
        %dma_start3A_156 = tpu.memref_slice %arg9[%run_scoped3A_142, %dma_start3A_154, %dma_start3A_155] : memref<2x128x128xf32, #tpu.memory_space<vmem>> -> memref<1x16x128xf32, #tpu.memory_space<vmem>>
        %dma_start3A_157 = tpu.memref_squeeze %dma_start3A_156 : memref<1x16x128xf32, #tpu.memory_space<vmem>> -> memref<16x128xf32, #tpu.memory_space<vmem>>
        tpu.enqueue_dma source(%dma_start3A_157 : memref<16x128xf32, #tpu.memory_space<vmem>>) target(%dma_start3A_153 : memref<16x128xf32, #tpu.memory_space<vmem_shared>>) target_semaphore(%run_scoped3A_143 : memref<!tpu.dma_semaphore, #tpu.memory_space<semaphore_mem>>)
        %dma_wait3A_158 = arith.constant 0 : i32
        %dma_wait3A_159 = arith.constant 0 : i32
        %dma_wait3A_160 = tpu.memref_slice %arg9[%run_scoped3A_142, %dma_wait3A_158, %dma_wait3A_159] : memref<2x128x128xf32, #tpu.memory_space<vmem>> -> memref<1x16x128xf32, #tpu.memory_space<vmem>>
        %dma_wait3A_161 = tpu.memref_squeeze %dma_wait3A_160 : memref<1x16x128xf32, #tpu.memory_space<vmem>> -> memref<16x128xf32, #tpu.memory_space<vmem>>
        %dma_wait3A_162 = arith.constant 9984 : i32
        %dma_wait3A_163 = arith.constant 0 : i32
        %dma_wait3A_164 = tpu.memref_slice %arg10[%dma_wait3A_162, %dma_wait3A_163] : memref<10128x128xf32, #tpu.memory_space<vmem_shared>> -> memref<16x128xf32, #tpu.memory_space<vmem_shared>>
        %dma_wait3A_165 = arith.constant 9984 : i32
        %dma_wait3A_166 = arith.constant 0 : i32
        %dma_wait3A_167 = tpu.memref_slice %arg10[%dma_wait3A_165, %dma_wait3A_166] : memref<10128x128xf32, #tpu.memory_space<vmem_shared>> -> memref<16x128xf32, #tpu.memory_space<vmem_shared>>
        %dma_wait3A_168 = arith.constant 0 : i32
        %dma_wait3A_169 = arith.constant 0 : i32
        %dma_wait3A_170 = tpu.memref_slice %arg9[%run_scoped3A_142, %dma_wait3A_168, %dma_wait3A_169] : memref<2x128x128xf32, #tpu.memory_space<vmem>> -> memref<1x16x128xf32, #tpu.memory_space<vmem>>
        %dma_wait3A_171 = tpu.memref_squeeze %dma_wait3A_170 : memref<1x16x128xf32, #tpu.memory_space<vmem>> -> memref<16x128xf32, #tpu.memory_space<vmem>>
        tpu.wait_dma2 semaphore(%run_scoped3A_143 : memref<!tpu.dma_semaphore, #tpu.memory_space<semaphore_mem>>) src(%dma_wait3A_171 : memref<16x128xf32, #tpu.memory_space<vmem>>) dst(%dma_wait3A_167 : memref<16x128xf32, #tpu.memory_space<vmem_shared>>)
        tpu.yield
      }) : () -> ()
    } else {
    }
    %barrier3A = arith.constant 0 : index
    tpu.barrier barrier_id(%barrier3A)
    "tpu.region"() ({
      %run_scoped3A_142 = tpu.sem_alloc : memref<!tpu.dma_semaphore, #tpu.memory_space<semaphore_mem>>
      %dma_start3A_143 = arith.constant 0 : i32
      %dma_start3A_144 = arith.constant 0 : i32
      %dma_start3A_145 = tpu.memref_slice %arg3[%add3A, %dma_start3A_143, %dma_start3A_144] : memref<32x80x128xi32, #tpu.memory_space<hbm>> -> memref<1x40x128xi32, #tpu.memory_space<hbm>>
      %dma_start3A_146 = tpu.memref_squeeze %dma_start3A_145 : memref<1x40x128xi32, #tpu.memory_space<hbm>> -> memref<40x128xi32, #tpu.memory_space<hbm>>
      %dma_start3A_147 = arith.constant 0 : i32
      %dma_start3A_148 = arith.constant 0 : i32
      %dma_start3A_149 = tpu.memref_slice %arg3[%add3A, %dma_start3A_147, %dma_start3A_148] : memref<32x80x128xi32, #tpu.memory_space<hbm>> -> memref<1x40x128xi32, #tpu.memory_space<hbm>>
      %dma_start3A_150 = tpu.memref_squeeze %dma_start3A_149 : memref<1x40x128xi32, #tpu.memory_space<hbm>> -> memref<40x128xi32, #tpu.memory_space<hbm>>
      tpu.enqueue_dma source(%dma_start3A_150 : memref<40x128xi32, #tpu.memory_space<hbm>>) target(%arg7 : memref<40x128xi32, #tpu.memory_space<vmem>>) target_semaphore(%run_scoped3A_142 : memref<!tpu.dma_semaphore, #tpu.memory_space<semaphore_mem>>)
      %dma_wait3A_151 = arith.constant 0 : i32
      %dma_wait3A_152 = arith.constant 0 : i32
      %dma_wait3A_153 = tpu.memref_slice %arg3[%add3A, %dma_wait3A_151, %dma_wait3A_152] : memref<32x80x128xi32, #tpu.memory_space<hbm>> -> memref<1x40x128xi32, #tpu.memory_space<hbm>>
      %dma_wait3A_154 = tpu.memref_squeeze %dma_wait3A_153 : memref<1x40x128xi32, #tpu.memory_space<hbm>> -> memref<40x128xi32, #tpu.memory_space<hbm>>
      %dma_wait3A_155 = arith.constant 0 : i32
      %dma_wait3A_156 = arith.constant 0 : i32
      %dma_wait3A_157 = tpu.memref_slice %arg3[%add3A, %dma_wait3A_155, %dma_wait3A_156] : memref<32x80x128xi32, #tpu.memory_space<hbm>> -> memref<1x40x128xi32, #tpu.memory_space<hbm>>
      %dma_wait3A_158 = tpu.memref_squeeze %dma_wait3A_157 : memref<1x40x128xi32, #tpu.memory_space<hbm>> -> memref<40x128xi32, #tpu.memory_space<hbm>>
      tpu.wait_dma2 semaphore(%run_scoped3A_142 : memref<!tpu.dma_semaphore, #tpu.memory_space<semaphore_mem>>) src(%dma_wait3A_158 : memref<40x128xi32, #tpu.memory_space<hbm>>) dst(%arg7 : memref<40x128xi32, #tpu.memory_space<vmem>>)
      tpu.yield
    }) : () -> ()
    "tpu.region"() ({
      %run_scoped3A_142 = tpu.sem_alloc : memref<!tpu.dma_semaphore, #tpu.memory_space<semaphore_mem>>
      %dma_start3A_143 = arith.constant 0 : i32
      %dma_start3A_144 = arith.constant 0 : i32
      %dma_start3A_145 = tpu.memref_slice %arg4[%add3A, %dma_start3A_143, %dma_start3A_144] : memref<32x80x128xi32, #tpu.memory_space<hbm>> -> memref<1x40x128xi32, #tpu.memory_space<hbm>>
      %dma_start3A_146 = tpu.memref_squeeze %dma_start3A_145 : memref<1x40x128xi32, #tpu.memory_space<hbm>> -> memref<40x128xi32, #tpu.memory_space<hbm>>
      %dma_start3A_147 = arith.constant 0 : i32
      %dma_start3A_148 = arith.constant 0 : i32
      %dma_start3A_149 = tpu.memref_slice %arg4[%add3A, %dma_start3A_147, %dma_start3A_148] : memref<32x80x128xi32, #tpu.memory_space<hbm>> -> memref<1x40x128xi32, #tpu.memory_space<hbm>>
      %dma_start3A_150 = tpu.memref_squeeze %dma_start3A_149 : memref<1x40x128xi32, #tpu.memory_space<hbm>> -> memref<40x128xi32, #tpu.memory_space<hbm>>
      tpu.enqueue_dma source(%dma_start3A_150 : memref<40x128xi32, #tpu.memory_space<hbm>>) target(%arg8 : memref<40x128xi32, #tpu.memory_space<vmem>>) target_semaphore(%run_scoped3A_142 : memref<!tpu.dma_semaphore, #tpu.memory_space<semaphore_mem>>)
      %dma_wait3A_151 = arith.constant 0 : i32
      %dma_wait3A_152 = arith.constant 0 : i32
      %dma_wait3A_153 = tpu.memref_slice %arg4[%add3A, %dma_wait3A_151, %dma_wait3A_152] : memref<32x80x128xi32, #tpu.memory_space<hbm>> -> memref<1x40x128xi32, #tpu.memory_space<hbm>>
      %dma_wait3A_154 = tpu.memref_squeeze %dma_wait3A_153 : memref<1x40x128xi32, #tpu.memory_space<hbm>> -> memref<40x128xi32, #tpu.memory_space<hbm>>
      %dma_wait3A_155 = arith.constant 0 : i32
      %dma_wait3A_156 = arith.constant 0 : i32
      %dma_wait3A_157 = tpu.memref_slice %arg4[%add3A, %dma_wait3A_155, %dma_wait3A_156] : memref<32x80x128xi32, #tpu.memory_space<hbm>> -> memref<1x40x128xi32, #tpu.memory_space<hbm>>
      %dma_wait3A_158 = tpu.memref_squeeze %dma_wait3A_157 : memref<1x40x128xi32, #tpu.memory_space<hbm>> -> memref<40x128xi32, #tpu.memory_space<hbm>>
      tpu.wait_dma2 semaphore(%run_scoped3A_142 : memref<!tpu.dma_semaphore, #tpu.memory_space<semaphore_mem>>) src(%dma_wait3A_158 : memref<40x128xi32, #tpu.memory_space<hbm>>) dst(%arg8 : memref<40x128xi32, #tpu.memory_space<vmem>>)
      tpu.yield
    }) : () -> ()
    %dma_start3A = arith.constant 0 : i32
    %dma_start3A_20 = arith.constant 0 : i32
    %dma_start3A_21 = arith.constant 0 : i32
    %dma_start3A_22 = arith.constant 0 : i32
    %dma_start3A_23 = tpu.memref_slice %arg9[%dma_start3A_20, %dma_start3A_21, %dma_start3A_22] : memref<2x128x128xf32, #tpu.memory_space<vmem>> -> memref<1x128x128xf32, #tpu.memory_space<vmem>>
    %dma_start3A_24 = tpu.memref_squeeze %dma_start3A_23 : memref<1x128x128xf32, #tpu.memory_space<vmem>> -> memref<128x128xf32, #tpu.memory_space<vmem>>
    %dma_start3A_25 = arith.constant 0 : i32
    %dma_start3A_26 = tpu.memref_slice %arg7[%dma_start3A, %dma_start3A_25] : memref<40x128xi32, #tpu.memory_space<vmem>> -> memref<1x128xi32, #tpu.memory_space<vmem>>
    %dma_start3A_27 = tpu.memref_squeeze %dma_start3A_26 : memref<1x128xi32, #tpu.memory_space<vmem>> -> memref<128xi32, #tpu.memory_space<vmem>>
    %dma_start3A_28 = arith.constant 0 : i32
    %dma_start3A_29 = arith.constant 0 : i32
    %dma_start3A_30 = tpu.memref_slice %arg2[%dma_start3A_28, %dma_start3A_29] : memref<10000x128xf32, #tpu.memory_space<hbm>> -> memref<10000x128xf32, #tpu.memory_space<hbm>>
    tpu.enqueue_indirect_dma source(%dma_start3A_30 : memref<10000x128xf32, #tpu.memory_space<hbm>>) target(%dma_start3A_24 : memref<128x128xf32, #tpu.memory_space<vmem>>) offsets(%dma_start3A_27 : memref<128xi32, #tpu.memory_space<vmem>>) semaphore(%arg11 : memref<!tpu.dma_semaphore, #tpu.memory_space<semaphore_mem>>)
    %dma_start3A_31 = arith.constant 1 : i32
    %dma_start3A_32 = arith.constant 1 : i32
    %dma_start3A_33 = arith.constant 0 : i32
    %dma_start3A_34 = arith.constant 0 : i32
    %dma_start3A_35 = tpu.memref_slice %arg9[%dma_start3A_32, %dma_start3A_33, %dma_start3A_34] : memref<2x128x128xf32, #tpu.memory_space<vmem>> -> memref<1x128x128xf32, #tpu.memory_space<vmem>>
    %dma_start3A_36 = tpu.memref_squeeze %dma_start3A_35 : memref<1x128x128xf32, #tpu.memory_space<vmem>> -> memref<128x128xf32, #tpu.memory_space<vmem>>
    %dma_start3A_37 = arith.constant 0 : i32
    %dma_start3A_38 = tpu.memref_slice %arg7[%dma_start3A_31, %dma_start3A_37] : memref<40x128xi32, #tpu.memory_space<vmem>> -> memref<1x128xi32, #tpu.memory_space<vmem>>
    %dma_start3A_39 = tpu.memref_squeeze %dma_start3A_38 : memref<1x128xi32, #tpu.memory_space<vmem>> -> memref<128xi32, #tpu.memory_space<vmem>>
    %dma_start3A_40 = arith.constant 0 : i32
    %dma_start3A_41 = arith.constant 0 : i32
    %dma_start3A_42 = tpu.memref_slice %arg2[%dma_start3A_40, %dma_start3A_41] : memref<10000x128xf32, #tpu.memory_space<hbm>> -> memref<10000x128xf32, #tpu.memory_space<hbm>>
    tpu.enqueue_indirect_dma source(%dma_start3A_42 : memref<10000x128xf32, #tpu.memory_space<hbm>>) target(%dma_start3A_36 : memref<128x128xf32, #tpu.memory_space<vmem>>) offsets(%dma_start3A_39 : memref<128xi32, #tpu.memory_space<vmem>>) semaphore(%arg12 : memref<!tpu.dma_semaphore, #tpu.memory_space<semaphore_mem>>)
    %scan3A = arith.constant 0 : i32
    %scan3A_43 = arith.constant 0 : i32
    %scan3A_44 = arith.constant 19 : i32
    %scan3A_45 = arith.addi %scan3A_43, %scan3A_44 : i32
    %scan3A_46 = arith.constant 1 : i32
    scf.for %scan3A_142 = %scan3A_43 to %scan3A_45 step %scan3A_46  : i32 {
      %mul3A_143 = arith.constant 2 : i32
      %mul3A_144 = arith.muli %mul3A_143, %scan3A_142 : i32
      %add3A_145 = arith.constant 0 : i32
      %add3A_146 = arith.addi %mul3A_144, %add3A_145 : i32
      %dma_wait3A_147 = arith.constant 0 : i32
      %dma_wait3A_148 = arith.constant 0 : i32
      %dma_wait3A_149 = arith.constant 0 : i32
      %dma_wait3A_150 = tpu.memref_slice %arg9[%dma_wait3A_147, %dma_wait3A_148, %dma_wait3A_149] : memref<2x128x128xf32, #tpu.memory_space<vmem>> -> memref<1x128x128xf32, #tpu.memory_space<vmem>>
      %dma_wait3A_151 = tpu.memref_squeeze %dma_wait3A_150 : memref<1x128x128xf32, #tpu.memory_space<vmem>> -> memref<128x128xf32, #tpu.memory_space<vmem>>
      %dma_wait3A_152 = arith.constant 0 : i32
      %dma_wait3A_153 = tpu.memref_slice %arg7[%add3A_146, %dma_wait3A_152] : memref<40x128xi32, #tpu.memory_space<vmem>> -> memref<1x128xi32, #tpu.memory_space<vmem>>
      %dma_wait3A_154 = tpu.memref_squeeze %dma_wait3A_153 : memref<1x128xi32, #tpu.memory_space<vmem>> -> memref<128xi32, #tpu.memory_space<vmem>>
      %dma_wait3A_155 = arith.constant 0 : i32
      %dma_wait3A_156 = arith.constant 0 : i32
      %dma_wait3A_157 = tpu.memref_slice %arg2[%dma_wait3A_155, %dma_wait3A_156] : memref<10000x128xf32, #tpu.memory_space<hbm>> -> memref<10000x128xf32, #tpu.memory_space<hbm>>
      tpu.wait_indirect_dma semaphore(%arg11 : memref<!tpu.dma_semaphore, #tpu.memory_space<semaphore_mem>>) src(%dma_wait3A_157 : memref<10000x128xf32, #tpu.memory_space<hbm>>) dst(%dma_wait3A_151 : memref<128x128xf32, #tpu.memory_space<vmem>>)
      %run_scoped3A_158 = arith.constant 0 : i32
      "tpu.region"() ({
        %run_scoped3A_201 = tpu.sem_alloc : memref<!tpu.dma_semaphore, #tpu.memory_space<semaphore_mem>>
        %dma_start3A_202 = arith.constant 0 : i32
        %dma_start3A_203 = arith.constant 0 : i32
        %dma_start3A_204 = tpu.memref_slice %arg9[%run_scoped3A_158, %dma_start3A_202, %dma_start3A_203] : memref<2x128x128xf32, #tpu.memory_space<vmem>> -> memref<1x128x128xf32, #tpu.memory_space<vmem>>
        %dma_start3A_205 = tpu.memref_squeeze %dma_start3A_204 : memref<1x128x128xf32, #tpu.memory_space<vmem>> -> memref<128x128xf32, #tpu.memory_space<vmem>>
        %dma_start3A_206 = arith.constant 0 : i32
        %dma_start3A_207 = tpu.memref_slice %arg8[%add3A_146, %dma_start3A_206] : memref<40x128xi32, #tpu.memory_space<vmem>> -> memref<1x128xi32, #tpu.memory_space<vmem>>
        %dma_start3A_208 = tpu.memref_squeeze %dma_start3A_207 : memref<1x128xi32, #tpu.memory_space<vmem>> -> memref<128xi32, #tpu.memory_space<vmem>>
        %dma_start3A_209 = arith.constant 0 : i32
        %dma_start3A_210 = arith.constant 0 : i32
        %dma_start3A_211 = tpu.memref_slice %arg10[%dma_start3A_209, %dma_start3A_210] : memref<10128x128xf32, #tpu.memory_space<vmem_shared>> -> memref<10128x128xf32, #tpu.memory_space<vmem_shared>>
        tpu.enqueue_indirect_dma source(%dma_start3A_205 : memref<128x128xf32, #tpu.memory_space<vmem>>) target(%dma_start3A_211 : memref<10128x128xf32, #tpu.memory_space<vmem_shared>>) offsets(%dma_start3A_208 : memref<128xi32, #tpu.memory_space<vmem>>) semaphore(%run_scoped3A_201 : memref<!tpu.dma_semaphore, #tpu.memory_space<semaphore_mem>>) {add = true}
        %dma_wait3A_212 = arith.constant 0 : i32
        %dma_wait3A_213 = arith.constant 0 : i32
        %dma_wait3A_214 = tpu.memref_slice %arg9[%run_scoped3A_158, %dma_wait3A_212, %dma_wait3A_213] : memref<2x128x128xf32, #tpu.memory_space<vmem>> -> memref<1x128x128xf32, #tpu.memory_space<vmem>>
        %dma_wait3A_215 = tpu.memref_squeeze %dma_wait3A_214 : memref<1x128x128xf32, #tpu.memory_space<vmem>> -> memref<128x128xf32, #tpu.memory_space<vmem>>
        %dma_wait3A_216 = arith.constant 0 : i32
        %dma_wait3A_217 = tpu.memref_slice %arg8[%add3A_146, %dma_wait3A_216] : memref<40x128xi32, #tpu.memory_space<vmem>> -> memref<1x128xi32, #tpu.memory_space<vmem>>
        %dma_wait3A_218 = tpu.memref_squeeze %dma_wait3A_217 : memref<1x128xi32, #tpu.memory_space<vmem>> -> memref<128xi32, #tpu.memory_space<vmem>>
        %dma_wait3A_219 = arith.constant 0 : i32
        %dma_wait3A_220 = arith.constant 0 : i32
        %dma_wait3A_221 = tpu.memref_slice %arg10[%dma_wait3A_219, %dma_wait3A_220] : memref<10128x128xf32, #tpu.memory_space<vmem_shared>> -> memref<10128x128xf32, #tpu.memory_space<vmem_shared>>
        tpu.wait_indirect_dma semaphore(%run_scoped3A_201 : memref<!tpu.dma_semaphore, #tpu.memory_space<semaphore_mem>>) src(%dma_wait3A_215 : memref<128x128xf32, #tpu.memory_space<vmem>>) dst(%dma_wait3A_221 : memref<10128x128xf32, #tpu.memory_space<vmem_shared>>)
        tpu.yield
      }) : () -> ()
      %add3A_159 = arith.constant 2 : i32
      %add3A_160 = arith.addi %add3A_146, %add3A_159 : i32
      %dma_start3A_161 = arith.constant 0 : i32
      %dma_start3A_162 = arith.constant 0 : i32
      %dma_start3A_163 = arith.constant 0 : i32
      %dma_start3A_164 = tpu.memref_slice %arg9[%dma_start3A_161, %dma_start3A_162, %dma_start3A_163] : memref<2x128x128xf32, #tpu.memory_space<vmem>> -> memref<1x128x128xf32, #tpu.memory_space<vmem>>
      %dma_start3A_165 = tpu.memref_squeeze %dma_start3A_164 : memref<1x128x128xf32, #tpu.memory_space<vmem>> -> memref<128x128xf32, #tpu.memory_space<vmem>>
      %dma_start3A_166 = arith.constant 0 : i32
      %dma_start3A_167 = tpu.memref_slice %arg7[%add3A_160, %dma_start3A_166] : memref<40x128xi32, #tpu.memory_space<vmem>> -> memref<1x128xi32, #tpu.memory_space<vmem>>
      %dma_start3A_168 = tpu.memref_squeeze %dma_start3A_167 : memref<1x128xi32, #tpu.memory_space<vmem>> -> memref<128xi32, #tpu.memory_space<vmem>>
      %dma_start3A_169 = arith.constant 0 : i32
      %dma_start3A_170 = arith.constant 0 : i32
      %dma_start3A_171 = tpu.memref_slice %arg2[%dma_start3A_169, %dma_start3A_170] : memref<10000x128xf32, #tpu.memory_space<hbm>> -> memref<10000x128xf32, #tpu.memory_space<hbm>>
      tpu.enqueue_indirect_dma source(%dma_start3A_171 : memref<10000x128xf32, #tpu.memory_space<hbm>>) target(%dma_start3A_165 : memref<128x128xf32, #tpu.memory_space<vmem>>) offsets(%dma_start3A_168 : memref<128xi32, #tpu.memory_space<vmem>>) semaphore(%arg11 : memref<!tpu.dma_semaphore, #tpu.memory_space<semaphore_mem>>)
      %mul3A_172 = arith.constant 2 : i32
      %mul3A_173 = arith.muli %mul3A_172, %scan3A_142 : i32
      %add3A_174 = arith.constant 1 : i32
      %add3A_175 = arith.addi %mul3A_173, %add3A_174 : i32
      %dma_wait3A_176 = arith.constant 1 : i32
      %dma_wait3A_177 = arith.constant 0 : i32
      %dma_wait3A_178 = arith.constant 0 : i32
      %dma_wait3A_179 = tpu.memref_slice %arg9[%dma_wait3A_176, %dma_wait3A_177, %dma_wait3A_178] : memref<2x128x128xf32, #tpu.memory_space<vmem>> -> memref<1x128x128xf32, #tpu.memory_space<vmem>>
      %dma_wait3A_180 = tpu.memref_squeeze %dma_wait3A_179 : memref<1x128x128xf32, #tpu.memory_space<vmem>> -> memref<128x128xf32, #tpu.memory_space<vmem>>
      %dma_wait3A_181 = arith.constant 0 : i32
      %dma_wait3A_182 = tpu.memref_slice %arg7[%add3A_175, %dma_wait3A_181] : memref<40x128xi32, #tpu.memory_space<vmem>> -> memref<1x128xi32, #tpu.memory_space<vmem>>
      %dma_wait3A_183 = tpu.memref_squeeze %dma_wait3A_182 : memref<1x128xi32, #tpu.memory_space<vmem>> -> memref<128xi32, #tpu.memory_space<vmem>>
      %dma_wait3A_184 = arith.constant 0 : i32
      %dma_wait3A_185 = arith.constant 0 : i32
      %dma_wait3A_186 = tpu.memref_slice %arg2[%dma_wait3A_184, %dma_wait3A_185] : memref<10000x128xf32, #tpu.memory_space<hbm>> -> memref<10000x128xf32, #tpu.memory_space<hbm>>
      tpu.wait_indirect_dma semaphore(%arg12 : memref<!tpu.dma_semaphore, #tpu.memory_space<semaphore_mem>>) src(%dma_wait3A_186 : memref<10000x128xf32, #tpu.memory_space<hbm>>) dst(%dma_wait3A_180 : memref<128x128xf32, #tpu.memory_space<vmem>>)
      %run_scoped3A_187 = arith.constant 1 : i32
      "tpu.region"() ({
        %run_scoped3A_201 = tpu.sem_alloc : memref<!tpu.dma_semaphore, #tpu.memory_space<semaphore_mem>>
        %dma_start3A_202 = arith.constant 0 : i32
        %dma_start3A_203 = arith.constant 0 : i32
        %dma_start3A_204 = tpu.memref_slice %arg9[%run_scoped3A_187, %dma_start3A_202, %dma_start3A_203] : memref<2x128x128xf32, #tpu.memory_space<vmem>> -> memref<1x128x128xf32, #tpu.memory_space<vmem>>
        %dma_start3A_205 = tpu.memref_squeeze %dma_start3A_204 : memref<1x128x128xf32, #tpu.memory_space<vmem>> -> memref<128x128xf32, #tpu.memory_space<vmem>>
        %dma_start3A_206 = arith.constant 0 : i32
        %dma_start3A_207 = tpu.memref_slice %arg8[%add3A_175, %dma_start3A_206] : memref<40x128xi32, #tpu.memory_space<vmem>> -> memref<1x128xi32, #tpu.memory_space<vmem>>
        %dma_start3A_208 = tpu.memref_squeeze %dma_start3A_207 : memref<1x128xi32, #tpu.memory_space<vmem>> -> memref<128xi32, #tpu.memory_space<vmem>>
        %dma_start3A_209 = arith.constant 0 : i32
        %dma_start3A_210 = arith.constant 0 : i32
        %dma_start3A_211 = tpu.memref_slice %arg10[%dma_start3A_209, %dma_start3A_210] : memref<10128x128xf32, #tpu.memory_space<vmem_shared>> -> memref<10128x128xf32, #tpu.memory_space<vmem_shared>>
        tpu.enqueue_indirect_dma source(%dma_start3A_205 : memref<128x128xf32, #tpu.memory_space<vmem>>) target(%dma_start3A_211 : memref<10128x128xf32, #tpu.memory_space<vmem_shared>>) offsets(%dma_start3A_208 : memref<128xi32, #tpu.memory_space<vmem>>) semaphore(%run_scoped3A_201 : memref<!tpu.dma_semaphore, #tpu.memory_space<semaphore_mem>>) {add = true}
        %dma_wait3A_212 = arith.constant 0 : i32
        %dma_wait3A_213 = arith.constant 0 : i32
        %dma_wait3A_214 = tpu.memref_slice %arg9[%run_scoped3A_187, %dma_wait3A_212, %dma_wait3A_213] : memref<2x128x128xf32, #tpu.memory_space<vmem>> -> memref<1x128x128xf32, #tpu.memory_space<vmem>>
        %dma_wait3A_215 = tpu.memref_squeeze %dma_wait3A_214 : memref<1x128x128xf32, #tpu.memory_space<vmem>> -> memref<128x128xf32, #tpu.memory_space<vmem>>
        %dma_wait3A_216 = arith.constant 0 : i32
        %dma_wait3A_217 = tpu.memref_slice %arg8[%add3A_175, %dma_wait3A_216] : memref<40x128xi32, #tpu.memory_space<vmem>> -> memref<1x128xi32, #tpu.memory_space<vmem>>
        %dma_wait3A_218 = tpu.memref_squeeze %dma_wait3A_217 : memref<1x128xi32, #tpu.memory_space<vmem>> -> memref<128xi32, #tpu.memory_space<vmem>>
        %dma_wait3A_219 = arith.constant 0 : i32
        %dma_wait3A_220 = arith.constant 0 : i32
        %dma_wait3A_221 = tpu.memref_slice %arg10[%dma_wait3A_219, %dma_wait3A_220] : memref<10128x128xf32, #tpu.memory_space<vmem_shared>> -> memref<10128x128xf32, #tpu.memory_space<vmem_shared>>
        tpu.wait_indirect_dma semaphore(%run_scoped3A_201 : memref<!tpu.dma_semaphore, #tpu.memory_space<semaphore_mem>>) src(%dma_wait3A_215 : memref<128x128xf32, #tpu.memory_space<vmem>>) dst(%dma_wait3A_221 : memref<10128x128xf32, #tpu.memory_space<vmem_shared>>)
        tpu.yield
      }) : () -> ()
      %add3A_188 = arith.constant 2 : i32
      %add3A_189 = arith.addi %add3A_175, %add3A_188 : i32
      %dma_start3A_190 = arith.constant 1 : i32
      %dma_start3A_191 = arith.constant 0 : i32
      %dma_start3A_192 = arith.constant 0 : i32
      %dma_start3A_193 = tpu.memref_slice %arg9[%dma_start3A_190, %dma_start3A_191, %dma_start3A_192] : memref<2x128x128xf32, #tpu.memory_space<vmem>> -> memref<1x128x128xf32, #tpu.memory_space<vmem>>
      %dma_start3A_194 = tpu.memref_squeeze %dma_start3A_193 : memref<1x128x128xf32, #tpu.memory_space<vmem>> -> memref<128x128xf32, #tpu.memory_space<vmem>>
      %dma_start3A_195 = arith.constant 0 : i32
      %dma_start3A_196 = tpu.memref_slice %arg7[%add3A_189, %dma_start3A_195] : memref<40x128xi32, #tpu.memory_space<vmem>> -> memref<1x128xi32, #tpu.memory_space<vmem>>
      %dma_start3A_197 = tpu.memref_squeeze %dma_start3A_196 : memref<1x128xi32, #tpu.memory_space<vmem>> -> memref<128xi32, #tpu.memory_space<vmem>>
      %dma_start3A_198 = arith.constant 0 : i32
      %dma_start3A_199 = arith.constant 0 : i32
      %dma_start3A_200 = tpu.memref_slice %arg2[%dma_start3A_198, %dma_start3A_199] : memref<10000x128xf32, #tpu.memory_space<hbm>> -> memref<10000x128xf32, #tpu.memory_space<hbm>>
      tpu.enqueue_indirect_dma source(%dma_start3A_200 : memref<10000x128xf32, #tpu.memory_space<hbm>>) target(%dma_start3A_194 : memref<128x128xf32, #tpu.memory_space<vmem>>) offsets(%dma_start3A_197 : memref<128xi32, #tpu.memory_space<vmem>>) semaphore(%arg12 : memref<!tpu.dma_semaphore, #tpu.memory_space<semaphore_mem>>)
    }
    %scan3A_47 = arith.constant 19 : i32
    %dma_wait3A = arith.constant 38 : i32
    %dma_wait3A_48 = arith.constant 0 : i32
    %dma_wait3A_49 = arith.constant 0 : i32
    %dma_wait3A_50 = arith.constant 0 : i32
    %dma_wait3A_51 = tpu.memref_slice %arg9[%dma_wait3A_48, %dma_wait3A_49, %dma_wait3A_50] : memref<2x128x128xf32, #tpu.memory_space<vmem>> -> memref<1x128x128xf32, #tpu.memory_space<vmem>>
    %dma_wait3A_52 = tpu.memref_squeeze %dma_wait3A_51 : memref<1x128x128xf32, #tpu.memory_space<vmem>> -> memref<128x128xf32, #tpu.memory_space<vmem>>
    %dma_wait3A_53 = arith.constant 0 : i32
    %dma_wait3A_54 = tpu.memref_slice %arg7[%dma_wait3A, %dma_wait3A_53] : memref<40x128xi32, #tpu.memory_space<vmem>> -> memref<1x128xi32, #tpu.memory_space<vmem>>
    %dma_wait3A_55 = tpu.memref_squeeze %dma_wait3A_54 : memref<1x128xi32, #tpu.memory_space<vmem>> -> memref<128xi32, #tpu.memory_space<vmem>>
    %dma_wait3A_56 = arith.constant 0 : i32
    %dma_wait3A_57 = arith.constant 0 : i32
    %dma_wait3A_58 = tpu.memref_slice %arg2[%dma_wait3A_56, %dma_wait3A_57] : memref<10000x128xf32, #tpu.memory_space<hbm>> -> memref<10000x128xf32, #tpu.memory_space<hbm>>
    tpu.wait_indirect_dma semaphore(%arg11 : memref<!tpu.dma_semaphore, #tpu.memory_space<semaphore_mem>>) src(%dma_wait3A_58 : memref<10000x128xf32, #tpu.memory_space<hbm>>) dst(%dma_wait3A_52 : memref<128x128xf32, #tpu.memory_space<vmem>>)
    %run_scoped3A_59 = arith.constant 0 : i32
    %run_scoped3A_60 = arith.constant 38 : i32
    "tpu.region"() ({
      %run_scoped3A_142 = tpu.sem_alloc : memref<!tpu.dma_semaphore, #tpu.memory_space<semaphore_mem>>
      %dma_start3A_143 = arith.constant 0 : i32
      %dma_start3A_144 = arith.constant 0 : i32
      %dma_start3A_145 = tpu.memref_slice %arg9[%run_scoped3A_59, %dma_start3A_143, %dma_start3A_144] : memref<2x128x128xf32, #tpu.memory_space<vmem>> -> memref<1x128x128xf32, #tpu.memory_space<vmem>>
      %dma_start3A_146 = tpu.memref_squeeze %dma_start3A_145 : memref<1x128x128xf32, #tpu.memory_space<vmem>> -> memref<128x128xf32, #tpu.memory_space<vmem>>
      %dma_start3A_147 = arith.constant 0 : i32
      %dma_start3A_148 = tpu.memref_slice %arg8[%run_scoped3A_60, %dma_start3A_147] : memref<40x128xi32, #tpu.memory_space<vmem>> -> memref<1x128xi32, #tpu.memory_space<vmem>>
      %dma_start3A_149 = tpu.memref_squeeze %dma_start3A_148 : memref<1x128xi32, #tpu.memory_space<vmem>> -> memref<128xi32, #tpu.memory_space<vmem>>
      %dma_start3A_150 = arith.constant 0 : i32
      %dma_start3A_151 = arith.constant 0 : i32
      %dma_start3A_152 = tpu.memref_slice %arg10[%dma_start3A_150, %dma_start3A_151] : memref<10128x128xf32, #tpu.memory_space<vmem_shared>> -> memref<10128x128xf32, #tpu.memory_space<vmem_shared>>
      tpu.enqueue_indirect_dma source(%dma_start3A_146 : memref<128x128xf32, #tpu.memory_space<vmem>>) target(%dma_start3A_152 : memref<10128x128xf32, #tpu.memory_space<vmem_shared>>) offsets(%dma_start3A_149 : memref<128xi32, #tpu.memory_space<vmem>>) semaphore(%run_scoped3A_142 : memref<!tpu.dma_semaphore, #tpu.memory_space<semaphore_mem>>) {add = true}
      %dma_wait3A_153 = arith.constant 0 : i32
      %dma_wait3A_154 = arith.constant 0 : i32
      %dma_wait3A_155 = tpu.memref_slice %arg9[%run_scoped3A_59, %dma_wait3A_153, %dma_wait3A_154] : memref<2x128x128xf32, #tpu.memory_space<vmem>> -> memref<1x128x128xf32, #tpu.memory_space<vmem>>
      %dma_wait3A_156 = tpu.memref_squeeze %dma_wait3A_155 : memref<1x128x128xf32, #tpu.memory_space<vmem>> -> memref<128x128xf32, #tpu.memory_space<vmem>>
      %dma_wait3A_157 = arith.constant 0 : i32
      %dma_wait3A_158 = tpu.memref_slice %arg8[%run_scoped3A_60, %dma_wait3A_157] : memref<40x128xi32, #tpu.memory_space<vmem>> -> memref<1x128xi32, #tpu.memory_space<vmem>>
      %dma_wait3A_159 = tpu.memref_squeeze %dma_wait3A_158 : memref<1x128xi32, #tpu.memory_space<vmem>> -> memref<128xi32, #tpu.memory_space<vmem>>
      %dma_wait3A_160 = arith.constant 0 : i32
      %dma_wait3A_161 = arith.constant 0 : i32
      %dma_wait3A_162 = tpu.memref_slice %arg10[%dma_wait3A_160, %dma_wait3A_161] : memref<10128x128xf32, #tpu.memory_space<vmem_shared>> -> memref<10128x128xf32, #tpu.memory_space<vmem_shared>>
      tpu.wait_indirect_dma semaphore(%run_scoped3A_142 : memref<!tpu.dma_semaphore, #tpu.memory_space<semaphore_mem>>) src(%dma_wait3A_156 : memref<128x128xf32, #tpu.memory_space<vmem>>) dst(%dma_wait3A_162 : memref<10128x128xf32, #tpu.memory_space<vmem_shared>>)
      tpu.yield
    }) : () -> ()
    %dma_wait3A_61 = arith.constant 39 : i32
    %dma_wait3A_62 = arith.constant 1 : i32
    %dma_wait3A_63 = arith.constant 0 : i32
    %dma_wait3A_64 = arith.constant 0 : i32
    %dma_wait3A_65 = tpu.memref_slice %arg9[%dma_wait3A_62, %dma_wait3A_63, %dma_wait3A_64] : memref<2x128x128xf32, #tpu.memory_space<vmem>> -> memref<1x128x128xf32, #tpu.memory_space<vmem>>
    %dma_wait3A_66 = tpu.memref_squeeze %dma_wait3A_65 : memref<1x128x128xf32, #tpu.memory_space<vmem>> -> memref<128x128xf32, #tpu.memory_space<vmem>>
    %dma_wait3A_67 = arith.constant 0 : i32
    %dma_wait3A_68 = tpu.memref_slice %arg7[%dma_wait3A_61, %dma_wait3A_67] : memref<40x128xi32, #tpu.memory_space<vmem>> -> memref<1x128xi32, #tpu.memory_space<vmem>>
    %dma_wait3A_69 = tpu.memref_squeeze %dma_wait3A_68 : memref<1x128xi32, #tpu.memory_space<vmem>> -> memref<128xi32, #tpu.memory_space<vmem>>
    %dma_wait3A_70 = arith.constant 0 : i32
    %dma_wait3A_71 = arith.constant 0 : i32
    %dma_wait3A_72 = tpu.memref_slice %arg2[%dma_wait3A_70, %dma_wait3A_71] : memref<10000x128xf32, #tpu.memory_space<hbm>> -> memref<10000x128xf32, #tpu.memory_space<hbm>>
    tpu.wait_indirect_dma semaphore(%arg12 : memref<!tpu.dma_semaphore, #tpu.memory_space<semaphore_mem>>) src(%dma_wait3A_72 : memref<10000x128xf32, #tpu.memory_space<hbm>>) dst(%dma_wait3A_66 : memref<128x128xf32, #tpu.memory_space<vmem>>)
    %run_scoped3A_73 = arith.constant 1 : i32
    %run_scoped3A_74 = arith.constant 39 : i32
    "tpu.region"() ({
      %run_scoped3A_142 = tpu.sem_alloc : memref<!tpu.dma_semaphore, #tpu.memory_space<semaphore_mem>>
      %dma_start3A_143 = arith.constant 0 : i32
      %dma_start3A_144 = arith.constant 0 : i32
      %dma_start3A_145 = tpu.memref_slice %arg9[%run_scoped3A_73, %dma_start3A_143, %dma_start3A_144] : memref<2x128x128xf32, #tpu.memory_space<vmem>> -> memref<1x128x128xf32, #tpu.memory_space<vmem>>
      %dma_start3A_146 = tpu.memref_squeeze %dma_start3A_145 : memref<1x128x128xf32, #tpu.memory_space<vmem>> -> memref<128x128xf32, #tpu.memory_space<vmem>>
      %dma_start3A_147 = arith.constant 0 : i32
      %dma_start3A_148 = tpu.memref_slice %arg8[%run_scoped3A_74, %dma_start3A_147] : memref<40x128xi32, #tpu.memory_space<vmem>> -> memref<1x128xi32, #tpu.memory_space<vmem>>
      %dma_start3A_149 = tpu.memref_squeeze %dma_start3A_148 : memref<1x128xi32, #tpu.memory_space<vmem>> -> memref<128xi32, #tpu.memory_space<vmem>>
      %dma_start3A_150 = arith.constant 0 : i32
      %dma_start3A_151 = arith.constant 0 : i32
      %dma_start3A_152 = tpu.memref_slice %arg10[%dma_start3A_150, %dma_start3A_151] : memref<10128x128xf32, #tpu.memory_space<vmem_shared>> -> memref<10128x128xf32, #tpu.memory_space<vmem_shared>>
      tpu.enqueue_indirect_dma source(%dma_start3A_146 : memref<128x128xf32, #tpu.memory_space<vmem>>) target(%dma_start3A_152 : memref<10128x128xf32, #tpu.memory_space<vmem_shared>>) offsets(%dma_start3A_149 : memref<128xi32, #tpu.memory_space<vmem>>) semaphore(%run_scoped3A_142 : memref<!tpu.dma_semaphore, #tpu.memory_space<semaphore_mem>>) {add = true}
      %dma_wait3A_153 = arith.constant 0 : i32
      %dma_wait3A_154 = arith.constant 0 : i32
      %dma_wait3A_155 = tpu.memref_slice %arg9[%run_scoped3A_73, %dma_wait3A_153, %dma_wait3A_154] : memref<2x128x128xf32, #tpu.memory_space<vmem>> -> memref<1x128x128xf32, #tpu.memory_space<vmem>>
      %dma_wait3A_156 = tpu.memref_squeeze %dma_wait3A_155 : memref<1x128x128xf32, #tpu.memory_space<vmem>> -> memref<128x128xf32, #tpu.memory_space<vmem>>
      %dma_wait3A_157 = arith.constant 0 : i32
      %dma_wait3A_158 = tpu.memref_slice %arg8[%run_scoped3A_74, %dma_wait3A_157] : memref<40x128xi32, #tpu.memory_space<vmem>> -> memref<1x128xi32, #tpu.memory_space<vmem>>
      %dma_wait3A_159 = tpu.memref_squeeze %dma_wait3A_158 : memref<1x128xi32, #tpu.memory_space<vmem>> -> memref<128xi32, #tpu.memory_space<vmem>>
      %dma_wait3A_160 = arith.constant 0 : i32
      %dma_wait3A_161 = arith.constant 0 : i32
      %dma_wait3A_162 = tpu.memref_slice %arg10[%dma_wait3A_160, %dma_wait3A_161] : memref<10128x128xf32, #tpu.memory_space<vmem_shared>> -> memref<10128x128xf32, #tpu.memory_space<vmem_shared>>
      tpu.wait_indirect_dma semaphore(%run_scoped3A_142 : memref<!tpu.dma_semaphore, #tpu.memory_space<semaphore_mem>>) src(%dma_wait3A_156 : memref<128x128xf32, #tpu.memory_space<vmem>>) dst(%dma_wait3A_162 : memref<10128x128xf32, #tpu.memory_space<vmem_shared>>)
      tpu.yield
    }) : () -> ()
    "tpu.region"() ({
      %run_scoped3A_142 = tpu.sem_alloc : memref<!tpu.dma_semaphore, #tpu.memory_space<semaphore_mem>>
      %dma_start3A_143 = arith.constant 40 : i32
      %dma_start3A_144 = arith.constant 0 : i32
      %dma_start3A_145 = tpu.memref_slice %arg3[%add3A, %dma_start3A_143, %dma_start3A_144] : memref<32x80x128xi32, #tpu.memory_space<hbm>> -> memref<1x40x128xi32, #tpu.memory_space<hbm>>
      %dma_start3A_146 = tpu.memref_squeeze %dma_start3A_145 : memref<1x40x128xi32, #tpu.memory_space<hbm>> -> memref<40x128xi32, #tpu.memory_space<hbm>>
      %dma_start3A_147 = arith.constant 40 : i32
      %dma_start3A_148 = arith.constant 0 : i32
      %dma_start3A_149 = tpu.memref_slice %arg3[%add3A, %dma_start3A_147, %dma_start3A_148] : memref<32x80x128xi32, #tpu.memory_space<hbm>> -> memref<1x40x128xi32, #tpu.memory_space<hbm>>
      %dma_start3A_150 = tpu.memref_squeeze %dma_start3A_149 : memref<1x40x128xi32, #tpu.memory_space<hbm>> -> memref<40x128xi32, #tpu.memory_space<hbm>>
      tpu.enqueue_dma source(%dma_start3A_150 : memref<40x128xi32, #tpu.memory_space<hbm>>) target(%arg7 : memref<40x128xi32, #tpu.memory_space<vmem>>) target_semaphore(%run_scoped3A_142 : memref<!tpu.dma_semaphore, #tpu.memory_space<semaphore_mem>>)
      %dma_wait3A_151 = arith.constant 40 : i32
      %dma_wait3A_152 = arith.constant 0 : i32
      %dma_wait3A_153 = tpu.memref_slice %arg3[%add3A, %dma_wait3A_151, %dma_wait3A_152] : memref<32x80x128xi32, #tpu.memory_space<hbm>> -> memref<1x40x128xi32, #tpu.memory_space<hbm>>
      %dma_wait3A_154 = tpu.memref_squeeze %dma_wait3A_153 : memref<1x40x128xi32, #tpu.memory_space<hbm>> -> memref<40x128xi32, #tpu.memory_space<hbm>>
      %dma_wait3A_155 = arith.constant 40 : i32
      %dma_wait3A_156 = arith.constant 0 : i32
      %dma_wait3A_157 = tpu.memref_slice %arg3[%add3A, %dma_wait3A_155, %dma_wait3A_156] : memref<32x80x128xi32, #tpu.memory_space<hbm>> -> memref<1x40x128xi32, #tpu.memory_space<hbm>>
      %dma_wait3A_158 = tpu.memref_squeeze %dma_wait3A_157 : memref<1x40x128xi32, #tpu.memory_space<hbm>> -> memref<40x128xi32, #tpu.memory_space<hbm>>
      tpu.wait_dma2 semaphore(%run_scoped3A_142 : memref<!tpu.dma_semaphore, #tpu.memory_space<semaphore_mem>>) src(%dma_wait3A_158 : memref<40x128xi32, #tpu.memory_space<hbm>>) dst(%arg7 : memref<40x128xi32, #tpu.memory_space<vmem>>)
      tpu.yield
    }) : () -> ()
    "tpu.region"() ({
      %run_scoped3A_142 = tpu.sem_alloc : memref<!tpu.dma_semaphore, #tpu.memory_space<semaphore_mem>>
      %dma_start3A_143 = arith.constant 40 : i32
      %dma_start3A_144 = arith.constant 0 : i32
      %dma_start3A_145 = tpu.memref_slice %arg4[%add3A, %dma_start3A_143, %dma_start3A_144] : memref<32x80x128xi32, #tpu.memory_space<hbm>> -> memref<1x40x128xi32, #tpu.memory_space<hbm>>
      %dma_start3A_146 = tpu.memref_squeeze %dma_start3A_145 : memref<1x40x128xi32, #tpu.memory_space<hbm>> -> memref<40x128xi32, #tpu.memory_space<hbm>>
      %dma_start3A_147 = arith.constant 40 : i32
      %dma_start3A_148 = arith.constant 0 : i32
      %dma_start3A_149 = tpu.memref_slice %arg4[%add3A, %dma_start3A_147, %dma_start3A_148] : memref<32x80x128xi32, #tpu.memory_space<hbm>> -> memref<1x40x128xi32, #tpu.memory_space<hbm>>
      %dma_start3A_150 = tpu.memref_squeeze %dma_start3A_149 : memref<1x40x128xi32, #tpu.memory_space<hbm>> -> memref<40x128xi32, #tpu.memory_space<hbm>>
      tpu.enqueue_dma source(%dma_start3A_150 : memref<40x128xi32, #tpu.memory_space<hbm>>) target(%arg8 : memref<40x128xi32, #tpu.memory_space<vmem>>) target_semaphore(%run_scoped3A_142 : memref<!tpu.dma_semaphore, #tpu.memory_space<semaphore_mem>>)
      %dma_wait3A_151 = arith.constant 40 : i32
      %dma_wait3A_152 = arith.constant 0 : i32
      %dma_wait3A_153 = tpu.memref_slice %arg4[%add3A, %dma_wait3A_151, %dma_wait3A_152] : memref<32x80x128xi32, #tpu.memory_space<hbm>> -> memref<1x40x128xi32, #tpu.memory_space<hbm>>
      %dma_wait3A_154 = tpu.memref_squeeze %dma_wait3A_153 : memref<1x40x128xi32, #tpu.memory_space<hbm>> -> memref<40x128xi32, #tpu.memory_space<hbm>>
      %dma_wait3A_155 = arith.constant 40 : i32
      %dma_wait3A_156 = arith.constant 0 : i32
      %dma_wait3A_157 = tpu.memref_slice %arg4[%add3A, %dma_wait3A_155, %dma_wait3A_156] : memref<32x80x128xi32, #tpu.memory_space<hbm>> -> memref<1x40x128xi32, #tpu.memory_space<hbm>>
      %dma_wait3A_158 = tpu.memref_squeeze %dma_wait3A_157 : memref<1x40x128xi32, #tpu.memory_space<hbm>> -> memref<40x128xi32, #tpu.memory_space<hbm>>
      tpu.wait_dma2 semaphore(%run_scoped3A_142 : memref<!tpu.dma_semaphore, #tpu.memory_space<semaphore_mem>>) src(%dma_wait3A_158 : memref<40x128xi32, #tpu.memory_space<hbm>>) dst(%arg8 : memref<40x128xi32, #tpu.memory_space<vmem>>)
      tpu.yield
    }) : () -> ()
    %dma_start3A_75 = arith.constant 0 : i32
    %dma_start3A_76 = arith.constant 0 : i32
    %dma_start3A_77 = arith.constant 0 : i32
    %dma_start3A_78 = arith.constant 0 : i32
    %dma_start3A_79 = tpu.memref_slice %arg9[%dma_start3A_76, %dma_start3A_77, %dma_start3A_78] : memref<2x128x128xf32, #tpu.memory_space<vmem>> -> memref<1x128x128xf32, #tpu.memory_space<vmem>>
    %dma_start3A_80 = tpu.memref_squeeze %dma_start3A_79 : memref<1x128x128xf32, #tpu.memory_space<vmem>> -> memref<128x128xf32, #tpu.memory_space<vmem>>
    %dma_start3A_81 = arith.constant 0 : i32
    %dma_start3A_82 = tpu.memref_slice %arg7[%dma_start3A_75, %dma_start3A_81] : memref<40x128xi32, #tpu.memory_space<vmem>> -> memref<1x128xi32, #tpu.memory_space<vmem>>
    %dma_start3A_83 = tpu.memref_squeeze %dma_start3A_82 : memref<1x128xi32, #tpu.memory_space<vmem>> -> memref<128xi32, #tpu.memory_space<vmem>>
    %dma_start3A_84 = arith.constant 0 : i32
    %dma_start3A_85 = arith.constant 0 : i32
    %dma_start3A_86 = tpu.memref_slice %arg2[%dma_start3A_84, %dma_start3A_85] : memref<10000x128xf32, #tpu.memory_space<hbm>> -> memref<10000x128xf32, #tpu.memory_space<hbm>>
    tpu.enqueue_indirect_dma source(%dma_start3A_86 : memref<10000x128xf32, #tpu.memory_space<hbm>>) target(%dma_start3A_80 : memref<128x128xf32, #tpu.memory_space<vmem>>) offsets(%dma_start3A_83 : memref<128xi32, #tpu.memory_space<vmem>>) semaphore(%arg11 : memref<!tpu.dma_semaphore, #tpu.memory_space<semaphore_mem>>)
    %dma_start3A_87 = arith.constant 1 : i32
    %dma_start3A_88 = arith.constant 1 : i32
    %dma_start3A_89 = arith.constant 0 : i32
    %dma_start3A_90 = arith.constant 0 : i32
    %dma_start3A_91 = tpu.memref_slice %arg9[%dma_start3A_88, %dma_start3A_89, %dma_start3A_90] : memref<2x128x128xf32, #tpu.memory_space<vmem>> -> memref<1x128x128xf32, #tpu.memory_space<vmem>>
    %dma_start3A_92 = tpu.memref_squeeze %dma_start3A_91 : memref<1x128x128xf32, #tpu.memory_space<vmem>> -> memref<128x128xf32, #tpu.memory_space<vmem>>
    %dma_start3A_93 = arith.constant 0 : i32
    %dma_start3A_94 = tpu.memref_slice %arg7[%dma_start3A_87, %dma_start3A_93] : memref<40x128xi32, #tpu.memory_space<vmem>> -> memref<1x128xi32, #tpu.memory_space<vmem>>
    %dma_start3A_95 = tpu.memref_squeeze %dma_start3A_94 : memref<1x128xi32, #tpu.memory_space<vmem>> -> memref<128xi32, #tpu.memory_space<vmem>>
    %dma_start3A_96 = arith.constant 0 : i32
    %dma_start3A_97 = arith.constant 0 : i32
    %dma_start3A_98 = tpu.memref_slice %arg2[%dma_start3A_96, %dma_start3A_97] : memref<10000x128xf32, #tpu.memory_space<hbm>> -> memref<10000x128xf32, #tpu.memory_space<hbm>>
    tpu.enqueue_indirect_dma source(%dma_start3A_98 : memref<10000x128xf32, #tpu.memory_space<hbm>>) target(%dma_start3A_92 : memref<128x128xf32, #tpu.memory_space<vmem>>) offsets(%dma_start3A_95 : memref<128xi32, #tpu.memory_space<vmem>>) semaphore(%arg12 : memref<!tpu.dma_semaphore, #tpu.memory_space<semaphore_mem>>)
    %scan3A_99 = arith.constant 0 : i32
    %scan3A_100 = arith.constant 0 : i32
    %scan3A_101 = arith.constant 19 : i32
    %scan3A_102 = arith.addi %scan3A_100, %scan3A_101 : i32
    %scan3A_103 = arith.constant 1 : i32
    scf.for %scan3A_142 = %scan3A_100 to %scan3A_102 step %scan3A_103  : i32 {
      %mul3A_143 = arith.constant 2 : i32
      %mul3A_144 = arith.muli %mul3A_143, %scan3A_142 : i32
      %add3A_145 = arith.constant 0 : i32
      %add3A_146 = arith.addi %mul3A_144, %add3A_145 : i32
      %dma_wait3A_147 = arith.constant 0 : i32
      %dma_wait3A_148 = arith.constant 0 : i32
      %dma_wait3A_149 = arith.constant 0 : i32
      %dma_wait3A_150 = tpu.memref_slice %arg9[%dma_wait3A_147, %dma_wait3A_148, %dma_wait3A_149] : memref<2x128x128xf32, #tpu.memory_space<vmem>> -> memref<1x128x128xf32, #tpu.memory_space<vmem>>
      %dma_wait3A_151 = tpu.memref_squeeze %dma_wait3A_150 : memref<1x128x128xf32, #tpu.memory_space<vmem>> -> memref<128x128xf32, #tpu.memory_space<vmem>>
      %dma_wait3A_152 = arith.constant 0 : i32
      %dma_wait3A_153 = tpu.memref_slice %arg7[%add3A_146, %dma_wait3A_152] : memref<40x128xi32, #tpu.memory_space<vmem>> -> memref<1x128xi32, #tpu.memory_space<vmem>>
      %dma_wait3A_154 = tpu.memref_squeeze %dma_wait3A_153 : memref<1x128xi32, #tpu.memory_space<vmem>> -> memref<128xi32, #tpu.memory_space<vmem>>
      %dma_wait3A_155 = arith.constant 0 : i32
      %dma_wait3A_156 = arith.constant 0 : i32
      %dma_wait3A_157 = tpu.memref_slice %arg2[%dma_wait3A_155, %dma_wait3A_156] : memref<10000x128xf32, #tpu.memory_space<hbm>> -> memref<10000x128xf32, #tpu.memory_space<hbm>>
      tpu.wait_indirect_dma semaphore(%arg11 : memref<!tpu.dma_semaphore, #tpu.memory_space<semaphore_mem>>) src(%dma_wait3A_157 : memref<10000x128xf32, #tpu.memory_space<hbm>>) dst(%dma_wait3A_151 : memref<128x128xf32, #tpu.memory_space<vmem>>)
      %run_scoped3A_158 = arith.constant 0 : i32
      "tpu.region"() ({
        %run_scoped3A_201 = tpu.sem_alloc : memref<!tpu.dma_semaphore, #tpu.memory_space<semaphore_mem>>
        %dma_start3A_202 = arith.constant 0 : i32
        %dma_start3A_203 = arith.constant 0 : i32
        %dma_start3A_204 = tpu.memref_slice %arg9[%run_scoped3A_158, %dma_start3A_202, %dma_start3A_203] : memref<2x128x128xf32, #tpu.memory_space<vmem>> -> memref<1x128x128xf32, #tpu.memory_space<vmem>>
        %dma_start3A_205 = tpu.memref_squeeze %dma_start3A_204 : memref<1x128x128xf32, #tpu.memory_space<vmem>> -> memref<128x128xf32, #tpu.memory_space<vmem>>
        %dma_start3A_206 = arith.constant 0 : i32
        %dma_start3A_207 = tpu.memref_slice %arg8[%add3A_146, %dma_start3A_206] : memref<40x128xi32, #tpu.memory_space<vmem>> -> memref<1x128xi32, #tpu.memory_space<vmem>>
        %dma_start3A_208 = tpu.memref_squeeze %dma_start3A_207 : memref<1x128xi32, #tpu.memory_space<vmem>> -> memref<128xi32, #tpu.memory_space<vmem>>
        %dma_start3A_209 = arith.constant 0 : i32
        %dma_start3A_210 = arith.constant 0 : i32
        %dma_start3A_211 = tpu.memref_slice %arg10[%dma_start3A_209, %dma_start3A_210] : memref<10128x128xf32, #tpu.memory_space<vmem_shared>> -> memref<10128x128xf32, #tpu.memory_space<vmem_shared>>
        tpu.enqueue_indirect_dma source(%dma_start3A_205 : memref<128x128xf32, #tpu.memory_space<vmem>>) target(%dma_start3A_211 : memref<10128x128xf32, #tpu.memory_space<vmem_shared>>) offsets(%dma_start3A_208 : memref<128xi32, #tpu.memory_space<vmem>>) semaphore(%run_scoped3A_201 : memref<!tpu.dma_semaphore, #tpu.memory_space<semaphore_mem>>) {add = true}
        %dma_wait3A_212 = arith.constant 0 : i32
        %dma_wait3A_213 = arith.constant 0 : i32
        %dma_wait3A_214 = tpu.memref_slice %arg9[%run_scoped3A_158, %dma_wait3A_212, %dma_wait3A_213] : memref<2x128x128xf32, #tpu.memory_space<vmem>> -> memref<1x128x128xf32, #tpu.memory_space<vmem>>
        %dma_wait3A_215 = tpu.memref_squeeze %dma_wait3A_214 : memref<1x128x128xf32, #tpu.memory_space<vmem>> -> memref<128x128xf32, #tpu.memory_space<vmem>>
        %dma_wait3A_216 = arith.constant 0 : i32
        %dma_wait3A_217 = tpu.memref_slice %arg8[%add3A_146, %dma_wait3A_216] : memref<40x128xi32, #tpu.memory_space<vmem>> -> memref<1x128xi32, #tpu.memory_space<vmem>>
        %dma_wait3A_218 = tpu.memref_squeeze %dma_wait3A_217 : memref<1x128xi32, #tpu.memory_space<vmem>> -> memref<128xi32, #tpu.memory_space<vmem>>
        %dma_wait3A_219 = arith.constant 0 : i32
        %dma_wait3A_220 = arith.constant 0 : i32
        %dma_wait3A_221 = tpu.memref_slice %arg10[%dma_wait3A_219, %dma_wait3A_220] : memref<10128x128xf32, #tpu.memory_space<vmem_shared>> -> memref<10128x128xf32, #tpu.memory_space<vmem_shared>>
        tpu.wait_indirect_dma semaphore(%run_scoped3A_201 : memref<!tpu.dma_semaphore, #tpu.memory_space<semaphore_mem>>) src(%dma_wait3A_215 : memref<128x128xf32, #tpu.memory_space<vmem>>) dst(%dma_wait3A_221 : memref<10128x128xf32, #tpu.memory_space<vmem_shared>>)
        tpu.yield
      }) : () -> ()
      %add3A_159 = arith.constant 2 : i32
      %add3A_160 = arith.addi %add3A_146, %add3A_159 : i32
      %dma_start3A_161 = arith.constant 0 : i32
      %dma_start3A_162 = arith.constant 0 : i32
      %dma_start3A_163 = arith.constant 0 : i32
      %dma_start3A_164 = tpu.memref_slice %arg9[%dma_start3A_161, %dma_start3A_162, %dma_start3A_163] : memref<2x128x128xf32, #tpu.memory_space<vmem>> -> memref<1x128x128xf32, #tpu.memory_space<vmem>>
      %dma_start3A_165 = tpu.memref_squeeze %dma_start3A_164 : memref<1x128x128xf32, #tpu.memory_space<vmem>> -> memref<128x128xf32, #tpu.memory_space<vmem>>
      %dma_start3A_166 = arith.constant 0 : i32
      %dma_start3A_167 = tpu.memref_slice %arg7[%add3A_160, %dma_start3A_166] : memref<40x128xi32, #tpu.memory_space<vmem>> -> memref<1x128xi32, #tpu.memory_space<vmem>>
      %dma_start3A_168 = tpu.memref_squeeze %dma_start3A_167 : memref<1x128xi32, #tpu.memory_space<vmem>> -> memref<128xi32, #tpu.memory_space<vmem>>
      %dma_start3A_169 = arith.constant 0 : i32
      %dma_start3A_170 = arith.constant 0 : i32
      %dma_start3A_171 = tpu.memref_slice %arg2[%dma_start3A_169, %dma_start3A_170] : memref<10000x128xf32, #tpu.memory_space<hbm>> -> memref<10000x128xf32, #tpu.memory_space<hbm>>
      tpu.enqueue_indirect_dma source(%dma_start3A_171 : memref<10000x128xf32, #tpu.memory_space<hbm>>) target(%dma_start3A_165 : memref<128x128xf32, #tpu.memory_space<vmem>>) offsets(%dma_start3A_168 : memref<128xi32, #tpu.memory_space<vmem>>) semaphore(%arg11 : memref<!tpu.dma_semaphore, #tpu.memory_space<semaphore_mem>>)
      %mul3A_172 = arith.constant 2 : i32
      %mul3A_173 = arith.muli %mul3A_172, %scan3A_142 : i32
      %add3A_174 = arith.constant 1 : i32
      %add3A_175 = arith.addi %mul3A_173, %add3A_174 : i32
      %dma_wait3A_176 = arith.constant 1 : i32
      %dma_wait3A_177 = arith.constant 0 : i32
      %dma_wait3A_178 = arith.constant 0 : i32
      %dma_wait3A_179 = tpu.memref_slice %arg9[%dma_wait3A_176, %dma_wait3A_177, %dma_wait3A_178] : memref<2x128x128xf32, #tpu.memory_space<vmem>> -> memref<1x128x128xf32, #tpu.memory_space<vmem>>
      %dma_wait3A_180 = tpu.memref_squeeze %dma_wait3A_179 : memref<1x128x128xf32, #tpu.memory_space<vmem>> -> memref<128x128xf32, #tpu.memory_space<vmem>>
      %dma_wait3A_181 = arith.constant 0 : i32
      %dma_wait3A_182 = tpu.memref_slice %arg7[%add3A_175, %dma_wait3A_181] : memref<40x128xi32, #tpu.memory_space<vmem>> -> memref<1x128xi32, #tpu.memory_space<vmem>>
      %dma_wait3A_183 = tpu.memref_squeeze %dma_wait3A_182 : memref<1x128xi32, #tpu.memory_space<vmem>> -> memref<128xi32, #tpu.memory_space<vmem>>
      %dma_wait3A_184 = arith.constant 0 : i32
      %dma_wait3A_185 = arith.constant 0 : i32
      %dma_wait3A_186 = tpu.memref_slice %arg2[%dma_wait3A_184, %dma_wait3A_185] : memref<10000x128xf32, #tpu.memory_space<hbm>> -> memref<10000x128xf32, #tpu.memory_space<hbm>>
      tpu.wait_indirect_dma semaphore(%arg12 : memref<!tpu.dma_semaphore, #tpu.memory_space<semaphore_mem>>) src(%dma_wait3A_186 : memref<10000x128xf32, #tpu.memory_space<hbm>>) dst(%dma_wait3A_180 : memref<128x128xf32, #tpu.memory_space<vmem>>)
      %run_scoped3A_187 = arith.constant 1 : i32
      "tpu.region"() ({
        %run_scoped3A_201 = tpu.sem_alloc : memref<!tpu.dma_semaphore, #tpu.memory_space<semaphore_mem>>
        %dma_start3A_202 = arith.constant 0 : i32
        %dma_start3A_203 = arith.constant 0 : i32
        %dma_start3A_204 = tpu.memref_slice %arg9[%run_scoped3A_187, %dma_start3A_202, %dma_start3A_203] : memref<2x128x128xf32, #tpu.memory_space<vmem>> -> memref<1x128x128xf32, #tpu.memory_space<vmem>>
        %dma_start3A_205 = tpu.memref_squeeze %dma_start3A_204 : memref<1x128x128xf32, #tpu.memory_space<vmem>> -> memref<128x128xf32, #tpu.memory_space<vmem>>
        %dma_start3A_206 = arith.constant 0 : i32
        %dma_start3A_207 = tpu.memref_slice %arg8[%add3A_175, %dma_start3A_206] : memref<40x128xi32, #tpu.memory_space<vmem>> -> memref<1x128xi32, #tpu.memory_space<vmem>>
        %dma_start3A_208 = tpu.memref_squeeze %dma_start3A_207 : memref<1x128xi32, #tpu.memory_space<vmem>> -> memref<128xi32, #tpu.memory_space<vmem>>
        %dma_start3A_209 = arith.constant 0 : i32
        %dma_start3A_210 = arith.constant 0 : i32
        %dma_start3A_211 = tpu.memref_slice %arg10[%dma_start3A_209, %dma_start3A_210] : memref<10128x128xf32, #tpu.memory_space<vmem_shared>> -> memref<10128x128xf32, #tpu.memory_space<vmem_shared>>
        tpu.enqueue_indirect_dma source(%dma_start3A_205 : memref<128x128xf32, #tpu.memory_space<vmem>>) target(%dma_start3A_211 : memref<10128x128xf32, #tpu.memory_space<vmem_shared>>) offsets(%dma_start3A_208 : memref<128xi32, #tpu.memory_space<vmem>>) semaphore(%run_scoped3A_201 : memref<!tpu.dma_semaphore, #tpu.memory_space<semaphore_mem>>) {add = true}
        %dma_wait3A_212 = arith.constant 0 : i32
        %dma_wait3A_213 = arith.constant 0 : i32
        %dma_wait3A_214 = tpu.memref_slice %arg9[%run_scoped3A_187, %dma_wait3A_212, %dma_wait3A_213] : memref<2x128x128xf32, #tpu.memory_space<vmem>> -> memref<1x128x128xf32, #tpu.memory_space<vmem>>
        %dma_wait3A_215 = tpu.memref_squeeze %dma_wait3A_214 : memref<1x128x128xf32, #tpu.memory_space<vmem>> -> memref<128x128xf32, #tpu.memory_space<vmem>>
        %dma_wait3A_216 = arith.constant 0 : i32
        %dma_wait3A_217 = tpu.memref_slice %arg8[%add3A_175, %dma_wait3A_216] : memref<40x128xi32, #tpu.memory_space<vmem>> -> memref<1x128xi32, #tpu.memory_space<vmem>>
        %dma_wait3A_218 = tpu.memref_squeeze %dma_wait3A_217 : memref<1x128xi32, #tpu.memory_space<vmem>> -> memref<128xi32, #tpu.memory_space<vmem>>
        %dma_wait3A_219 = arith.constant 0 : i32
        %dma_wait3A_220 = arith.constant 0 : i32
        %dma_wait3A_221 = tpu.memref_slice %arg10[%dma_wait3A_219, %dma_wait3A_220] : memref<10128x128xf32, #tpu.memory_space<vmem_shared>> -> memref<10128x128xf32, #tpu.memory_space<vmem_shared>>
        tpu.wait_indirect_dma semaphore(%run_scoped3A_201 : memref<!tpu.dma_semaphore, #tpu.memory_space<semaphore_mem>>) src(%dma_wait3A_215 : memref<128x128xf32, #tpu.memory_space<vmem>>) dst(%dma_wait3A_221 : memref<10128x128xf32, #tpu.memory_space<vmem_shared>>)
        tpu.yield
      }) : () -> ()
      %add3A_188 = arith.constant 2 : i32
      %add3A_189 = arith.addi %add3A_175, %add3A_188 : i32
      %dma_start3A_190 = arith.constant 1 : i32
      %dma_start3A_191 = arith.constant 0 : i32
      %dma_start3A_192 = arith.constant 0 : i32
      %dma_start3A_193 = tpu.memref_slice %arg9[%dma_start3A_190, %dma_start3A_191, %dma_start3A_192] : memref<2x128x128xf32, #tpu.memory_space<vmem>> -> memref<1x128x128xf32, #tpu.memory_space<vmem>>
      %dma_start3A_194 = tpu.memref_squeeze %dma_start3A_193 : memref<1x128x128xf32, #tpu.memory_space<vmem>> -> memref<128x128xf32, #tpu.memory_space<vmem>>
      %dma_start3A_195 = arith.constant 0 : i32
      %dma_start3A_196 = tpu.memref_slice %arg7[%add3A_189, %dma_start3A_195] : memref<40x128xi32, #tpu.memory_space<vmem>> -> memref<1x128xi32, #tpu.memory_space<vmem>>
      %dma_start3A_197 = tpu.memref_squeeze %dma_start3A_196 : memref<1x128xi32, #tpu.memory_space<vmem>> -> memref<128xi32, #tpu.memory_space<vmem>>
      %dma_start3A_198 = arith.constant 0 : i32
      %dma_start3A_199 = arith.constant 0 : i32
      %dma_start3A_200 = tpu.memref_slice %arg2[%dma_start3A_198, %dma_start3A_199] : memref<10000x128xf32, #tpu.memory_space<hbm>> -> memref<10000x128xf32, #tpu.memory_space<hbm>>
      tpu.enqueue_indirect_dma source(%dma_start3A_200 : memref<10000x128xf32, #tpu.memory_space<hbm>>) target(%dma_start3A_194 : memref<128x128xf32, #tpu.memory_space<vmem>>) offsets(%dma_start3A_197 : memref<128xi32, #tpu.memory_space<vmem>>) semaphore(%arg12 : memref<!tpu.dma_semaphore, #tpu.memory_space<semaphore_mem>>)
    }
    %scan3A_104 = arith.constant 19 : i32
    %dma_wait3A_105 = arith.constant 38 : i32
    %dma_wait3A_106 = arith.constant 0 : i32
    %dma_wait3A_107 = arith.constant 0 : i32
    %dma_wait3A_108 = arith.constant 0 : i32
    %dma_wait3A_109 = tpu.memref_slice %arg9[%dma_wait3A_106, %dma_wait3A_107, %dma_wait3A_108] : memref<2x128x128xf32, #tpu.memory_space<vmem>> -> memref<1x128x128xf32, #tpu.memory_space<vmem>>
    %dma_wait3A_110 = tpu.memref_squeeze %dma_wait3A_109 : memref<1x128x128xf32, #tpu.memory_space<vmem>> -> memref<128x128xf32, #tpu.memory_space<vmem>>
    %dma_wait3A_111 = arith.constant 0 : i32
    %dma_wait3A_112 = tpu.memref_slice %arg7[%dma_wait3A_105, %dma_wait3A_111] : memref<40x128xi32, #tpu.memory_space<vmem>> -> memref<1x128xi32, #tpu.memory_space<vmem>>
    %dma_wait3A_113 = tpu.memref_squeeze %dma_wait3A_112 : memref<1x128xi32, #tpu.memory_space<vmem>> -> memref<128xi32, #tpu.memory_space<vmem>>
    %dma_wait3A_114 = arith.constant 0 : i32
    %dma_wait3A_115 = arith.constant 0 : i32
    %dma_wait3A_116 = tpu.memref_slice %arg2[%dma_wait3A_114, %dma_wait3A_115] : memref<10000x128xf32, #tpu.memory_space<hbm>> -> memref<10000x128xf32, #tpu.memory_space<hbm>>
    tpu.wait_indirect_dma semaphore(%arg11 : memref<!tpu.dma_semaphore, #tpu.memory_space<semaphore_mem>>) src(%dma_wait3A_116 : memref<10000x128xf32, #tpu.memory_space<hbm>>) dst(%dma_wait3A_110 : memref<128x128xf32, #tpu.memory_space<vmem>>)
    %run_scoped3A_117 = arith.constant 0 : i32
    %run_scoped3A_118 = arith.constant 38 : i32
    "tpu.region"() ({
      %run_scoped3A_142 = tpu.sem_alloc : memref<!tpu.dma_semaphore, #tpu.memory_space<semaphore_mem>>
      %dma_start3A_143 = arith.constant 0 : i32
      %dma_start3A_144 = arith.constant 0 : i32
      %dma_start3A_145 = tpu.memref_slice %arg9[%run_scoped3A_117, %dma_start3A_143, %dma_start3A_144] : memref<2x128x128xf32, #tpu.memory_space<vmem>> -> memref<1x128x128xf32, #tpu.memory_space<vmem>>
      %dma_start3A_146 = tpu.memref_squeeze %dma_start3A_145 : memref<1x128x128xf32, #tpu.memory_space<vmem>> -> memref<128x128xf32, #tpu.memory_space<vmem>>
      %dma_start3A_147 = arith.constant 0 : i32
      %dma_start3A_148 = tpu.memref_slice %arg8[%run_scoped3A_118, %dma_start3A_147] : memref<40x128xi32, #tpu.memory_space<vmem>> -> memref<1x128xi32, #tpu.memory_space<vmem>>
      %dma_start3A_149 = tpu.memref_squeeze %dma_start3A_148 : memref<1x128xi32, #tpu.memory_space<vmem>> -> memref<128xi32, #tpu.memory_space<vmem>>
      %dma_start3A_150 = arith.constant 0 : i32
      %dma_start3A_151 = arith.constant 0 : i32
      %dma_start3A_152 = tpu.memref_slice %arg10[%dma_start3A_150, %dma_start3A_151] : memref<10128x128xf32, #tpu.memory_space<vmem_shared>> -> memref<10128x128xf32, #tpu.memory_space<vmem_shared>>
      tpu.enqueue_indirect_dma source(%dma_start3A_146 : memref<128x128xf32, #tpu.memory_space<vmem>>) target(%dma_start3A_152 : memref<10128x128xf32, #tpu.memory_space<vmem_shared>>) offsets(%dma_start3A_149 : memref<128xi32, #tpu.memory_space<vmem>>) semaphore(%run_scoped3A_142 : memref<!tpu.dma_semaphore, #tpu.memory_space<semaphore_mem>>) {add = true}
      %dma_wait3A_153 = arith.constant 0 : i32
      %dma_wait3A_154 = arith.constant 0 : i32
      %dma_wait3A_155 = tpu.memref_slice %arg9[%run_scoped3A_117, %dma_wait3A_153, %dma_wait3A_154] : memref<2x128x128xf32, #tpu.memory_space<vmem>> -> memref<1x128x128xf32, #tpu.memory_space<vmem>>
      %dma_wait3A_156 = tpu.memref_squeeze %dma_wait3A_155 : memref<1x128x128xf32, #tpu.memory_space<vmem>> -> memref<128x128xf32, #tpu.memory_space<vmem>>
      %dma_wait3A_157 = arith.constant 0 : i32
      %dma_wait3A_158 = tpu.memref_slice %arg8[%run_scoped3A_118, %dma_wait3A_157] : memref<40x128xi32, #tpu.memory_space<vmem>> -> memref<1x128xi32, #tpu.memory_space<vmem>>
      %dma_wait3A_159 = tpu.memref_squeeze %dma_wait3A_158 : memref<1x128xi32, #tpu.memory_space<vmem>> -> memref<128xi32, #tpu.memory_space<vmem>>
      %dma_wait3A_160 = arith.constant 0 : i32
      %dma_wait3A_161 = arith.constant 0 : i32
      %dma_wait3A_162 = tpu.memref_slice %arg10[%dma_wait3A_160, %dma_wait3A_161] : memref<10128x128xf32, #tpu.memory_space<vmem_shared>> -> memref<10128x128xf32, #tpu.memory_space<vmem_shared>>
      tpu.wait_indirect_dma semaphore(%run_scoped3A_142 : memref<!tpu.dma_semaphore, #tpu.memory_space<semaphore_mem>>) src(%dma_wait3A_156 : memref<128x128xf32, #tpu.memory_space<vmem>>) dst(%dma_wait3A_162 : memref<10128x128xf32, #tpu.memory_space<vmem_shared>>)
      tpu.yield
    }) : () -> ()
    %dma_wait3A_119 = arith.constant 39 : i32
    %dma_wait3A_120 = arith.constant 1 : i32
    %dma_wait3A_121 = arith.constant 0 : i32
    %dma_wait3A_122 = arith.constant 0 : i32
    %dma_wait3A_123 = tpu.memref_slice %arg9[%dma_wait3A_120, %dma_wait3A_121, %dma_wait3A_122] : memref<2x128x128xf32, #tpu.memory_space<vmem>> -> memref<1x128x128xf32, #tpu.memory_space<vmem>>
    %dma_wait3A_124 = tpu.memref_squeeze %dma_wait3A_123 : memref<1x128x128xf32, #tpu.memory_space<vmem>> -> memref<128x128xf32, #tpu.memory_space<vmem>>
    %dma_wait3A_125 = arith.constant 0 : i32
    %dma_wait3A_126 = tpu.memref_slice %arg7[%dma_wait3A_119, %dma_wait3A_125] : memref<40x128xi32, #tpu.memory_space<vmem>> -> memref<1x128xi32, #tpu.memory_space<vmem>>
    %dma_wait3A_127 = tpu.memref_squeeze %dma_wait3A_126 : memref<1x128xi32, #tpu.memory_space<vmem>> -> memref<128xi32, #tpu.memory_space<vmem>>
    %dma_wait3A_128 = arith.constant 0 : i32
    %dma_wait3A_129 = arith.constant 0 : i32
    %dma_wait3A_130 = tpu.memref_slice %arg2[%dma_wait3A_128, %dma_wait3A_129] : memref<10000x128xf32, #tpu.memory_space<hbm>> -> memref<10000x128xf32, #tpu.memory_space<hbm>>
    tpu.wait_indirect_dma semaphore(%arg12 : memref<!tpu.dma_semaphore, #tpu.memory_space<semaphore_mem>>) src(%dma_wait3A_130 : memref<10000x128xf32, #tpu.memory_space<hbm>>) dst(%dma_wait3A_124 : memref<128x128xf32, #tpu.memory_space<vmem>>)
    %run_scoped3A_131 = arith.constant 1 : i32
    %run_scoped3A_132 = arith.constant 39 : i32
    "tpu.region"() ({
      %run_scoped3A_142 = tpu.sem_alloc : memref<!tpu.dma_semaphore, #tpu.memory_space<semaphore_mem>>
      %dma_start3A_143 = arith.constant 0 : i32
      %dma_start3A_144 = arith.constant 0 : i32
      %dma_start3A_145 = tpu.memref_slice %arg9[%run_scoped3A_131, %dma_start3A_143, %dma_start3A_144] : memref<2x128x128xf32, #tpu.memory_space<vmem>> -> memref<1x128x128xf32, #tpu.memory_space<vmem>>
      %dma_start3A_146 = tpu.memref_squeeze %dma_start3A_145 : memref<1x128x128xf32, #tpu.memory_space<vmem>> -> memref<128x128xf32, #tpu.memory_space<vmem>>
      %dma_start3A_147 = arith.constant 0 : i32
      %dma_start3A_148 = tpu.memref_slice %arg8[%run_scoped3A_132, %dma_start3A_147] : memref<40x128xi32, #tpu.memory_space<vmem>> -> memref<1x128xi32, #tpu.memory_space<vmem>>
      %dma_start3A_149 = tpu.memref_squeeze %dma_start3A_148 : memref<1x128xi32, #tpu.memory_space<vmem>> -> memref<128xi32, #tpu.memory_space<vmem>>
      %dma_start3A_150 = arith.constant 0 : i32
      %dma_start3A_151 = arith.constant 0 : i32
      %dma_start3A_152 = tpu.memref_slice %arg10[%dma_start3A_150, %dma_start3A_151] : memref<10128x128xf32, #tpu.memory_space<vmem_shared>> -> memref<10128x128xf32, #tpu.memory_space<vmem_shared>>
      tpu.enqueue_indirect_dma source(%dma_start3A_146 : memref<128x128xf32, #tpu.memory_space<vmem>>) target(%dma_start3A_152 : memref<10128x128xf32, #tpu.memory_space<vmem_shared>>) offsets(%dma_start3A_149 : memref<128xi32, #tpu.memory_space<vmem>>) semaphore(%run_scoped3A_142 : memref<!tpu.dma_semaphore, #tpu.memory_space<semaphore_mem>>) {add = true}
      %dma_wait3A_153 = arith.constant 0 : i32
      %dma_wait3A_154 = arith.constant 0 : i32
      %dma_wait3A_155 = tpu.memref_slice %arg9[%run_scoped3A_131, %dma_wait3A_153, %dma_wait3A_154] : memref<2x128x128xf32, #tpu.memory_space<vmem>> -> memref<1x128x128xf32, #tpu.memory_space<vmem>>
      %dma_wait3A_156 = tpu.memref_squeeze %dma_wait3A_155 : memref<1x128x128xf32, #tpu.memory_space<vmem>> -> memref<128x128xf32, #tpu.memory_space<vmem>>
      %dma_wait3A_157 = arith.constant 0 : i32
      %dma_wait3A_158 = tpu.memref_slice %arg8[%run_scoped3A_132, %dma_wait3A_157] : memref<40x128xi32, #tpu.memory_space<vmem>> -> memref<1x128xi32, #tpu.memory_space<vmem>>
      %dma_wait3A_159 = tpu.memref_squeeze %dma_wait3A_158 : memref<1x128xi32, #tpu.memory_space<vmem>> -> memref<128xi32, #tpu.memory_space<vmem>>
      %dma_wait3A_160 = arith.constant 0 : i32
      %dma_wait3A_161 = arith.constant 0 : i32
      %dma_wait3A_162 = tpu.memref_slice %arg10[%dma_wait3A_160, %dma_wait3A_161] : memref<10128x128xf32, #tpu.memory_space<vmem_shared>> -> memref<10128x128xf32, #tpu.memory_space<vmem_shared>>
      tpu.wait_indirect_dma semaphore(%run_scoped3A_142 : memref<!tpu.dma_semaphore, #tpu.memory_space<semaphore_mem>>) src(%dma_wait3A_156 : memref<128x128xf32, #tpu.memory_space<vmem>>) dst(%dma_wait3A_162 : memref<10128x128xf32, #tpu.memory_space<vmem_shared>>)
      tpu.yield
    }) : () -> ()
    %barrier3A_133 = arith.constant 0 : index
    tpu.barrier barrier_id(%barrier3A_133)
    %mul3A_134 = arith.constant 10000 : i32
    %mul3A_135 = arith.muli %arg0, %mul3A_134 : i32
    %add3A_136 = arith.addi %mul3A_135, %mul3A_2 : i32
    "tpu.region"() ({
      %run_scoped3A_142 = tpu.sem_alloc : memref<!tpu.dma_semaphore, #tpu.memory_space<semaphore_mem>>
      %dma_start3A_143 = arith.constant 0 : i32
      %dma_start3A_144 = tpu.memref_slice %arg6[%add3A_136, %dma_start3A_143] : memref<20000x128xf32, #tpu.memory_space<hbm>> -> memref<624x128xf32, #tpu.memory_space<hbm>>
      %dma_start3A_145 = arith.constant 0 : i32
      %dma_start3A_146 = tpu.memref_slice %arg10[%mul3A_2, %dma_start3A_145] : memref<10128x128xf32, #tpu.memory_space<vmem_shared>> -> memref<624x128xf32, #tpu.memory_space<vmem_shared>>
      tpu.enqueue_dma source(%dma_start3A_146 : memref<624x128xf32, #tpu.memory_space<vmem_shared>>) target(%dma_start3A_144 : memref<624x128xf32, #tpu.memory_space<hbm>>) target_semaphore(%run_scoped3A_142 : memref<!tpu.dma_semaphore, #tpu.memory_space<semaphore_mem>>)
      %dma_wait3A_147 = arith.constant 0 : i32
      %dma_wait3A_148 = tpu.memref_slice %arg6[%add3A_136, %dma_wait3A_147] : memref<20000x128xf32, #tpu.memory_space<hbm>> -> memref<624x128xf32, #tpu.memory_space<hbm>>
      %dma_wait3A_149 = arith.constant 0 : i32
      %dma_wait3A_150 = tpu.memref_slice %arg10[%mul3A_2, %dma_wait3A_149] : memref<10128x128xf32, #tpu.memory_space<vmem_shared>> -> memref<624x128xf32, #tpu.memory_space<vmem_shared>>
      tpu.wait_dma2 semaphore(%run_scoped3A_142 : memref<!tpu.dma_semaphore, #tpu.memory_space<semaphore_mem>>) src(%dma_wait3A_150 : memref<624x128xf32, #tpu.memory_space<vmem_shared>>) dst(%dma_wait3A_148 : memref<624x128xf32, #tpu.memory_space<hbm>>)
      tpu.yield
    }) : () -> ()
    %eq3A_137 = arith.constant 15 : i32
    %eq3A_138 = arith.cmpi eq, %arg1, %eq3A_137 : i32
    %convert_element_type3A_139 = arith.extui %eq3A_138 : i1 to i32
    %cond3A_140 = arith.constant 0 : i32
    %cond3A_141 = arith.cmpi ne, %convert_element_type3A_139, %cond3A_140 : i32
    scf.if %cond3A_141 {
      %mul3A_142 = arith.constant 10000 : i32
      %mul3A_143 = arith.muli %arg0, %mul3A_142 : i32
      %add3A_144 = arith.constant 9984 : i32
      %add3A_145 = arith.addi %mul3A_143, %add3A_144 : i32
      "tpu.region"() ({
        %run_scoped3A_146 = tpu.sem_alloc : memref<!tpu.dma_semaphore, #tpu.memory_space<semaphore_mem>>
        %dma_start3A_147 = arith.constant 0 : i32
        %dma_start3A_148 = tpu.memref_slice %arg6[%add3A_145, %dma_start3A_147] : memref<20000x128xf32, #tpu.memory_space<hbm>> -> memref<16x128xf32, #tpu.memory_space<hbm>>
        %dma_start3A_149 = arith.constant 9984 : i32
        %dma_start3A_150 = arith.constant 0 : i32
        %dma_start3A_151 = tpu.memref_slice %arg10[%dma_start3A_149, %dma_start3A_150] : memref<10128x128xf32, #tpu.memory_space<vmem_shared>> -> memref<16x128xf32, #tpu.memory_space<vmem_shared>>
        tpu.enqueue_dma source(%dma_start3A_151 : memref<16x128xf32, #tpu.memory_space<vmem_shared>>) target(%dma_start3A_148 : memref<16x128xf32, #tpu.memory_space<hbm>>) target_semaphore(%run_scoped3A_146 : memref<!tpu.dma_semaphore, #tpu.memory_space<semaphore_mem>>)
        %dma_wait3A_152 = arith.constant 0 : i32
        %dma_wait3A_153 = tpu.memref_slice %arg6[%add3A_145, %dma_wait3A_152] : memref<20000x128xf32, #tpu.memory_space<hbm>> -> memref<16x128xf32, #tpu.memory_space<hbm>>
        %dma_wait3A_154 = arith.constant 9984 : i32
        %dma_wait3A_155 = arith.constant 0 : i32
        %dma_wait3A_156 = tpu.memref_slice %arg10[%dma_wait3A_154, %dma_wait3A_155] : memref<10128x128xf32, #tpu.memory_space<vmem_shared>> -> memref<16x128xf32, #tpu.memory_space<vmem_shared>>
        tpu.wait_dma2 semaphore(%run_scoped3A_146 : memref<!tpu.dma_semaphore, #tpu.memory_space<semaphore_mem>>) src(%dma_wait3A_156 : memref<16x128xf32, #tpu.memory_space<vmem_shared>>) dst(%dma_wait3A_153 : memref<16x128xf32, #tpu.memory_space<hbm>>)
        tpu.yield
      }) : () -> ()
    } else {
    }
    return
  }
}

#map = affine_map<(d0, d1) -> (0)>
#map1 = affine_map<(d0, d1) -> (0, 0)>
module attributes {stable_mosaic.version = 14 : i64} {
  func.func @_sc_deg(%arg0: i32, %arg1: i32, %arg2: memref<327680xi32, #tpu.memory_space<hbm>>, %arg3: memref<1280xi32, #tpu.memory_space<hbm>>, %arg4: memref<640x128xf32, #tpu.memory_space<hbm>>, %arg5: memref<2560x128xf32, #tpu.memory_space<hbm>>, %arg6: memref<10240xi32, #tpu.memory_space<vmem>>, %arg7: memref<640x128xf32, #tpu.memory_space<vmem>>, %arg8: memref<5x128xi32, #tpu.memory_space<vmem>>, %arg9: memref<1280x128xf32, #tpu.memory_space<vmem_shared>>) attributes {dimension_semantics = [#tpu.dimension_semantics<core_parallel>, #tpu.dimension_semantics<subcore_parallel>], iteration_bounds = array<i64: 2, 16>, scalar_prefetch = 0 : i64, scratch_operands = 4 : i64, tpu.core_type = #tpu.core_type<sc_vector_subcore>, window_params = [{transform_indices = #map}, {transform_indices = #map}, {transform_indices = #map1}, {transform_indices = #map1}]} {
    %mul3A = arith.constant 16 : i32
    %mul3A_0 = arith.muli %arg0, %mul3A : i32
    %add3A = arith.addi %mul3A_0, %arg1 : i32
    %mul3A_1 = arith.constant 10240 : i32
    %mul3A_2 = arith.muli %add3A, %mul3A_1 : i32
    %mul3A_3 = arith.constant 80 : i32
    %mul3A_4 = arith.muli %arg1, %mul3A_3 : i32
    "tpu.region"() ({
      %run_scoped3A_40 = tpu.sem_alloc : memref<!tpu.dma_semaphore, #tpu.memory_space<semaphore_mem>>
      %dma_start3A = arith.constant 0 : i32
      %dma_start3A_41 = arith.constant 0 : i32
      %dma_start3A_42 = tpu.memref_slice %arg7[%dma_start3A, %dma_start3A_41] : memref<640x128xf32, #tpu.memory_space<vmem>> -> memref<80x128xf32, #tpu.memory_space<vmem>>
      %dma_start3A_43 = arith.constant 0 : i32
      %dma_start3A_44 = arith.constant 0 : i32
      %dma_start3A_45 = tpu.memref_slice %arg4[%dma_start3A_43, %dma_start3A_44] : memref<640x128xf32, #tpu.memory_space<hbm>> -> memref<80x128xf32, #tpu.memory_space<hbm>>
      %dma_start3A_46 = arith.constant 0 : i32
      %dma_start3A_47 = arith.constant 0 : i32
      %dma_start3A_48 = tpu.memref_slice %arg7[%dma_start3A_46, %dma_start3A_47] : memref<640x128xf32, #tpu.memory_space<vmem>> -> memref<80x128xf32, #tpu.memory_space<vmem>>
      %dma_start3A_49 = arith.constant 0 : i32
      %dma_start3A_50 = arith.constant 0 : i32
      %dma_start3A_51 = tpu.memref_slice %arg4[%dma_start3A_49, %dma_start3A_50] : memref<640x128xf32, #tpu.memory_space<hbm>> -> memref<80x128xf32, #tpu.memory_space<hbm>>
      tpu.enqueue_dma source(%dma_start3A_51 : memref<80x128xf32, #tpu.memory_space<hbm>>) target(%dma_start3A_48 : memref<80x128xf32, #tpu.memory_space<vmem>>) target_semaphore(%run_scoped3A_40 : memref<!tpu.dma_semaphore, #tpu.memory_space<semaphore_mem>>)
      %dma_wait3A = arith.constant 0 : i32
      %dma_wait3A_52 = arith.constant 0 : i32
      %dma_wait3A_53 = tpu.memref_slice %arg7[%dma_wait3A, %dma_wait3A_52] : memref<640x128xf32, #tpu.memory_space<vmem>> -> memref<80x128xf32, #tpu.memory_space<vmem>>
      %dma_wait3A_54 = arith.constant 0 : i32
      %dma_wait3A_55 = arith.constant 0 : i32
      %dma_wait3A_56 = tpu.memref_slice %arg4[%dma_wait3A_54, %dma_wait3A_55] : memref<640x128xf32, #tpu.memory_space<hbm>> -> memref<80x128xf32, #tpu.memory_space<hbm>>
      %dma_wait3A_57 = arith.constant 0 : i32
      %dma_wait3A_58 = arith.constant 0 : i32
      %dma_wait3A_59 = tpu.memref_slice %arg7[%dma_wait3A_57, %dma_wait3A_58] : memref<640x128xf32, #tpu.memory_space<vmem>> -> memref<80x128xf32, #tpu.memory_space<vmem>>
      %dma_wait3A_60 = arith.constant 0 : i32
      %dma_wait3A_61 = arith.constant 0 : i32
      %dma_wait3A_62 = tpu.memref_slice %arg4[%dma_wait3A_60, %dma_wait3A_61] : memref<640x128xf32, #tpu.memory_space<hbm>> -> memref<80x128xf32, #tpu.memory_space<hbm>>
      tpu.wait_dma2 semaphore(%run_scoped3A_40 : memref<!tpu.dma_semaphore, #tpu.memory_space<semaphore_mem>>) src(%dma_wait3A_62 : memref<80x128xf32, #tpu.memory_space<hbm>>) dst(%dma_wait3A_59 : memref<80x128xf32, #tpu.memory_space<vmem>>)
      tpu.yield
    }) : () -> ()
    "tpu.region"() ({
      %run_scoped3A_40 = tpu.sem_alloc : memref<!tpu.dma_semaphore, #tpu.memory_space<semaphore_mem>>
      %dma_start3A = arith.constant 0 : i32
      %dma_start3A_41 = arith.constant 0 : i32
      %dma_start3A_42 = tpu.memref_slice %arg7[%dma_start3A, %dma_start3A_41] : memref<640x128xf32, #tpu.memory_space<vmem>> -> memref<80x128xf32, #tpu.memory_space<vmem>>
      %dma_start3A_43 = arith.constant 0 : i32
      %dma_start3A_44 = tpu.memref_slice %arg9[%mul3A_4, %dma_start3A_43] : memref<1280x128xf32, #tpu.memory_space<vmem_shared>> -> memref<80x128xf32, #tpu.memory_space<vmem_shared>>
      %dma_start3A_45 = arith.constant 0 : i32
      %dma_start3A_46 = tpu.memref_slice %arg9[%mul3A_4, %dma_start3A_45] : memref<1280x128xf32, #tpu.memory_space<vmem_shared>> -> memref<80x128xf32, #tpu.memory_space<vmem_shared>>
      %dma_start3A_47 = arith.constant 0 : i32
      %dma_start3A_48 = arith.constant 0 : i32
      %dma_start3A_49 = tpu.memref_slice %arg7[%dma_start3A_47, %dma_start3A_48] : memref<640x128xf32, #tpu.memory_space<vmem>> -> memref<80x128xf32, #tpu.memory_space<vmem>>
      tpu.enqueue_dma source(%dma_start3A_49 : memref<80x128xf32, #tpu.memory_space<vmem>>) target(%dma_start3A_46 : memref<80x128xf32, #tpu.memory_space<vmem_shared>>) target_semaphore(%run_scoped3A_40 : memref<!tpu.dma_semaphore, #tpu.memory_space<semaphore_mem>>)
      %dma_wait3A = arith.constant 0 : i32
      %dma_wait3A_50 = arith.constant 0 : i32
      %dma_wait3A_51 = tpu.memref_slice %arg7[%dma_wait3A, %dma_wait3A_50] : memref<640x128xf32, #tpu.memory_space<vmem>> -> memref<80x128xf32, #tpu.memory_space<vmem>>
      %dma_wait3A_52 = arith.constant 0 : i32
      %dma_wait3A_53 = tpu.memref_slice %arg9[%mul3A_4, %dma_wait3A_52] : memref<1280x128xf32, #tpu.memory_space<vmem_shared>> -> memref<80x128xf32, #tpu.memory_space<vmem_shared>>
      %dma_wait3A_54 = arith.constant 0 : i32
      %dma_wait3A_55 = tpu.memref_slice %arg9[%mul3A_4, %dma_wait3A_54] : memref<1280x128xf32, #tpu.memory_space<vmem_shared>> -> memref<80x128xf32, #tpu.memory_space<vmem_shared>>
      %dma_wait3A_56 = arith.constant 0 : i32
      %dma_wait3A_57 = arith.constant 0 : i32
      %dma_wait3A_58 = tpu.memref_slice %arg7[%dma_wait3A_56, %dma_wait3A_57] : memref<640x128xf32, #tpu.memory_space<vmem>> -> memref<80x128xf32, #tpu.memory_space<vmem>>
      tpu.wait_dma2 semaphore(%run_scoped3A_40 : memref<!tpu.dma_semaphore, #tpu.memory_space<semaphore_mem>>) src(%dma_wait3A_58 : memref<80x128xf32, #tpu.memory_space<vmem>>) dst(%dma_wait3A_55 : memref<80x128xf32, #tpu.memory_space<vmem_shared>>)
      tpu.yield
    }) : () -> ()
    "tpu.region"() ({
      %run_scoped3A_40 = tpu.sem_alloc : memref<!tpu.dma_semaphore, #tpu.memory_space<semaphore_mem>>
      %dma_start3A = tpu.memref_slice %arg2[%mul3A_2] : memref<327680xi32, #tpu.memory_space<hbm>> -> memref<10240xi32, #tpu.memory_space<hbm>>
      %dma_start3A_41 = tpu.memref_slice %arg2[%mul3A_2] : memref<327680xi32, #tpu.memory_space<hbm>> -> memref<10240xi32, #tpu.memory_space<hbm>>
      tpu.enqueue_dma source(%dma_start3A_41 : memref<10240xi32, #tpu.memory_space<hbm>>) target(%arg6 : memref<10240xi32, #tpu.memory_space<vmem>>) target_semaphore(%run_scoped3A_40 : memref<!tpu.dma_semaphore, #tpu.memory_space<semaphore_mem>>)
      %dma_wait3A = tpu.memref_slice %arg2[%mul3A_2] : memref<327680xi32, #tpu.memory_space<hbm>> -> memref<10240xi32, #tpu.memory_space<hbm>>
      %dma_wait3A_42 = tpu.memref_slice %arg2[%mul3A_2] : memref<327680xi32, #tpu.memory_space<hbm>> -> memref<10240xi32, #tpu.memory_space<hbm>>
      tpu.wait_dma2 semaphore(%run_scoped3A_40 : memref<!tpu.dma_semaphore, #tpu.memory_space<semaphore_mem>>) src(%dma_wait3A_42 : memref<10240xi32, #tpu.memory_space<hbm>>) dst(%arg6 : memref<10240xi32, #tpu.memory_space<vmem>>)
      tpu.yield
    }) : () -> ()
    %barrier3A = arith.constant 0 : index
    tpu.barrier barrier_id(%barrier3A)
    %iota3A = tpu.iota {dimensions = array<i32: 0>} : vector<16xi32>
    %broadcast_in_dim3A = arith.constant 1.000000e+00 : f32
    %broadcast_in_dim3A_5 = vector.broadcast %broadcast_in_dim3A : f32 to vector<16xf32>
    "tpu.region"() ({
      %run_scoped3A_40 = tpu.sem_alloc : memref<!tpu.dma_semaphore, #tpu.memory_space<semaphore_mem>>
      tpu.enqueue_dma source(%arg4 : memref<640x128xf32, #tpu.memory_space<hbm>>) target(%arg7 : memref<640x128xf32, #tpu.memory_space<vmem>>) target_semaphore(%run_scoped3A_40 : memref<!tpu.dma_semaphore, #tpu.memory_space<semaphore_mem>>)
      tpu.wait_dma2 semaphore(%run_scoped3A_40 : memref<!tpu.dma_semaphore, #tpu.memory_space<semaphore_mem>>) src(%arg4 : memref<640x128xf32, #tpu.memory_space<hbm>>) dst(%arg7 : memref<640x128xf32, #tpu.memory_space<vmem>>)
      tpu.yield
    }) : () -> ()
    %scan3A = arith.constant 0 : i32
    %scan3A_6 = arith.constant 0 : i32
    %scan3A_7 = arith.constant 640 : i32
    %scan3A_8 = arith.addi %scan3A_6, %scan3A_7 : i32
    %scan3A_9 = arith.constant 1 : i32
    scf.for %scan3A_40 = %scan3A_6 to %scan3A_8 step %scan3A_9  : i32 {
      %mul3A_41 = arith.constant 16 : i32
      %mul3A_42 = arith.muli %scan3A_40, %mul3A_41 : i32
      %get3A = arith.index_cast %mul3A_42 : i32 to index
      %get3A_43 = tpu.vector_load %arg6[%get3A] {strides = array<i32>} : memref<10240xi32, #tpu.memory_space<vmem>>, vector<16xi32>,
      %ge3A = arith.constant 0 : i32
      %ge3A_44 = vector.broadcast %ge3A : i32 to vector<16xi32>
      %ge3A_45 = arith.cmpi sge, %get3A_43, %ge3A_44 : vector<16xi32>
      %lt3A = arith.constant 5008 : i32
      %lt3A_46 = vector.broadcast %lt3A : i32 to vector<16xi32>
      %lt3A_47 = arith.cmpi slt, %get3A_43, %lt3A_46 : vector<16xi32>
      %and3A = arith.andi %ge3A_45, %lt3A_47 : vector<16xi1>
      %sub3A = arith.constant 0 : i32
      %sub3A_48 = vector.broadcast %sub3A : i32 to vector<16xi32>
      %sub3A_49 = arith.subi %get3A_43, %sub3A_48 : vector<16xi32>
      %jit3A = arith.constant 0 : i32
      %broadcast_in_dim3A_50 = vector.broadcast %jit3A : i32 to vector<16xi32>
      %select_n3A = arith.select %and3A, %sub3A_49, %broadcast_in_dim3A_50 : vector<16xi1>, vector<16xi32>
      %shift_right_logical3A = arith.constant 3 : i32
      %shift_right_logical3A_51 = vector.broadcast %shift_right_logical3A : i32 to vector<16xi32>
      %shift_right_logical3A_52 = arith.shrui %select_n3A, %shift_right_logical3A_51 : vector<16xi32>
      %and3A_53 = arith.constant 7 : i32
      %and3A_54 = vector.broadcast %and3A_53 : i32 to vector<16xi32>
      %and3A_55 = arith.andi %select_n3A, %and3A_54 : vector<16xi32>
      %mul3A_56 = arith.constant 16 : i32
      %mul3A_57 = vector.broadcast %mul3A_56 : i32 to vector<16xi32>
      %mul3A_58 = arith.muli %and3A_55, %mul3A_57 : vector<16xi32>
      %add3A_59 = arith.addi %mul3A_58, %iota3A : vector<16xi32>
      tpu.vector_store_idx %arg7[%shift_right_logical3A_52, %add3A_59], %broadcast_in_dim3A_5 masked %and3A {add = true} : memref<640x128xf32, #tpu.memory_space<vmem>>[vector<16xi32>, vector<16xi32>], vector<16xf32>, vector<16xi1>
    }
    %scan3A_10 = arith.constant 640 : i32
    %run_scoped3A = arith.constant 0 : i32
    "tpu.region"() ({
      %run_scoped3A_40 = tpu.sem_alloc : memref<!tpu.dma_semaphore, #tpu.memory_space<semaphore_mem>>
      %dma_start3A = arith.constant 0 : i32
      %dma_start3A_41 = tpu.memref_slice %arg8[%run_scoped3A, %dma_start3A] : memref<5x128xi32, #tpu.memory_space<vmem>> -> memref<1x128xi32, #tpu.memory_space<vmem>>
      %dma_start3A_42 = tpu.memref_squeeze %dma_start3A_41 : memref<1x128xi32, #tpu.memory_space<vmem>> -> memref<128xi32, #tpu.memory_space<vmem>>
      %dma_start3A_43 = arith.constant 0 : i32
      %dma_start3A_44 = tpu.memref_slice %arg3[%dma_start3A_43] : memref<1280xi32, #tpu.memory_space<hbm>> -> memref<128xi32, #tpu.memory_space<hbm>>
      %dma_start3A_45 = arith.constant 0 : i32
      %dma_start3A_46 = tpu.memref_slice %arg8[%run_scoped3A, %dma_start3A_45] : memref<5x128xi32, #tpu.memory_space<vmem>> -> memref<1x128xi32, #tpu.memory_space<vmem>>
      %dma_start3A_47 = tpu.memref_squeeze %dma_start3A_46 : memref<1x128xi32, #tpu.memory_space<vmem>> -> memref<128xi32, #tpu.memory_space<vmem>>
      %dma_start3A_48 = arith.constant 0 : i32
      %dma_start3A_49 = tpu.memref_slice %arg3[%dma_start3A_48] : memref<1280xi32, #tpu.memory_space<hbm>> -> memref<128xi32, #tpu.memory_space<hbm>>
      tpu.enqueue_dma source(%dma_start3A_49 : memref<128xi32, #tpu.memory_space<hbm>>) target(%dma_start3A_47 : memref<128xi32, #tpu.memory_space<vmem>>) target_semaphore(%run_scoped3A_40 : memref<!tpu.dma_semaphore, #tpu.memory_space<semaphore_mem>>)
      %dma_wait3A = arith.constant 0 : i32
      %dma_wait3A_50 = tpu.memref_slice %arg8[%run_scoped3A, %dma_wait3A] : memref<5x128xi32, #tpu.memory_space<vmem>> -> memref<1x128xi32, #tpu.memory_space<vmem>>
      %dma_wait3A_51 = tpu.memref_squeeze %dma_wait3A_50 : memref<1x128xi32, #tpu.memory_space<vmem>> -> memref<128xi32, #tpu.memory_space<vmem>>
      %dma_wait3A_52 = arith.constant 0 : i32
      %dma_wait3A_53 = tpu.memref_slice %arg3[%dma_wait3A_52] : memref<1280xi32, #tpu.memory_space<hbm>> -> memref<128xi32, #tpu.memory_space<hbm>>
      %dma_wait3A_54 = arith.constant 0 : i32
      %dma_wait3A_55 = tpu.memref_slice %arg8[%run_scoped3A, %dma_wait3A_54] : memref<5x128xi32, #tpu.memory_space<vmem>> -> memref<1x128xi32, #tpu.memory_space<vmem>>
      %dma_wait3A_56 = tpu.memref_squeeze %dma_wait3A_55 : memref<1x128xi32, #tpu.memory_space<vmem>> -> memref<128xi32, #tpu.memory_space<vmem>>
      %dma_wait3A_57 = arith.constant 0 : i32
      %dma_wait3A_58 = tpu.memref_slice %arg3[%dma_wait3A_57] : memref<1280xi32, #tpu.memory_space<hbm>> -> memref<128xi32, #tpu.memory_space<hbm>>
      tpu.wait_dma2 semaphore(%run_scoped3A_40 : memref<!tpu.dma_semaphore, #tpu.memory_space<semaphore_mem>>) src(%dma_wait3A_58 : memref<128xi32, #tpu.memory_space<hbm>>) dst(%dma_wait3A_56 : memref<128xi32, #tpu.memory_space<vmem>>)
      tpu.yield
    }) : () -> ()
    %run_scoped3A_11 = arith.constant 0 : i32
    "tpu.region"() ({
      %run_scoped3A_40 = tpu.sem_alloc : memref<!tpu.dma_semaphore, #tpu.memory_space<semaphore_mem>>
      %dma_start3A = arith.constant 0 : i32
      %dma_start3A_41 = arith.constant 0 : i32
      %dma_start3A_42 = tpu.memref_slice %arg7[%dma_start3A, %dma_start3A_41] : memref<640x128xf32, #tpu.memory_space<vmem>> -> memref<128x128xf32, #tpu.memory_space<vmem>>
      %dma_start3A_43 = arith.constant 0 : i32
      %dma_start3A_44 = tpu.memref_slice %arg8[%run_scoped3A_11, %dma_start3A_43] : memref<5x128xi32, #tpu.memory_space<vmem>> -> memref<1x128xi32, #tpu.memory_space<vmem>>
      %dma_start3A_45 = tpu.memref_squeeze %dma_start3A_44 : memref<1x128xi32, #tpu.memory_space<vmem>> -> memref<128xi32, #tpu.memory_space<vmem>>
      %dma_start3A_46 = arith.constant 0 : i32
      %dma_start3A_47 = arith.constant 0 : i32
      %dma_start3A_48 = tpu.memref_slice %arg9[%dma_start3A_46, %dma_start3A_47] : memref<1280x128xf32, #tpu.memory_space<vmem_shared>> -> memref<1280x128xf32, #tpu.memory_space<vmem_shared>>
      tpu.enqueue_indirect_dma source(%dma_start3A_42 : memref<128x128xf32, #tpu.memory_space<vmem>>) target(%dma_start3A_48 : memref<1280x128xf32, #tpu.memory_space<vmem_shared>>) offsets(%dma_start3A_45 : memref<128xi32, #tpu.memory_space<vmem>>) semaphore(%run_scoped3A_40 : memref<!tpu.dma_semaphore, #tpu.memory_space<semaphore_mem>>) {add = true}
      %dma_wait3A = arith.constant 0 : i32
      %dma_wait3A_49 = arith.constant 0 : i32
      %dma_wait3A_50 = tpu.memref_slice %arg7[%dma_wait3A, %dma_wait3A_49] : memref<640x128xf32, #tpu.memory_space<vmem>> -> memref<128x128xf32, #tpu.memory_space<vmem>>
      %dma_wait3A_51 = arith.constant 0 : i32
      %dma_wait3A_52 = tpu.memref_slice %arg8[%run_scoped3A_11, %dma_wait3A_51] : memref<5x128xi32, #tpu.memory_space<vmem>> -> memref<1x128xi32, #tpu.memory_space<vmem>>
      %dma_wait3A_53 = tpu.memref_squeeze %dma_wait3A_52 : memref<1x128xi32, #tpu.memory_space<vmem>> -> memref<128xi32, #tpu.memory_space<vmem>>
      %dma_wait3A_54 = arith.constant 0 : i32
      %dma_wait3A_55 = arith.constant 0 : i32
      %dma_wait3A_56 = tpu.memref_slice %arg9[%dma_wait3A_54, %dma_wait3A_55] : memref<1280x128xf32, #tpu.memory_space<vmem_shared>> -> memref<1280x128xf32, #tpu.memory_space<vmem_shared>>
      tpu.wait_indirect_dma semaphore(%run_scoped3A_40 : memref<!tpu.dma_semaphore, #tpu.memory_space<semaphore_mem>>) src(%dma_wait3A_50 : memref<128x128xf32, #tpu.memory_space<vmem>>) dst(%dma_wait3A_56 : memref<1280x128xf32, #tpu.memory_space<vmem_shared>>)
      tpu.yield
    }) : () -> ()
    %run_scoped3A_12 = arith.constant 1 : i32
    "tpu.region"() ({
      %run_scoped3A_40 = tpu.sem_alloc : memref<!tpu.dma_semaphore, #tpu.memory_space<semaphore_mem>>
      %dma_start3A = arith.constant 0 : i32
      %dma_start3A_41 = tpu.memref_slice %arg8[%run_scoped3A_12, %dma_start3A] : memref<5x128xi32, #tpu.memory_space<vmem>> -> memref<1x128xi32, #tpu.memory_space<vmem>>
      %dma_start3A_42 = tpu.memref_squeeze %dma_start3A_41 : memref<1x128xi32, #tpu.memory_space<vmem>> -> memref<128xi32, #tpu.memory_space<vmem>>
      %dma_start3A_43 = arith.constant 128 : i32
      %dma_start3A_44 = tpu.memref_slice %arg3[%dma_start3A_43] : memref<1280xi32, #tpu.memory_space<hbm>> -> memref<128xi32, #tpu.memory_space<hbm>>
      %dma_start3A_45 = arith.constant 0 : i32
      %dma_start3A_46 = tpu.memref_slice %arg8[%run_scoped3A_12, %dma_start3A_45] : memref<5x128xi32, #tpu.memory_space<vmem>> -> memref<1x128xi32, #tpu.memory_space<vmem>>
      %dma_start3A_47 = tpu.memref_squeeze %dma_start3A_46 : memref<1x128xi32, #tpu.memory_space<vmem>> -> memref<128xi32, #tpu.memory_space<vmem>>
      %dma_start3A_48 = arith.constant 128 : i32
      %dma_start3A_49 = tpu.memref_slice %arg3[%dma_start3A_48] : memref<1280xi32, #tpu.memory_space<hbm>> -> memref<128xi32, #tpu.memory_space<hbm>>
      tpu.enqueue_dma source(%dma_start3A_49 : memref<128xi32, #tpu.memory_space<hbm>>) target(%dma_start3A_47 : memref<128xi32, #tpu.memory_space<vmem>>) target_semaphore(%run_scoped3A_40 : memref<!tpu.dma_semaphore, #tpu.memory_space<semaphore_mem>>)
      %dma_wait3A = arith.constant 0 : i32
      %dma_wait3A_50 = tpu.memref_slice %arg8[%run_scoped3A_12, %dma_wait3A] : memref<5x128xi32, #tpu.memory_space<vmem>> -> memref<1x128xi32, #tpu.memory_space<vmem>>
      %dma_wait3A_51 = tpu.memref_squeeze %dma_wait3A_50 : memref<1x128xi32, #tpu.memory_space<vmem>> -> memref<128xi32, #tpu.memory_space<vmem>>
      %dma_wait3A_52 = arith.constant 128 : i32
      %dma_wait3A_53 = tpu.memref_slice %arg3[%dma_wait3A_52] : memref<1280xi32, #tpu.memory_space<hbm>> -> memref<128xi32, #tpu.memory_space<hbm>>
      %dma_wait3A_54 = arith.constant 0 : i32
      %dma_wait3A_55 = tpu.memref_slice %arg8[%run_scoped3A_12, %dma_wait3A_54] : memref<5x128xi32, #tpu.memory_space<vmem>> -> memref<1x128xi32, #tpu.memory_space<vmem>>
      %dma_wait3A_56 = tpu.memref_squeeze %dma_wait3A_55 : memref<1x128xi32, #tpu.memory_space<vmem>> -> memref<128xi32, #tpu.memory_space<vmem>>
      %dma_wait3A_57 = arith.constant 128 : i32
      %dma_wait3A_58 = tpu.memref_slice %arg3[%dma_wait3A_57] : memref<1280xi32, #tpu.memory_space<hbm>> -> memref<128xi32, #tpu.memory_space<hbm>>
      tpu.wait_dma2 semaphore(%run_scoped3A_40 : memref<!tpu.dma_semaphore, #tpu.memory_space<semaphore_mem>>) src(%dma_wait3A_58 : memref<128xi32, #tpu.memory_space<hbm>>) dst(%dma_wait3A_56 : memref<128xi32, #tpu.memory_space<vmem>>)
      tpu.yield
    }) : () -> ()
    %run_scoped3A_13 = arith.constant 1 : i32
    "tpu.region"() ({
      %run_scoped3A_40 = tpu.sem_alloc : memref<!tpu.dma_semaphore, #tpu.memory_space<semaphore_mem>>
      %dma_start3A = arith.constant 128 : i32
      %dma_start3A_41 = arith.constant 0 : i32
      %dma_start3A_42 = tpu.memref_slice %arg7[%dma_start3A, %dma_start3A_41] : memref<640x128xf32, #tpu.memory_space<vmem>> -> memref<128x128xf32, #tpu.memory_space<vmem>>
      %dma_start3A_43 = arith.constant 0 : i32
      %dma_start3A_44 = tpu.memref_slice %arg8[%run_scoped3A_13, %dma_start3A_43] : memref<5x128xi32, #tpu.memory_space<vmem>> -> memref<1x128xi32, #tpu.memory_space<vmem>>
      %dma_start3A_45 = tpu.memref_squeeze %dma_start3A_44 : memref<1x128xi32, #tpu.memory_space<vmem>> -> memref<128xi32, #tpu.memory_space<vmem>>
      %dma_start3A_46 = arith.constant 0 : i32
      %dma_start3A_47 = arith.constant 0 : i32
      %dma_start3A_48 = tpu.memref_slice %arg9[%dma_start3A_46, %dma_start3A_47] : memref<1280x128xf32, #tpu.memory_space<vmem_shared>> -> memref<1280x128xf32, #tpu.memory_space<vmem_shared>>
      tpu.enqueue_indirect_dma source(%dma_start3A_42 : memref<128x128xf32, #tpu.memory_space<vmem>>) target(%dma_start3A_48 : memref<1280x128xf32, #tpu.memory_space<vmem_shared>>) offsets(%dma_start3A_45 : memref<128xi32, #tpu.memory_space<vmem>>) semaphore(%run_scoped3A_40 : memref<!tpu.dma_semaphore, #tpu.memory_space<semaphore_mem>>) {add = true}
      %dma_wait3A = arith.constant 128 : i32
      %dma_wait3A_49 = arith.constant 0 : i32
      %dma_wait3A_50 = tpu.memref_slice %arg7[%dma_wait3A, %dma_wait3A_49] : memref<640x128xf32, #tpu.memory_space<vmem>> -> memref<128x128xf32, #tpu.memory_space<vmem>>
      %dma_wait3A_51 = arith.constant 0 : i32
      %dma_wait3A_52 = tpu.memref_slice %arg8[%run_scoped3A_13, %dma_wait3A_51] : memref<5x128xi32, #tpu.memory_space<vmem>> -> memref<1x128xi32, #tpu.memory_space<vmem>>
      %dma_wait3A_53 = tpu.memref_squeeze %dma_wait3A_52 : memref<1x128xi32, #tpu.memory_space<vmem>> -> memref<128xi32, #tpu.memory_space<vmem>>
      %dma_wait3A_54 = arith.constant 0 : i32
      %dma_wait3A_55 = arith.constant 0 : i32
      %dma_wait3A_56 = tpu.memref_slice %arg9[%dma_wait3A_54, %dma_wait3A_55] : memref<1280x128xf32, #tpu.memory_space<vmem_shared>> -> memref<1280x128xf32, #tpu.memory_space<vmem_shared>>
      tpu.wait_indirect_dma semaphore(%run_scoped3A_40 : memref<!tpu.dma_semaphore, #tpu.memory_space<semaphore_mem>>) src(%dma_wait3A_50 : memref<128x128xf32, #tpu.memory_space<vmem>>) dst(%dma_wait3A_56 : memref<1280x128xf32, #tpu.memory_space<vmem_shared>>)
      tpu.yield
    }) : () -> ()
    %run_scoped3A_14 = arith.constant 2 : i32
    "tpu.region"() ({
      %run_scoped3A_40 = tpu.sem_alloc : memref<!tpu.dma_semaphore, #tpu.memory_space<semaphore_mem>>
      %dma_start3A = arith.constant 0 : i32
      %dma_start3A_41 = tpu.memref_slice %arg8[%run_scoped3A_14, %dma_start3A] : memref<5x128xi32, #tpu.memory_space<vmem>> -> memref<1x128xi32, #tpu.memory_space<vmem>>
      %dma_start3A_42 = tpu.memref_squeeze %dma_start3A_41 : memref<1x128xi32, #tpu.memory_space<vmem>> -> memref<128xi32, #tpu.memory_space<vmem>>
      %dma_start3A_43 = arith.constant 256 : i32
      %dma_start3A_44 = tpu.memref_slice %arg3[%dma_start3A_43] : memref<1280xi32, #tpu.memory_space<hbm>> -> memref<128xi32, #tpu.memory_space<hbm>>
      %dma_start3A_45 = arith.constant 0 : i32
      %dma_start3A_46 = tpu.memref_slice %arg8[%run_scoped3A_14, %dma_start3A_45] : memref<5x128xi32, #tpu.memory_space<vmem>> -> memref<1x128xi32, #tpu.memory_space<vmem>>
      %dma_start3A_47 = tpu.memref_squeeze %dma_start3A_46 : memref<1x128xi32, #tpu.memory_space<vmem>> -> memref<128xi32, #tpu.memory_space<vmem>>
      %dma_start3A_48 = arith.constant 256 : i32
      %dma_start3A_49 = tpu.memref_slice %arg3[%dma_start3A_48] : memref<1280xi32, #tpu.memory_space<hbm>> -> memref<128xi32, #tpu.memory_space<hbm>>
      tpu.enqueue_dma source(%dma_start3A_49 : memref<128xi32, #tpu.memory_space<hbm>>) target(%dma_start3A_47 : memref<128xi32, #tpu.memory_space<vmem>>) target_semaphore(%run_scoped3A_40 : memref<!tpu.dma_semaphore, #tpu.memory_space<semaphore_mem>>)
      %dma_wait3A = arith.constant 0 : i32
      %dma_wait3A_50 = tpu.memref_slice %arg8[%run_scoped3A_14, %dma_wait3A] : memref<5x128xi32, #tpu.memory_space<vmem>> -> memref<1x128xi32, #tpu.memory_space<vmem>>
      %dma_wait3A_51 = tpu.memref_squeeze %dma_wait3A_50 : memref<1x128xi32, #tpu.memory_space<vmem>> -> memref<128xi32, #tpu.memory_space<vmem>>
      %dma_wait3A_52 = arith.constant 256 : i32
      %dma_wait3A_53 = tpu.memref_slice %arg3[%dma_wait3A_52] : memref<1280xi32, #tpu.memory_space<hbm>> -> memref<128xi32, #tpu.memory_space<hbm>>
      %dma_wait3A_54 = arith.constant 0 : i32
      %dma_wait3A_55 = tpu.memref_slice %arg8[%run_scoped3A_14, %dma_wait3A_54] : memref<5x128xi32, #tpu.memory_space<vmem>> -> memref<1x128xi32, #tpu.memory_space<vmem>>
      %dma_wait3A_56 = tpu.memref_squeeze %dma_wait3A_55 : memref<1x128xi32, #tpu.memory_space<vmem>> -> memref<128xi32, #tpu.memory_space<vmem>>
      %dma_wait3A_57 = arith.constant 256 : i32
      %dma_wait3A_58 = tpu.memref_slice %arg3[%dma_wait3A_57] : memref<1280xi32, #tpu.memory_space<hbm>> -> memref<128xi32, #tpu.memory_space<hbm>>
      tpu.wait_dma2 semaphore(%run_scoped3A_40 : memref<!tpu.dma_semaphore, #tpu.memory_space<semaphore_mem>>) src(%dma_wait3A_58 : memref<128xi32, #tpu.memory_space<hbm>>) dst(%dma_wait3A_56 : memref<128xi32, #tpu.memory_space<vmem>>)
      tpu.yield
    }) : () -> ()
    %run_scoped3A_15 = arith.constant 2 : i32
    "tpu.region"() ({
      %run_scoped3A_40 = tpu.sem_alloc : memref<!tpu.dma_semaphore, #tpu.memory_space<semaphore_mem>>
      %dma_start3A = arith.constant 256 : i32
      %dma_start3A_41 = arith.constant 0 : i32
      %dma_start3A_42 = tpu.memref_slice %arg7[%dma_start3A, %dma_start3A_41] : memref<640x128xf32, #tpu.memory_space<vmem>> -> memref<128x128xf32, #tpu.memory_space<vmem>>
      %dma_start3A_43 = arith.constant 0 : i32
      %dma_start3A_44 = tpu.memref_slice %arg8[%run_scoped3A_15, %dma_start3A_43] : memref<5x128xi32, #tpu.memory_space<vmem>> -> memref<1x128xi32, #tpu.memory_space<vmem>>
      %dma_start3A_45 = tpu.memref_squeeze %dma_start3A_44 : memref<1x128xi32, #tpu.memory_space<vmem>> -> memref<128xi32, #tpu.memory_space<vmem>>
      %dma_start3A_46 = arith.constant 0 : i32
      %dma_start3A_47 = arith.constant 0 : i32
      %dma_start3A_48 = tpu.memref_slice %arg9[%dma_start3A_46, %dma_start3A_47] : memref<1280x128xf32, #tpu.memory_space<vmem_shared>> -> memref<1280x128xf32, #tpu.memory_space<vmem_shared>>
      tpu.enqueue_indirect_dma source(%dma_start3A_42 : memref<128x128xf32, #tpu.memory_space<vmem>>) target(%dma_start3A_48 : memref<1280x128xf32, #tpu.memory_space<vmem_shared>>) offsets(%dma_start3A_45 : memref<128xi32, #tpu.memory_space<vmem>>) semaphore(%run_scoped3A_40 : memref<!tpu.dma_semaphore, #tpu.memory_space<semaphore_mem>>) {add = true}
      %dma_wait3A = arith.constant 256 : i32
      %dma_wait3A_49 = arith.constant 0 : i32
      %dma_wait3A_50 = tpu.memref_slice %arg7[%dma_wait3A, %dma_wait3A_49] : memref<640x128xf32, #tpu.memory_space<vmem>> -> memref<128x128xf32, #tpu.memory_space<vmem>>
      %dma_wait3A_51 = arith.constant 0 : i32
      %dma_wait3A_52 = tpu.memref_slice %arg8[%run_scoped3A_15, %dma_wait3A_51] : memref<5x128xi32, #tpu.memory_space<vmem>> -> memref<1x128xi32, #tpu.memory_space<vmem>>
      %dma_wait3A_53 = tpu.memref_squeeze %dma_wait3A_52 : memref<1x128xi32, #tpu.memory_space<vmem>> -> memref<128xi32, #tpu.memory_space<vmem>>
      %dma_wait3A_54 = arith.constant 0 : i32
      %dma_wait3A_55 = arith.constant 0 : i32
      %dma_wait3A_56 = tpu.memref_slice %arg9[%dma_wait3A_54, %dma_wait3A_55] : memref<1280x128xf32, #tpu.memory_space<vmem_shared>> -> memref<1280x128xf32, #tpu.memory_space<vmem_shared>>
      tpu.wait_indirect_dma semaphore(%run_scoped3A_40 : memref<!tpu.dma_semaphore, #tpu.memory_space<semaphore_mem>>) src(%dma_wait3A_50 : memref<128x128xf32, #tpu.memory_space<vmem>>) dst(%dma_wait3A_56 : memref<1280x128xf32, #tpu.memory_space<vmem_shared>>)
      tpu.yield
    }) : () -> ()
    %run_scoped3A_16 = arith.constant 3 : i32
    "tpu.region"() ({
      %run_scoped3A_40 = tpu.sem_alloc : memref<!tpu.dma_semaphore, #tpu.memory_space<semaphore_mem>>
      %dma_start3A = arith.constant 0 : i32
      %dma_start3A_41 = tpu.memref_slice %arg8[%run_scoped3A_16, %dma_start3A] : memref<5x128xi32, #tpu.memory_space<vmem>> -> memref<1x128xi32, #tpu.memory_space<vmem>>
      %dma_start3A_42 = tpu.memref_squeeze %dma_start3A_41 : memref<1x128xi32, #tpu.memory_space<vmem>> -> memref<128xi32, #tpu.memory_space<vmem>>
      %dma_start3A_43 = arith.constant 384 : i32
      %dma_start3A_44 = tpu.memref_slice %arg3[%dma_start3A_43] : memref<1280xi32, #tpu.memory_space<hbm>> -> memref<128xi32, #tpu.memory_space<hbm>>
      %dma_start3A_45 = arith.constant 0 : i32
      %dma_start3A_46 = tpu.memref_slice %arg8[%run_scoped3A_16, %dma_start3A_45] : memref<5x128xi32, #tpu.memory_space<vmem>> -> memref<1x128xi32, #tpu.memory_space<vmem>>
      %dma_start3A_47 = tpu.memref_squeeze %dma_start3A_46 : memref<1x128xi32, #tpu.memory_space<vmem>> -> memref<128xi32, #tpu.memory_space<vmem>>
      %dma_start3A_48 = arith.constant 384 : i32
      %dma_start3A_49 = tpu.memref_slice %arg3[%dma_start3A_48] : memref<1280xi32, #tpu.memory_space<hbm>> -> memref<128xi32, #tpu.memory_space<hbm>>
      tpu.enqueue_dma source(%dma_start3A_49 : memref<128xi32, #tpu.memory_space<hbm>>) target(%dma_start3A_47 : memref<128xi32, #tpu.memory_space<vmem>>) target_semaphore(%run_scoped3A_40 : memref<!tpu.dma_semaphore, #tpu.memory_space<semaphore_mem>>)
      %dma_wait3A = arith.constant 0 : i32
      %dma_wait3A_50 = tpu.memref_slice %arg8[%run_scoped3A_16, %dma_wait3A] : memref<5x128xi32, #tpu.memory_space<vmem>> -> memref<1x128xi32, #tpu.memory_space<vmem>>
      %dma_wait3A_51 = tpu.memref_squeeze %dma_wait3A_50 : memref<1x128xi32, #tpu.memory_space<vmem>> -> memref<128xi32, #tpu.memory_space<vmem>>
      %dma_wait3A_52 = arith.constant 384 : i32
      %dma_wait3A_53 = tpu.memref_slice %arg3[%dma_wait3A_52] : memref<1280xi32, #tpu.memory_space<hbm>> -> memref<128xi32, #tpu.memory_space<hbm>>
      %dma_wait3A_54 = arith.constant 0 : i32
      %dma_wait3A_55 = tpu.memref_slice %arg8[%run_scoped3A_16, %dma_wait3A_54] : memref<5x128xi32, #tpu.memory_space<vmem>> -> memref<1x128xi32, #tpu.memory_space<vmem>>
      %dma_wait3A_56 = tpu.memref_squeeze %dma_wait3A_55 : memref<1x128xi32, #tpu.memory_space<vmem>> -> memref<128xi32, #tpu.memory_space<vmem>>
      %dma_wait3A_57 = arith.constant 384 : i32
      %dma_wait3A_58 = tpu.memref_slice %arg3[%dma_wait3A_57] : memref<1280xi32, #tpu.memory_space<hbm>> -> memref<128xi32, #tpu.memory_space<hbm>>
      tpu.wait_dma2 semaphore(%run_scoped3A_40 : memref<!tpu.dma_semaphore, #tpu.memory_space<semaphore_mem>>) src(%dma_wait3A_58 : memref<128xi32, #tpu.memory_space<hbm>>) dst(%dma_wait3A_56 : memref<128xi32, #tpu.memory_space<vmem>>)
      tpu.yield
    }) : () -> ()
    %run_scoped3A_17 = arith.constant 3 : i32
    "tpu.region"() ({
      %run_scoped3A_40 = tpu.sem_alloc : memref<!tpu.dma_semaphore, #tpu.memory_space<semaphore_mem>>
      %dma_start3A = arith.constant 384 : i32
      %dma_start3A_41 = arith.constant 0 : i32
      %dma_start3A_42 = tpu.memref_slice %arg7[%dma_start3A, %dma_start3A_41] : memref<640x128xf32, #tpu.memory_space<vmem>> -> memref<128x128xf32, #tpu.memory_space<vmem>>
      %dma_start3A_43 = arith.constant 0 : i32
      %dma_start3A_44 = tpu.memref_slice %arg8[%run_scoped3A_17, %dma_start3A_43] : memref<5x128xi32, #tpu.memory_space<vmem>> -> memref<1x128xi32, #tpu.memory_space<vmem>>
      %dma_start3A_45 = tpu.memref_squeeze %dma_start3A_44 : memref<1x128xi32, #tpu.memory_space<vmem>> -> memref<128xi32, #tpu.memory_space<vmem>>
      %dma_start3A_46 = arith.constant 0 : i32
      %dma_start3A_47 = arith.constant 0 : i32
      %dma_start3A_48 = tpu.memref_slice %arg9[%dma_start3A_46, %dma_start3A_47] : memref<1280x128xf32, #tpu.memory_space<vmem_shared>> -> memref<1280x128xf32, #tpu.memory_space<vmem_shared>>
      tpu.enqueue_indirect_dma source(%dma_start3A_42 : memref<128x128xf32, #tpu.memory_space<vmem>>) target(%dma_start3A_48 : memref<1280x128xf32, #tpu.memory_space<vmem_shared>>) offsets(%dma_start3A_45 : memref<128xi32, #tpu.memory_space<vmem>>) semaphore(%run_scoped3A_40 : memref<!tpu.dma_semaphore, #tpu.memory_space<semaphore_mem>>) {add = true}
      %dma_wait3A = arith.constant 384 : i32
      %dma_wait3A_49 = arith.constant 0 : i32
      %dma_wait3A_50 = tpu.memref_slice %arg7[%dma_wait3A, %dma_wait3A_49] : memref<640x128xf32, #tpu.memory_space<vmem>> -> memref<128x128xf32, #tpu.memory_space<vmem>>
      %dma_wait3A_51 = arith.constant 0 : i32
      %dma_wait3A_52 = tpu.memref_slice %arg8[%run_scoped3A_17, %dma_wait3A_51] : memref<5x128xi32, #tpu.memory_space<vmem>> -> memref<1x128xi32, #tpu.memory_space<vmem>>
      %dma_wait3A_53 = tpu.memref_squeeze %dma_wait3A_52 : memref<1x128xi32, #tpu.memory_space<vmem>> -> memref<128xi32, #tpu.memory_space<vmem>>
      %dma_wait3A_54 = arith.constant 0 : i32
      %dma_wait3A_55 = arith.constant 0 : i32
      %dma_wait3A_56 = tpu.memref_slice %arg9[%dma_wait3A_54, %dma_wait3A_55] : memref<1280x128xf32, #tpu.memory_space<vmem_shared>> -> memref<1280x128xf32, #tpu.memory_space<vmem_shared>>
      tpu.wait_indirect_dma semaphore(%run_scoped3A_40 : memref<!tpu.dma_semaphore, #tpu.memory_space<semaphore_mem>>) src(%dma_wait3A_50 : memref<128x128xf32, #tpu.memory_space<vmem>>) dst(%dma_wait3A_56 : memref<1280x128xf32, #tpu.memory_space<vmem_shared>>)
      tpu.yield
    }) : () -> ()
    %run_scoped3A_18 = arith.constant 4 : i32
    "tpu.region"() ({
      %run_scoped3A_40 = tpu.sem_alloc : memref<!tpu.dma_semaphore, #tpu.memory_space<semaphore_mem>>
      %dma_start3A = arith.constant 0 : i32
      %dma_start3A_41 = tpu.memref_slice %arg8[%run_scoped3A_18, %dma_start3A] : memref<5x128xi32, #tpu.memory_space<vmem>> -> memref<1x128xi32, #tpu.memory_space<vmem>>
      %dma_start3A_42 = tpu.memref_squeeze %dma_start3A_41 : memref<1x128xi32, #tpu.memory_space<vmem>> -> memref<128xi32, #tpu.memory_space<vmem>>
      %dma_start3A_43 = arith.constant 512 : i32
      %dma_start3A_44 = tpu.memref_slice %arg3[%dma_start3A_43] : memref<1280xi32, #tpu.memory_space<hbm>> -> memref<128xi32, #tpu.memory_space<hbm>>
      %dma_start3A_45 = arith.constant 0 : i32
      %dma_start3A_46 = tpu.memref_slice %arg8[%run_scoped3A_18, %dma_start3A_45] : memref<5x128xi32, #tpu.memory_space<vmem>> -> memref<1x128xi32, #tpu.memory_space<vmem>>
      %dma_start3A_47 = tpu.memref_squeeze %dma_start3A_46 : memref<1x128xi32, #tpu.memory_space<vmem>> -> memref<128xi32, #tpu.memory_space<vmem>>
      %dma_start3A_48 = arith.constant 512 : i32
      %dma_start3A_49 = tpu.memref_slice %arg3[%dma_start3A_48] : memref<1280xi32, #tpu.memory_space<hbm>> -> memref<128xi32, #tpu.memory_space<hbm>>
      tpu.enqueue_dma source(%dma_start3A_49 : memref<128xi32, #tpu.memory_space<hbm>>) target(%dma_start3A_47 : memref<128xi32, #tpu.memory_space<vmem>>) target_semaphore(%run_scoped3A_40 : memref<!tpu.dma_semaphore, #tpu.memory_space<semaphore_mem>>)
      %dma_wait3A = arith.constant 0 : i32
      %dma_wait3A_50 = tpu.memref_slice %arg8[%run_scoped3A_18, %dma_wait3A] : memref<5x128xi32, #tpu.memory_space<vmem>> -> memref<1x128xi32, #tpu.memory_space<vmem>>
      %dma_wait3A_51 = tpu.memref_squeeze %dma_wait3A_50 : memref<1x128xi32, #tpu.memory_space<vmem>> -> memref<128xi32, #tpu.memory_space<vmem>>
      %dma_wait3A_52 = arith.constant 512 : i32
      %dma_wait3A_53 = tpu.memref_slice %arg3[%dma_wait3A_52] : memref<1280xi32, #tpu.memory_space<hbm>> -> memref<128xi32, #tpu.memory_space<hbm>>
      %dma_wait3A_54 = arith.constant 0 : i32
      %dma_wait3A_55 = tpu.memref_slice %arg8[%run_scoped3A_18, %dma_wait3A_54] : memref<5x128xi32, #tpu.memory_space<vmem>> -> memref<1x128xi32, #tpu.memory_space<vmem>>
      %dma_wait3A_56 = tpu.memref_squeeze %dma_wait3A_55 : memref<1x128xi32, #tpu.memory_space<vmem>> -> memref<128xi32, #tpu.memory_space<vmem>>
      %dma_wait3A_57 = arith.constant 512 : i32
      %dma_wait3A_58 = tpu.memref_slice %arg3[%dma_wait3A_57] : memref<1280xi32, #tpu.memory_space<hbm>> -> memref<128xi32, #tpu.memory_space<hbm>>
      tpu.wait_dma2 semaphore(%run_scoped3A_40 : memref<!tpu.dma_semaphore, #tpu.memory_space<semaphore_mem>>) src(%dma_wait3A_58 : memref<128xi32, #tpu.memory_space<hbm>>) dst(%dma_wait3A_56 : memref<128xi32, #tpu.memory_space<vmem>>)
      tpu.yield
    }) : () -> ()
    %run_scoped3A_19 = arith.constant 4 : i32
    "tpu.region"() ({
      %run_scoped3A_40 = tpu.sem_alloc : memref<!tpu.dma_semaphore, #tpu.memory_space<semaphore_mem>>
      %dma_start3A = arith.constant 512 : i32
      %dma_start3A_41 = arith.constant 0 : i32
      %dma_start3A_42 = tpu.memref_slice %arg7[%dma_start3A, %dma_start3A_41] : memref<640x128xf32, #tpu.memory_space<vmem>> -> memref<128x128xf32, #tpu.memory_space<vmem>>
      %dma_start3A_43 = arith.constant 0 : i32
      %dma_start3A_44 = tpu.memref_slice %arg8[%run_scoped3A_19, %dma_start3A_43] : memref<5x128xi32, #tpu.memory_space<vmem>> -> memref<1x128xi32, #tpu.memory_space<vmem>>
      %dma_start3A_45 = tpu.memref_squeeze %dma_start3A_44 : memref<1x128xi32, #tpu.memory_space<vmem>> -> memref<128xi32, #tpu.memory_space<vmem>>
      %dma_start3A_46 = arith.constant 0 : i32
      %dma_start3A_47 = arith.constant 0 : i32
      %dma_start3A_48 = tpu.memref_slice %arg9[%dma_start3A_46, %dma_start3A_47] : memref<1280x128xf32, #tpu.memory_space<vmem_shared>> -> memref<1280x128xf32, #tpu.memory_space<vmem_shared>>
      tpu.enqueue_indirect_dma source(%dma_start3A_42 : memref<128x128xf32, #tpu.memory_space<vmem>>) target(%dma_start3A_48 : memref<1280x128xf32, #tpu.memory_space<vmem_shared>>) offsets(%dma_start3A_45 : memref<128xi32, #tpu.memory_space<vmem>>) semaphore(%run_scoped3A_40 : memref<!tpu.dma_semaphore, #tpu.memory_space<semaphore_mem>>) {add = true}
      %dma_wait3A = arith.constant 512 : i32
      %dma_wait3A_49 = arith.constant 0 : i32
      %dma_wait3A_50 = tpu.memref_slice %arg7[%dma_wait3A, %dma_wait3A_49] : memref<640x128xf32, #tpu.memory_space<vmem>> -> memref<128x128xf32, #tpu.memory_space<vmem>>
      %dma_wait3A_51 = arith.constant 0 : i32
      %dma_wait3A_52 = tpu.memref_slice %arg8[%run_scoped3A_19, %dma_wait3A_51] : memref<5x128xi32, #tpu.memory_space<vmem>> -> memref<1x128xi32, #tpu.memory_space<vmem>>
      %dma_wait3A_53 = tpu.memref_squeeze %dma_wait3A_52 : memref<1x128xi32, #tpu.memory_space<vmem>> -> memref<128xi32, #tpu.memory_space<vmem>>
      %dma_wait3A_54 = arith.constant 0 : i32
      %dma_wait3A_55 = arith.constant 0 : i32
      %dma_wait3A_56 = tpu.memref_slice %arg9[%dma_wait3A_54, %dma_wait3A_55] : memref<1280x128xf32, #tpu.memory_space<vmem_shared>> -> memref<1280x128xf32, #tpu.memory_space<vmem_shared>>
      tpu.wait_indirect_dma semaphore(%run_scoped3A_40 : memref<!tpu.dma_semaphore, #tpu.memory_space<semaphore_mem>>) src(%dma_wait3A_50 : memref<128x128xf32, #tpu.memory_space<vmem>>) dst(%dma_wait3A_56 : memref<1280x128xf32, #tpu.memory_space<vmem_shared>>)
      tpu.yield
    }) : () -> ()
    "tpu.region"() ({
      %run_scoped3A_40 = tpu.sem_alloc : memref<!tpu.dma_semaphore, #tpu.memory_space<semaphore_mem>>
      tpu.enqueue_dma source(%arg4 : memref<640x128xf32, #tpu.memory_space<hbm>>) target(%arg7 : memref<640x128xf32, #tpu.memory_space<vmem>>) target_semaphore(%run_scoped3A_40 : memref<!tpu.dma_semaphore, #tpu.memory_space<semaphore_mem>>)
      tpu.wait_dma2 semaphore(%run_scoped3A_40 : memref<!tpu.dma_semaphore, #tpu.memory_space<semaphore_mem>>) src(%arg4 : memref<640x128xf32, #tpu.memory_space<hbm>>) dst(%arg7 : memref<640x128xf32, #tpu.memory_space<vmem>>)
      tpu.yield
    }) : () -> ()
    %scan3A_20 = arith.constant 0 : i32
    %scan3A_21 = arith.constant 0 : i32
    %scan3A_22 = arith.constant 640 : i32
    %scan3A_23 = arith.addi %scan3A_21, %scan3A_22 : i32
    %scan3A_24 = arith.constant 1 : i32
    scf.for %scan3A_40 = %scan3A_21 to %scan3A_23 step %scan3A_24  : i32 {
      %mul3A_41 = arith.constant 16 : i32
      %mul3A_42 = arith.muli %scan3A_40, %mul3A_41 : i32
      %get3A = arith.index_cast %mul3A_42 : i32 to index
      %get3A_43 = tpu.vector_load %arg6[%get3A] {strides = array<i32>} : memref<10240xi32, #tpu.memory_space<vmem>>, vector<16xi32>,
      %ge3A = arith.constant 5008 : i32
      %ge3A_44 = vector.broadcast %ge3A : i32 to vector<16xi32>
      %ge3A_45 = arith.cmpi sge, %get3A_43, %ge3A_44 : vector<16xi32>
      %lt3A = arith.constant 10016 : i32
      %lt3A_46 = vector.broadcast %lt3A : i32 to vector<16xi32>
      %lt3A_47 = arith.cmpi slt, %get3A_43, %lt3A_46 : vector<16xi32>
      %and3A = arith.andi %ge3A_45, %lt3A_47 : vector<16xi1>
      %sub3A = arith.constant 5008 : i32
      %sub3A_48 = vector.broadcast %sub3A : i32 to vector<16xi32>
      %sub3A_49 = arith.subi %get3A_43, %sub3A_48 : vector<16xi32>
      %jit3A = arith.constant 0 : i32
      %broadcast_in_dim3A_50 = vector.broadcast %jit3A : i32 to vector<16xi32>
      %select_n3A = arith.select %and3A, %sub3A_49, %broadcast_in_dim3A_50 : vector<16xi1>, vector<16xi32>
      %shift_right_logical3A = arith.constant 3 : i32
      %shift_right_logical3A_51 = vector.broadcast %shift_right_logical3A : i32 to vector<16xi32>
      %shift_right_logical3A_52 = arith.shrui %select_n3A, %shift_right_logical3A_51 : vector<16xi32>
      %and3A_53 = arith.constant 7 : i32
      %and3A_54 = vector.broadcast %and3A_53 : i32 to vector<16xi32>
      %and3A_55 = arith.andi %select_n3A, %and3A_54 : vector<16xi32>
      %mul3A_56 = arith.constant 16 : i32
      %mul3A_57 = vector.broadcast %mul3A_56 : i32 to vector<16xi32>
      %mul3A_58 = arith.muli %and3A_55, %mul3A_57 : vector<16xi32>
      %add3A_59 = arith.addi %mul3A_58, %iota3A : vector<16xi32>
      tpu.vector_store_idx %arg7[%shift_right_logical3A_52, %add3A_59], %broadcast_in_dim3A_5 masked %and3A {add = true} : memref<640x128xf32, #tpu.memory_space<vmem>>[vector<16xi32>, vector<16xi32>], vector<16xf32>, vector<16xi1>
    }
    %scan3A_25 = arith.constant 640 : i32
    %run_scoped3A_26 = arith.constant 0 : i32
    "tpu.region"() ({
      %run_scoped3A_40 = tpu.sem_alloc : memref<!tpu.dma_semaphore, #tpu.memory_space<semaphore_mem>>
      %dma_start3A = arith.constant 0 : i32
      %dma_start3A_41 = tpu.memref_slice %arg8[%run_scoped3A_26, %dma_start3A] : memref<5x128xi32, #tpu.memory_space<vmem>> -> memref<1x128xi32, #tpu.memory_space<vmem>>
      %dma_start3A_42 = tpu.memref_squeeze %dma_start3A_41 : memref<1x128xi32, #tpu.memory_space<vmem>> -> memref<128xi32, #tpu.memory_space<vmem>>
      %dma_start3A_43 = arith.constant 640 : i32
      %dma_start3A_44 = tpu.memref_slice %arg3[%dma_start3A_43] : memref<1280xi32, #tpu.memory_space<hbm>> -> memref<128xi32, #tpu.memory_space<hbm>>
      %dma_start3A_45 = arith.constant 0 : i32
      %dma_start3A_46 = tpu.memref_slice %arg8[%run_scoped3A_26, %dma_start3A_45] : memref<5x128xi32, #tpu.memory_space<vmem>> -> memref<1x128xi32, #tpu.memory_space<vmem>>
      %dma_start3A_47 = tpu.memref_squeeze %dma_start3A_46 : memref<1x128xi32, #tpu.memory_space<vmem>> -> memref<128xi32, #tpu.memory_space<vmem>>
      %dma_start3A_48 = arith.constant 640 : i32
      %dma_start3A_49 = tpu.memref_slice %arg3[%dma_start3A_48] : memref<1280xi32, #tpu.memory_space<hbm>> -> memref<128xi32, #tpu.memory_space<hbm>>
      tpu.enqueue_dma source(%dma_start3A_49 : memref<128xi32, #tpu.memory_space<hbm>>) target(%dma_start3A_47 : memref<128xi32, #tpu.memory_space<vmem>>) target_semaphore(%run_scoped3A_40 : memref<!tpu.dma_semaphore, #tpu.memory_space<semaphore_mem>>)
      %dma_wait3A = arith.constant 0 : i32
      %dma_wait3A_50 = tpu.memref_slice %arg8[%run_scoped3A_26, %dma_wait3A] : memref<5x128xi32, #tpu.memory_space<vmem>> -> memref<1x128xi32, #tpu.memory_space<vmem>>
      %dma_wait3A_51 = tpu.memref_squeeze %dma_wait3A_50 : memref<1x128xi32, #tpu.memory_space<vmem>> -> memref<128xi32, #tpu.memory_space<vmem>>
      %dma_wait3A_52 = arith.constant 640 : i32
      %dma_wait3A_53 = tpu.memref_slice %arg3[%dma_wait3A_52] : memref<1280xi32, #tpu.memory_space<hbm>> -> memref<128xi32, #tpu.memory_space<hbm>>
      %dma_wait3A_54 = arith.constant 0 : i32
      %dma_wait3A_55 = tpu.memref_slice %arg8[%run_scoped3A_26, %dma_wait3A_54] : memref<5x128xi32, #tpu.memory_space<vmem>> -> memref<1x128xi32, #tpu.memory_space<vmem>>
      %dma_wait3A_56 = tpu.memref_squeeze %dma_wait3A_55 : memref<1x128xi32, #tpu.memory_space<vmem>> -> memref<128xi32, #tpu.memory_space<vmem>>
      %dma_wait3A_57 = arith.constant 640 : i32
      %dma_wait3A_58 = tpu.memref_slice %arg3[%dma_wait3A_57] : memref<1280xi32, #tpu.memory_space<hbm>> -> memref<128xi32, #tpu.memory_space<hbm>>
      tpu.wait_dma2 semaphore(%run_scoped3A_40 : memref<!tpu.dma_semaphore, #tpu.memory_space<semaphore_mem>>) src(%dma_wait3A_58 : memref<128xi32, #tpu.memory_space<hbm>>) dst(%dma_wait3A_56 : memref<128xi32, #tpu.memory_space<vmem>>)
      tpu.yield
    }) : () -> ()
    %run_scoped3A_27 = arith.constant 0 : i32
    "tpu.region"() ({
      %run_scoped3A_40 = tpu.sem_alloc : memref<!tpu.dma_semaphore, #tpu.memory_space<semaphore_mem>>
      %dma_start3A = arith.constant 0 : i32
      %dma_start3A_41 = arith.constant 0 : i32
      %dma_start3A_42 = tpu.memref_slice %arg7[%dma_start3A, %dma_start3A_41] : memref<640x128xf32, #tpu.memory_space<vmem>> -> memref<128x128xf32, #tpu.memory_space<vmem>>
      %dma_start3A_43 = arith.constant 0 : i32
      %dma_start3A_44 = tpu.memref_slice %arg8[%run_scoped3A_27, %dma_start3A_43] : memref<5x128xi32, #tpu.memory_space<vmem>> -> memref<1x128xi32, #tpu.memory_space<vmem>>
      %dma_start3A_45 = tpu.memref_squeeze %dma_start3A_44 : memref<1x128xi32, #tpu.memory_space<vmem>> -> memref<128xi32, #tpu.memory_space<vmem>>
      %dma_start3A_46 = arith.constant 0 : i32
      %dma_start3A_47 = arith.constant 0 : i32
      %dma_start3A_48 = tpu.memref_slice %arg9[%dma_start3A_46, %dma_start3A_47] : memref<1280x128xf32, #tpu.memory_space<vmem_shared>> -> memref<1280x128xf32, #tpu.memory_space<vmem_shared>>
      tpu.enqueue_indirect_dma source(%dma_start3A_42 : memref<128x128xf32, #tpu.memory_space<vmem>>) target(%dma_start3A_48 : memref<1280x128xf32, #tpu.memory_space<vmem_shared>>) offsets(%dma_start3A_45 : memref<128xi32, #tpu.memory_space<vmem>>) semaphore(%run_scoped3A_40 : memref<!tpu.dma_semaphore, #tpu.memory_space<semaphore_mem>>) {add = true}
      %dma_wait3A = arith.constant 0 : i32
      %dma_wait3A_49 = arith.constant 0 : i32
      %dma_wait3A_50 = tpu.memref_slice %arg7[%dma_wait3A, %dma_wait3A_49] : memref<640x128xf32, #tpu.memory_space<vmem>> -> memref<128x128xf32, #tpu.memory_space<vmem>>
      %dma_wait3A_51 = arith.constant 0 : i32
      %dma_wait3A_52 = tpu.memref_slice %arg8[%run_scoped3A_27, %dma_wait3A_51] : memref<5x128xi32, #tpu.memory_space<vmem>> -> memref<1x128xi32, #tpu.memory_space<vmem>>
      %dma_wait3A_53 = tpu.memref_squeeze %dma_wait3A_52 : memref<1x128xi32, #tpu.memory_space<vmem>> -> memref<128xi32, #tpu.memory_space<vmem>>
      %dma_wait3A_54 = arith.constant 0 : i32
      %dma_wait3A_55 = arith.constant 0 : i32
      %dma_wait3A_56 = tpu.memref_slice %arg9[%dma_wait3A_54, %dma_wait3A_55] : memref<1280x128xf32, #tpu.memory_space<vmem_shared>> -> memref<1280x128xf32, #tpu.memory_space<vmem_shared>>
      tpu.wait_indirect_dma semaphore(%run_scoped3A_40 : memref<!tpu.dma_semaphore, #tpu.memory_space<semaphore_mem>>) src(%dma_wait3A_50 : memref<128x128xf32, #tpu.memory_space<vmem>>) dst(%dma_wait3A_56 : memref<1280x128xf32, #tpu.memory_space<vmem_shared>>)
      tpu.yield
    }) : () -> ()
    %run_scoped3A_28 = arith.constant 1 : i32
    "tpu.region"() ({
      %run_scoped3A_40 = tpu.sem_alloc : memref<!tpu.dma_semaphore, #tpu.memory_space<semaphore_mem>>
      %dma_start3A = arith.constant 0 : i32
      %dma_start3A_41 = tpu.memref_slice %arg8[%run_scoped3A_28, %dma_start3A] : memref<5x128xi32, #tpu.memory_space<vmem>> -> memref<1x128xi32, #tpu.memory_space<vmem>>
      %dma_start3A_42 = tpu.memref_squeeze %dma_start3A_41 : memref<1x128xi32, #tpu.memory_space<vmem>> -> memref<128xi32, #tpu.memory_space<vmem>>
      %dma_start3A_43 = arith.constant 768 : i32
      %dma_start3A_44 = tpu.memref_slice %arg3[%dma_start3A_43] : memref<1280xi32, #tpu.memory_space<hbm>> -> memref<128xi32, #tpu.memory_space<hbm>>
      %dma_start3A_45 = arith.constant 0 : i32
      %dma_start3A_46 = tpu.memref_slice %arg8[%run_scoped3A_28, %dma_start3A_45] : memref<5x128xi32, #tpu.memory_space<vmem>> -> memref<1x128xi32, #tpu.memory_space<vmem>>
      %dma_start3A_47 = tpu.memref_squeeze %dma_start3A_46 : memref<1x128xi32, #tpu.memory_space<vmem>> -> memref<128xi32, #tpu.memory_space<vmem>>
      %dma_start3A_48 = arith.constant 768 : i32
      %dma_start3A_49 = tpu.memref_slice %arg3[%dma_start3A_48] : memref<1280xi32, #tpu.memory_space<hbm>> -> memref<128xi32, #tpu.memory_space<hbm>>
      tpu.enqueue_dma source(%dma_start3A_49 : memref<128xi32, #tpu.memory_space<hbm>>) target(%dma_start3A_47 : memref<128xi32, #tpu.memory_space<vmem>>) target_semaphore(%run_scoped3A_40 : memref<!tpu.dma_semaphore, #tpu.memory_space<semaphore_mem>>)
      %dma_wait3A = arith.constant 0 : i32
      %dma_wait3A_50 = tpu.memref_slice %arg8[%run_scoped3A_28, %dma_wait3A] : memref<5x128xi32, #tpu.memory_space<vmem>> -> memref<1x128xi32, #tpu.memory_space<vmem>>
      %dma_wait3A_51 = tpu.memref_squeeze %dma_wait3A_50 : memref<1x128xi32, #tpu.memory_space<vmem>> -> memref<128xi32, #tpu.memory_space<vmem>>
      %dma_wait3A_52 = arith.constant 768 : i32
      %dma_wait3A_53 = tpu.memref_slice %arg3[%dma_wait3A_52] : memref<1280xi32, #tpu.memory_space<hbm>> -> memref<128xi32, #tpu.memory_space<hbm>>
      %dma_wait3A_54 = arith.constant 0 : i32
      %dma_wait3A_55 = tpu.memref_slice %arg8[%run_scoped3A_28, %dma_wait3A_54] : memref<5x128xi32, #tpu.memory_space<vmem>> -> memref<1x128xi32, #tpu.memory_space<vmem>>
      %dma_wait3A_56 = tpu.memref_squeeze %dma_wait3A_55 : memref<1x128xi32, #tpu.memory_space<vmem>> -> memref<128xi32, #tpu.memory_space<vmem>>
      %dma_wait3A_57 = arith.constant 768 : i32
      %dma_wait3A_58 = tpu.memref_slice %arg3[%dma_wait3A_57] : memref<1280xi32, #tpu.memory_space<hbm>> -> memref<128xi32, #tpu.memory_space<hbm>>
      tpu.wait_dma2 semaphore(%run_scoped3A_40 : memref<!tpu.dma_semaphore, #tpu.memory_space<semaphore_mem>>) src(%dma_wait3A_58 : memref<128xi32, #tpu.memory_space<hbm>>) dst(%dma_wait3A_56 : memref<128xi32, #tpu.memory_space<vmem>>)
      tpu.yield
    }) : () -> ()
    %run_scoped3A_29 = arith.constant 1 : i32
    "tpu.region"() ({
      %run_scoped3A_40 = tpu.sem_alloc : memref<!tpu.dma_semaphore, #tpu.memory_space<semaphore_mem>>
      %dma_start3A = arith.constant 128 : i32
      %dma_start3A_41 = arith.constant 0 : i32
      %dma_start3A_42 = tpu.memref_slice %arg7[%dma_start3A, %dma_start3A_41] : memref<640x128xf32, #tpu.memory_space<vmem>> -> memref<128x128xf32, #tpu.memory_space<vmem>>
      %dma_start3A_43 = arith.constant 0 : i32
      %dma_start3A_44 = tpu.memref_slice %arg8[%run_scoped3A_29, %dma_start3A_43] : memref<5x128xi32, #tpu.memory_space<vmem>> -> memref<1x128xi32, #tpu.memory_space<vmem>>
      %dma_start3A_45 = tpu.memref_squeeze %dma_start3A_44 : memref<1x128xi32, #tpu.memory_space<vmem>> -> memref<128xi32, #tpu.memory_space<vmem>>
      %dma_start3A_46 = arith.constant 0 : i32
      %dma_start3A_47 = arith.constant 0 : i32
      %dma_start3A_48 = tpu.memref_slice %arg9[%dma_start3A_46, %dma_start3A_47] : memref<1280x128xf32, #tpu.memory_space<vmem_shared>> -> memref<1280x128xf32, #tpu.memory_space<vmem_shared>>
      tpu.enqueue_indirect_dma source(%dma_start3A_42 : memref<128x128xf32, #tpu.memory_space<vmem>>) target(%dma_start3A_48 : memref<1280x128xf32, #tpu.memory_space<vmem_shared>>) offsets(%dma_start3A_45 : memref<128xi32, #tpu.memory_space<vmem>>) semaphore(%run_scoped3A_40 : memref<!tpu.dma_semaphore, #tpu.memory_space<semaphore_mem>>) {add = true}
      %dma_wait3A = arith.constant 128 : i32
      %dma_wait3A_49 = arith.constant 0 : i32
      %dma_wait3A_50 = tpu.memref_slice %arg7[%dma_wait3A, %dma_wait3A_49] : memref<640x128xf32, #tpu.memory_space<vmem>> -> memref<128x128xf32, #tpu.memory_space<vmem>>
      %dma_wait3A_51 = arith.constant 0 : i32
      %dma_wait3A_52 = tpu.memref_slice %arg8[%run_scoped3A_29, %dma_wait3A_51] : memref<5x128xi32, #tpu.memory_space<vmem>> -> memref<1x128xi32, #tpu.memory_space<vmem>>
      %dma_wait3A_53 = tpu.memref_squeeze %dma_wait3A_52 : memref<1x128xi32, #tpu.memory_space<vmem>> -> memref<128xi32, #tpu.memory_space<vmem>>
      %dma_wait3A_54 = arith.constant 0 : i32
      %dma_wait3A_55 = arith.constant 0 : i32
      %dma_wait3A_56 = tpu.memref_slice %arg9[%dma_wait3A_54, %dma_wait3A_55] : memref<1280x128xf32, #tpu.memory_space<vmem_shared>> -> memref<1280x128xf32, #tpu.memory_space<vmem_shared>>
      tpu.wait_indirect_dma semaphore(%run_scoped3A_40 : memref<!tpu.dma_semaphore, #tpu.memory_space<semaphore_mem>>) src(%dma_wait3A_50 : memref<128x128xf32, #tpu.memory_space<vmem>>) dst(%dma_wait3A_56 : memref<1280x128xf32, #tpu.memory_space<vmem_shared>>)
      tpu.yield
    }) : () -> ()
    %run_scoped3A_30 = arith.constant 2 : i32
    "tpu.region"() ({
      %run_scoped3A_40 = tpu.sem_alloc : memref<!tpu.dma_semaphore, #tpu.memory_space<semaphore_mem>>
      %dma_start3A = arith.constant 0 : i32
      %dma_start3A_41 = tpu.memref_slice %arg8[%run_scoped3A_30, %dma_start3A] : memref<5x128xi32, #tpu.memory_space<vmem>> -> memref<1x128xi32, #tpu.memory_space<vmem>>
      %dma_start3A_42 = tpu.memref_squeeze %dma_start3A_41 : memref<1x128xi32, #tpu.memory_space<vmem>> -> memref<128xi32, #tpu.memory_space<vmem>>
      %dma_start3A_43 = arith.constant 896 : i32
      %dma_start3A_44 = tpu.memref_slice %arg3[%dma_start3A_43] : memref<1280xi32, #tpu.memory_space<hbm>> -> memref<128xi32, #tpu.memory_space<hbm>>
      %dma_start3A_45 = arith.constant 0 : i32
      %dma_start3A_46 = tpu.memref_slice %arg8[%run_scoped3A_30, %dma_start3A_45] : memref<5x128xi32, #tpu.memory_space<vmem>> -> memref<1x128xi32, #tpu.memory_space<vmem>>
      %dma_start3A_47 = tpu.memref_squeeze %dma_start3A_46 : memref<1x128xi32, #tpu.memory_space<vmem>> -> memref<128xi32, #tpu.memory_space<vmem>>
      %dma_start3A_48 = arith.constant 896 : i32
      %dma_start3A_49 = tpu.memref_slice %arg3[%dma_start3A_48] : memref<1280xi32, #tpu.memory_space<hbm>> -> memref<128xi32, #tpu.memory_space<hbm>>
      tpu.enqueue_dma source(%dma_start3A_49 : memref<128xi32, #tpu.memory_space<hbm>>) target(%dma_start3A_47 : memref<128xi32, #tpu.memory_space<vmem>>) target_semaphore(%run_scoped3A_40 : memref<!tpu.dma_semaphore, #tpu.memory_space<semaphore_mem>>)
      %dma_wait3A = arith.constant 0 : i32
      %dma_wait3A_50 = tpu.memref_slice %arg8[%run_scoped3A_30, %dma_wait3A] : memref<5x128xi32, #tpu.memory_space<vmem>> -> memref<1x128xi32, #tpu.memory_space<vmem>>
      %dma_wait3A_51 = tpu.memref_squeeze %dma_wait3A_50 : memref<1x128xi32, #tpu.memory_space<vmem>> -> memref<128xi32, #tpu.memory_space<vmem>>
      %dma_wait3A_52 = arith.constant 896 : i32
      %dma_wait3A_53 = tpu.memref_slice %arg3[%dma_wait3A_52] : memref<1280xi32, #tpu.memory_space<hbm>> -> memref<128xi32, #tpu.memory_space<hbm>>
      %dma_wait3A_54 = arith.constant 0 : i32
      %dma_wait3A_55 = tpu.memref_slice %arg8[%run_scoped3A_30, %dma_wait3A_54] : memref<5x128xi32, #tpu.memory_space<vmem>> -> memref<1x128xi32, #tpu.memory_space<vmem>>
      %dma_wait3A_56 = tpu.memref_squeeze %dma_wait3A_55 : memref<1x128xi32, #tpu.memory_space<vmem>> -> memref<128xi32, #tpu.memory_space<vmem>>
      %dma_wait3A_57 = arith.constant 896 : i32
      %dma_wait3A_58 = tpu.memref_slice %arg3[%dma_wait3A_57] : memref<1280xi32, #tpu.memory_space<hbm>> -> memref<128xi32, #tpu.memory_space<hbm>>
      tpu.wait_dma2 semaphore(%run_scoped3A_40 : memref<!tpu.dma_semaphore, #tpu.memory_space<semaphore_mem>>) src(%dma_wait3A_58 : memref<128xi32, #tpu.memory_space<hbm>>) dst(%dma_wait3A_56 : memref<128xi32, #tpu.memory_space<vmem>>)
      tpu.yield
    }) : () -> ()
    %run_scoped3A_31 = arith.constant 2 : i32
    "tpu.region"() ({
      %run_scoped3A_40 = tpu.sem_alloc : memref<!tpu.dma_semaphore, #tpu.memory_space<semaphore_mem>>
      %dma_start3A = arith.constant 256 : i32
      %dma_start3A_41 = arith.constant 0 : i32
      %dma_start3A_42 = tpu.memref_slice %arg7[%dma_start3A, %dma_start3A_41] : memref<640x128xf32, #tpu.memory_space<vmem>> -> memref<128x128xf32, #tpu.memory_space<vmem>>
      %dma_start3A_43 = arith.constant 0 : i32
      %dma_start3A_44 = tpu.memref_slice %arg8[%run_scoped3A_31, %dma_start3A_43] : memref<5x128xi32, #tpu.memory_space<vmem>> -> memref<1x128xi32, #tpu.memory_space<vmem>>
      %dma_start3A_45 = tpu.memref_squeeze %dma_start3A_44 : memref<1x128xi32, #tpu.memory_space<vmem>> -> memref<128xi32, #tpu.memory_space<vmem>>
      %dma_start3A_46 = arith.constant 0 : i32
      %dma_start3A_47 = arith.constant 0 : i32
      %dma_start3A_48 = tpu.memref_slice %arg9[%dma_start3A_46, %dma_start3A_47] : memref<1280x128xf32, #tpu.memory_space<vmem_shared>> -> memref<1280x128xf32, #tpu.memory_space<vmem_shared>>
      tpu.enqueue_indirect_dma source(%dma_start3A_42 : memref<128x128xf32, #tpu.memory_space<vmem>>) target(%dma_start3A_48 : memref<1280x128xf32, #tpu.memory_space<vmem_shared>>) offsets(%dma_start3A_45 : memref<128xi32, #tpu.memory_space<vmem>>) semaphore(%run_scoped3A_40 : memref<!tpu.dma_semaphore, #tpu.memory_space<semaphore_mem>>) {add = true}
      %dma_wait3A = arith.constant 256 : i32
      %dma_wait3A_49 = arith.constant 0 : i32
      %dma_wait3A_50 = tpu.memref_slice %arg7[%dma_wait3A, %dma_wait3A_49] : memref<640x128xf32, #tpu.memory_space<vmem>> -> memref<128x128xf32, #tpu.memory_space<vmem>>
      %dma_wait3A_51 = arith.constant 0 : i32
      %dma_wait3A_52 = tpu.memref_slice %arg8[%run_scoped3A_31, %dma_wait3A_51] : memref<5x128xi32, #tpu.memory_space<vmem>> -> memref<1x128xi32, #tpu.memory_space<vmem>>
      %dma_wait3A_53 = tpu.memref_squeeze %dma_wait3A_52 : memref<1x128xi32, #tpu.memory_space<vmem>> -> memref<128xi32, #tpu.memory_space<vmem>>
      %dma_wait3A_54 = arith.constant 0 : i32
      %dma_wait3A_55 = arith.constant 0 : i32
      %dma_wait3A_56 = tpu.memref_slice %arg9[%dma_wait3A_54, %dma_wait3A_55] : memref<1280x128xf32, #tpu.memory_space<vmem_shared>> -> memref<1280x128xf32, #tpu.memory_space<vmem_shared>>
      tpu.wait_indirect_dma semaphore(%run_scoped3A_40 : memref<!tpu.dma_semaphore, #tpu.memory_space<semaphore_mem>>) src(%dma_wait3A_50 : memref<128x128xf32, #tpu.memory_space<vmem>>) dst(%dma_wait3A_56 : memref<1280x128xf32, #tpu.memory_space<vmem_shared>>)
      tpu.yield
    }) : () -> ()
    %run_scoped3A_32 = arith.constant 3 : i32
    "tpu.region"() ({
      %run_scoped3A_40 = tpu.sem_alloc : memref<!tpu.dma_semaphore, #tpu.memory_space<semaphore_mem>>
      %dma_start3A = arith.constant 0 : i32
      %dma_start3A_41 = tpu.memref_slice %arg8[%run_scoped3A_32, %dma_start3A] : memref<5x128xi32, #tpu.memory_space<vmem>> -> memref<1x128xi32, #tpu.memory_space<vmem>>
      %dma_start3A_42 = tpu.memref_squeeze %dma_start3A_41 : memref<1x128xi32, #tpu.memory_space<vmem>> -> memref<128xi32, #tpu.memory_space<vmem>>
      %dma_start3A_43 = arith.constant 1024 : i32
      %dma_start3A_44 = tpu.memref_slice %arg3[%dma_start3A_43] : memref<1280xi32, #tpu.memory_space<hbm>> -> memref<128xi32, #tpu.memory_space<hbm>>
      %dma_start3A_45 = arith.constant 0 : i32
      %dma_start3A_46 = tpu.memref_slice %arg8[%run_scoped3A_32, %dma_start3A_45] : memref<5x128xi32, #tpu.memory_space<vmem>> -> memref<1x128xi32, #tpu.memory_space<vmem>>
      %dma_start3A_47 = tpu.memref_squeeze %dma_start3A_46 : memref<1x128xi32, #tpu.memory_space<vmem>> -> memref<128xi32, #tpu.memory_space<vmem>>
      %dma_start3A_48 = arith.constant 1024 : i32
      %dma_start3A_49 = tpu.memref_slice %arg3[%dma_start3A_48] : memref<1280xi32, #tpu.memory_space<hbm>> -> memref<128xi32, #tpu.memory_space<hbm>>
      tpu.enqueue_dma source(%dma_start3A_49 : memref<128xi32, #tpu.memory_space<hbm>>) target(%dma_start3A_47 : memref<128xi32, #tpu.memory_space<vmem>>) target_semaphore(%run_scoped3A_40 : memref<!tpu.dma_semaphore, #tpu.memory_space<semaphore_mem>>)
      %dma_wait3A = arith.constant 0 : i32
      %dma_wait3A_50 = tpu.memref_slice %arg8[%run_scoped3A_32, %dma_wait3A] : memref<5x128xi32, #tpu.memory_space<vmem>> -> memref<1x128xi32, #tpu.memory_space<vmem>>
      %dma_wait3A_51 = tpu.memref_squeeze %dma_wait3A_50 : memref<1x128xi32, #tpu.memory_space<vmem>> -> memref<128xi32, #tpu.memory_space<vmem>>
      %dma_wait3A_52 = arith.constant 1024 : i32
      %dma_wait3A_53 = tpu.memref_slice %arg3[%dma_wait3A_52] : memref<1280xi32, #tpu.memory_space<hbm>> -> memref<128xi32, #tpu.memory_space<hbm>>
      %dma_wait3A_54 = arith.constant 0 : i32
      %dma_wait3A_55 = tpu.memref_slice %arg8[%run_scoped3A_32, %dma_wait3A_54] : memref<5x128xi32, #tpu.memory_space<vmem>> -> memref<1x128xi32, #tpu.memory_space<vmem>>
      %dma_wait3A_56 = tpu.memref_squeeze %dma_wait3A_55 : memref<1x128xi32, #tpu.memory_space<vmem>> -> memref<128xi32, #tpu.memory_space<vmem>>
      %dma_wait3A_57 = arith.constant 1024 : i32
      %dma_wait3A_58 = tpu.memref_slice %arg3[%dma_wait3A_57] : memref<1280xi32, #tpu.memory_space<hbm>> -> memref<128xi32, #tpu.memory_space<hbm>>
      tpu.wait_dma2 semaphore(%run_scoped3A_40 : memref<!tpu.dma_semaphore, #tpu.memory_space<semaphore_mem>>) src(%dma_wait3A_58 : memref<128xi32, #tpu.memory_space<hbm>>) dst(%dma_wait3A_56 : memref<128xi32, #tpu.memory_space<vmem>>)
      tpu.yield
    }) : () -> ()
    %run_scoped3A_33 = arith.constant 3 : i32
    "tpu.region"() ({
      %run_scoped3A_40 = tpu.sem_alloc : memref<!tpu.dma_semaphore, #tpu.memory_space<semaphore_mem>>
      %dma_start3A = arith.constant 384 : i32
      %dma_start3A_41 = arith.constant 0 : i32
      %dma_start3A_42 = tpu.memref_slice %arg7[%dma_start3A, %dma_start3A_41] : memref<640x128xf32, #tpu.memory_space<vmem>> -> memref<128x128xf32, #tpu.memory_space<vmem>>
      %dma_start3A_43 = arith.constant 0 : i32
      %dma_start3A_44 = tpu.memref_slice %arg8[%run_scoped3A_33, %dma_start3A_43] : memref<5x128xi32, #tpu.memory_space<vmem>> -> memref<1x128xi32, #tpu.memory_space<vmem>>
      %dma_start3A_45 = tpu.memref_squeeze %dma_start3A_44 : memref<1x128xi32, #tpu.memory_space<vmem>> -> memref<128xi32, #tpu.memory_space<vmem>>
      %dma_start3A_46 = arith.constant 0 : i32
      %dma_start3A_47 = arith.constant 0 : i32
      %dma_start3A_48 = tpu.memref_slice %arg9[%dma_start3A_46, %dma_start3A_47] : memref<1280x128xf32, #tpu.memory_space<vmem_shared>> -> memref<1280x128xf32, #tpu.memory_space<vmem_shared>>
      tpu.enqueue_indirect_dma source(%dma_start3A_42 : memref<128x128xf32, #tpu.memory_space<vmem>>) target(%dma_start3A_48 : memref<1280x128xf32, #tpu.memory_space<vmem_shared>>) offsets(%dma_start3A_45 : memref<128xi32, #tpu.memory_space<vmem>>) semaphore(%run_scoped3A_40 : memref<!tpu.dma_semaphore, #tpu.memory_space<semaphore_mem>>) {add = true}
      %dma_wait3A = arith.constant 384 : i32
      %dma_wait3A_49 = arith.constant 0 : i32
      %dma_wait3A_50 = tpu.memref_slice %arg7[%dma_wait3A, %dma_wait3A_49] : memref<640x128xf32, #tpu.memory_space<vmem>> -> memref<128x128xf32, #tpu.memory_space<vmem>>
      %dma_wait3A_51 = arith.constant 0 : i32
      %dma_wait3A_52 = tpu.memref_slice %arg8[%run_scoped3A_33, %dma_wait3A_51] : memref<5x128xi32, #tpu.memory_space<vmem>> -> memref<1x128xi32, #tpu.memory_space<vmem>>
      %dma_wait3A_53 = tpu.memref_squeeze %dma_wait3A_52 : memref<1x128xi32, #tpu.memory_space<vmem>> -> memref<128xi32, #tpu.memory_space<vmem>>
      %dma_wait3A_54 = arith.constant 0 : i32
      %dma_wait3A_55 = arith.constant 0 : i32
      %dma_wait3A_56 = tpu.memref_slice %arg9[%dma_wait3A_54, %dma_wait3A_55] : memref<1280x128xf32, #tpu.memory_space<vmem_shared>> -> memref<1280x128xf32, #tpu.memory_space<vmem_shared>>
      tpu.wait_indirect_dma semaphore(%run_scoped3A_40 : memref<!tpu.dma_semaphore, #tpu.memory_space<semaphore_mem>>) src(%dma_wait3A_50 : memref<128x128xf32, #tpu.memory_space<vmem>>) dst(%dma_wait3A_56 : memref<1280x128xf32, #tpu.memory_space<vmem_shared>>)
      tpu.yield
    }) : () -> ()
    %run_scoped3A_34 = arith.constant 4 : i32
    "tpu.region"() ({
      %run_scoped3A_40 = tpu.sem_alloc : memref<!tpu.dma_semaphore, #tpu.memory_space<semaphore_mem>>
      %dma_start3A = arith.constant 0 : i32
      %dma_start3A_41 = tpu.memref_slice %arg8[%run_scoped3A_34, %dma_start3A] : memref<5x128xi32, #tpu.memory_space<vmem>> -> memref<1x128xi32, #tpu.memory_space<vmem>>
      %dma_start3A_42 = tpu.memref_squeeze %dma_start3A_41 : memref<1x128xi32, #tpu.memory_space<vmem>> -> memref<128xi32, #tpu.memory_space<vmem>>
      %dma_start3A_43 = arith.constant 1152 : i32
      %dma_start3A_44 = tpu.memref_slice %arg3[%dma_start3A_43] : memref<1280xi32, #tpu.memory_space<hbm>> -> memref<128xi32, #tpu.memory_space<hbm>>
      %dma_start3A_45 = arith.constant 0 : i32
      %dma_start3A_46 = tpu.memref_slice %arg8[%run_scoped3A_34, %dma_start3A_45] : memref<5x128xi32, #tpu.memory_space<vmem>> -> memref<1x128xi32, #tpu.memory_space<vmem>>
      %dma_start3A_47 = tpu.memref_squeeze %dma_start3A_46 : memref<1x128xi32, #tpu.memory_space<vmem>> -> memref<128xi32, #tpu.memory_space<vmem>>
      %dma_start3A_48 = arith.constant 1152 : i32
      %dma_start3A_49 = tpu.memref_slice %arg3[%dma_start3A_48] : memref<1280xi32, #tpu.memory_space<hbm>> -> memref<128xi32, #tpu.memory_space<hbm>>
      tpu.enqueue_dma source(%dma_start3A_49 : memref<128xi32, #tpu.memory_space<hbm>>) target(%dma_start3A_47 : memref<128xi32, #tpu.memory_space<vmem>>) target_semaphore(%run_scoped3A_40 : memref<!tpu.dma_semaphore, #tpu.memory_space<semaphore_mem>>)
      %dma_wait3A = arith.constant 0 : i32
      %dma_wait3A_50 = tpu.memref_slice %arg8[%run_scoped3A_34, %dma_wait3A] : memref<5x128xi32, #tpu.memory_space<vmem>> -> memref<1x128xi32, #tpu.memory_space<vmem>>
      %dma_wait3A_51 = tpu.memref_squeeze %dma_wait3A_50 : memref<1x128xi32, #tpu.memory_space<vmem>> -> memref<128xi32, #tpu.memory_space<vmem>>
      %dma_wait3A_52 = arith.constant 1152 : i32
      %dma_wait3A_53 = tpu.memref_slice %arg3[%dma_wait3A_52] : memref<1280xi32, #tpu.memory_space<hbm>> -> memref<128xi32, #tpu.memory_space<hbm>>
      %dma_wait3A_54 = arith.constant 0 : i32
      %dma_wait3A_55 = tpu.memref_slice %arg8[%run_scoped3A_34, %dma_wait3A_54] : memref<5x128xi32, #tpu.memory_space<vmem>> -> memref<1x128xi32, #tpu.memory_space<vmem>>
      %dma_wait3A_56 = tpu.memref_squeeze %dma_wait3A_55 : memref<1x128xi32, #tpu.memory_space<vmem>> -> memref<128xi32, #tpu.memory_space<vmem>>
      %dma_wait3A_57 = arith.constant 1152 : i32
      %dma_wait3A_58 = tpu.memref_slice %arg3[%dma_wait3A_57] : memref<1280xi32, #tpu.memory_space<hbm>> -> memref<128xi32, #tpu.memory_space<hbm>>
      tpu.wait_dma2 semaphore(%run_scoped3A_40 : memref<!tpu.dma_semaphore, #tpu.memory_space<semaphore_mem>>) src(%dma_wait3A_58 : memref<128xi32, #tpu.memory_space<hbm>>) dst(%dma_wait3A_56 : memref<128xi32, #tpu.memory_space<vmem>>)
      tpu.yield
    }) : () -> ()
    %run_scoped3A_35 = arith.constant 4 : i32
    "tpu.region"() ({
      %run_scoped3A_40 = tpu.sem_alloc : memref<!tpu.dma_semaphore, #tpu.memory_space<semaphore_mem>>
      %dma_start3A = arith.constant 512 : i32
      %dma_start3A_41 = arith.constant 0 : i32
      %dma_start3A_42 = tpu.memref_slice %arg7[%dma_start3A, %dma_start3A_41] : memref<640x128xf32, #tpu.memory_space<vmem>> -> memref<128x128xf32, #tpu.memory_space<vmem>>
      %dma_start3A_43 = arith.constant 0 : i32
      %dma_start3A_44 = tpu.memref_slice %arg8[%run_scoped3A_35, %dma_start3A_43] : memref<5x128xi32, #tpu.memory_space<vmem>> -> memref<1x128xi32, #tpu.memory_space<vmem>>
      %dma_start3A_45 = tpu.memref_squeeze %dma_start3A_44 : memref<1x128xi32, #tpu.memory_space<vmem>> -> memref<128xi32, #tpu.memory_space<vmem>>
      %dma_start3A_46 = arith.constant 0 : i32
      %dma_start3A_47 = arith.constant 0 : i32
      %dma_start3A_48 = tpu.memref_slice %arg9[%dma_start3A_46, %dma_start3A_47] : memref<1280x128xf32, #tpu.memory_space<vmem_shared>> -> memref<1280x128xf32, #tpu.memory_space<vmem_shared>>
      tpu.enqueue_indirect_dma source(%dma_start3A_42 : memref<128x128xf32, #tpu.memory_space<vmem>>) target(%dma_start3A_48 : memref<1280x128xf32, #tpu.memory_space<vmem_shared>>) offsets(%dma_start3A_45 : memref<128xi32, #tpu.memory_space<vmem>>) semaphore(%run_scoped3A_40 : memref<!tpu.dma_semaphore, #tpu.memory_space<semaphore_mem>>) {add = true}
      %dma_wait3A = arith.constant 512 : i32
      %dma_wait3A_49 = arith.constant 0 : i32
      %dma_wait3A_50 = tpu.memref_slice %arg7[%dma_wait3A, %dma_wait3A_49] : memref<640x128xf32, #tpu.memory_space<vmem>> -> memref<128x128xf32, #tpu.memory_space<vmem>>
      %dma_wait3A_51 = arith.constant 0 : i32
      %dma_wait3A_52 = tpu.memref_slice %arg8[%run_scoped3A_35, %dma_wait3A_51] : memref<5x128xi32, #tpu.memory_space<vmem>> -> memref<1x128xi32, #tpu.memory_space<vmem>>
      %dma_wait3A_53 = tpu.memref_squeeze %dma_wait3A_52 : memref<1x128xi32, #tpu.memory_space<vmem>> -> memref<128xi32, #tpu.memory_space<vmem>>
      %dma_wait3A_54 = arith.constant 0 : i32
      %dma_wait3A_55 = arith.constant 0 : i32
      %dma_wait3A_56 = tpu.memref_slice %arg9[%dma_wait3A_54, %dma_wait3A_55] : memref<1280x128xf32, #tpu.memory_space<vmem_shared>> -> memref<1280x128xf32, #tpu.memory_space<vmem_shared>>
      tpu.wait_indirect_dma semaphore(%run_scoped3A_40 : memref<!tpu.dma_semaphore, #tpu.memory_space<semaphore_mem>>) src(%dma_wait3A_50 : memref<128x128xf32, #tpu.memory_space<vmem>>) dst(%dma_wait3A_56 : memref<1280x128xf32, #tpu.memory_space<vmem_shared>>)
      tpu.yield
    }) : () -> ()
    %barrier3A_36 = arith.constant 0 : index
    tpu.barrier barrier_id(%barrier3A_36)
    "tpu.region"() ({
      %run_scoped3A_40 = tpu.sem_alloc : memref<!tpu.dma_semaphore, #tpu.memory_space<semaphore_mem>>
      %dma_start3A = arith.constant 0 : i32
      %dma_start3A_41 = arith.constant 0 : i32
      %dma_start3A_42 = tpu.memref_slice %arg7[%dma_start3A, %dma_start3A_41] : memref<640x128xf32, #tpu.memory_space<vmem>> -> memref<80x128xf32, #tpu.memory_space<vmem>>
      %dma_start3A_43 = arith.constant 0 : i32
      %dma_start3A_44 = tpu.memref_slice %arg9[%mul3A_4, %dma_start3A_43] : memref<1280x128xf32, #tpu.memory_space<vmem_shared>> -> memref<80x128xf32, #tpu.memory_space<vmem_shared>>
      %dma_start3A_45 = arith.constant 0 : i32
      %dma_start3A_46 = arith.constant 0 : i32
      %dma_start3A_47 = tpu.memref_slice %arg7[%dma_start3A_45, %dma_start3A_46] : memref<640x128xf32, #tpu.memory_space<vmem>> -> memref<80x128xf32, #tpu.memory_space<vmem>>
      %dma_start3A_48 = arith.constant 0 : i32
      %dma_start3A_49 = tpu.memref_slice %arg9[%mul3A_4, %dma_start3A_48] : memref<1280x128xf32, #tpu.memory_space<vmem_shared>> -> memref<80x128xf32, #tpu.memory_space<vmem_shared>>
      tpu.enqueue_dma source(%dma_start3A_49 : memref<80x128xf32, #tpu.memory_space<vmem_shared>>) target(%dma_start3A_47 : memref<80x128xf32, #tpu.memory_space<vmem>>) target_semaphore(%run_scoped3A_40 : memref<!tpu.dma_semaphore, #tpu.memory_space<semaphore_mem>>)
      %dma_wait3A = arith.constant 0 : i32
      %dma_wait3A_50 = arith.constant 0 : i32
      %dma_wait3A_51 = tpu.memref_slice %arg7[%dma_wait3A, %dma_wait3A_50] : memref<640x128xf32, #tpu.memory_space<vmem>> -> memref<80x128xf32, #tpu.memory_space<vmem>>
      %dma_wait3A_52 = arith.constant 0 : i32
      %dma_wait3A_53 = tpu.memref_slice %arg9[%mul3A_4, %dma_wait3A_52] : memref<1280x128xf32, #tpu.memory_space<vmem_shared>> -> memref<80x128xf32, #tpu.memory_space<vmem_shared>>
      %dma_wait3A_54 = arith.constant 0 : i32
      %dma_wait3A_55 = arith.constant 0 : i32
      %dma_wait3A_56 = tpu.memref_slice %arg7[%dma_wait3A_54, %dma_wait3A_55] : memref<640x128xf32, #tpu.memory_space<vmem>> -> memref<80x128xf32, #tpu.memory_space<vmem>>
      %dma_wait3A_57 = arith.constant 0 : i32
      %dma_wait3A_58 = tpu.memref_slice %arg9[%mul3A_4, %dma_wait3A_57] : memref<1280x128xf32, #tpu.memory_space<vmem_shared>> -> memref<80x128xf32, #tpu.memory_space<vmem_shared>>
      tpu.wait_dma2 semaphore(%run_scoped3A_40 : memref<!tpu.dma_semaphore, #tpu.memory_space<semaphore_mem>>) src(%dma_wait3A_58 : memref<80x128xf32, #tpu.memory_space<vmem_shared>>) dst(%dma_wait3A_56 : memref<80x128xf32, #tpu.memory_space<vmem>>)
      tpu.yield
    }) : () -> ()
    %mul3A_37 = arith.constant 1280 : i32
    %mul3A_38 = arith.muli %arg0, %mul3A_37 : i32
    %add3A_39 = arith.addi %mul3A_38, %mul3A_4 : i32
    "tpu.region"() ({
      %run_scoped3A_40 = tpu.sem_alloc : memref<!tpu.dma_semaphore, #tpu.memory_space<semaphore_mem>>
      %dma_start3A = arith.constant 0 : i32
      %dma_start3A_41 = arith.constant 0 : i32
      %dma_start3A_42 = tpu.memref_slice %arg7[%dma_start3A, %dma_start3A_41] : memref<640x128xf32, #tpu.memory_space<vmem>> -> memref<80x128xf32, #tpu.memory_space<vmem>>
      %dma_start3A_43 = arith.constant 0 : i32
      %dma_start3A_44 = tpu.memref_slice %arg5[%add3A_39, %dma_start3A_43] : memref<2560x128xf32, #tpu.memory_space<hbm>> -> memref<80x128xf32, #tpu.memory_space<hbm>>
      %dma_start3A_45 = arith.constant 0 : i32
      %dma_start3A_46 = tpu.memref_slice %arg5[%add3A_39, %dma_start3A_45] : memref<2560x128xf32, #tpu.memory_space<hbm>> -> memref<80x128xf32, #tpu.memory_space<hbm>>
      %dma_start3A_47 = arith.constant 0 : i32
      %dma_start3A_48 = arith.constant 0 : i32
      %dma_start3A_49 = tpu.memref_slice %arg7[%dma_start3A_47, %dma_start3A_48] : memref<640x128xf32, #tpu.memory_space<vmem>> -> memref<80x128xf32, #tpu.memory_space<vmem>>
      tpu.enqueue_dma source(%dma_start3A_49 : memref<80x128xf32, #tpu.memory_space<vmem>>) target(%dma_start3A_46 : memref<80x128xf32, #tpu.memory_space<hbm>>) target_semaphore(%run_scoped3A_40 : memref<!tpu.dma_semaphore, #tpu.memory_space<semaphore_mem>>)
      %dma_wait3A = arith.constant 0 : i32
      %dma_wait3A_50 = arith.constant 0 : i32
      %dma_wait3A_51 = tpu.memref_slice %arg7[%dma_wait3A, %dma_wait3A_50] : memref<640x128xf32, #tpu.memory_space<vmem>> -> memref<80x128xf32, #tpu.memory_space<vmem>>
      %dma_wait3A_52 = arith.constant 0 : i32
      %dma_wait3A_53 = tpu.memref_slice %arg5[%add3A_39, %dma_wait3A_52] : memref<2560x128xf32, #tpu.memory_space<hbm>> -> memref<80x128xf32, #tpu.memory_space<hbm>>
      %dma_wait3A_54 = arith.constant 0 : i32
      %dma_wait3A_55 = tpu.memref_slice %arg5[%add3A_39, %dma_wait3A_54] : memref<2560x128xf32, #tpu.memory_space<hbm>> -> memref<80x128xf32, #tpu.memory_space<hbm>>
      %dma_wait3A_56 = arith.constant 0 : i32
      %dma_wait3A_57 = arith.constant 0 : i32
      %dma_wait3A_58 = tpu.memref_slice %arg7[%dma_wait3A_56, %dma_wait3A_57] : memref<640x128xf32, #tpu.memory_space<vmem>> -> memref<80x128xf32, #tpu.memory_space<vmem>>
      tpu.wait_dma2 semaphore(%run_scoped3A_40 : memref<!tpu.dma_semaphore, #tpu.memory_space<semaphore_mem>>) src(%dma_wait3A_58 : memref<80x128xf32, #tpu.memory_space<vmem>>) dst(%dma_wait3A_55 : memref<80x128xf32, #tpu.memory_space<hbm>>)
      tpu.yield
    }) : () -> ()
    return
  }
}

#map = affine_map<(d0, d1) -> (0, 0)>
#map1 = affine_map<(d0, d1) -> (0, 0, 0)>
module attributes {stable_mosaic.version = 14 : i64} {
  func.func @_sc_scatter(%arg0: i32, %arg1: i32, %arg2: memref<10000x128xf32, #tpu.memory_space<hbm>>, %arg3: memref<32x80x128xi32, #tpu.memory_space<hbm>>, %arg4: memref<32x80x128xi32, #tpu.memory_space<hbm>>, %arg5: memref<128x128xf32, #tpu.memory_space<hbm>>, %arg6: memref<20000x128xf32, #tpu.memory_space<hbm>>, %arg7: memref<40x128xi32, #tpu.memory_space<vmem>>, %arg8: memref<40x128xi32, #tpu.memory_space<vmem>>, %arg9: memref<2x128x128xf32, #tpu.memory_space<vmem>>, %arg10: memref<10128x128xf32, #tpu.memory_space<vmem_shared>>, %arg11: memref<!tpu.dma_semaphore, #tpu.memory_space<semaphore_mem>>, %arg12: memref<!tpu.dma_semaphore, #tpu.memory_space<semaphore_mem>>) attributes {dimension_semantics = [#tpu.dimension_semantics<core_parallel>, #tpu.dimension_semantics<subcore_parallel>], iteration_bounds = array<i64: 2, 16>, scalar_prefetch = 0 : i64, scratch_operands = 6 : i64, tpu.core_type = #tpu.core_type<sc_vector_subcore>, window_params = [{transform_indices = #map}, {transform_indices = #map1}, {transform_indices = #map1}, {transform_indices = #map}, {transform_indices = #map}]} {
    %mul3A = arith.constant 16 : i32
    %mul3A_0 = arith.muli %arg0, %mul3A : i32
    %add3A = arith.addi %mul3A_0, %arg1 : i32
    %mul3A_1 = arith.constant 624 : i32
    %mul3A_2 = arith.muli %arg1, %mul3A_1 : i32
    %run_scoped3A = arith.constant 0 : i32
    "tpu.region"() ({
      %run_scoped3A_142 = tpu.sem_alloc : memref<!tpu.dma_semaphore, #tpu.memory_space<semaphore_mem>>
      %dma_start3A_143 = arith.constant 0 : i32
      %dma_start3A_144 = arith.constant 0 : i32
      %dma_start3A_145 = tpu.memref_slice %arg9[%run_scoped3A, %dma_start3A_143, %dma_start3A_144] : memref<2x128x128xf32, #tpu.memory_space<vmem>> -> memref<1x128x128xf32, #tpu.memory_space<vmem>>
      %dma_start3A_146 = tpu.memref_squeeze %dma_start3A_145 : memref<1x128x128xf32, #tpu.memory_space<vmem>> -> memref<128x128xf32, #tpu.memory_space<vmem>>
      %dma_start3A_147 = arith.constant 0 : i32
      %dma_start3A_148 = arith.constant 0 : i32
      %dma_start3A_149 = tpu.memref_slice %arg9[%run_scoped3A, %dma_start3A_147, %dma_start3A_148] : memref<2x128x128xf32, #tpu.memory_space<vmem>> -> memref<1x128x128xf32, #tpu.memory_space<vmem>>
      %dma_start3A_150 = tpu.memref_squeeze %dma_start3A_149 : memref<1x128x128xf32, #tpu.memory_space<vmem>> -> memref<128x128xf32, #tpu.memory_space<vmem>>
      tpu.enqueue_dma source(%arg5 : memref<128x128xf32, #tpu.memory_space<hbm>>) target(%dma_start3A_150 : memref<128x128xf32, #tpu.memory_space<vmem>>) target_semaphore(%run_scoped3A_142 : memref<!tpu.dma_semaphore, #tpu.memory_space<semaphore_mem>>)
      %dma_wait3A_151 = arith.constant 0 : i32
      %dma_wait3A_152 = arith.constant 0 : i32
      %dma_wait3A_153 = tpu.memref_slice %arg9[%run_scoped3A, %dma_wait3A_151, %dma_wait3A_152] : memref<2x128x128xf32, #tpu.memory_space<vmem>> -> memref<1x128x128xf32, #tpu.memory_space<vmem>>
      %dma_wait3A_154 = tpu.memref_squeeze %dma_wait3A_153 : memref<1x128x128xf32, #tpu.memory_space<vmem>> -> memref<128x128xf32, #tpu.memory_space<vmem>>
      %dma_wait3A_155 = arith.constant 0 : i32
      %dma_wait3A_156 = arith.constant 0 : i32
      %dma_wait3A_157 = tpu.memref_slice %arg9[%run_scoped3A, %dma_wait3A_155, %dma_wait3A_156] : memref<2x128x128xf32, #tpu.memory_space<vmem>> -> memref<1x128x128xf32, #tpu.memory_space<vmem>>
      %dma_wait3A_158 = tpu.memref_squeeze %dma_wait3A_157 : memref<1x128x128xf32, #tpu.memory_space<vmem>> -> memref<128x128xf32, #tpu.memory_space<vmem>>
      tpu.wait_dma2 semaphore(%run_scoped3A_142 : memref<!tpu.dma_semaphore, #tpu.memory_space<semaphore_mem>>) src(%arg5 : memref<128x128xf32, #tpu.memory_space<hbm>>) dst(%dma_wait3A_158 : memref<128x128xf32, #tpu.memory_space<vmem>>)
      tpu.yield
    }) : () -> ()
    %add3A_3 = arith.constant 0 : i32
    %add3A_4 = arith.addi %mul3A_2, %add3A_3 : i32
    %run_scoped3A_5 = arith.constant 0 : i32
    "tpu.region"() ({
      %run_scoped3A_142 = tpu.sem_alloc : memref<!tpu.dma_semaphore, #tpu.memory_space<semaphore_mem>>
      %dma_start3A_143 = arith.constant 0 : i32
      %dma_start3A_144 = arith.constant 0 : i32
      %dma_start3A_145 = tpu.memref_slice %arg9[%run_scoped3A_5, %dma_start3A_143, %dma_start3A_144] : memref<2x128x128xf32, #tpu.memory_space<vmem>> -> memref<1x128x128xf32, #tpu.memory_space<vmem>>
      %dma_start3A_146 = tpu.memref_squeeze %dma_start3A_145 : memref<1x128x128xf32, #tpu.memory_space<vmem>> -> memref<128x128xf32, #tpu.memory_space<vmem>>
      %dma_start3A_147 = arith.constant 0 : i32
      %dma_start3A_148 = tpu.memref_slice %arg10[%add3A_4, %dma_start3A_147] : memref<10128x128xf32, #tpu.memory_space<vmem_shared>> -> memref<128x128xf32, #tpu.memory_space<vmem_shared>>
      %dma_start3A_149 = arith.constant 0 : i32
      %dma_start3A_150 = tpu.memref_slice %arg10[%add3A_4, %dma_start3A_149] : memref<10128x128xf32, #tpu.memory_space<vmem_shared>> -> memref<128x128xf32, #tpu.memory_space<vmem_shared>>
      %dma_start3A_151 = arith.constant 0 : i32
      %dma_start3A_152 = arith.constant 0 : i32
      %dma_start3A_153 = tpu.memref_slice %arg9[%run_scoped3A_5, %dma_start3A_151, %dma_start3A_152] : memref<2x128x128xf32, #tpu.memory_space<vmem>> -> memref<1x128x128xf32, #tpu.memory_space<vmem>>
      %dma_start3A_154 = tpu.memref_squeeze %dma_start3A_153 : memref<1x128x128xf32, #tpu.memory_space<vmem>> -> memref<128x128xf32, #tpu.memory_space<vmem>>
      tpu.enqueue_dma source(%dma_start3A_154 : memref<128x128xf32, #tpu.memory_space<vmem>>) target(%dma_start3A_150 : memref<128x128xf32, #tpu.memory_space<vmem_shared>>) target_semaphore(%run_scoped3A_142 : memref<!tpu.dma_semaphore, #tpu.memory_space<semaphore_mem>>)
      %dma_wait3A_155 = arith.constant 0 : i32
      %dma_wait3A_156 = arith.constant 0 : i32
      %dma_wait3A_157 = tpu.memref_slice %arg9[%run_scoped3A_5, %dma_wait3A_155, %dma_wait3A_156] : memref<2x128x128xf32, #tpu.memory_space<vmem>> -> memref<1x128x128xf32, #tpu.memory_space<vmem>>
      %dma_wait3A_158 = tpu.memref_squeeze %dma_wait3A_157 : memref<1x128x128xf32, #tpu.memory_space<vmem>> -> memref<128x128xf32, #tpu.memory_space<vmem>>
      %dma_wait3A_159 = arith.constant 0 : i32
      %dma_wait3A_160 = tpu.memref_slice %arg10[%add3A_4, %dma_wait3A_159] : memref<10128x128xf32, #tpu.memory_space<vmem_shared>> -> memref<128x128xf32, #tpu.memory_space<vmem_shared>>
      %dma_wait3A_161 = arith.constant 0 : i32
      %dma_wait3A_162 = tpu.memref_slice %arg10[%add3A_4, %dma_wait3A_161] : memref<10128x128xf32, #tpu.memory_space<vmem_shared>> -> memref<128x128xf32, #tpu.memory_space<vmem_shared>>
      %dma_wait3A_163 = arith.constant 0 : i32
      %dma_wait3A_164 = arith.constant 0 : i32
      %dma_wait3A_165 = tpu.memref_slice %arg9[%run_scoped3A_5, %dma_wait3A_163, %dma_wait3A_164] : memref<2x128x128xf32, #tpu.memory_space<vmem>> -> memref<1x128x128xf32, #tpu.memory_space<vmem>>
      %dma_wait3A_166 = tpu.memref_squeeze %dma_wait3A_165 : memref<1x128x128xf32, #tpu.memory_space<vmem>> -> memref<128x128xf32, #tpu.memory_space<vmem>>
      tpu.wait_dma2 semaphore(%run_scoped3A_142 : memref<!tpu.dma_semaphore, #tpu.memory_space<semaphore_mem>>) src(%dma_wait3A_166 : memref<128x128xf32, #tpu.memory_space<vmem>>) dst(%dma_wait3A_162 : memref<128x128xf32, #tpu.memory_space<vmem_shared>>)
      tpu.yield
    }) : () -> ()
    %add3A_6 = arith.constant 128 : i32
    %add3A_7 = arith.addi %mul3A_2, %add3A_6 : i32
    %run_scoped3A_8 = arith.constant 0 : i32
    "tpu.region"() ({
      %run_scoped3A_142 = tpu.sem_alloc : memref<!tpu.dma_semaphore, #tpu.memory_space<semaphore_mem>>
      %dma_start3A_143 = arith.constant 0 : i32
      %dma_start3A_144 = arith.constant 0 : i32
      %dma_start3A_145 = tpu.memref_slice %arg9[%run_scoped3A_8, %dma_start3A_143, %dma_start3A_144] : memref<2x128x128xf32, #tpu.memory_space<vmem>> -> memref<1x128x128xf32, #tpu.memory_space<vmem>>
      %dma_start3A_146 = tpu.memref_squeeze %dma_start3A_145 : memref<1x128x128xf32, #tpu.memory_space<vmem>> -> memref<128x128xf32, #tpu.memory_space<vmem>>
      %dma_start3A_147 = arith.constant 0 : i32
      %dma_start3A_148 = tpu.memref_slice %arg10[%add3A_7, %dma_start3A_147] : memref<10128x128xf32, #tpu.memory_space<vmem_shared>> -> memref<128x128xf32, #tpu.memory_space<vmem_shared>>
      %dma_start3A_149 = arith.constant 0 : i32
      %dma_start3A_150 = tpu.memref_slice %arg10[%add3A_7, %dma_start3A_149] : memref<10128x128xf32, #tpu.memory_space<vmem_shared>> -> memref<128x128xf32, #tpu.memory_space<vmem_shared>>
      %dma_start3A_151 = arith.constant 0 : i32
      %dma_start3A_152 = arith.constant 0 : i32
      %dma_start3A_153 = tpu.memref_slice %arg9[%run_scoped3A_8, %dma_start3A_151, %dma_start3A_152] : memref<2x128x128xf32, #tpu.memory_space<vmem>> -> memref<1x128x128xf32, #tpu.memory_space<vmem>>
      %dma_start3A_154 = tpu.memref_squeeze %dma_start3A_153 : memref<1x128x128xf32, #tpu.memory_space<vmem>> -> memref<128x128xf32, #tpu.memory_space<vmem>>
      tpu.enqueue_dma source(%dma_start3A_154 : memref<128x128xf32, #tpu.memory_space<vmem>>) target(%dma_start3A_150 : memref<128x128xf32, #tpu.memory_space<vmem_shared>>) target_semaphore(%run_scoped3A_142 : memref<!tpu.dma_semaphore, #tpu.memory_space<semaphore_mem>>)
      %dma_wait3A_155 = arith.constant 0 : i32
      %dma_wait3A_156 = arith.constant 0 : i32
      %dma_wait3A_157 = tpu.memref_slice %arg9[%run_scoped3A_8, %dma_wait3A_155, %dma_wait3A_156] : memref<2x128x128xf32, #tpu.memory_space<vmem>> -> memref<1x128x128xf32, #tpu.memory_space<vmem>>
      %dma_wait3A_158 = tpu.memref_squeeze %dma_wait3A_157 : memref<1x128x128xf32, #tpu.memory_space<vmem>> -> memref<128x128xf32, #tpu.memory_space<vmem>>
      %dma_wait3A_159 = arith.constant 0 : i32
      %dma_wait3A_160 = tpu.memref_slice %arg10[%add3A_7, %dma_wait3A_159] : memref<10128x128xf32, #tpu.memory_space<vmem_shared>> -> memref<128x128xf32, #tpu.memory_space<vmem_shared>>
      %dma_wait3A_161 = arith.constant 0 : i32
      %dma_wait3A_162 = tpu.memref_slice %arg10[%add3A_7, %dma_wait3A_161] : memref<10128x128xf32, #tpu.memory_space<vmem_shared>> -> memref<128x128xf32, #tpu.memory_space<vmem_shared>>
      %dma_wait3A_163 = arith.constant 0 : i32
      %dma_wait3A_164 = arith.constant 0 : i32
      %dma_wait3A_165 = tpu.memref_slice %arg9[%run_scoped3A_8, %dma_wait3A_163, %dma_wait3A_164] : memref<2x128x128xf32, #tpu.memory_space<vmem>> -> memref<1x128x128xf32, #tpu.memory_space<vmem>>
      %dma_wait3A_166 = tpu.memref_squeeze %dma_wait3A_165 : memref<1x128x128xf32, #tpu.memory_space<vmem>> -> memref<128x128xf32, #tpu.memory_space<vmem>>
      tpu.wait_dma2 semaphore(%run_scoped3A_142 : memref<!tpu.dma_semaphore, #tpu.memory_space<semaphore_mem>>) src(%dma_wait3A_166 : memref<128x128xf32, #tpu.memory_space<vmem>>) dst(%dma_wait3A_162 : memref<128x128xf32, #tpu.memory_space<vmem_shared>>)
      tpu.yield
    }) : () -> ()
    %add3A_9 = arith.constant 256 : i32
    %add3A_10 = arith.addi %mul3A_2, %add3A_9 : i32
    %run_scoped3A_11 = arith.constant 0 : i32
    "tpu.region"() ({
      %run_scoped3A_142 = tpu.sem_alloc : memref<!tpu.dma_semaphore, #tpu.memory_space<semaphore_mem>>
      %dma_start3A_143 = arith.constant 0 : i32
      %dma_start3A_144 = arith.constant 0 : i32
      %dma_start3A_145 = tpu.memref_slice %arg9[%run_scoped3A_11, %dma_start3A_143, %dma_start3A_144] : memref<2x128x128xf32, #tpu.memory_space<vmem>> -> memref<1x128x128xf32, #tpu.memory_space<vmem>>
      %dma_start3A_146 = tpu.memref_squeeze %dma_start3A_145 : memref<1x128x128xf32, #tpu.memory_space<vmem>> -> memref<128x128xf32, #tpu.memory_space<vmem>>
      %dma_start3A_147 = arith.constant 0 : i32
      %dma_start3A_148 = tpu.memref_slice %arg10[%add3A_10, %dma_start3A_147] : memref<10128x128xf32, #tpu.memory_space<vmem_shared>> -> memref<128x128xf32, #tpu.memory_space<vmem_shared>>
      %dma_start3A_149 = arith.constant 0 : i32
      %dma_start3A_150 = tpu.memref_slice %arg10[%add3A_10, %dma_start3A_149] : memref<10128x128xf32, #tpu.memory_space<vmem_shared>> -> memref<128x128xf32, #tpu.memory_space<vmem_shared>>
      %dma_start3A_151 = arith.constant 0 : i32
      %dma_start3A_152 = arith.constant 0 : i32
      %dma_start3A_153 = tpu.memref_slice %arg9[%run_scoped3A_11, %dma_start3A_151, %dma_start3A_152] : memref<2x128x128xf32, #tpu.memory_space<vmem>> -> memref<1x128x128xf32, #tpu.memory_space<vmem>>
      %dma_start3A_154 = tpu.memref_squeeze %dma_start3A_153 : memref<1x128x128xf32, #tpu.memory_space<vmem>> -> memref<128x128xf32, #tpu.memory_space<vmem>>
      tpu.enqueue_dma source(%dma_start3A_154 : memref<128x128xf32, #tpu.memory_space<vmem>>) target(%dma_start3A_150 : memref<128x128xf32, #tpu.memory_space<vmem_shared>>) target_semaphore(%run_scoped3A_142 : memref<!tpu.dma_semaphore, #tpu.memory_space<semaphore_mem>>)
      %dma_wait3A_155 = arith.constant 0 : i32
      %dma_wait3A_156 = arith.constant 0 : i32
      %dma_wait3A_157 = tpu.memref_slice %arg9[%run_scoped3A_11, %dma_wait3A_155, %dma_wait3A_156] : memref<2x128x128xf32, #tpu.memory_space<vmem>> -> memref<1x128x128xf32, #tpu.memory_space<vmem>>
      %dma_wait3A_158 = tpu.memref_squeeze %dma_wait3A_157 : memref<1x128x128xf32, #tpu.memory_space<vmem>> -> memref<128x128xf32, #tpu.memory_space<vmem>>
      %dma_wait3A_159 = arith.constant 0 : i32
      %dma_wait3A_160 = tpu.memref_slice %arg10[%add3A_10, %dma_wait3A_159] : memref<10128x128xf32, #tpu.memory_space<vmem_shared>> -> memref<128x128xf32, #tpu.memory_space<vmem_shared>>
      %dma_wait3A_161 = arith.constant 0 : i32
      %dma_wait3A_162 = tpu.memref_slice %arg10[%add3A_10, %dma_wait3A_161] : memref<10128x128xf32, #tpu.memory_space<vmem_shared>> -> memref<128x128xf32, #tpu.memory_space<vmem_shared>>
      %dma_wait3A_163 = arith.constant 0 : i32
      %dma_wait3A_164 = arith.constant 0 : i32
      %dma_wait3A_165 = tpu.memref_slice %arg9[%run_scoped3A_11, %dma_wait3A_163, %dma_wait3A_164] : memref<2x128x128xf32, #tpu.memory_space<vmem>> -> memref<1x128x128xf32, #tpu.memory_space<vmem>>
      %dma_wait3A_166 = tpu.memref_squeeze %dma_wait3A_165 : memref<1x128x128xf32, #tpu.memory_space<vmem>> -> memref<128x128xf32, #tpu.memory_space<vmem>>
      tpu.wait_dma2 semaphore(%run_scoped3A_142 : memref<!tpu.dma_semaphore, #tpu.memory_space<semaphore_mem>>) src(%dma_wait3A_166 : memref<128x128xf32, #tpu.memory_space<vmem>>) dst(%dma_wait3A_162 : memref<128x128xf32, #tpu.memory_space<vmem_shared>>)
      tpu.yield
    }) : () -> ()
    %add3A_12 = arith.constant 384 : i32
    %add3A_13 = arith.addi %mul3A_2, %add3A_12 : i32
    %run_scoped3A_14 = arith.constant 0 : i32
    "tpu.region"() ({
      %run_scoped3A_142 = tpu.sem_alloc : memref<!tpu.dma_semaphore, #tpu.memory_space<semaphore_mem>>
      %dma_start3A_143 = arith.constant 0 : i32
      %dma_start3A_144 = arith.constant 0 : i32
      %dma_start3A_145 = tpu.memref_slice %arg9[%run_scoped3A_14, %dma_start3A_143, %dma_start3A_144] : memref<2x128x128xf32, #tpu.memory_space<vmem>> -> memref<1x128x128xf32, #tpu.memory_space<vmem>>
      %dma_start3A_146 = tpu.memref_squeeze %dma_start3A_145 : memref<1x128x128xf32, #tpu.memory_space<vmem>> -> memref<128x128xf32, #tpu.memory_space<vmem>>
      %dma_start3A_147 = arith.constant 0 : i32
      %dma_start3A_148 = tpu.memref_slice %arg10[%add3A_13, %dma_start3A_147] : memref<10128x128xf32, #tpu.memory_space<vmem_shared>> -> memref<128x128xf32, #tpu.memory_space<vmem_shared>>
      %dma_start3A_149 = arith.constant 0 : i32
      %dma_start3A_150 = tpu.memref_slice %arg10[%add3A_13, %dma_start3A_149] : memref<10128x128xf32, #tpu.memory_space<vmem_shared>> -> memref<128x128xf32, #tpu.memory_space<vmem_shared>>
      %dma_start3A_151 = arith.constant 0 : i32
      %dma_start3A_152 = arith.constant 0 : i32
      %dma_start3A_153 = tpu.memref_slice %arg9[%run_scoped3A_14, %dma_start3A_151, %dma_start3A_152] : memref<2x128x128xf32, #tpu.memory_space<vmem>> -> memref<1x128x128xf32, #tpu.memory_space<vmem>>
      %dma_start3A_154 = tpu.memref_squeeze %dma_start3A_153 : memref<1x128x128xf32, #tpu.memory_space<vmem>> -> memref<128x128xf32, #tpu.memory_space<vmem>>
      tpu.enqueue_dma source(%dma_start3A_154 : memref<128x128xf32, #tpu.memory_space<vmem>>) target(%dma_start3A_150 : memref<128x128xf32, #tpu.memory_space<vmem_shared>>) target_semaphore(%run_scoped3A_142 : memref<!tpu.dma_semaphore, #tpu.memory_space<semaphore_mem>>)
      %dma_wait3A_155 = arith.constant 0 : i32
      %dma_wait3A_156 = arith.constant 0 : i32
      %dma_wait3A_157 = tpu.memref_slice %arg9[%run_scoped3A_14, %dma_wait3A_155, %dma_wait3A_156] : memref<2x128x128xf32, #tpu.memory_space<vmem>> -> memref<1x128x128xf32, #tpu.memory_space<vmem>>
      %dma_wait3A_158 = tpu.memref_squeeze %dma_wait3A_157 : memref<1x128x128xf32, #tpu.memory_space<vmem>> -> memref<128x128xf32, #tpu.memory_space<vmem>>
      %dma_wait3A_159 = arith.constant 0 : i32
      %dma_wait3A_160 = tpu.memref_slice %arg10[%add3A_13, %dma_wait3A_159] : memref<10128x128xf32, #tpu.memory_space<vmem_shared>> -> memref<128x128xf32, #tpu.memory_space<vmem_shared>>
      %dma_wait3A_161 = arith.constant 0 : i32
      %dma_wait3A_162 = tpu.memref_slice %arg10[%add3A_13, %dma_wait3A_161] : memref<10128x128xf32, #tpu.memory_space<vmem_shared>> -> memref<128x128xf32, #tpu.memory_space<vmem_shared>>
      %dma_wait3A_163 = arith.constant 0 : i32
      %dma_wait3A_164 = arith.constant 0 : i32
      %dma_wait3A_165 = tpu.memref_slice %arg9[%run_scoped3A_14, %dma_wait3A_163, %dma_wait3A_164] : memref<2x128x128xf32, #tpu.memory_space<vmem>> -> memref<1x128x128xf32, #tpu.memory_space<vmem>>
      %dma_wait3A_166 = tpu.memref_squeeze %dma_wait3A_165 : memref<1x128x128xf32, #tpu.memory_space<vmem>> -> memref<128x128xf32, #tpu.memory_space<vmem>>
      tpu.wait_dma2 semaphore(%run_scoped3A_142 : memref<!tpu.dma_semaphore, #tpu.memory_space<semaphore_mem>>) src(%dma_wait3A_166 : memref<128x128xf32, #tpu.memory_space<vmem>>) dst(%dma_wait3A_162 : memref<128x128xf32, #tpu.memory_space<vmem_shared>>)
      tpu.yield
    }) : () -> ()
    %add3A_15 = arith.constant 512 : i32
    %add3A_16 = arith.addi %mul3A_2, %add3A_15 : i32
    %run_scoped3A_17 = arith.constant 0 : i32
    "tpu.region"() ({
      %run_scoped3A_142 = tpu.sem_alloc : memref<!tpu.dma_semaphore, #tpu.memory_space<semaphore_mem>>
      %dma_start3A_143 = arith.constant 0 : i32
      %dma_start3A_144 = arith.constant 0 : i32
      %dma_start3A_145 = tpu.memref_slice %arg9[%run_scoped3A_17, %dma_start3A_143, %dma_start3A_144] : memref<2x128x128xf32, #tpu.memory_space<vmem>> -> memref<1x112x128xf32, #tpu.memory_space<vmem>>
      %dma_start3A_146 = tpu.memref_squeeze %dma_start3A_145 : memref<1x112x128xf32, #tpu.memory_space<vmem>> -> memref<112x128xf32, #tpu.memory_space<vmem>>
      %dma_start3A_147 = arith.constant 0 : i32
      %dma_start3A_148 = tpu.memref_slice %arg10[%add3A_16, %dma_start3A_147] : memref<10128x128xf32, #tpu.memory_space<vmem_shared>> -> memref<112x128xf32, #tpu.memory_space<vmem_shared>>
      %dma_start3A_149 = arith.constant 0 : i32
      %dma_start3A_150 = tpu.memref_slice %arg10[%add3A_16, %dma_start3A_149] : memref<10128x128xf32, #tpu.memory_space<vmem_shared>> -> memref<112x128xf32, #tpu.memory_space<vmem_shared>>
      %dma_start3A_151 = arith.constant 0 : i32
      %dma_start3A_152 = arith.constant 0 : i32
      %dma_start3A_153 = tpu.memref_slice %arg9[%run_scoped3A_17, %dma_start3A_151, %dma_start3A_152] : memref<2x128x128xf32, #tpu.memory_space<vmem>> -> memref<1x112x128xf32, #tpu.memory_space<vmem>>
      %dma_start3A_154 = tpu.memref_squeeze %dma_start3A_153 : memref<1x112x128xf32, #tpu.memory_space<vmem>> -> memref<112x128xf32, #tpu.memory_space<vmem>>
      tpu.enqueue_dma source(%dma_start3A_154 : memref<112x128xf32, #tpu.memory_space<vmem>>) target(%dma_start3A_150 : memref<112x128xf32, #tpu.memory_space<vmem_shared>>) target_semaphore(%run_scoped3A_142 : memref<!tpu.dma_semaphore, #tpu.memory_space<semaphore_mem>>)
      %dma_wait3A_155 = arith.constant 0 : i32
      %dma_wait3A_156 = arith.constant 0 : i32
      %dma_wait3A_157 = tpu.memref_slice %arg9[%run_scoped3A_17, %dma_wait3A_155, %dma_wait3A_156] : memref<2x128x128xf32, #tpu.memory_space<vmem>> -> memref<1x112x128xf32, #tpu.memory_space<vmem>>
      %dma_wait3A_158 = tpu.memref_squeeze %dma_wait3A_157 : memref<1x112x128xf32, #tpu.memory_space<vmem>> -> memref<112x128xf32, #tpu.memory_space<vmem>>
      %dma_wait3A_159 = arith.constant 0 : i32
      %dma_wait3A_160 = tpu.memref_slice %arg10[%add3A_16, %dma_wait3A_159] : memref<10128x128xf32, #tpu.memory_space<vmem_shared>> -> memref<112x128xf32, #tpu.memory_space<vmem_shared>>
      %dma_wait3A_161 = arith.constant 0 : i32
      %dma_wait3A_162 = tpu.memref_slice %arg10[%add3A_16, %dma_wait3A_161] : memref<10128x128xf32, #tpu.memory_space<vmem_shared>> -> memref<112x128xf32, #tpu.memory_space<vmem_shared>>
      %dma_wait3A_163 = arith.constant 0 : i32
      %dma_wait3A_164 = arith.constant 0 : i32
      %dma_wait3A_165 = tpu.memref_slice %arg9[%run_scoped3A_17, %dma_wait3A_163, %dma_wait3A_164] : memref<2x128x128xf32, #tpu.memory_space<vmem>> -> memref<1x112x128xf32, #tpu.memory_space<vmem>>
      %dma_wait3A_166 = tpu.memref_squeeze %dma_wait3A_165 : memref<1x112x128xf32, #tpu.memory_space<vmem>> -> memref<112x128xf32, #tpu.memory_space<vmem>>
      tpu.wait_dma2 semaphore(%run_scoped3A_142 : memref<!tpu.dma_semaphore, #tpu.memory_space<semaphore_mem>>) src(%dma_wait3A_166 : memref<112x128xf32, #tpu.memory_space<vmem>>) dst(%dma_wait3A_162 : memref<112x128xf32, #tpu.memory_space<vmem_shared>>)
      tpu.yield
    }) : () -> ()
    %eq3A = arith.constant 15 : i32
    %eq3A_18 = arith.cmpi eq, %arg1, %eq3A : i32
    %convert_element_type3A = arith.extui %eq3A_18 : i1 to i32
    %cond3A = arith.constant 0 : i32
    %cond3A_19 = arith.cmpi ne, %convert_element_type3A, %cond3A : i32
    scf.if %cond3A_19 {
      %run_scoped3A_142 = arith.constant 0 : i32
      "tpu.region"() ({
        %run_scoped3A_143 = tpu.sem_alloc : memref<!tpu.dma_semaphore, #tpu.memory_space<semaphore_mem>>
        %dma_start3A_144 = arith.constant 0 : i32
        %dma_start3A_145 = arith.constant 0 : i32
        %dma_start3A_146 = tpu.memref_slice %arg9[%run_scoped3A_142, %dma_start3A_144, %dma_start3A_145] : memref<2x128x128xf32, #tpu.memory_space<vmem>> -> memref<1x16x128xf32, #tpu.memory_space<vmem>>
        %dma_start3A_147 = tpu.memref_squeeze %dma_start3A_146 : memref<1x16x128xf32, #tpu.memory_space<vmem>> -> memref<16x128xf32, #tpu.memory_space<vmem>>
        %dma_start3A_148 = arith.constant 9984 : i32
        %dma_start3A_149 = arith.constant 0 : i32
        %dma_start3A_150 = tpu.memref_slice %arg10[%dma_start3A_148, %dma_start3A_149] : memref<10128x128xf32, #tpu.memory_space<vmem_shared>> -> memref<16x128xf32, #tpu.memory_space<vmem_shared>>
        %dma_start3A_151 = arith.constant 9984 : i32
        %dma_start3A_152 = arith.constant 0 : i32
        %dma_start3A_153 = tpu.memref_slice %arg10[%dma_start3A_151, %dma_start3A_152] : memref<10128x128xf32, #tpu.memory_space<vmem_shared>> -> memref<16x128xf32, #tpu.memory_space<vmem_shared>>
        %dma_start3A_154 = arith.constant 0 : i32
        %dma_start3A_155 = arith.constant 0 : i32
        %dma_start3A_156 = tpu.memref_slice %arg9[%run_scoped3A_142, %dma_start3A_154, %dma_start3A_155] : memref<2x128x128xf32, #tpu.memory_space<vmem>> -> memref<1x16x128xf32, #tpu.memory_space<vmem>>
        %dma_start3A_157 = tpu.memref_squeeze %dma_start3A_156 : memref<1x16x128xf32, #tpu.memory_space<vmem>> -> memref<16x128xf32, #tpu.memory_space<vmem>>
        tpu.enqueue_dma source(%dma_start3A_157 : memref<16x128xf32, #tpu.memory_space<vmem>>) target(%dma_start3A_153 : memref<16x128xf32, #tpu.memory_space<vmem_shared>>) target_semaphore(%run_scoped3A_143 : memref<!tpu.dma_semaphore, #tpu.memory_space<semaphore_mem>>)
        %dma_wait3A_158 = arith.constant 0 : i32
        %dma_wait3A_159 = arith.constant 0 : i32
        %dma_wait3A_160 = tpu.memref_slice %arg9[%run_scoped3A_142, %dma_wait3A_158, %dma_wait3A_159] : memref<2x128x128xf32, #tpu.memory_space<vmem>> -> memref<1x16x128xf32, #tpu.memory_space<vmem>>
        %dma_wait3A_161 = tpu.memref_squeeze %dma_wait3A_160 : memref<1x16x128xf32, #tpu.memory_space<vmem>> -> memref<16x128xf32, #tpu.memory_space<vmem>>
        %dma_wait3A_162 = arith.constant 9984 : i32
        %dma_wait3A_163 = arith.constant 0 : i32
        %dma_wait3A_164 = tpu.memref_slice %arg10[%dma_wait3A_162, %dma_wait3A_163] : memref<10128x128xf32, #tpu.memory_space<vmem_shared>> -> memref<16x128xf32, #tpu.memory_space<vmem_shared>>
        %dma_wait3A_165 = arith.constant 9984 : i32
        %dma_wait3A_166 = arith.constant 0 : i32
        %dma_wait3A_167 = tpu.memref_slice %arg10[%dma_wait3A_165, %dma_wait3A_166] : memref<10128x128xf32, #tpu.memory_space<vmem_shared>> -> memref<16x128xf32, #tpu.memory_space<vmem_shared>>
        %dma_wait3A_168 = arith.constant 0 : i32
        %dma_wait3A_169 = arith.constant 0 : i32
        %dma_wait3A_170 = tpu.memref_slice %arg9[%run_scoped3A_142, %dma_wait3A_168, %dma_wait3A_169] : memref<2x128x128xf32, #tpu.memory_space<vmem>> -> memref<1x16x128xf32, #tpu.memory_space<vmem>>
        %dma_wait3A_171 = tpu.memref_squeeze %dma_wait3A_170 : memref<1x16x128xf32, #tpu.memory_space<vmem>> -> memref<16x128xf32, #tpu.memory_space<vmem>>
        tpu.wait_dma2 semaphore(%run_scoped3A_143 : memref<!tpu.dma_semaphore, #tpu.memory_space<semaphore_mem>>) src(%dma_wait3A_171 : memref<16x128xf32, #tpu.memory_space<vmem>>) dst(%dma_wait3A_167 : memref<16x128xf32, #tpu.memory_space<vmem_shared>>)
        tpu.yield
      }) : () -> ()
    } else {
    }
    %barrier3A = arith.constant 0 : index
    tpu.barrier barrier_id(%barrier3A)
    "tpu.region"() ({
      %run_scoped3A_142 = tpu.sem_alloc : memref<!tpu.dma_semaphore, #tpu.memory_space<semaphore_mem>>
      %dma_start3A_143 = arith.constant 0 : i32
      %dma_start3A_144 = arith.constant 0 : i32
      %dma_start3A_145 = tpu.memref_slice %arg3[%add3A, %dma_start3A_143, %dma_start3A_144] : memref<32x80x128xi32, #tpu.memory_space<hbm>> -> memref<1x40x128xi32, #tpu.memory_space<hbm>>
      %dma_start3A_146 = tpu.memref_squeeze %dma_start3A_145 : memref<1x40x128xi32, #tpu.memory_space<hbm>> -> memref<40x128xi32, #tpu.memory_space<hbm>>
      %dma_start3A_147 = arith.constant 0 : i32
      %dma_start3A_148 = arith.constant 0 : i32
      %dma_start3A_149 = tpu.memref_slice %arg3[%add3A, %dma_start3A_147, %dma_start3A_148] : memref<32x80x128xi32, #tpu.memory_space<hbm>> -> memref<1x40x128xi32, #tpu.memory_space<hbm>>
      %dma_start3A_150 = tpu.memref_squeeze %dma_start3A_149 : memref<1x40x128xi32, #tpu.memory_space<hbm>> -> memref<40x128xi32, #tpu.memory_space<hbm>>
      tpu.enqueue_dma source(%dma_start3A_150 : memref<40x128xi32, #tpu.memory_space<hbm>>) target(%arg7 : memref<40x128xi32, #tpu.memory_space<vmem>>) target_semaphore(%run_scoped3A_142 : memref<!tpu.dma_semaphore, #tpu.memory_space<semaphore_mem>>)
      %dma_wait3A_151 = arith.constant 0 : i32
      %dma_wait3A_152 = arith.constant 0 : i32
      %dma_wait3A_153 = tpu.memref_slice %arg3[%add3A, %dma_wait3A_151, %dma_wait3A_152] : memref<32x80x128xi32, #tpu.memory_space<hbm>> -> memref<1x40x128xi32, #tpu.memory_space<hbm>>
      %dma_wait3A_154 = tpu.memref_squeeze %dma_wait3A_153 : memref<1x40x128xi32, #tpu.memory_space<hbm>> -> memref<40x128xi32, #tpu.memory_space<hbm>>
      %dma_wait3A_155 = arith.constant 0 : i32
      %dma_wait3A_156 = arith.constant 0 : i32
      %dma_wait3A_157 = tpu.memref_slice %arg3[%add3A, %dma_wait3A_155, %dma_wait3A_156] : memref<32x80x128xi32, #tpu.memory_space<hbm>> -> memref<1x40x128xi32, #tpu.memory_space<hbm>>
      %dma_wait3A_158 = tpu.memref_squeeze %dma_wait3A_157 : memref<1x40x128xi32, #tpu.memory_space<hbm>> -> memref<40x128xi32, #tpu.memory_space<hbm>>
      tpu.wait_dma2 semaphore(%run_scoped3A_142 : memref<!tpu.dma_semaphore, #tpu.memory_space<semaphore_mem>>) src(%dma_wait3A_158 : memref<40x128xi32, #tpu.memory_space<hbm>>) dst(%arg7 : memref<40x128xi32, #tpu.memory_space<vmem>>)
      tpu.yield
    }) : () -> ()
    "tpu.region"() ({
      %run_scoped3A_142 = tpu.sem_alloc : memref<!tpu.dma_semaphore, #tpu.memory_space<semaphore_mem>>
      %dma_start3A_143 = arith.constant 0 : i32
      %dma_start3A_144 = arith.constant 0 : i32
      %dma_start3A_145 = tpu.memref_slice %arg4[%add3A, %dma_start3A_143, %dma_start3A_144] : memref<32x80x128xi32, #tpu.memory_space<hbm>> -> memref<1x40x128xi32, #tpu.memory_space<hbm>>
      %dma_start3A_146 = tpu.memref_squeeze %dma_start3A_145 : memref<1x40x128xi32, #tpu.memory_space<hbm>> -> memref<40x128xi32, #tpu.memory_space<hbm>>
      %dma_start3A_147 = arith.constant 0 : i32
      %dma_start3A_148 = arith.constant 0 : i32
      %dma_start3A_149 = tpu.memref_slice %arg4[%add3A, %dma_start3A_147, %dma_start3A_148] : memref<32x80x128xi32, #tpu.memory_space<hbm>> -> memref<1x40x128xi32, #tpu.memory_space<hbm>>
      %dma_start3A_150 = tpu.memref_squeeze %dma_start3A_149 : memref<1x40x128xi32, #tpu.memory_space<hbm>> -> memref<40x128xi32, #tpu.memory_space<hbm>>
      tpu.enqueue_dma source(%dma_start3A_150 : memref<40x128xi32, #tpu.memory_space<hbm>>) target(%arg8 : memref<40x128xi32, #tpu.memory_space<vmem>>) target_semaphore(%run_scoped3A_142 : memref<!tpu.dma_semaphore, #tpu.memory_space<semaphore_mem>>)
      %dma_wait3A_151 = arith.constant 0 : i32
      %dma_wait3A_152 = arith.constant 0 : i32
      %dma_wait3A_153 = tpu.memref_slice %arg4[%add3A, %dma_wait3A_151, %dma_wait3A_152] : memref<32x80x128xi32, #tpu.memory_space<hbm>> -> memref<1x40x128xi32, #tpu.memory_space<hbm>>
      %dma_wait3A_154 = tpu.memref_squeeze %dma_wait3A_153 : memref<1x40x128xi32, #tpu.memory_space<hbm>> -> memref<40x128xi32, #tpu.memory_space<hbm>>
      %dma_wait3A_155 = arith.constant 0 : i32
      %dma_wait3A_156 = arith.constant 0 : i32
      %dma_wait3A_157 = tpu.memref_slice %arg4[%add3A, %dma_wait3A_155, %dma_wait3A_156] : memref<32x80x128xi32, #tpu.memory_space<hbm>> -> memref<1x40x128xi32, #tpu.memory_space<hbm>>
      %dma_wait3A_158 = tpu.memref_squeeze %dma_wait3A_157 : memref<1x40x128xi32, #tpu.memory_space<hbm>> -> memref<40x128xi32, #tpu.memory_space<hbm>>
      tpu.wait_dma2 semaphore(%run_scoped3A_142 : memref<!tpu.dma_semaphore, #tpu.memory_space<semaphore_mem>>) src(%dma_wait3A_158 : memref<40x128xi32, #tpu.memory_space<hbm>>) dst(%arg8 : memref<40x128xi32, #tpu.memory_space<vmem>>)
      tpu.yield
    }) : () -> ()
    %dma_start3A = arith.constant 0 : i32
    %dma_start3A_20 = arith.constant 0 : i32
    %dma_start3A_21 = arith.constant 0 : i32
    %dma_start3A_22 = arith.constant 0 : i32
    %dma_start3A_23 = tpu.memref_slice %arg9[%dma_start3A_20, %dma_start3A_21, %dma_start3A_22] : memref<2x128x128xf32, #tpu.memory_space<vmem>> -> memref<1x128x128xf32, #tpu.memory_space<vmem>>
    %dma_start3A_24 = tpu.memref_squeeze %dma_start3A_23 : memref<1x128x128xf32, #tpu.memory_space<vmem>> -> memref<128x128xf32, #tpu.memory_space<vmem>>
    %dma_start3A_25 = arith.constant 0 : i32
    %dma_start3A_26 = tpu.memref_slice %arg7[%dma_start3A, %dma_start3A_25] : memref<40x128xi32, #tpu.memory_space<vmem>> -> memref<1x128xi32, #tpu.memory_space<vmem>>
    %dma_start3A_27 = tpu.memref_squeeze %dma_start3A_26 : memref<1x128xi32, #tpu.memory_space<vmem>> -> memref<128xi32, #tpu.memory_space<vmem>>
    %dma_start3A_28 = arith.constant 0 : i32
    %dma_start3A_29 = arith.constant 0 : i32
    %dma_start3A_30 = tpu.memref_slice %arg2[%dma_start3A_28, %dma_start3A_29] : memref<10000x128xf32, #tpu.memory_space<hbm>> -> memref<10000x128xf32, #tpu.memory_space<hbm>>
    tpu.enqueue_indirect_dma source(%dma_start3A_30 : memref<10000x128xf32, #tpu.memory_space<hbm>>) target(%dma_start3A_24 : memref<128x128xf32, #tpu.memory_space<vmem>>) offsets(%dma_start3A_27 : memref<128xi32, #tpu.memory_space<vmem>>) semaphore(%arg11 : memref<!tpu.dma_semaphore, #tpu.memory_space<semaphore_mem>>)
    %dma_start3A_31 = arith.constant 1 : i32
    %dma_start3A_32 = arith.constant 1 : i32
    %dma_start3A_33 = arith.constant 0 : i32
    %dma_start3A_34 = arith.constant 0 : i32
    %dma_start3A_35 = tpu.memref_slice %arg9[%dma_start3A_32, %dma_start3A_33, %dma_start3A_34] : memref<2x128x128xf32, #tpu.memory_space<vmem>> -> memref<1x128x128xf32, #tpu.memory_space<vmem>>
    %dma_start3A_36 = tpu.memref_squeeze %dma_start3A_35 : memref<1x128x128xf32, #tpu.memory_space<vmem>> -> memref<128x128xf32, #tpu.memory_space<vmem>>
    %dma_start3A_37 = arith.constant 0 : i32
    %dma_start3A_38 = tpu.memref_slice %arg7[%dma_start3A_31, %dma_start3A_37] : memref<40x128xi32, #tpu.memory_space<vmem>> -> memref<1x128xi32, #tpu.memory_space<vmem>>
    %dma_start3A_39 = tpu.memref_squeeze %dma_start3A_38 : memref<1x128xi32, #tpu.memory_space<vmem>> -> memref<128xi32, #tpu.memory_space<vmem>>
    %dma_start3A_40 = arith.constant 0 : i32
    %dma_start3A_41 = arith.constant 0 : i32
    %dma_start3A_42 = tpu.memref_slice %arg2[%dma_start3A_40, %dma_start3A_41] : memref<10000x128xf32, #tpu.memory_space<hbm>> -> memref<10000x128xf32, #tpu.memory_space<hbm>>
    tpu.enqueue_indirect_dma source(%dma_start3A_42 : memref<10000x128xf32, #tpu.memory_space<hbm>>) target(%dma_start3A_36 : memref<128x128xf32, #tpu.memory_space<vmem>>) offsets(%dma_start3A_39 : memref<128xi32, #tpu.memory_space<vmem>>) semaphore(%arg12 : memref<!tpu.dma_semaphore, #tpu.memory_space<semaphore_mem>>)
    %scan3A = arith.constant 0 : i32
    %scan3A_43 = arith.constant 0 : i32
    %scan3A_44 = arith.constant 19 : i32
    %scan3A_45 = arith.addi %scan3A_43, %scan3A_44 : i32
    %scan3A_46 = arith.constant 1 : i32
    scf.for %scan3A_142 = %scan3A_43 to %scan3A_45 step %scan3A_46  : i32 {
      %mul3A_143 = arith.constant 2 : i32
      %mul3A_144 = arith.muli %mul3A_143, %scan3A_142 : i32
      %add3A_145 = arith.constant 0 : i32
      %add3A_146 = arith.addi %mul3A_144, %add3A_145 : i32
      %dma_wait3A_147 = arith.constant 0 : i32
      %dma_wait3A_148 = arith.constant 0 : i32
      %dma_wait3A_149 = arith.constant 0 : i32
      %dma_wait3A_150 = tpu.memref_slice %arg9[%dma_wait3A_147, %dma_wait3A_148, %dma_wait3A_149] : memref<2x128x128xf32, #tpu.memory_space<vmem>> -> memref<1x128x128xf32, #tpu.memory_space<vmem>>
      %dma_wait3A_151 = tpu.memref_squeeze %dma_wait3A_150 : memref<1x128x128xf32, #tpu.memory_space<vmem>> -> memref<128x128xf32, #tpu.memory_space<vmem>>
      %dma_wait3A_152 = arith.constant 0 : i32
      %dma_wait3A_153 = tpu.memref_slice %arg7[%add3A_146, %dma_wait3A_152] : memref<40x128xi32, #tpu.memory_space<vmem>> -> memref<1x128xi32, #tpu.memory_space<vmem>>
      %dma_wait3A_154 = tpu.memref_squeeze %dma_wait3A_153 : memref<1x128xi32, #tpu.memory_space<vmem>> -> memref<128xi32, #tpu.memory_space<vmem>>
      %dma_wait3A_155 = arith.constant 0 : i32
      %dma_wait3A_156 = arith.constant 0 : i32
      %dma_wait3A_157 = tpu.memref_slice %arg2[%dma_wait3A_155, %dma_wait3A_156] : memref<10000x128xf32, #tpu.memory_space<hbm>> -> memref<10000x128xf32, #tpu.memory_space<hbm>>
      tpu.wait_indirect_dma semaphore(%arg11 : memref<!tpu.dma_semaphore, #tpu.memory_space<semaphore_mem>>) src(%dma_wait3A_157 : memref<10000x128xf32, #tpu.memory_space<hbm>>) dst(%dma_wait3A_151 : memref<128x128xf32, #tpu.memory_space<vmem>>)
      %run_scoped3A_158 = arith.constant 0 : i32
      "tpu.region"() ({
        %run_scoped3A_201 = tpu.sem_alloc : memref<!tpu.dma_semaphore, #tpu.memory_space<semaphore_mem>>
        %dma_start3A_202 = arith.constant 0 : i32
        %dma_start3A_203 = arith.constant 0 : i32
        %dma_start3A_204 = tpu.memref_slice %arg9[%run_scoped3A_158, %dma_start3A_202, %dma_start3A_203] : memref<2x128x128xf32, #tpu.memory_space<vmem>> -> memref<1x128x128xf32, #tpu.memory_space<vmem>>
        %dma_start3A_205 = tpu.memref_squeeze %dma_start3A_204 : memref<1x128x128xf32, #tpu.memory_space<vmem>> -> memref<128x128xf32, #tpu.memory_space<vmem>>
        %dma_start3A_206 = arith.constant 0 : i32
        %dma_start3A_207 = tpu.memref_slice %arg8[%add3A_146, %dma_start3A_206] : memref<40x128xi32, #tpu.memory_space<vmem>> -> memref<1x128xi32, #tpu.memory_space<vmem>>
        %dma_start3A_208 = tpu.memref_squeeze %dma_start3A_207 : memref<1x128xi32, #tpu.memory_space<vmem>> -> memref<128xi32, #tpu.memory_space<vmem>>
        %dma_start3A_209 = arith.constant 0 : i32
        %dma_start3A_210 = arith.constant 0 : i32
        %dma_start3A_211 = tpu.memref_slice %arg10[%dma_start3A_209, %dma_start3A_210] : memref<10128x128xf32, #tpu.memory_space<vmem_shared>> -> memref<10128x128xf32, #tpu.memory_space<vmem_shared>>
        tpu.enqueue_indirect_dma source(%dma_start3A_205 : memref<128x128xf32, #tpu.memory_space<vmem>>) target(%dma_start3A_211 : memref<10128x128xf32, #tpu.memory_space<vmem_shared>>) offsets(%dma_start3A_208 : memref<128xi32, #tpu.memory_space<vmem>>) semaphore(%run_scoped3A_201 : memref<!tpu.dma_semaphore, #tpu.memory_space<semaphore_mem>>) {add = true}
        %dma_wait3A_212 = arith.constant 0 : i32
        %dma_wait3A_213 = arith.constant 0 : i32
        %dma_wait3A_214 = tpu.memref_slice %arg9[%run_scoped3A_158, %dma_wait3A_212, %dma_wait3A_213] : memref<2x128x128xf32, #tpu.memory_space<vmem>> -> memref<1x128x128xf32, #tpu.memory_space<vmem>>
        %dma_wait3A_215 = tpu.memref_squeeze %dma_wait3A_214 : memref<1x128x128xf32, #tpu.memory_space<vmem>> -> memref<128x128xf32, #tpu.memory_space<vmem>>
        %dma_wait3A_216 = arith.constant 0 : i32
        %dma_wait3A_217 = tpu.memref_slice %arg8[%add3A_146, %dma_wait3A_216] : memref<40x128xi32, #tpu.memory_space<vmem>> -> memref<1x128xi32, #tpu.memory_space<vmem>>
        %dma_wait3A_218 = tpu.memref_squeeze %dma_wait3A_217 : memref<1x128xi32, #tpu.memory_space<vmem>> -> memref<128xi32, #tpu.memory_space<vmem>>
        %dma_wait3A_219 = arith.constant 0 : i32
        %dma_wait3A_220 = arith.constant 0 : i32
        %dma_wait3A_221 = tpu.memref_slice %arg10[%dma_wait3A_219, %dma_wait3A_220] : memref<10128x128xf32, #tpu.memory_space<vmem_shared>> -> memref<10128x128xf32, #tpu.memory_space<vmem_shared>>
        tpu.wait_indirect_dma semaphore(%run_scoped3A_201 : memref<!tpu.dma_semaphore, #tpu.memory_space<semaphore_mem>>) src(%dma_wait3A_215 : memref<128x128xf32, #tpu.memory_space<vmem>>) dst(%dma_wait3A_221 : memref<10128x128xf32, #tpu.memory_space<vmem_shared>>)
        tpu.yield
      }) : () -> ()
      %add3A_159 = arith.constant 2 : i32
      %add3A_160 = arith.addi %add3A_146, %add3A_159 : i32
      %dma_start3A_161 = arith.constant 0 : i32
      %dma_start3A_162 = arith.constant 0 : i32
      %dma_start3A_163 = arith.constant 0 : i32
      %dma_start3A_164 = tpu.memref_slice %arg9[%dma_start3A_161, %dma_start3A_162, %dma_start3A_163] : memref<2x128x128xf32, #tpu.memory_space<vmem>> -> memref<1x128x128xf32, #tpu.memory_space<vmem>>
      %dma_start3A_165 = tpu.memref_squeeze %dma_start3A_164 : memref<1x128x128xf32, #tpu.memory_space<vmem>> -> memref<128x128xf32, #tpu.memory_space<vmem>>
      %dma_start3A_166 = arith.constant 0 : i32
      %dma_start3A_167 = tpu.memref_slice %arg7[%add3A_160, %dma_start3A_166] : memref<40x128xi32, #tpu.memory_space<vmem>> -> memref<1x128xi32, #tpu.memory_space<vmem>>
      %dma_start3A_168 = tpu.memref_squeeze %dma_start3A_167 : memref<1x128xi32, #tpu.memory_space<vmem>> -> memref<128xi32, #tpu.memory_space<vmem>>
      %dma_start3A_169 = arith.constant 0 : i32
      %dma_start3A_170 = arith.constant 0 : i32
      %dma_start3A_171 = tpu.memref_slice %arg2[%dma_start3A_169, %dma_start3A_170] : memref<10000x128xf32, #tpu.memory_space<hbm>> -> memref<10000x128xf32, #tpu.memory_space<hbm>>
      tpu.enqueue_indirect_dma source(%dma_start3A_171 : memref<10000x128xf32, #tpu.memory_space<hbm>>) target(%dma_start3A_165 : memref<128x128xf32, #tpu.memory_space<vmem>>) offsets(%dma_start3A_168 : memref<128xi32, #tpu.memory_space<vmem>>) semaphore(%arg11 : memref<!tpu.dma_semaphore, #tpu.memory_space<semaphore_mem>>)
      %mul3A_172 = arith.constant 2 : i32
      %mul3A_173 = arith.muli %mul3A_172, %scan3A_142 : i32
      %add3A_174 = arith.constant 1 : i32
      %add3A_175 = arith.addi %mul3A_173, %add3A_174 : i32
      %dma_wait3A_176 = arith.constant 1 : i32
      %dma_wait3A_177 = arith.constant 0 : i32
      %dma_wait3A_178 = arith.constant 0 : i32
      %dma_wait3A_179 = tpu.memref_slice %arg9[%dma_wait3A_176, %dma_wait3A_177, %dma_wait3A_178] : memref<2x128x128xf32, #tpu.memory_space<vmem>> -> memref<1x128x128xf32, #tpu.memory_space<vmem>>
      %dma_wait3A_180 = tpu.memref_squeeze %dma_wait3A_179 : memref<1x128x128xf32, #tpu.memory_space<vmem>> -> memref<128x128xf32, #tpu.memory_space<vmem>>
      %dma_wait3A_181 = arith.constant 0 : i32
      %dma_wait3A_182 = tpu.memref_slice %arg7[%add3A_175, %dma_wait3A_181] : memref<40x128xi32, #tpu.memory_space<vmem>> -> memref<1x128xi32, #tpu.memory_space<vmem>>
      %dma_wait3A_183 = tpu.memref_squeeze %dma_wait3A_182 : memref<1x128xi32, #tpu.memory_space<vmem>> -> memref<128xi32, #tpu.memory_space<vmem>>
      %dma_wait3A_184 = arith.constant 0 : i32
      %dma_wait3A_185 = arith.constant 0 : i32
      %dma_wait3A_186 = tpu.memref_slice %arg2[%dma_wait3A_184, %dma_wait3A_185] : memref<10000x128xf32, #tpu.memory_space<hbm>> -> memref<10000x128xf32, #tpu.memory_space<hbm>>
      tpu.wait_indirect_dma semaphore(%arg12 : memref<!tpu.dma_semaphore, #tpu.memory_space<semaphore_mem>>) src(%dma_wait3A_186 : memref<10000x128xf32, #tpu.memory_space<hbm>>) dst(%dma_wait3A_180 : memref<128x128xf32, #tpu.memory_space<vmem>>)
      %run_scoped3A_187 = arith.constant 1 : i32
      "tpu.region"() ({
        %run_scoped3A_201 = tpu.sem_alloc : memref<!tpu.dma_semaphore, #tpu.memory_space<semaphore_mem>>
        %dma_start3A_202 = arith.constant 0 : i32
        %dma_start3A_203 = arith.constant 0 : i32
        %dma_start3A_204 = tpu.memref_slice %arg9[%run_scoped3A_187, %dma_start3A_202, %dma_start3A_203] : memref<2x128x128xf32, #tpu.memory_space<vmem>> -> memref<1x128x128xf32, #tpu.memory_space<vmem>>
        %dma_start3A_205 = tpu.memref_squeeze %dma_start3A_204 : memref<1x128x128xf32, #tpu.memory_space<vmem>> -> memref<128x128xf32, #tpu.memory_space<vmem>>
        %dma_start3A_206 = arith.constant 0 : i32
        %dma_start3A_207 = tpu.memref_slice %arg8[%add3A_175, %dma_start3A_206] : memref<40x128xi32, #tpu.memory_space<vmem>> -> memref<1x128xi32, #tpu.memory_space<vmem>>
        %dma_start3A_208 = tpu.memref_squeeze %dma_start3A_207 : memref<1x128xi32, #tpu.memory_space<vmem>> -> memref<128xi32, #tpu.memory_space<vmem>>
        %dma_start3A_209 = arith.constant 0 : i32
        %dma_start3A_210 = arith.constant 0 : i32
        %dma_start3A_211 = tpu.memref_slice %arg10[%dma_start3A_209, %dma_start3A_210] : memref<10128x128xf32, #tpu.memory_space<vmem_shared>> -> memref<10128x128xf32, #tpu.memory_space<vmem_shared>>
        tpu.enqueue_indirect_dma source(%dma_start3A_205 : memref<128x128xf32, #tpu.memory_space<vmem>>) target(%dma_start3A_211 : memref<10128x128xf32, #tpu.memory_space<vmem_shared>>) offsets(%dma_start3A_208 : memref<128xi32, #tpu.memory_space<vmem>>) semaphore(%run_scoped3A_201 : memref<!tpu.dma_semaphore, #tpu.memory_space<semaphore_mem>>) {add = true}
        %dma_wait3A_212 = arith.constant 0 : i32
        %dma_wait3A_213 = arith.constant 0 : i32
        %dma_wait3A_214 = tpu.memref_slice %arg9[%run_scoped3A_187, %dma_wait3A_212, %dma_wait3A_213] : memref<2x128x128xf32, #tpu.memory_space<vmem>> -> memref<1x128x128xf32, #tpu.memory_space<vmem>>
        %dma_wait3A_215 = tpu.memref_squeeze %dma_wait3A_214 : memref<1x128x128xf32, #tpu.memory_space<vmem>> -> memref<128x128xf32, #tpu.memory_space<vmem>>
        %dma_wait3A_216 = arith.constant 0 : i32
        %dma_wait3A_217 = tpu.memref_slice %arg8[%add3A_175, %dma_wait3A_216] : memref<40x128xi32, #tpu.memory_space<vmem>> -> memref<1x128xi32, #tpu.memory_space<vmem>>
        %dma_wait3A_218 = tpu.memref_squeeze %dma_wait3A_217 : memref<1x128xi32, #tpu.memory_space<vmem>> -> memref<128xi32, #tpu.memory_space<vmem>>
        %dma_wait3A_219 = arith.constant 0 : i32
        %dma_wait3A_220 = arith.constant 0 : i32
        %dma_wait3A_221 = tpu.memref_slice %arg10[%dma_wait3A_219, %dma_wait3A_220] : memref<10128x128xf32, #tpu.memory_space<vmem_shared>> -> memref<10128x128xf32, #tpu.memory_space<vmem_shared>>
        tpu.wait_indirect_dma semaphore(%run_scoped3A_201 : memref<!tpu.dma_semaphore, #tpu.memory_space<semaphore_mem>>) src(%dma_wait3A_215 : memref<128x128xf32, #tpu.memory_space<vmem>>) dst(%dma_wait3A_221 : memref<10128x128xf32, #tpu.memory_space<vmem_shared>>)
        tpu.yield
      }) : () -> ()
      %add3A_188 = arith.constant 2 : i32
      %add3A_189 = arith.addi %add3A_175, %add3A_188 : i32
      %dma_start3A_190 = arith.constant 1 : i32
      %dma_start3A_191 = arith.constant 0 : i32
      %dma_start3A_192 = arith.constant 0 : i32
      %dma_start3A_193 = tpu.memref_slice %arg9[%dma_start3A_190, %dma_start3A_191, %dma_start3A_192] : memref<2x128x128xf32, #tpu.memory_space<vmem>> -> memref<1x128x128xf32, #tpu.memory_space<vmem>>
      %dma_start3A_194 = tpu.memref_squeeze %dma_start3A_193 : memref<1x128x128xf32, #tpu.memory_space<vmem>> -> memref<128x128xf32, #tpu.memory_space<vmem>>
      %dma_start3A_195 = arith.constant 0 : i32
      %dma_start3A_196 = tpu.memref_slice %arg7[%add3A_189, %dma_start3A_195] : memref<40x128xi32, #tpu.memory_space<vmem>> -> memref<1x128xi32, #tpu.memory_space<vmem>>
      %dma_start3A_197 = tpu.memref_squeeze %dma_start3A_196 : memref<1x128xi32, #tpu.memory_space<vmem>> -> memref<128xi32, #tpu.memory_space<vmem>>
      %dma_start3A_198 = arith.constant 0 : i32
      %dma_start3A_199 = arith.constant 0 : i32
      %dma_start3A_200 = tpu.memref_slice %arg2[%dma_start3A_198, %dma_start3A_199] : memref<10000x128xf32, #tpu.memory_space<hbm>> -> memref<10000x128xf32, #tpu.memory_space<hbm>>
      tpu.enqueue_indirect_dma source(%dma_start3A_200 : memref<10000x128xf32, #tpu.memory_space<hbm>>) target(%dma_start3A_194 : memref<128x128xf32, #tpu.memory_space<vmem>>) offsets(%dma_start3A_197 : memref<128xi32, #tpu.memory_space<vmem>>) semaphore(%arg12 : memref<!tpu.dma_semaphore, #tpu.memory_space<semaphore_mem>>)
    }
    %scan3A_47 = arith.constant 19 : i32
    %dma_wait3A = arith.constant 38 : i32
    %dma_wait3A_48 = arith.constant 0 : i32
    %dma_wait3A_49 = arith.constant 0 : i32
    %dma_wait3A_50 = arith.constant 0 : i32
    %dma_wait3A_51 = tpu.memref_slice %arg9[%dma_wait3A_48, %dma_wait3A_49, %dma_wait3A_50] : memref<2x128x128xf32, #tpu.memory_space<vmem>> -> memref<1x128x128xf32, #tpu.memory_space<vmem>>
    %dma_wait3A_52 = tpu.memref_squeeze %dma_wait3A_51 : memref<1x128x128xf32, #tpu.memory_space<vmem>> -> memref<128x128xf32, #tpu.memory_space<vmem>>
    %dma_wait3A_53 = arith.constant 0 : i32
    %dma_wait3A_54 = tpu.memref_slice %arg7[%dma_wait3A, %dma_wait3A_53] : memref<40x128xi32, #tpu.memory_space<vmem>> -> memref<1x128xi32, #tpu.memory_space<vmem>>
    %dma_wait3A_55 = tpu.memref_squeeze %dma_wait3A_54 : memref<1x128xi32, #tpu.memory_space<vmem>> -> memref<128xi32, #tpu.memory_space<vmem>>
    %dma_wait3A_56 = arith.constant 0 : i32
    %dma_wait3A_57 = arith.constant 0 : i32
    %dma_wait3A_58 = tpu.memref_slice %arg2[%dma_wait3A_56, %dma_wait3A_57] : memref<10000x128xf32, #tpu.memory_space<hbm>> -> memref<10000x128xf32, #tpu.memory_space<hbm>>
    tpu.wait_indirect_dma semaphore(%arg11 : memref<!tpu.dma_semaphore, #tpu.memory_space<semaphore_mem>>) src(%dma_wait3A_58 : memref<10000x128xf32, #tpu.memory_space<hbm>>) dst(%dma_wait3A_52 : memref<128x128xf32, #tpu.memory_space<vmem>>)
    %run_scoped3A_59 = arith.constant 0 : i32
    %run_scoped3A_60 = arith.constant 38 : i32
    "tpu.region"() ({
      %run_scoped3A_142 = tpu.sem_alloc : memref<!tpu.dma_semaphore, #tpu.memory_space<semaphore_mem>>
      %dma_start3A_143 = arith.constant 0 : i32
      %dma_start3A_144 = arith.constant 0 : i32
      %dma_start3A_145 = tpu.memref_slice %arg9[%run_scoped3A_59, %dma_start3A_143, %dma_start3A_144] : memref<2x128x128xf32, #tpu.memory_space<vmem>> -> memref<1x128x128xf32, #tpu.memory_space<vmem>>
      %dma_start3A_146 = tpu.memref_squeeze %dma_start3A_145 : memref<1x128x128xf32, #tpu.memory_space<vmem>> -> memref<128x128xf32, #tpu.memory_space<vmem>>
      %dma_start3A_147 = arith.constant 0 : i32
      %dma_start3A_148 = tpu.memref_slice %arg8[%run_scoped3A_60, %dma_start3A_147] : memref<40x128xi32, #tpu.memory_space<vmem>> -> memref<1x128xi32, #tpu.memory_space<vmem>>
      %dma_start3A_149 = tpu.memref_squeeze %dma_start3A_148 : memref<1x128xi32, #tpu.memory_space<vmem>> -> memref<128xi32, #tpu.memory_space<vmem>>
      %dma_start3A_150 = arith.constant 0 : i32
      %dma_start3A_151 = arith.constant 0 : i32
      %dma_start3A_152 = tpu.memref_slice %arg10[%dma_start3A_150, %dma_start3A_151] : memref<10128x128xf32, #tpu.memory_space<vmem_shared>> -> memref<10128x128xf32, #tpu.memory_space<vmem_shared>>
      tpu.enqueue_indirect_dma source(%dma_start3A_146 : memref<128x128xf32, #tpu.memory_space<vmem>>) target(%dma_start3A_152 : memref<10128x128xf32, #tpu.memory_space<vmem_shared>>) offsets(%dma_start3A_149 : memref<128xi32, #tpu.memory_space<vmem>>) semaphore(%run_scoped3A_142 : memref<!tpu.dma_semaphore, #tpu.memory_space<semaphore_mem>>) {add = true}
      %dma_wait3A_153 = arith.constant 0 : i32
      %dma_wait3A_154 = arith.constant 0 : i32
      %dma_wait3A_155 = tpu.memref_slice %arg9[%run_scoped3A_59, %dma_wait3A_153, %dma_wait3A_154] : memref<2x128x128xf32, #tpu.memory_space<vmem>> -> memref<1x128x128xf32, #tpu.memory_space<vmem>>
      %dma_wait3A_156 = tpu.memref_squeeze %dma_wait3A_155 : memref<1x128x128xf32, #tpu.memory_space<vmem>> -> memref<128x128xf32, #tpu.memory_space<vmem>>
      %dma_wait3A_157 = arith.constant 0 : i32
      %dma_wait3A_158 = tpu.memref_slice %arg8[%run_scoped3A_60, %dma_wait3A_157] : memref<40x128xi32, #tpu.memory_space<vmem>> -> memref<1x128xi32, #tpu.memory_space<vmem>>
      %dma_wait3A_159 = tpu.memref_squeeze %dma_wait3A_158 : memref<1x128xi32, #tpu.memory_space<vmem>> -> memref<128xi32, #tpu.memory_space<vmem>>
      %dma_wait3A_160 = arith.constant 0 : i32
      %dma_wait3A_161 = arith.constant 0 : i32
      %dma_wait3A_162 = tpu.memref_slice %arg10[%dma_wait3A_160, %dma_wait3A_161] : memref<10128x128xf32, #tpu.memory_space<vmem_shared>> -> memref<10128x128xf32, #tpu.memory_space<vmem_shared>>
      tpu.wait_indirect_dma semaphore(%run_scoped3A_142 : memref<!tpu.dma_semaphore, #tpu.memory_space<semaphore_mem>>) src(%dma_wait3A_156 : memref<128x128xf32, #tpu.memory_space<vmem>>) dst(%dma_wait3A_162 : memref<10128x128xf32, #tpu.memory_space<vmem_shared>>)
      tpu.yield
    }) : () -> ()
    %dma_wait3A_61 = arith.constant 39 : i32
    %dma_wait3A_62 = arith.constant 1 : i32
    %dma_wait3A_63 = arith.constant 0 : i32
    %dma_wait3A_64 = arith.constant 0 : i32
    %dma_wait3A_65 = tpu.memref_slice %arg9[%dma_wait3A_62, %dma_wait3A_63, %dma_wait3A_64] : memref<2x128x128xf32, #tpu.memory_space<vmem>> -> memref<1x128x128xf32, #tpu.memory_space<vmem>>
    %dma_wait3A_66 = tpu.memref_squeeze %dma_wait3A_65 : memref<1x128x128xf32, #tpu.memory_space<vmem>> -> memref<128x128xf32, #tpu.memory_space<vmem>>
    %dma_wait3A_67 = arith.constant 0 : i32
    %dma_wait3A_68 = tpu.memref_slice %arg7[%dma_wait3A_61, %dma_wait3A_67] : memref<40x128xi32, #tpu.memory_space<vmem>> -> memref<1x128xi32, #tpu.memory_space<vmem>>
    %dma_wait3A_69 = tpu.memref_squeeze %dma_wait3A_68 : memref<1x128xi32, #tpu.memory_space<vmem>> -> memref<128xi32, #tpu.memory_space<vmem>>
    %dma_wait3A_70 = arith.constant 0 : i32
    %dma_wait3A_71 = arith.constant 0 : i32
    %dma_wait3A_72 = tpu.memref_slice %arg2[%dma_wait3A_70, %dma_wait3A_71] : memref<10000x128xf32, #tpu.memory_space<hbm>> -> memref<10000x128xf32, #tpu.memory_space<hbm>>
    tpu.wait_indirect_dma semaphore(%arg12 : memref<!tpu.dma_semaphore, #tpu.memory_space<semaphore_mem>>) src(%dma_wait3A_72 : memref<10000x128xf32, #tpu.memory_space<hbm>>) dst(%dma_wait3A_66 : memref<128x128xf32, #tpu.memory_space<vmem>>)
    %run_scoped3A_73 = arith.constant 1 : i32
    %run_scoped3A_74 = arith.constant 39 : i32
    "tpu.region"() ({
      %run_scoped3A_142 = tpu.sem_alloc : memref<!tpu.dma_semaphore, #tpu.memory_space<semaphore_mem>>
      %dma_start3A_143 = arith.constant 0 : i32
      %dma_start3A_144 = arith.constant 0 : i32
      %dma_start3A_145 = tpu.memref_slice %arg9[%run_scoped3A_73, %dma_start3A_143, %dma_start3A_144] : memref<2x128x128xf32, #tpu.memory_space<vmem>> -> memref<1x128x128xf32, #tpu.memory_space<vmem>>
      %dma_start3A_146 = tpu.memref_squeeze %dma_start3A_145 : memref<1x128x128xf32, #tpu.memory_space<vmem>> -> memref<128x128xf32, #tpu.memory_space<vmem>>
      %dma_start3A_147 = arith.constant 0 : i32
      %dma_start3A_148 = tpu.memref_slice %arg8[%run_scoped3A_74, %dma_start3A_147] : memref<40x128xi32, #tpu.memory_space<vmem>> -> memref<1x128xi32, #tpu.memory_space<vmem>>
      %dma_start3A_149 = tpu.memref_squeeze %dma_start3A_148 : memref<1x128xi32, #tpu.memory_space<vmem>> -> memref<128xi32, #tpu.memory_space<vmem>>
      %dma_start3A_150 = arith.constant 0 : i32
      %dma_start3A_151 = arith.constant 0 : i32
      %dma_start3A_152 = tpu.memref_slice %arg10[%dma_start3A_150, %dma_start3A_151] : memref<10128x128xf32, #tpu.memory_space<vmem_shared>> -> memref<10128x128xf32, #tpu.memory_space<vmem_shared>>
      tpu.enqueue_indirect_dma source(%dma_start3A_146 : memref<128x128xf32, #tpu.memory_space<vmem>>) target(%dma_start3A_152 : memref<10128x128xf32, #tpu.memory_space<vmem_shared>>) offsets(%dma_start3A_149 : memref<128xi32, #tpu.memory_space<vmem>>) semaphore(%run_scoped3A_142 : memref<!tpu.dma_semaphore, #tpu.memory_space<semaphore_mem>>) {add = true}
      %dma_wait3A_153 = arith.constant 0 : i32
      %dma_wait3A_154 = arith.constant 0 : i32
      %dma_wait3A_155 = tpu.memref_slice %arg9[%run_scoped3A_73, %dma_wait3A_153, %dma_wait3A_154] : memref<2x128x128xf32, #tpu.memory_space<vmem>> -> memref<1x128x128xf32, #tpu.memory_space<vmem>>
      %dma_wait3A_156 = tpu.memref_squeeze %dma_wait3A_155 : memref<1x128x128xf32, #tpu.memory_space<vmem>> -> memref<128x128xf32, #tpu.memory_space<vmem>>
      %dma_wait3A_157 = arith.constant 0 : i32
      %dma_wait3A_158 = tpu.memref_slice %arg8[%run_scoped3A_74, %dma_wait3A_157] : memref<40x128xi32, #tpu.memory_space<vmem>> -> memref<1x128xi32, #tpu.memory_space<vmem>>
      %dma_wait3A_159 = tpu.memref_squeeze %dma_wait3A_158 : memref<1x128xi32, #tpu.memory_space<vmem>> -> memref<128xi32, #tpu.memory_space<vmem>>
      %dma_wait3A_160 = arith.constant 0 : i32
      %dma_wait3A_161 = arith.constant 0 : i32
      %dma_wait3A_162 = tpu.memref_slice %arg10[%dma_wait3A_160, %dma_wait3A_161] : memref<10128x128xf32, #tpu.memory_space<vmem_shared>> -> memref<10128x128xf32, #tpu.memory_space<vmem_shared>>
      tpu.wait_indirect_dma semaphore(%run_scoped3A_142 : memref<!tpu.dma_semaphore, #tpu.memory_space<semaphore_mem>>) src(%dma_wait3A_156 : memref<128x128xf32, #tpu.memory_space<vmem>>) dst(%dma_wait3A_162 : memref<10128x128xf32, #tpu.memory_space<vmem_shared>>)
      tpu.yield
    }) : () -> ()
    "tpu.region"() ({
      %run_scoped3A_142 = tpu.sem_alloc : memref<!tpu.dma_semaphore, #tpu.memory_space<semaphore_mem>>
      %dma_start3A_143 = arith.constant 40 : i32
      %dma_start3A_144 = arith.constant 0 : i32
      %dma_start3A_145 = tpu.memref_slice %arg3[%add3A, %dma_start3A_143, %dma_start3A_144] : memref<32x80x128xi32, #tpu.memory_space<hbm>> -> memref<1x40x128xi32, #tpu.memory_space<hbm>>
      %dma_start3A_146 = tpu.memref_squeeze %dma_start3A_145 : memref<1x40x128xi32, #tpu.memory_space<hbm>> -> memref<40x128xi32, #tpu.memory_space<hbm>>
      %dma_start3A_147 = arith.constant 40 : i32
      %dma_start3A_148 = arith.constant 0 : i32
      %dma_start3A_149 = tpu.memref_slice %arg3[%add3A, %dma_start3A_147, %dma_start3A_148] : memref<32x80x128xi32, #tpu.memory_space<hbm>> -> memref<1x40x128xi32, #tpu.memory_space<hbm>>
      %dma_start3A_150 = tpu.memref_squeeze %dma_start3A_149 : memref<1x40x128xi32, #tpu.memory_space<hbm>> -> memref<40x128xi32, #tpu.memory_space<hbm>>
      tpu.enqueue_dma source(%dma_start3A_150 : memref<40x128xi32, #tpu.memory_space<hbm>>) target(%arg7 : memref<40x128xi32, #tpu.memory_space<vmem>>) target_semaphore(%run_scoped3A_142 : memref<!tpu.dma_semaphore, #tpu.memory_space<semaphore_mem>>)
      %dma_wait3A_151 = arith.constant 40 : i32
      %dma_wait3A_152 = arith.constant 0 : i32
      %dma_wait3A_153 = tpu.memref_slice %arg3[%add3A, %dma_wait3A_151, %dma_wait3A_152] : memref<32x80x128xi32, #tpu.memory_space<hbm>> -> memref<1x40x128xi32, #tpu.memory_space<hbm>>
      %dma_wait3A_154 = tpu.memref_squeeze %dma_wait3A_153 : memref<1x40x128xi32, #tpu.memory_space<hbm>> -> memref<40x128xi32, #tpu.memory_space<hbm>>
      %dma_wait3A_155 = arith.constant 40 : i32
      %dma_wait3A_156 = arith.constant 0 : i32
      %dma_wait3A_157 = tpu.memref_slice %arg3[%add3A, %dma_wait3A_155, %dma_wait3A_156] : memref<32x80x128xi32, #tpu.memory_space<hbm>> -> memref<1x40x128xi32, #tpu.memory_space<hbm>>
      %dma_wait3A_158 = tpu.memref_squeeze %dma_wait3A_157 : memref<1x40x128xi32, #tpu.memory_space<hbm>> -> memref<40x128xi32, #tpu.memory_space<hbm>>
      tpu.wait_dma2 semaphore(%run_scoped3A_142 : memref<!tpu.dma_semaphore, #tpu.memory_space<semaphore_mem>>) src(%dma_wait3A_158 : memref<40x128xi32, #tpu.memory_space<hbm>>) dst(%arg7 : memref<40x128xi32, #tpu.memory_space<vmem>>)
      tpu.yield
    }) : () -> ()
    "tpu.region"() ({
      %run_scoped3A_142 = tpu.sem_alloc : memref<!tpu.dma_semaphore, #tpu.memory_space<semaphore_mem>>
      %dma_start3A_143 = arith.constant 40 : i32
      %dma_start3A_144 = arith.constant 0 : i32
      %dma_start3A_145 = tpu.memref_slice %arg4[%add3A, %dma_start3A_143, %dma_start3A_144] : memref<32x80x128xi32, #tpu.memory_space<hbm>> -> memref<1x40x128xi32, #tpu.memory_space<hbm>>
      %dma_start3A_146 = tpu.memref_squeeze %dma_start3A_145 : memref<1x40x128xi32, #tpu.memory_space<hbm>> -> memref<40x128xi32, #tpu.memory_space<hbm>>
      %dma_start3A_147 = arith.constant 40 : i32
      %dma_start3A_148 = arith.constant 0 : i32
      %dma_start3A_149 = tpu.memref_slice %arg4[%add3A, %dma_start3A_147, %dma_start3A_148] : memref<32x80x128xi32, #tpu.memory_space<hbm>> -> memref<1x40x128xi32, #tpu.memory_space<hbm>>
      %dma_start3A_150 = tpu.memref_squeeze %dma_start3A_149 : memref<1x40x128xi32, #tpu.memory_space<hbm>> -> memref<40x128xi32, #tpu.memory_space<hbm>>
      tpu.enqueue_dma source(%dma_start3A_150 : memref<40x128xi32, #tpu.memory_space<hbm>>) target(%arg8 : memref<40x128xi32, #tpu.memory_space<vmem>>) target_semaphore(%run_scoped3A_142 : memref<!tpu.dma_semaphore, #tpu.memory_space<semaphore_mem>>)
      %dma_wait3A_151 = arith.constant 40 : i32
      %dma_wait3A_152 = arith.constant 0 : i32
      %dma_wait3A_153 = tpu.memref_slice %arg4[%add3A, %dma_wait3A_151, %dma_wait3A_152] : memref<32x80x128xi32, #tpu.memory_space<hbm>> -> memref<1x40x128xi32, #tpu.memory_space<hbm>>
      %dma_wait3A_154 = tpu.memref_squeeze %dma_wait3A_153 : memref<1x40x128xi32, #tpu.memory_space<hbm>> -> memref<40x128xi32, #tpu.memory_space<hbm>>
      %dma_wait3A_155 = arith.constant 40 : i32
      %dma_wait3A_156 = arith.constant 0 : i32
      %dma_wait3A_157 = tpu.memref_slice %arg4[%add3A, %dma_wait3A_155, %dma_wait3A_156] : memref<32x80x128xi32, #tpu.memory_space<hbm>> -> memref<1x40x128xi32, #tpu.memory_space<hbm>>
      %dma_wait3A_158 = tpu.memref_squeeze %dma_wait3A_157 : memref<1x40x128xi32, #tpu.memory_space<hbm>> -> memref<40x128xi32, #tpu.memory_space<hbm>>
      tpu.wait_dma2 semaphore(%run_scoped3A_142 : memref<!tpu.dma_semaphore, #tpu.memory_space<semaphore_mem>>) src(%dma_wait3A_158 : memref<40x128xi32, #tpu.memory_space<hbm>>) dst(%arg8 : memref<40x128xi32, #tpu.memory_space<vmem>>)
      tpu.yield
    }) : () -> ()
    %dma_start3A_75 = arith.constant 0 : i32
    %dma_start3A_76 = arith.constant 0 : i32
    %dma_start3A_77 = arith.constant 0 : i32
    %dma_start3A_78 = arith.constant 0 : i32
    %dma_start3A_79 = tpu.memref_slice %arg9[%dma_start3A_76, %dma_start3A_77, %dma_start3A_78] : memref<2x128x128xf32, #tpu.memory_space<vmem>> -> memref<1x128x128xf32, #tpu.memory_space<vmem>>
    %dma_start3A_80 = tpu.memref_squeeze %dma_start3A_79 : memref<1x128x128xf32, #tpu.memory_space<vmem>> -> memref<128x128xf32, #tpu.memory_space<vmem>>
    %dma_start3A_81 = arith.constant 0 : i32
    %dma_start3A_82 = tpu.memref_slice %arg7[%dma_start3A_75, %dma_start3A_81] : memref<40x128xi32, #tpu.memory_space<vmem>> -> memref<1x128xi32, #tpu.memory_space<vmem>>
    %dma_start3A_83 = tpu.memref_squeeze %dma_start3A_82 : memref<1x128xi32, #tpu.memory_space<vmem>> -> memref<128xi32, #tpu.memory_space<vmem>>
    %dma_start3A_84 = arith.constant 0 : i32
    %dma_start3A_85 = arith.constant 0 : i32
    %dma_start3A_86 = tpu.memref_slice %arg2[%dma_start3A_84, %dma_start3A_85] : memref<10000x128xf32, #tpu.memory_space<hbm>> -> memref<10000x128xf32, #tpu.memory_space<hbm>>
    tpu.enqueue_indirect_dma source(%dma_start3A_86 : memref<10000x128xf32, #tpu.memory_space<hbm>>) target(%dma_start3A_80 : memref<128x128xf32, #tpu.memory_space<vmem>>) offsets(%dma_start3A_83 : memref<128xi32, #tpu.memory_space<vmem>>) semaphore(%arg11 : memref<!tpu.dma_semaphore, #tpu.memory_space<semaphore_mem>>)
    %dma_start3A_87 = arith.constant 1 : i32
    %dma_start3A_88 = arith.constant 1 : i32
    %dma_start3A_89 = arith.constant 0 : i32
    %dma_start3A_90 = arith.constant 0 : i32
    %dma_start3A_91 = tpu.memref_slice %arg9[%dma_start3A_88, %dma_start3A_89, %dma_start3A_90] : memref<2x128x128xf32, #tpu.memory_space<vmem>> -> memref<1x128x128xf32, #tpu.memory_space<vmem>>
    %dma_start3A_92 = tpu.memref_squeeze %dma_start3A_91 : memref<1x128x128xf32, #tpu.memory_space<vmem>> -> memref<128x128xf32, #tpu.memory_space<vmem>>
    %dma_start3A_93 = arith.constant 0 : i32
    %dma_start3A_94 = tpu.memref_slice %arg7[%dma_start3A_87, %dma_start3A_93] : memref<40x128xi32, #tpu.memory_space<vmem>> -> memref<1x128xi32, #tpu.memory_space<vmem>>
    %dma_start3A_95 = tpu.memref_squeeze %dma_start3A_94 : memref<1x128xi32, #tpu.memory_space<vmem>> -> memref<128xi32, #tpu.memory_space<vmem>>
    %dma_start3A_96 = arith.constant 0 : i32
    %dma_start3A_97 = arith.constant 0 : i32
    %dma_start3A_98 = tpu.memref_slice %arg2[%dma_start3A_96, %dma_start3A_97] : memref<10000x128xf32, #tpu.memory_space<hbm>> -> memref<10000x128xf32, #tpu.memory_space<hbm>>
    tpu.enqueue_indirect_dma source(%dma_start3A_98 : memref<10000x128xf32, #tpu.memory_space<hbm>>) target(%dma_start3A_92 : memref<128x128xf32, #tpu.memory_space<vmem>>) offsets(%dma_start3A_95 : memref<128xi32, #tpu.memory_space<vmem>>) semaphore(%arg12 : memref<!tpu.dma_semaphore, #tpu.memory_space<semaphore_mem>>)
    %scan3A_99 = arith.constant 0 : i32
    %scan3A_100 = arith.constant 0 : i32
    %scan3A_101 = arith.constant 19 : i32
    %scan3A_102 = arith.addi %scan3A_100, %scan3A_101 : i32
    %scan3A_103 = arith.constant 1 : i32
    scf.for %scan3A_142 = %scan3A_100 to %scan3A_102 step %scan3A_103  : i32 {
      %mul3A_143 = arith.constant 2 : i32
      %mul3A_144 = arith.muli %mul3A_143, %scan3A_142 : i32
      %add3A_145 = arith.constant 0 : i32
      %add3A_146 = arith.addi %mul3A_144, %add3A_145 : i32
      %dma_wait3A_147 = arith.constant 0 : i32
      %dma_wait3A_148 = arith.constant 0 : i32
      %dma_wait3A_149 = arith.constant 0 : i32
      %dma_wait3A_150 = tpu.memref_slice %arg9[%dma_wait3A_147, %dma_wait3A_148, %dma_wait3A_149] : memref<2x128x128xf32, #tpu.memory_space<vmem>> -> memref<1x128x128xf32, #tpu.memory_space<vmem>>
      %dma_wait3A_151 = tpu.memref_squeeze %dma_wait3A_150 : memref<1x128x128xf32, #tpu.memory_space<vmem>> -> memref<128x128xf32, #tpu.memory_space<vmem>>
      %dma_wait3A_152 = arith.constant 0 : i32
      %dma_wait3A_153 = tpu.memref_slice %arg7[%add3A_146, %dma_wait3A_152] : memref<40x128xi32, #tpu.memory_space<vmem>> -> memref<1x128xi32, #tpu.memory_space<vmem>>
      %dma_wait3A_154 = tpu.memref_squeeze %dma_wait3A_153 : memref<1x128xi32, #tpu.memory_space<vmem>> -> memref<128xi32, #tpu.memory_space<vmem>>
      %dma_wait3A_155 = arith.constant 0 : i32
      %dma_wait3A_156 = arith.constant 0 : i32
      %dma_wait3A_157 = tpu.memref_slice %arg2[%dma_wait3A_155, %dma_wait3A_156] : memref<10000x128xf32, #tpu.memory_space<hbm>> -> memref<10000x128xf32, #tpu.memory_space<hbm>>
      tpu.wait_indirect_dma semaphore(%arg11 : memref<!tpu.dma_semaphore, #tpu.memory_space<semaphore_mem>>) src(%dma_wait3A_157 : memref<10000x128xf32, #tpu.memory_space<hbm>>) dst(%dma_wait3A_151 : memref<128x128xf32, #tpu.memory_space<vmem>>)
      %run_scoped3A_158 = arith.constant 0 : i32
      "tpu.region"() ({
        %run_scoped3A_201 = tpu.sem_alloc : memref<!tpu.dma_semaphore, #tpu.memory_space<semaphore_mem>>
        %dma_start3A_202 = arith.constant 0 : i32
        %dma_start3A_203 = arith.constant 0 : i32
        %dma_start3A_204 = tpu.memref_slice %arg9[%run_scoped3A_158, %dma_start3A_202, %dma_start3A_203] : memref<2x128x128xf32, #tpu.memory_space<vmem>> -> memref<1x128x128xf32, #tpu.memory_space<vmem>>
        %dma_start3A_205 = tpu.memref_squeeze %dma_start3A_204 : memref<1x128x128xf32, #tpu.memory_space<vmem>> -> memref<128x128xf32, #tpu.memory_space<vmem>>
        %dma_start3A_206 = arith.constant 0 : i32
        %dma_start3A_207 = tpu.memref_slice %arg8[%add3A_146, %dma_start3A_206] : memref<40x128xi32, #tpu.memory_space<vmem>> -> memref<1x128xi32, #tpu.memory_space<vmem>>
        %dma_start3A_208 = tpu.memref_squeeze %dma_start3A_207 : memref<1x128xi32, #tpu.memory_space<vmem>> -> memref<128xi32, #tpu.memory_space<vmem>>
        %dma_start3A_209 = arith.constant 0 : i32
        %dma_start3A_210 = arith.constant 0 : i32
        %dma_start3A_211 = tpu.memref_slice %arg10[%dma_start3A_209, %dma_start3A_210] : memref<10128x128xf32, #tpu.memory_space<vmem_shared>> -> memref<10128x128xf32, #tpu.memory_space<vmem_shared>>
        tpu.enqueue_indirect_dma source(%dma_start3A_205 : memref<128x128xf32, #tpu.memory_space<vmem>>) target(%dma_start3A_211 : memref<10128x128xf32, #tpu.memory_space<vmem_shared>>) offsets(%dma_start3A_208 : memref<128xi32, #tpu.memory_space<vmem>>) semaphore(%run_scoped3A_201 : memref<!tpu.dma_semaphore, #tpu.memory_space<semaphore_mem>>) {add = true}
        %dma_wait3A_212 = arith.constant 0 : i32
        %dma_wait3A_213 = arith.constant 0 : i32
        %dma_wait3A_214 = tpu.memref_slice %arg9[%run_scoped3A_158, %dma_wait3A_212, %dma_wait3A_213] : memref<2x128x128xf32, #tpu.memory_space<vmem>> -> memref<1x128x128xf32, #tpu.memory_space<vmem>>
        %dma_wait3A_215 = tpu.memref_squeeze %dma_wait3A_214 : memref<1x128x128xf32, #tpu.memory_space<vmem>> -> memref<128x128xf32, #tpu.memory_space<vmem>>
        %dma_wait3A_216 = arith.constant 0 : i32
        %dma_wait3A_217 = tpu.memref_slice %arg8[%add3A_146, %dma_wait3A_216] : memref<40x128xi32, #tpu.memory_space<vmem>> -> memref<1x128xi32, #tpu.memory_space<vmem>>
        %dma_wait3A_218 = tpu.memref_squeeze %dma_wait3A_217 : memref<1x128xi32, #tpu.memory_space<vmem>> -> memref<128xi32, #tpu.memory_space<vmem>>
        %dma_wait3A_219 = arith.constant 0 : i32
        %dma_wait3A_220 = arith.constant 0 : i32
        %dma_wait3A_221 = tpu.memref_slice %arg10[%dma_wait3A_219, %dma_wait3A_220] : memref<10128x128xf32, #tpu.memory_space<vmem_shared>> -> memref<10128x128xf32, #tpu.memory_space<vmem_shared>>
        tpu.wait_indirect_dma semaphore(%run_scoped3A_201 : memref<!tpu.dma_semaphore, #tpu.memory_space<semaphore_mem>>) src(%dma_wait3A_215 : memref<128x128xf32, #tpu.memory_space<vmem>>) dst(%dma_wait3A_221 : memref<10128x128xf32, #tpu.memory_space<vmem_shared>>)
        tpu.yield
      }) : () -> ()
      %add3A_159 = arith.constant 2 : i32
      %add3A_160 = arith.addi %add3A_146, %add3A_159 : i32
      %dma_start3A_161 = arith.constant 0 : i32
      %dma_start3A_162 = arith.constant 0 : i32
      %dma_start3A_163 = arith.constant 0 : i32
      %dma_start3A_164 = tpu.memref_slice %arg9[%dma_start3A_161, %dma_start3A_162, %dma_start3A_163] : memref<2x128x128xf32, #tpu.memory_space<vmem>> -> memref<1x128x128xf32, #tpu.memory_space<vmem>>
      %dma_start3A_165 = tpu.memref_squeeze %dma_start3A_164 : memref<1x128x128xf32, #tpu.memory_space<vmem>> -> memref<128x128xf32, #tpu.memory_space<vmem>>
      %dma_start3A_166 = arith.constant 0 : i32
      %dma_start3A_167 = tpu.memref_slice %arg7[%add3A_160, %dma_start3A_166] : memref<40x128xi32, #tpu.memory_space<vmem>> -> memref<1x128xi32, #tpu.memory_space<vmem>>
      %dma_start3A_168 = tpu.memref_squeeze %dma_start3A_167 : memref<1x128xi32, #tpu.memory_space<vmem>> -> memref<128xi32, #tpu.memory_space<vmem>>
      %dma_start3A_169 = arith.constant 0 : i32
      %dma_start3A_170 = arith.constant 0 : i32
      %dma_start3A_171 = tpu.memref_slice %arg2[%dma_start3A_169, %dma_start3A_170] : memref<10000x128xf32, #tpu.memory_space<hbm>> -> memref<10000x128xf32, #tpu.memory_space<hbm>>
      tpu.enqueue_indirect_dma source(%dma_start3A_171 : memref<10000x128xf32, #tpu.memory_space<hbm>>) target(%dma_start3A_165 : memref<128x128xf32, #tpu.memory_space<vmem>>) offsets(%dma_start3A_168 : memref<128xi32, #tpu.memory_space<vmem>>) semaphore(%arg11 : memref<!tpu.dma_semaphore, #tpu.memory_space<semaphore_mem>>)
      %mul3A_172 = arith.constant 2 : i32
      %mul3A_173 = arith.muli %mul3A_172, %scan3A_142 : i32
      %add3A_174 = arith.constant 1 : i32
      %add3A_175 = arith.addi %mul3A_173, %add3A_174 : i32
      %dma_wait3A_176 = arith.constant 1 : i32
      %dma_wait3A_177 = arith.constant 0 : i32
      %dma_wait3A_178 = arith.constant 0 : i32
      %dma_wait3A_179 = tpu.memref_slice %arg9[%dma_wait3A_176, %dma_wait3A_177, %dma_wait3A_178] : memref<2x128x128xf32, #tpu.memory_space<vmem>> -> memref<1x128x128xf32, #tpu.memory_space<vmem>>
      %dma_wait3A_180 = tpu.memref_squeeze %dma_wait3A_179 : memref<1x128x128xf32, #tpu.memory_space<vmem>> -> memref<128x128xf32, #tpu.memory_space<vmem>>
      %dma_wait3A_181 = arith.constant 0 : i32
      %dma_wait3A_182 = tpu.memref_slice %arg7[%add3A_175, %dma_wait3A_181] : memref<40x128xi32, #tpu.memory_space<vmem>> -> memref<1x128xi32, #tpu.memory_space<vmem>>
      %dma_wait3A_183 = tpu.memref_squeeze %dma_wait3A_182 : memref<1x128xi32, #tpu.memory_space<vmem>> -> memref<128xi32, #tpu.memory_space<vmem>>
      %dma_wait3A_184 = arith.constant 0 : i32
      %dma_wait3A_185 = arith.constant 0 : i32
      %dma_wait3A_186 = tpu.memref_slice %arg2[%dma_wait3A_184, %dma_wait3A_185] : memref<10000x128xf32, #tpu.memory_space<hbm>> -> memref<10000x128xf32, #tpu.memory_space<hbm>>
      tpu.wait_indirect_dma semaphore(%arg12 : memref<!tpu.dma_semaphore, #tpu.memory_space<semaphore_mem>>) src(%dma_wait3A_186 : memref<10000x128xf32, #tpu.memory_space<hbm>>) dst(%dma_wait3A_180 : memref<128x128xf32, #tpu.memory_space<vmem>>)
      %run_scoped3A_187 = arith.constant 1 : i32
      "tpu.region"() ({
        %run_scoped3A_201 = tpu.sem_alloc : memref<!tpu.dma_semaphore, #tpu.memory_space<semaphore_mem>>
        %dma_start3A_202 = arith.constant 0 : i32
        %dma_start3A_203 = arith.constant 0 : i32
        %dma_start3A_204 = tpu.memref_slice %arg9[%run_scoped3A_187, %dma_start3A_202, %dma_start3A_203] : memref<2x128x128xf32, #tpu.memory_space<vmem>> -> memref<1x128x128xf32, #tpu.memory_space<vmem>>
        %dma_start3A_205 = tpu.memref_squeeze %dma_start3A_204 : memref<1x128x128xf32, #tpu.memory_space<vmem>> -> memref<128x128xf32, #tpu.memory_space<vmem>>
        %dma_start3A_206 = arith.constant 0 : i32
        %dma_start3A_207 = tpu.memref_slice %arg8[%add3A_175, %dma_start3A_206] : memref<40x128xi32, #tpu.memory_space<vmem>> -> memref<1x128xi32, #tpu.memory_space<vmem>>
        %dma_start3A_208 = tpu.memref_squeeze %dma_start3A_207 : memref<1x128xi32, #tpu.memory_space<vmem>> -> memref<128xi32, #tpu.memory_space<vmem>>
        %dma_start3A_209 = arith.constant 0 : i32
        %dma_start3A_210 = arith.constant 0 : i32
        %dma_start3A_211 = tpu.memref_slice %arg10[%dma_start3A_209, %dma_start3A_210] : memref<10128x128xf32, #tpu.memory_space<vmem_shared>> -> memref<10128x128xf32, #tpu.memory_space<vmem_shared>>
        tpu.enqueue_indirect_dma source(%dma_start3A_205 : memref<128x128xf32, #tpu.memory_space<vmem>>) target(%dma_start3A_211 : memref<10128x128xf32, #tpu.memory_space<vmem_shared>>) offsets(%dma_start3A_208 : memref<128xi32, #tpu.memory_space<vmem>>) semaphore(%run_scoped3A_201 : memref<!tpu.dma_semaphore, #tpu.memory_space<semaphore_mem>>) {add = true}
        %dma_wait3A_212 = arith.constant 0 : i32
        %dma_wait3A_213 = arith.constant 0 : i32
        %dma_wait3A_214 = tpu.memref_slice %arg9[%run_scoped3A_187, %dma_wait3A_212, %dma_wait3A_213] : memref<2x128x128xf32, #tpu.memory_space<vmem>> -> memref<1x128x128xf32, #tpu.memory_space<vmem>>
        %dma_wait3A_215 = tpu.memref_squeeze %dma_wait3A_214 : memref<1x128x128xf32, #tpu.memory_space<vmem>> -> memref<128x128xf32, #tpu.memory_space<vmem>>
        %dma_wait3A_216 = arith.constant 0 : i32
        %dma_wait3A_217 = tpu.memref_slice %arg8[%add3A_175, %dma_wait3A_216] : memref<40x128xi32, #tpu.memory_space<vmem>> -> memref<1x128xi32, #tpu.memory_space<vmem>>
        %dma_wait3A_218 = tpu.memref_squeeze %dma_wait3A_217 : memref<1x128xi32, #tpu.memory_space<vmem>> -> memref<128xi32, #tpu.memory_space<vmem>>
        %dma_wait3A_219 = arith.constant 0 : i32
        %dma_wait3A_220 = arith.constant 0 : i32
        %dma_wait3A_221 = tpu.memref_slice %arg10[%dma_wait3A_219, %dma_wait3A_220] : memref<10128x128xf32, #tpu.memory_space<vmem_shared>> -> memref<10128x128xf32, #tpu.memory_space<vmem_shared>>
        tpu.wait_indirect_dma semaphore(%run_scoped3A_201 : memref<!tpu.dma_semaphore, #tpu.memory_space<semaphore_mem>>) src(%dma_wait3A_215 : memref<128x128xf32, #tpu.memory_space<vmem>>) dst(%dma_wait3A_221 : memref<10128x128xf32, #tpu.memory_space<vmem_shared>>)
        tpu.yield
      }) : () -> ()
      %add3A_188 = arith.constant 2 : i32
      %add3A_189 = arith.addi %add3A_175, %add3A_188 : i32
      %dma_start3A_190 = arith.constant 1 : i32
      %dma_start3A_191 = arith.constant 0 : i32
      %dma_start3A_192 = arith.constant 0 : i32
      %dma_start3A_193 = tpu.memref_slice %arg9[%dma_start3A_190, %dma_start3A_191, %dma_start3A_192] : memref<2x128x128xf32, #tpu.memory_space<vmem>> -> memref<1x128x128xf32, #tpu.memory_space<vmem>>
      %dma_start3A_194 = tpu.memref_squeeze %dma_start3A_193 : memref<1x128x128xf32, #tpu.memory_space<vmem>> -> memref<128x128xf32, #tpu.memory_space<vmem>>
      %dma_start3A_195 = arith.constant 0 : i32
      %dma_start3A_196 = tpu.memref_slice %arg7[%add3A_189, %dma_start3A_195] : memref<40x128xi32, #tpu.memory_space<vmem>> -> memref<1x128xi32, #tpu.memory_space<vmem>>
      %dma_start3A_197 = tpu.memref_squeeze %dma_start3A_196 : memref<1x128xi32, #tpu.memory_space<vmem>> -> memref<128xi32, #tpu.memory_space<vmem>>
      %dma_start3A_198 = arith.constant 0 : i32
      %dma_start3A_199 = arith.constant 0 : i32
      %dma_start3A_200 = tpu.memref_slice %arg2[%dma_start3A_198, %dma_start3A_199] : memref<10000x128xf32, #tpu.memory_space<hbm>> -> memref<10000x128xf32, #tpu.memory_space<hbm>>
      tpu.enqueue_indirect_dma source(%dma_start3A_200 : memref<10000x128xf32, #tpu.memory_space<hbm>>) target(%dma_start3A_194 : memref<128x128xf32, #tpu.memory_space<vmem>>) offsets(%dma_start3A_197 : memref<128xi32, #tpu.memory_space<vmem>>) semaphore(%arg12 : memref<!tpu.dma_semaphore, #tpu.memory_space<semaphore_mem>>)
    }
    %scan3A_104 = arith.constant 19 : i32
    %dma_wait3A_105 = arith.constant 38 : i32
    %dma_wait3A_106 = arith.constant 0 : i32
    %dma_wait3A_107 = arith.constant 0 : i32
    %dma_wait3A_108 = arith.constant 0 : i32
    %dma_wait3A_109 = tpu.memref_slice %arg9[%dma_wait3A_106, %dma_wait3A_107, %dma_wait3A_108] : memref<2x128x128xf32, #tpu.memory_space<vmem>> -> memref<1x128x128xf32, #tpu.memory_space<vmem>>
    %dma_wait3A_110 = tpu.memref_squeeze %dma_wait3A_109 : memref<1x128x128xf32, #tpu.memory_space<vmem>> -> memref<128x128xf32, #tpu.memory_space<vmem>>
    %dma_wait3A_111 = arith.constant 0 : i32
    %dma_wait3A_112 = tpu.memref_slice %arg7[%dma_wait3A_105, %dma_wait3A_111] : memref<40x128xi32, #tpu.memory_space<vmem>> -> memref<1x128xi32, #tpu.memory_space<vmem>>
    %dma_wait3A_113 = tpu.memref_squeeze %dma_wait3A_112 : memref<1x128xi32, #tpu.memory_space<vmem>> -> memref<128xi32, #tpu.memory_space<vmem>>
    %dma_wait3A_114 = arith.constant 0 : i32
    %dma_wait3A_115 = arith.constant 0 : i32
    %dma_wait3A_116 = tpu.memref_slice %arg2[%dma_wait3A_114, %dma_wait3A_115] : memref<10000x128xf32, #tpu.memory_space<hbm>> -> memref<10000x128xf32, #tpu.memory_space<hbm>>
    tpu.wait_indirect_dma semaphore(%arg11 : memref<!tpu.dma_semaphore, #tpu.memory_space<semaphore_mem>>) src(%dma_wait3A_116 : memref<10000x128xf32, #tpu.memory_space<hbm>>) dst(%dma_wait3A_110 : memref<128x128xf32, #tpu.memory_space<vmem>>)
    %run_scoped3A_117 = arith.constant 0 : i32
    %run_scoped3A_118 = arith.constant 38 : i32
    "tpu.region"() ({
      %run_scoped3A_142 = tpu.sem_alloc : memref<!tpu.dma_semaphore, #tpu.memory_space<semaphore_mem>>
      %dma_start3A_143 = arith.constant 0 : i32
      %dma_start3A_144 = arith.constant 0 : i32
      %dma_start3A_145 = tpu.memref_slice %arg9[%run_scoped3A_117, %dma_start3A_143, %dma_start3A_144] : memref<2x128x128xf32, #tpu.memory_space<vmem>> -> memref<1x128x128xf32, #tpu.memory_space<vmem>>
      %dma_start3A_146 = tpu.memref_squeeze %dma_start3A_145 : memref<1x128x128xf32, #tpu.memory_space<vmem>> -> memref<128x128xf32, #tpu.memory_space<vmem>>
      %dma_start3A_147 = arith.constant 0 : i32
      %dma_start3A_148 = tpu.memref_slice %arg8[%run_scoped3A_118, %dma_start3A_147] : memref<40x128xi32, #tpu.memory_space<vmem>> -> memref<1x128xi32, #tpu.memory_space<vmem>>
      %dma_start3A_149 = tpu.memref_squeeze %dma_start3A_148 : memref<1x128xi32, #tpu.memory_space<vmem>> -> memref<128xi32, #tpu.memory_space<vmem>>
      %dma_start3A_150 = arith.constant 0 : i32
      %dma_start3A_151 = arith.constant 0 : i32
      %dma_start3A_152 = tpu.memref_slice %arg10[%dma_start3A_150, %dma_start3A_151] : memref<10128x128xf32, #tpu.memory_space<vmem_shared>> -> memref<10128x128xf32, #tpu.memory_space<vmem_shared>>
      tpu.enqueue_indirect_dma source(%dma_start3A_146 : memref<128x128xf32, #tpu.memory_space<vmem>>) target(%dma_start3A_152 : memref<10128x128xf32, #tpu.memory_space<vmem_shared>>) offsets(%dma_start3A_149 : memref<128xi32, #tpu.memory_space<vmem>>) semaphore(%run_scoped3A_142 : memref<!tpu.dma_semaphore, #tpu.memory_space<semaphore_mem>>) {add = true}
      %dma_wait3A_153 = arith.constant 0 : i32
      %dma_wait3A_154 = arith.constant 0 : i32
      %dma_wait3A_155 = tpu.memref_slice %arg9[%run_scoped3A_117, %dma_wait3A_153, %dma_wait3A_154] : memref<2x128x128xf32, #tpu.memory_space<vmem>> -> memref<1x128x128xf32, #tpu.memory_space<vmem>>
      %dma_wait3A_156 = tpu.memref_squeeze %dma_wait3A_155 : memref<1x128x128xf32, #tpu.memory_space<vmem>> -> memref<128x128xf32, #tpu.memory_space<vmem>>
      %dma_wait3A_157 = arith.constant 0 : i32
      %dma_wait3A_158 = tpu.memref_slice %arg8[%run_scoped3A_118, %dma_wait3A_157] : memref<40x128xi32, #tpu.memory_space<vmem>> -> memref<1x128xi32, #tpu.memory_space<vmem>>
      %dma_wait3A_159 = tpu.memref_squeeze %dma_wait3A_158 : memref<1x128xi32, #tpu.memory_space<vmem>> -> memref<128xi32, #tpu.memory_space<vmem>>
      %dma_wait3A_160 = arith.constant 0 : i32
      %dma_wait3A_161 = arith.constant 0 : i32
      %dma_wait3A_162 = tpu.memref_slice %arg10[%dma_wait3A_160, %dma_wait3A_161] : memref<10128x128xf32, #tpu.memory_space<vmem_shared>> -> memref<10128x128xf32, #tpu.memory_space<vmem_shared>>
      tpu.wait_indirect_dma semaphore(%run_scoped3A_142 : memref<!tpu.dma_semaphore, #tpu.memory_space<semaphore_mem>>) src(%dma_wait3A_156 : memref<128x128xf32, #tpu.memory_space<vmem>>) dst(%dma_wait3A_162 : memref<10128x128xf32, #tpu.memory_space<vmem_shared>>)
      tpu.yield
    }) : () -> ()
    %dma_wait3A_119 = arith.constant 39 : i32
    %dma_wait3A_120 = arith.constant 1 : i32
    %dma_wait3A_121 = arith.constant 0 : i32
    %dma_wait3A_122 = arith.constant 0 : i32
    %dma_wait3A_123 = tpu.memref_slice %arg9[%dma_wait3A_120, %dma_wait3A_121, %dma_wait3A_122] : memref<2x128x128xf32, #tpu.memory_space<vmem>> -> memref<1x128x128xf32, #tpu.memory_space<vmem>>
    %dma_wait3A_124 = tpu.memref_squeeze %dma_wait3A_123 : memref<1x128x128xf32, #tpu.memory_space<vmem>> -> memref<128x128xf32, #tpu.memory_space<vmem>>
    %dma_wait3A_125 = arith.constant 0 : i32
    %dma_wait3A_126 = tpu.memref_slice %arg7[%dma_wait3A_119, %dma_wait3A_125] : memref<40x128xi32, #tpu.memory_space<vmem>> -> memref<1x128xi32, #tpu.memory_space<vmem>>
    %dma_wait3A_127 = tpu.memref_squeeze %dma_wait3A_126 : memref<1x128xi32, #tpu.memory_space<vmem>> -> memref<128xi32, #tpu.memory_space<vmem>>
    %dma_wait3A_128 = arith.constant 0 : i32
    %dma_wait3A_129 = arith.constant 0 : i32
    %dma_wait3A_130 = tpu.memref_slice %arg2[%dma_wait3A_128, %dma_wait3A_129] : memref<10000x128xf32, #tpu.memory_space<hbm>> -> memref<10000x128xf32, #tpu.memory_space<hbm>>
    tpu.wait_indirect_dma semaphore(%arg12 : memref<!tpu.dma_semaphore, #tpu.memory_space<semaphore_mem>>) src(%dma_wait3A_130 : memref<10000x128xf32, #tpu.memory_space<hbm>>) dst(%dma_wait3A_124 : memref<128x128xf32, #tpu.memory_space<vmem>>)
    %run_scoped3A_131 = arith.constant 1 : i32
    %run_scoped3A_132 = arith.constant 39 : i32
    "tpu.region"() ({
      %run_scoped3A_142 = tpu.sem_alloc : memref<!tpu.dma_semaphore, #tpu.memory_space<semaphore_mem>>
      %dma_start3A_143 = arith.constant 0 : i32
      %dma_start3A_144 = arith.constant 0 : i32
      %dma_start3A_145 = tpu.memref_slice %arg9[%run_scoped3A_131, %dma_start3A_143, %dma_start3A_144] : memref<2x128x128xf32, #tpu.memory_space<vmem>> -> memref<1x128x128xf32, #tpu.memory_space<vmem>>
      %dma_start3A_146 = tpu.memref_squeeze %dma_start3A_145 : memref<1x128x128xf32, #tpu.memory_space<vmem>> -> memref<128x128xf32, #tpu.memory_space<vmem>>
      %dma_start3A_147 = arith.constant 0 : i32
      %dma_start3A_148 = tpu.memref_slice %arg8[%run_scoped3A_132, %dma_start3A_147] : memref<40x128xi32, #tpu.memory_space<vmem>> -> memref<1x128xi32, #tpu.memory_space<vmem>>
      %dma_start3A_149 = tpu.memref_squeeze %dma_start3A_148 : memref<1x128xi32, #tpu.memory_space<vmem>> -> memref<128xi32, #tpu.memory_space<vmem>>
      %dma_start3A_150 = arith.constant 0 : i32
      %dma_start3A_151 = arith.constant 0 : i32
      %dma_start3A_152 = tpu.memref_slice %arg10[%dma_start3A_150, %dma_start3A_151] : memref<10128x128xf32, #tpu.memory_space<vmem_shared>> -> memref<10128x128xf32, #tpu.memory_space<vmem_shared>>
      tpu.enqueue_indirect_dma source(%dma_start3A_146 : memref<128x128xf32, #tpu.memory_space<vmem>>) target(%dma_start3A_152 : memref<10128x128xf32, #tpu.memory_space<vmem_shared>>) offsets(%dma_start3A_149 : memref<128xi32, #tpu.memory_space<vmem>>) semaphore(%run_scoped3A_142 : memref<!tpu.dma_semaphore, #tpu.memory_space<semaphore_mem>>) {add = true}
      %dma_wait3A_153 = arith.constant 0 : i32
      %dma_wait3A_154 = arith.constant 0 : i32
      %dma_wait3A_155 = tpu.memref_slice %arg9[%run_scoped3A_131, %dma_wait3A_153, %dma_wait3A_154] : memref<2x128x128xf32, #tpu.memory_space<vmem>> -> memref<1x128x128xf32, #tpu.memory_space<vmem>>
      %dma_wait3A_156 = tpu.memref_squeeze %dma_wait3A_155 : memref<1x128x128xf32, #tpu.memory_space<vmem>> -> memref<128x128xf32, #tpu.memory_space<vmem>>
      %dma_wait3A_157 = arith.constant 0 : i32
      %dma_wait3A_158 = tpu.memref_slice %arg8[%run_scoped3A_132, %dma_wait3A_157] : memref<40x128xi32, #tpu.memory_space<vmem>> -> memref<1x128xi32, #tpu.memory_space<vmem>>
      %dma_wait3A_159 = tpu.memref_squeeze %dma_wait3A_158 : memref<1x128xi32, #tpu.memory_space<vmem>> -> memref<128xi32, #tpu.memory_space<vmem>>
      %dma_wait3A_160 = arith.constant 0 : i32
      %dma_wait3A_161 = arith.constant 0 : i32
      %dma_wait3A_162 = tpu.memref_slice %arg10[%dma_wait3A_160, %dma_wait3A_161] : memref<10128x128xf32, #tpu.memory_space<vmem_shared>> -> memref<10128x128xf32, #tpu.memory_space<vmem_shared>>
      tpu.wait_indirect_dma semaphore(%run_scoped3A_142 : memref<!tpu.dma_semaphore, #tpu.memory_space<semaphore_mem>>) src(%dma_wait3A_156 : memref<128x128xf32, #tpu.memory_space<vmem>>) dst(%dma_wait3A_162 : memref<10128x128xf32, #tpu.memory_space<vmem_shared>>)
      tpu.yield
    }) : () -> ()
    %barrier3A_133 = arith.constant 0 : index
    tpu.barrier barrier_id(%barrier3A_133)
    %mul3A_134 = arith.constant 10000 : i32
    %mul3A_135 = arith.muli %arg0, %mul3A_134 : i32
    %add3A_136 = arith.addi %mul3A_135, %mul3A_2 : i32
    "tpu.region"() ({
      %run_scoped3A_142 = tpu.sem_alloc : memref<!tpu.dma_semaphore, #tpu.memory_space<semaphore_mem>>
      %dma_start3A_143 = arith.constant 0 : i32
      %dma_start3A_144 = tpu.memref_slice %arg6[%add3A_136, %dma_start3A_143] : memref<20000x128xf32, #tpu.memory_space<hbm>> -> memref<624x128xf32, #tpu.memory_space<hbm>>
      %dma_start3A_145 = arith.constant 0 : i32
      %dma_start3A_146 = tpu.memref_slice %arg10[%mul3A_2, %dma_start3A_145] : memref<10128x128xf32, #tpu.memory_space<vmem_shared>> -> memref<624x128xf32, #tpu.memory_space<vmem_shared>>
      tpu.enqueue_dma source(%dma_start3A_146 : memref<624x128xf32, #tpu.memory_space<vmem_shared>>) target(%dma_start3A_144 : memref<624x128xf32, #tpu.memory_space<hbm>>) target_semaphore(%run_scoped3A_142 : memref<!tpu.dma_semaphore, #tpu.memory_space<semaphore_mem>>)
      %dma_wait3A_147 = arith.constant 0 : i32
      %dma_wait3A_148 = tpu.memref_slice %arg6[%add3A_136, %dma_wait3A_147] : memref<20000x128xf32, #tpu.memory_space<hbm>> -> memref<624x128xf32, #tpu.memory_space<hbm>>
      %dma_wait3A_149 = arith.constant 0 : i32
      %dma_wait3A_150 = tpu.memref_slice %arg10[%mul3A_2, %dma_wait3A_149] : memref<10128x128xf32, #tpu.memory_space<vmem_shared>> -> memref<624x128xf32, #tpu.memory_space<vmem_shared>>
      tpu.wait_dma2 semaphore(%run_scoped3A_142 : memref<!tpu.dma_semaphore, #tpu.memory_space<semaphore_mem>>) src(%dma_wait3A_150 : memref<624x128xf32, #tpu.memory_space<vmem_shared>>) dst(%dma_wait3A_148 : memref<624x128xf32, #tpu.memory_space<hbm>>)
      tpu.yield
    }) : () -> ()
    %eq3A_137 = arith.constant 15 : i32
    %eq3A_138 = arith.cmpi eq, %arg1, %eq3A_137 : i32
    %convert_element_type3A_139 = arith.extui %eq3A_138 : i1 to i32
    %cond3A_140 = arith.constant 0 : i32
    %cond3A_141 = arith.cmpi ne, %convert_element_type3A_139, %cond3A_140 : i32
    scf.if %cond3A_141 {
      %mul3A_142 = arith.constant 10000 : i32
      %mul3A_143 = arith.muli %arg0, %mul3A_142 : i32
      %add3A_144 = arith.constant 9984 : i32
      %add3A_145 = arith.addi %mul3A_143, %add3A_144 : i32
      "tpu.region"() ({
        %run_scoped3A_146 = tpu.sem_alloc : memref<!tpu.dma_semaphore, #tpu.memory_space<semaphore_mem>>
        %dma_start3A_147 = arith.constant 0 : i32
        %dma_start3A_148 = tpu.memref_slice %arg6[%add3A_145, %dma_start3A_147] : memref<20000x128xf32, #tpu.memory_space<hbm>> -> memref<16x128xf32, #tpu.memory_space<hbm>>
        %dma_start3A_149 = arith.constant 9984 : i32
        %dma_start3A_150 = arith.constant 0 : i32
        %dma_start3A_151 = tpu.memref_slice %arg10[%dma_start3A_149, %dma_start3A_150] : memref<10128x128xf32, #tpu.memory_space<vmem_shared>> -> memref<16x128xf32, #tpu.memory_space<vmem_shared>>
        tpu.enqueue_dma source(%dma_start3A_151 : memref<16x128xf32, #tpu.memory_space<vmem_shared>>) target(%dma_start3A_148 : memref<16x128xf32, #tpu.memory_space<hbm>>) target_semaphore(%run_scoped3A_146 : memref<!tpu.dma_semaphore, #tpu.memory_space<semaphore_mem>>)
        %dma_wait3A_152 = arith.constant 0 : i32
        %dma_wait3A_153 = tpu.memref_slice %arg6[%add3A_145, %dma_wait3A_152] : memref<20000x128xf32, #tpu.memory_space<hbm>> -> memref<16x128xf32, #tpu.memory_space<hbm>>
        %dma_wait3A_154 = arith.constant 9984 : i32
        %dma_wait3A_155 = arith.constant 0 : i32
        %dma_wait3A_156 = tpu.memref_slice %arg10[%dma_wait3A_154, %dma_wait3A_155] : memref<10128x128xf32, #tpu.memory_space<vmem_shared>> -> memref<16x128xf32, #tpu.memory_space<vmem_shared>>
        tpu.wait_dma2 semaphore(%run_scoped3A_146 : memref<!tpu.dma_semaphore, #tpu.memory_space<semaphore_mem>>) src(%dma_wait3A_156 : memref<16x128xf32, #tpu.memory_space<vmem_shared>>) dst(%dma_wait3A_153 : memref<16x128xf32, #tpu.memory_space<hbm>>)
        tpu.yield
      }) : () -> ()
    } else {
    }
    return
  }
}

module attributes {stable_mosaic.version = 14 : i64} {
  func.func @_tc1_body(%arg0: i32, %arg1: memref<1000x128xf32, #tpu.memory_space<vmem>>, %arg2: memref<128x128xf32, #tpu.memory_space<vmem>>, %arg3: memref<2x1000x16xf32, #tpu.memory_space<vmem>>, %arg4: memref<1000x128xf32, #tpu.memory_space<vmem>>, %arg5: memref<1000x1xf32, #tpu.memory_space<vmem>>) attributes {dimension_semantics = [#tpu.dimension_semantics<arbitrary>], iteration_bounds = array<i64: 10>, scalar_prefetch = 0 : i64, scratch_operands = 0 : i64, tpu.core_type = #tpu.core_type<tc>, window_params = [{transform_indices = @transform_0, window_bounds = array<i64: 1000, 128>}, {pipeline_mode = #tpu.pipeline_mode<synchronous>, transform_indices = @transform_1, window_bounds = array<i64: 128, 128>}, {transform_indices = @transform_2, window_bounds = array<i64: 2, 1000, 16>}, {transform_indices = @transform_3, window_bounds = array<i64: 1000, 128>}, {transform_indices = @transform_4, window_bounds = array<i64: 1000, 1>}]} {
    %get3A = arith.constant 0 : index
    %get3A_0 = arith.constant 0 : index
    %get3A_1 = arith.constant 0 : index
    %get3A_2 = vector.load %arg3[%get3A, %get3A_0, %get3A_1] : memref<2x1000x16xf32, #tpu.memory_space<vmem>>, vector<1x1000x16xf32>
    %get3A_3 = vector.shape_cast %get3A_2 : vector<1x1000x16xf32> to vector<1000x16xf32>
    %get3A_4 = arith.constant 1 : index
    %get3A_5 = arith.constant 0 : index
    %get3A_6 = arith.constant 0 : index
    %get3A_7 = vector.load %arg3[%get3A_4, %get3A_5, %get3A_6] : memref<2x1000x16xf32, #tpu.memory_space<vmem>>, vector<1x1000x16xf32>
    %get3A_8 = vector.shape_cast %get3A_7 : vector<1x1000x16xf32> to vector<1000x16xf32>
    %add3A = arith.addf %get3A_3, %get3A_8 : vector<1000x16xf32>
    %reduce_sum3A = arith.constant dense<0.000000e+00> : vector<1000xf32>
    %reduce_sum3A_9 = vector.multi_reduction <add>, %add3A, %reduce_sum3A [1] : vector<1000x16xf32> to vector<1000xf32>
    %broadcast_in_dim3A = vector.shape_cast %reduce_sum3A_9 : vector<1000xf32> to vector<1000x1xf32>
    %add3A_10 = arith.constant 1.000000e+00 : f32
    %add3A_11 = vector.broadcast %add3A_10 : f32 to vector<1000x1xf32>
    %add3A_12 = arith.addf %broadcast_in_dim3A, %add3A_11 : vector<1000x1xf32>
    %rsqrt3A = math.rsqrt %add3A_12 : vector<1000x1xf32>
    %get3A_13 = arith.constant 0 : index
    %get3A_14 = arith.constant 0 : index
    %get3A_15 = vector.load %arg1[%get3A_13, %get3A_14] : memref<1000x128xf32, #tpu.memory_space<vmem>>, vector<1000x128xf32>
    %get3A_16 = arith.constant 0 : index
    %get3A_17 = arith.constant 0 : index
    %get3A_18 = vector.load %arg2[%get3A_16, %get3A_17] : memref<128x128xf32, #tpu.memory_space<vmem>>, vector<128x128xf32>
    %dot_general3A = arith.constant dense<0.000000e+00> : vector<1000x128xf32>
    %dot_general3A_19 = tpu.matmul %get3A_15, %get3A_18, %dot_general3A {dimension_numbers = #tpu.dot_dimension_numbers<[1], [0], [0], [1], [0, 0, 1, 1], [], []>, transpose_lhs_hint = false} : vector<1000x128xf32>, vector<128x128xf32>, vector<1000x128xf32> -> vector<1000x128xf32>
    %mul3A = vector.broadcast %rsqrt3A : vector<1000x1xf32> to vector<1000x128xf32>
    %mul3A_20 = arith.mulf %dot_general3A_19, %mul3A : vector<1000x128xf32>
    %swap3A = arith.constant 0 : index
    %swap3A_21 = arith.constant 0 : index
    %swap3A_22 = vector.load %arg4[%swap3A, %swap3A_21] : memref<1000x128xf32, #tpu.memory_space<vmem>>, vector<1000x128xf32>
    tpu.vector_store %arg4[%swap3A, %swap3A_21], %mul3A_20 {strides = array<i32>} : memref<1000x128xf32, #tpu.memory_space<vmem>>, vector<1000x128xf32>,
    %swap3A_23 = arith.constant 0 : index
    %swap3A_24 = arith.constant 0 : index
    %swap3A_25 = vector.load %arg5[%swap3A_23, %swap3A_24] : memref<1000x1xf32, #tpu.memory_space<vmem>>, vector<1000x1xf32>
    tpu.vector_store %arg5[%swap3A_23, %swap3A_24], %rsqrt3A {strides = array<i32>} : memref<1000x1xf32, #tpu.memory_space<vmem>>, vector<1000x1xf32>,
    return
  }
  func.func @transform_0(%arg0: i32) -> (i32, i32) {
    %c0_i32 = arith.constant 0 : i32
    %c0_i32_0 = arith.constant 0 : i32
    return %arg0, %c0_i32 : i32, i32
  }
  func.func @transform_1(%arg0: i32) -> (i32, i32) {
    %c0_i32 = arith.constant 0 : i32
    %c0_i32_0 = arith.constant 0 : i32
    %c0_i32_1 = arith.constant 0 : i32
    return %c0_i32, %c0_i32_0 : i32, i32
  }
  func.func @transform_2(%arg0: i32) -> (i32, i32, i32) {
    %c0_i32 = arith.constant 0 : i32
    %c0_i32_0 = arith.constant 0 : i32
    %c0_i32_1 = arith.constant 0 : i32
    return %c0_i32, %arg0, %c0_i32_0 : i32, i32, i32
  }
  func.func @transform_3(%arg0: i32) -> (i32, i32) {
    %c0_i32 = arith.constant 0 : i32
    %c0_i32_0 = arith.constant 0 : i32
    return %arg0, %c0_i32 : i32, i32
  }
  func.func @transform_4(%arg0: i32) -> (i32, i32) {
    %c0_i32 = arith.constant 0 : i32
    %c0_i32_0 = arith.constant 0 : i32
    return %arg0, %c0_i32 : i32, i32
  }
}

module attributes {stable_mosaic.version = 14 : i64} {
  func.func @_tc2_body(%arg0: i32, %arg1: memref<2x1000x128xf32, #tpu.memory_space<vmem>>, %arg2: memref<1000x128xf32, #tpu.memory_space<vmem>>, %arg3: memref<1x128xf32, #tpu.memory_space<vmem>>, %arg4: memref<128x128xf32, #tpu.memory_space<vmem>>, %arg5: memref<1000x1xf32, #tpu.memory_space<vmem>>, %arg6: memref<1000x128xf32, #tpu.memory_space<vmem>>) attributes {dimension_semantics = [#tpu.dimension_semantics<arbitrary>], iteration_bounds = array<i64: 10>, scalar_prefetch = 0 : i64, scratch_operands = 0 : i64, tpu.core_type = #tpu.core_type<tc>, window_params = [{transform_indices = @transform_0, window_bounds = array<i64: 2, 1000, 128>}, {transform_indices = @transform_1, window_bounds = array<i64: 1000, 128>}, {pipeline_mode = #tpu.pipeline_mode<synchronous>, transform_indices = @transform_2, window_bounds = array<i64: 1, 128>}, {pipeline_mode = #tpu.pipeline_mode<synchronous>, transform_indices = @transform_3, window_bounds = array<i64: 128, 128>}, {transform_indices = @transform_4, window_bounds = array<i64: 1000, 1>}, {transform_indices = @transform_5, window_bounds = array<i64: 1000, 128>}]} {
    %get3A = arith.constant 0 : index
    %get3A_0 = arith.constant 0 : index
    %get3A_1 = vector.load %arg5[%get3A, %get3A_0] : memref<1000x1xf32, #tpu.memory_space<vmem>>, vector<1000x1xf32>
    %get3A_2 = arith.constant 0 : index
    %get3A_3 = arith.constant 0 : index
    %get3A_4 = arith.constant 0 : index
    %get3A_5 = vector.load %arg1[%get3A_2, %get3A_3, %get3A_4] : memref<2x1000x128xf32, #tpu.memory_space<vmem>>, vector<1x1000x128xf32>
    %get3A_6 = vector.shape_cast %get3A_5 : vector<1x1000x128xf32> to vector<1000x128xf32>
    %get3A_7 = arith.constant 1 : index
    %get3A_8 = arith.constant 0 : index
    %get3A_9 = arith.constant 0 : index
    %get3A_10 = vector.load %arg1[%get3A_7, %get3A_8, %get3A_9] : memref<2x1000x128xf32, #tpu.memory_space<vmem>>, vector<1x1000x128xf32>
    %get3A_11 = vector.shape_cast %get3A_10 : vector<1x1000x128xf32> to vector<1000x128xf32>
    %add3A = arith.addf %get3A_6, %get3A_11 : vector<1000x128xf32>
    %get3A_12 = arith.constant 0 : index
    %get3A_13 = arith.constant 0 : index
    %get3A_14 = vector.load %arg2[%get3A_12, %get3A_13] : memref<1000x128xf32, #tpu.memory_space<vmem>>, vector<1000x128xf32>
    %add3A_15 = arith.addf %add3A, %get3A_14 : vector<1000x128xf32>
    %mul3A = vector.broadcast %get3A_1 : vector<1000x1xf32> to vector<1000x128xf32>
    %mul3A_16 = arith.mulf %mul3A, %add3A_15 : vector<1000x128xf32>
    %get3A_17 = arith.constant 0 : index
    %get3A_18 = arith.constant 0 : index
    %get3A_19 = vector.load %arg3[%get3A_17, %get3A_18] : memref<1x128xf32, #tpu.memory_space<vmem>>, vector<1x128xf32>
    %add3A_20 = vector.broadcast %get3A_19 : vector<1x128xf32> to vector<1000x128xf32>
    %add3A_21 = arith.addf %mul3A_16, %add3A_20 : vector<1000x128xf32>
    %tanh3A = math.tanh %add3A_21 : vector<1000x128xf32>
    %get3A_22 = arith.constant 0 : index
    %get3A_23 = arith.constant 0 : index
    %get3A_24 = vector.load %arg4[%get3A_22, %get3A_23] : memref<128x128xf32, #tpu.memory_space<vmem>>, vector<128x128xf32>
    %dot_general3A = arith.constant dense<0.000000e+00> : vector<1000x128xf32>
    %dot_general3A_25 = tpu.matmul %tanh3A, %get3A_24, %dot_general3A {dimension_numbers = #tpu.dot_dimension_numbers<[1], [0], [0], [1], [0, 0, 1, 1], [], []>, transpose_lhs_hint = false} : vector<1000x128xf32>, vector<128x128xf32>, vector<1000x128xf32> -> vector<1000x128xf32>
    %mul3A_26 = vector.broadcast %get3A_1 : vector<1000x1xf32> to vector<1000x128xf32>
    %mul3A_27 = arith.mulf %dot_general3A_25, %mul3A_26 : vector<1000x128xf32>
    %swap3A = arith.constant 0 : index
    %swap3A_28 = arith.constant 0 : index
    %swap3A_29 = vector.load %arg6[%swap3A, %swap3A_28] : memref<1000x128xf32, #tpu.memory_space<vmem>>, vector<1000x128xf32>
    tpu.vector_store %arg6[%swap3A, %swap3A_28], %mul3A_27 {strides = array<i32>} : memref<1000x128xf32, #tpu.memory_space<vmem>>, vector<1000x128xf32>,
    return
  }
  func.func @transform_0(%arg0: i32) -> (i32, i32, i32) {
    %c0_i32 = arith.constant 0 : i32
    %c0_i32_0 = arith.constant 0 : i32
    %c0_i32_1 = arith.constant 0 : i32
    return %c0_i32, %arg0, %c0_i32_0 : i32, i32, i32
  }
  func.func @transform_1(%arg0: i32) -> (i32, i32) {
    %c0_i32 = arith.constant 0 : i32
    %c0_i32_0 = arith.constant 0 : i32
    return %arg0, %c0_i32 : i32, i32
  }
  func.func @transform_2(%arg0: i32) -> (i32, i32) {
    %c0_i32 = arith.constant 0 : i32
    %c0_i32_0 = arith.constant 0 : i32
    %c0_i32_1 = arith.constant 0 : i32
    return %c0_i32, %c0_i32_0 : i32, i32
  }
  func.func @transform_3(%arg0: i32) -> (i32, i32) {
    %c0_i32 = arith.constant 0 : i32
    %c0_i32_0 = arith.constant 0 : i32
    %c0_i32_1 = arith.constant 0 : i32
    return %c0_i32, %c0_i32_0 : i32, i32
  }
  func.func @transform_4(%arg0: i32) -> (i32, i32) {
    %c0_i32 = arith.constant 0 : i32
    %c0_i32_0 = arith.constant 0 : i32
    return %arg0, %c0_i32 : i32, i32
  }
  func.func @transform_5(%arg0: i32) -> (i32, i32) {
    %c0_i32 = arith.constant 0 : i32
    %c0_i32_0 = arith.constant 0 : i32
    return %arg0, %c0_i32 : i32, i32
  }
}

module attributes {stable_mosaic.version = 14 : i64} {
  func.func @_tc3_body(%arg0: i32, %arg1: memref<2x1000x128xf32, #tpu.memory_space<vmem>>, %arg2: memref<1000x128xf32, #tpu.memory_space<vmem>>, %arg3: memref<1x128xf32, #tpu.memory_space<vmem>>, %arg4: memref<128x128xf32, #tpu.memory_space<vmem>>, %arg5: memref<1x128xf32, #tpu.memory_space<vmem>>, %arg6: memref<1000x1xf32, #tpu.memory_space<vmem>>, %arg7: memref<1000x128xf32, #tpu.memory_space<vmem>>) attributes {dimension_semantics = [#tpu.dimension_semantics<arbitrary>], iteration_bounds = array<i64: 10>, scalar_prefetch = 0 : i64, scratch_operands = 0 : i64, tpu.core_type = #tpu.core_type<tc>, window_params = [{transform_indices = @transform_0, window_bounds = array<i64: 2, 1000, 128>}, {transform_indices = @transform_1, window_bounds = array<i64: 1000, 128>}, {pipeline_mode = #tpu.pipeline_mode<synchronous>, transform_indices = @transform_2, window_bounds = array<i64: 1, 128>}, {pipeline_mode = #tpu.pipeline_mode<synchronous>, transform_indices = @transform_3, window_bounds = array<i64: 128, 128>}, {pipeline_mode = #tpu.pipeline_mode<synchronous>, transform_indices = @transform_4, window_bounds = array<i64: 1, 128>}, {transform_indices = @transform_5, window_bounds = array<i64: 1000, 1>}, {transform_indices = @transform_6, window_bounds = array<i64: 1000, 128>}]} {
    %get3A = arith.constant 0 : index
    %get3A_0 = arith.constant 0 : index
    %get3A_1 = vector.load %arg6[%get3A, %get3A_0] : memref<1000x1xf32, #tpu.memory_space<vmem>>, vector<1000x1xf32>
    %get3A_2 = arith.constant 0 : index
    %get3A_3 = arith.constant 0 : index
    %get3A_4 = arith.constant 0 : index
    %get3A_5 = vector.load %arg1[%get3A_2, %get3A_3, %get3A_4] : memref<2x1000x128xf32, #tpu.memory_space<vmem>>, vector<1x1000x128xf32>
    %get3A_6 = vector.shape_cast %get3A_5 : vector<1x1000x128xf32> to vector<1000x128xf32>
    %get3A_7 = arith.constant 1 : index
    %get3A_8 = arith.constant 0 : index
    %get3A_9 = arith.constant 0 : index
    %get3A_10 = vector.load %arg1[%get3A_7, %get3A_8, %get3A_9] : memref<2x1000x128xf32, #tpu.memory_space<vmem>>, vector<1x1000x128xf32>
    %get3A_11 = vector.shape_cast %get3A_10 : vector<1x1000x128xf32> to vector<1000x128xf32>
    %add3A = arith.addf %get3A_6, %get3A_11 : vector<1000x128xf32>
    %get3A_12 = arith.constant 0 : index
    %get3A_13 = arith.constant 0 : index
    %get3A_14 = vector.load %arg2[%get3A_12, %get3A_13] : memref<1000x128xf32, #tpu.memory_space<vmem>>, vector<1000x128xf32>
    %add3A_15 = arith.addf %add3A, %get3A_14 : vector<1000x128xf32>
    %mul3A = vector.broadcast %get3A_1 : vector<1000x1xf32> to vector<1000x128xf32>
    %mul3A_16 = arith.mulf %mul3A, %add3A_15 : vector<1000x128xf32>
    %get3A_17 = arith.constant 0 : index
    %get3A_18 = arith.constant 0 : index
    %get3A_19 = vector.load %arg3[%get3A_17, %get3A_18] : memref<1x128xf32, #tpu.memory_space<vmem>>, vector<1x128xf32>
    %add3A_20 = vector.broadcast %get3A_19 : vector<1x128xf32> to vector<1000x128xf32>
    %add3A_21 = arith.addf %mul3A_16, %add3A_20 : vector<1000x128xf32>
    %tanh3A = math.tanh %add3A_21 : vector<1000x128xf32>
    %get3A_22 = arith.constant 0 : index
    %get3A_23 = arith.constant 0 : index
    %get3A_24 = vector.load %arg4[%get3A_22, %get3A_23] : memref<128x128xf32, #tpu.memory_space<vmem>>, vector<128x128xf32>
    %dot_general3A = arith.constant dense<0.000000e+00> : vector<1000x128xf32>
    %dot_general3A_25 = tpu.matmul %tanh3A, %get3A_24, %dot_general3A {dimension_numbers = #tpu.dot_dimension_numbers<[1], [0], [0], [1], [0, 0, 1, 1], [], []>, transpose_lhs_hint = false} : vector<1000x128xf32>, vector<128x128xf32>, vector<1000x128xf32> -> vector<1000x128xf32>
    %get3A_26 = arith.constant 0 : index
    %get3A_27 = arith.constant 0 : index
    %get3A_28 = vector.load %arg5[%get3A_26, %get3A_27] : memref<1x128xf32, #tpu.memory_space<vmem>>, vector<1x128xf32>
    %add3A_29 = vector.broadcast %get3A_28 : vector<1x128xf32> to vector<1000x128xf32>
    %add3A_30 = arith.addf %dot_general3A_25, %add3A_29 : vector<1000x128xf32>
    %swap3A = arith.constant 0 : index
    %swap3A_31 = arith.constant 0 : index
    %swap3A_32 = vector.load %arg7[%swap3A, %swap3A_31] : memref<1000x128xf32, #tpu.memory_space<vmem>>, vector<1000x128xf32>
    tpu.vector_store %arg7[%swap3A, %swap3A_31], %add3A_30 {strides = array<i32>} : memref<1000x128xf32, #tpu.memory_space<vmem>>, vector<1000x128xf32>,
    return
  }
  func.func @transform_0(%arg0: i32) -> (i32, i32, i32) {
    %c0_i32 = arith.constant 0 : i32
    %c0_i32_0 = arith.constant 0 : i32
    %c0_i32_1 = arith.constant 0 : i32
    return %c0_i32, %arg0, %c0_i32_0 : i32, i32, i32
  }
  func.func @transform_1(%arg0: i32) -> (i32, i32) {
    %c0_i32 = arith.constant 0 : i32
    %c0_i32_0 = arith.constant 0 : i32
    return %arg0, %c0_i32 : i32, i32
  }
  func.func @transform_2(%arg0: i32) -> (i32, i32) {
    %c0_i32 = arith.constant 0 : i32
    %c0_i32_0 = arith.constant 0 : i32
    %c0_i32_1 = arith.constant 0 : i32
    return %c0_i32, %c0_i32_0 : i32, i32
  }
  func.func @transform_3(%arg0: i32) -> (i32, i32) {
    %c0_i32 = arith.constant 0 : i32
    %c0_i32_0 = arith.constant 0 : i32
    %c0_i32_1 = arith.constant 0 : i32
    return %c0_i32, %c0_i32_0 : i32, i32
  }
  func.func @transform_4(%arg0: i32) -> (i32, i32) {
    %c0_i32 = arith.constant 0 : i32
    %c0_i32_0 = arith.constant 0 : i32
    %c0_i32_1 = arith.constant 0 : i32
    return %c0_i32, %c0_i32_0 : i32, i32
  }
  func.func @transform_5(%arg0: i32) -> (i32, i32) {
    %c0_i32 = arith.constant 0 : i32
    %c0_i32_0 = arith.constant 0 : i32
    return %arg0, %c0_i32 : i32, i32
  }
  func.func @transform_6(%arg0: i32) -> (i32, i32) {
    %c0_i32 = arith.constant 0 : i32
    %c0_i32_0 = arith.constant 0 : i32
    return %arg0, %c0_i32 : i32, i32
  }
}

</mosaic_0001>

<sc_bundles>
// kernel: kernel.11.cloned.1.call-start
scs
__scs_entry_jumppad:
0x0: {  	(pc) =	sbr.rel $0x88, $3  }
0x1: {  	(tag) =	ssettag $0x0;
	lr =	simm.s32 $0x1  }
0x2: {  	[smem:$0x3F99] =	sst lr;
	_ =	strace $0xD0000000  }
0x3: {  	_ = 	snop  }
0x4: {  	_ = 	snop  }
0x5: {  	_ = 	snop  }
0x6: {  	_ = 	snop  }
0x7: {  	_ = 	snop  }
__scs_overlays_trampoline_lowered:
0x8: {  	[smem:$0x3FA8] =	sst s0  }
0x9: {  	[smem:$0x3FA9] =	sst s1  }
0xa: {  	[smem:$0x3FAA] =	sst s2  }
0xb: {  	[smem:$0x3FAB] =	sst s3  }
0xc: {  	[smem:$0x3FAC] =	sst s4  }
0xd: {  	[smem:$0x3FAD] =	sst s5  }
0xe: {  	[smem:$0x3FAE] =	sst s6  }
0xf: {  	[smem:$0x3FAF] =	sst s7  }
0x10: {  	[smem:$0x3FB0] =	sst s8  }
0x11: {  	[smem:$0x3FB1] =	sst s9;
	s0 =	simm.s32 @!p0 $0x0  }
0x12: {  	s1 =	sld [smem:$0x3F97];
	s0 =	simm.s32 @p0 $0x1  }
0x13: {  	[smem:$0x3FB2] =	sst s0;
	s0 =	simm.s32 @!p1 $0x0  }
0x14: {  	s2 =	sld [smem:$0x3F96];
	s0 =	simm.s32 @p1 $0x1  }
0x15: {  	[smem:$0x3FB3] =	sst s0;
	s0 =	simm.s32 @!p2 $0x0  }
0x16: {  	s3 =	sld [smem:$0x3FDB];
	s0 =	simm.s32 @p2 $0x1  }
0x17: {  	s4 =	simm.s32 $0x1BF5;
	[smem:$0x3FB5] =	sst s0  }
0x18: {  	s0 =	sld [smem:$0x3F98];
	_ =	swait.ge [sflag:s4], $0x0  }
0x19: {  	s7 =	sld [smem:$0x3F99]  }
0x1a: {  	s8 =	sadd.s32 $0xFFFFE003, lr  }
0x1b: {  	s9 =	sadd.s32 $0xFFFFFEF7, lr;
	s5 =	simm.s32 $0xFFFFFFFF;
	p2 =	slt.u32 s8, $0xFFFFF086  }
0x1c: {  	p1 =	slt.u32 s9, $0xF7A;
	s5 =	simm.s32 @!p2 $0x0  }
0x1d: {  	s5 =	simm.s32 @p1 $0x1;
	p0 =	seq.s32 s7, s2  }
0x1e: {  	s7 =	smul.u32 @!p0 $0xF7A, s2;
	p2 =	seq.s32 @!p0 s5, $0x0  }
0x1f: {  	s9 =	smul.u32 $0xF7A, s1;
	s8 =	simm.s32 @!p0 $0x1BF5;
	p2 =	por !p2, p0  }
0x20: {  	[sflag:s8] =	ssyncset.s32 @!p0 $0xFFFFF086;
	s6 =	sadd.s32 @!p0 s3, s7;
	s7 =	simm.s32 @!p0 $0x108  }
0x21: {  	s3 =	sadd.s32 s3, s9;
	s6 =	sadd.s32 @!p0 $0x88, s6;
	s7 =	simm.s32 @p2 $0x1082  }
0x22: {  	[simem:s7], [sflag:s8] =	dma.local @!p0 [hbm:s6], $0xF7A  }
0x23: {  	s9 =	sor.u32 $0xD0000000, s2;
	s6 =	simm.s32 $0x108;
	_ =	swait.ge @!p0 [sflag:s8], $0x0  }
0x24: {  	s3 =	sadd.s32 $0x88, s3;
	s6 =	simm.s32 @!p1 $0x1082;
	[sflag:s4] =	ssyncset.s32 $0xFFFFF086  }
0x25: {  	[simem:s6], [sflag:s4] =	dma.local [hbm:s3], $0xF7A  }
0x26: {  	[smem:$0x3F99] =	sst s1;
	(tag) =	ssettag s2;
	_ =	strace s9  }
0x27: {  	s1 =	sld [smem:$0x3FA9]  }
0x28: {  	s2 =	sld [smem:$0x3FAA]  }
0x29: {  	s4 =	sld [smem:$0x3FAC]  }
0x2a: {  	p0 =	seq.s32 s5, $0x0;
	s5 =	sld [smem:$0x3FAD]  }
0x2b: {  	s6 =	sld [smem:$0x3FAE]  }
0x2c: {  	s7 =	sld [smem:$0x3FAF]  }
0x2d: {  	s3 =	simm.s32 $0x108;
	s8 =	sld [smem:$0x3FB0]  }
0x2e: {  	s3 =	simm.s32 @!p0 $0x1082;
	s9 =	sld [smem:$0x3FB1]  }
0x2f: {  	lr =	sadd.s32 s0, s3;
	s0 =	sld [smem:$0x3FA8]  }
0x30: {  	s3 =	sld [smem:$0x3FAB]  }
0x31: {  	[smem:$0x3FB4] =	sst s10  }
0x32: {  	s10 =	sld [smem:$0x3FB2];
	_ =	sdelay $0x3  }
0x33: {  	p0 =	seq.s32 s10, $0x1;
	s10 =	sld [smem:$0x3FB4];
	_ =	sdelay $0x3  }
0x34: {  	[smem:$0x3FB4] =	sst s10  }
0x35: {  	s10 =	sld [smem:$0x3FB3];
	_ =	sdelay $0x3  }
0x36: {  	p1 =	seq.s32 s10, $0x1;
	s10 =	sld [smem:$0x3FB4];
	_ =	sdelay $0x3  }
0x37: {  	[smem:$0x3FB4] =	sst s10  }
0x38: {  	s10 =	sld [smem:$0x3FB5]  }
0x39: {  	_ = 	snop;
	(pc) =	sbr.ind lr, $3  }
0x3a: {  	_ = 	snop  }
0x3b: {  	_ = 	snop  }
0x3c: {  	p2 =	seq.s32 s10, $0x1;
	s10 =	sld [smem:$0x3FB4]  }
0x3d: {  	_ =	shalt  }
0x3e: {  	_ =	shalt  }
0x3f: {  	_ =	shalt  }
0x40: {  	_ =	shalt  }
0x41: {  	_ =	shalt  }
0x42: {  	_ =	shalt  }
0x43: {  	_ =	shalt  }
0x44: {  	_ =	shalt  }
0x45: {  	_ =	shalt  }
0x46: {  	_ =	shalt  }
0x47: {  	_ =	shalt  }
0x48: {  	_ =	shalt  }
0x49: {  	_ =	shalt  }
0x4a: {  	_ =	shalt  }
0x4b: {  	_ =	shalt  }
0x4c: {  	_ =	shalt  }
0x4d: {  	_ =	shalt  }
0x4e: {  	_ =	shalt  }
0x4f: {  	_ =	shalt  }
0x50: {  	_ =	shalt  }
0x51: {  	_ =	shalt  }
0x52: {  	_ =	shalt  }
0x53: {  	_ =	shalt  }
0x54: {  	_ =	shalt  }
0x55: {  	_ =	shalt  }
0x56: {  	_ =	shalt  }
0x57: {  	_ =	shalt  }
0x58: {  	_ =	shalt  }
0x59: {  	_ =	shalt  }
0x5a: {  	_ =	shalt  }
0x5b: {  	_ =	shalt  }
0x5c: {  	_ =	shalt  }
0x5d: {  	_ =	shalt  }
0x5e: {  	_ =	shalt  }
0x5f: {  	_ =	shalt  }
0x60: {  	_ =	shalt  }
0x61: {  	_ =	shalt  }
0x62: {  	_ =	shalt  }
0x63: {  	_ =	shalt  }
0x64: {  	_ =	shalt  }
0x65: {  	_ =	shalt  }
0x66: {  	_ =	shalt  }
0x67: {  	_ =	shalt  }
0x68: {  	_ =	shalt  }
0x69: {  	_ =	shalt  }
0x6a: {  	_ =	shalt  }
0x6b: {  	_ =	shalt  }
0x6c: {  	_ =	shalt  }
0x6d: {  	_ =	shalt  }
0x6e: {  	_ =	shalt  }
0x6f: {  	_ =	shalt  }
0x70: {  	_ =	shalt  }
0x71: {  	_ =	shalt  }
0x72: {  	_ =	shalt  }
0x73: {  	_ =	shalt  }
0x74: {  	_ =	shalt  }
0x75: {  	_ =	shalt  }
0x76: {  	_ =	shalt  }
0x77: {  	_ =	shalt  }
0x78: {  	_ =	shalt  }
0x79: {  	_ =	shalt  }
0x7a: {  	_ =	shalt  }
0x7b: {  	_ =	shalt  }
0x7c: {  	_ =	shalt  }
0x7d: {  	_ =	shalt  }
0x7e: {  	_ =	shalt  }
0x7f: {  	_ =	shalt  }
0x80: {  	_ =	shalt  }
0x81: {  	_ =	shalt  }
0x82: {  	_ =	shalt  }
0x83: {  	_ =	shalt  }
0x84: {  	_ =	shalt  }
0x85: {  	_ =	shalt  }
0x86: {  	_ =	shalt  }
0x87: {  	_ =	shalt  }
.Lfunc_end0:
.L_simem_size_0:
called_computation.1_lowered:
.L_overlay_start_0:
0x88: {  	s2 =	sld [smem:$0x3FD9]  }
0x89: {  	s3 =	sld [smem:$0x3FFE];
	_ =	sdelay $0x1  }
0x8a: {  	s1 =	srdreg.scid  }
0x8b: {  	s0 =	sand.u32 $0x1, s1  }
0x8c: {  	s17 =	sshll.u32 s0, $0xA;
	s2 =	sadd.s32 s3, s2  }
0x8d: {  	s2 =	sadd.s32 s2, s17  }
0x8e: {  	[smem:$0x3FC0] =	sst s2  }
0x8f: {  	_ = 	snop  }
0x90: {  	s2 =	sld [smem:$0x3FD0];
	(tm) =	ssettm $0x1  }
0x91: {  	s18 =	sld [smem:$0x3FFB];
	_ =	sdelay $0x3  }
0x92: {  	_ =	strace s18  }
0x93: {  	s3 =	sld [smem:$0x3FFC];
	_ =	sdelay $0x3  }
0x94: {  	_ =	strace s3  }
0x95: {  	s3 =	sld [smem:$0x3FFD];
	_ =	sdelay $0x3  }
0x96: {  	_ =	strace s3  }
0x97: {  	_ =	strace $0x8FFFFFFF  }
0x98: {  	s19 =	sld [smem:$0x3FDB];
	_ =	sdelay $0x1  }
0x99: {  	s4 =	simm.s32 $_scs_section_size  }
0x9a: {  	s5 =	simm.s32 $_size__tile_overlayer_lowered;
	s6 =	simm.s32 $_tile_overlayer_lowered  }
0x9b: {  	s22 =	simm.s32 $0x1BFF;
	s21 =	sshll.u32 s6, $0x1;
	s3 =	sadd.s32 s4, s19  }
0x9c: {  	s7 =	simm.s32 $0x0;
	s20 =	sshll.u32 s5, $0x1;
	s5 =	sadd.s32 s21, s3  }
0x9d: {  	[timem:s7], [sflag:s22] =	dma.local [hbm:s5], s20  }
0x9e: {  	_ =	swait.ge [sflag:s22], s20  }
0x9f: {  	s4 =	ssub.s32 $0x0, s20;
	[sflag:s22] =	ssyncset.done $0x0  }
0xa0: {  	[sflag:s22] =	ssyncadd.s32 s4;
	_ =	sdelay $0x1  }
0xa1: {  	s23 =	simm.s32 $0x1B8B  }
0xa2: {  	_ =	swait.ge [sflag:s23], $0x1  }
0xa3: {  	[sflag:s23] =	ssyncset.done $0x0  }
0xa4: {  	s25 =	simm.s32 $0x1B8E;
	s24 =	sld [smem:$0x3FFE];
	[sflag:s23] =	ssyncadd.s32 $0xFFFFFFFF  }
0xa5: {  	s26 =	simm.s32 $execute0_lowered;
	[smem:$0x3FD2] =	sst s25  }
0xa6: {  	s5 =	sshll.u32 s26, $0x1;
	_ =	strace $0x80000049;
	[dreg:$0x1] =	wrdreg $0xFFFFFFFF  }
0xa7: {  	s28 =	simm.s32 $_size_execute0_lowered;
	s3 =	sadd.s32 s3, s5;
	[dreg:$0x0] =	wrdreg $0x0  }
0xa8: {  	s5 =	sshll.u32 s28, $0x1;
	[dreg:$0x2] =	wrdreg s3  }
0xa9: {  	[dreg:$0x3] =	wrdreg s5  }
0xaa: {  	[dreg:$0x4] =	wrdreg $0xC0  }
0xab: {  	_ =	task [dreg:s7], $0x5FFFF  }
0xac: {  	[dreg:$0x1] =	wrdreg $0xFFFFFFFF  }
0xad: {  	[dreg:$0x0] =	wrdreg $0x60  }
0xae: {  	[dreg:$0x2] =	wrdreg s2  }
0xaf: {  	[dreg:$0x3] =	wrdreg s24  }
0xb0: {  	[dreg:$0x4] =	wrdreg $0xA8000  }
0xb1: {  	[dreg:$0x5] =	wrdreg $0x9  }
0xb2: {  	_ =	task.clear_ibuf [dreg:s7], $0x6FFFF;
	_ =	strace $0x90000049  }
0xb3: {  	s29 =	simm.s32 $0x9;
	_ =	strace $0x8000004B  }
0xb4: {  	_ =	swait.ge [sflag:s29], $0x1  }
0xb5: {  	[sflag:s29] =	ssyncadd.s32 $0xFFFFFFFF  }
0xb6: {  	_ =	strace $0x9000004B  }
0xb7: {  	_ =	sfence  }
0xb8: {  	s30 =	sld [smem:$0x0];
	_ =	sdelay $0x2  }
0xb9: {  	s31 =	sshll.u32 s1, $0xD;
	s1 =	sshrl.u32 s1, $0x2  }
0xba: {  	s3 =	sand.u32 $0x4000, s31;
	s1 =	sadd.s32 s1, s30  }
0xbb: {  	s0 =	sor.u32 s3, s0;
	s1 =	sshll.u32 s1, $0x11  }
0xbc: {  	s0 =	sor.u32 s1, s0  }
0xbd: {  	s0 =	sadd.s32 $0x8F2B, s0  }
0xbe: {  	[sflag:s0] =	ssyncadd.remote.s32 $0x1  }
0xbf: {  	_ =	sfence.sel $0xFFFF  }
0xc0: {  	[dreg:$0x0] =	wrdreg $0xFFFFFFFF;
	(pc) =	sbr.abs _section_cstart, $3  }
0xc1: {  	[dreg:$0x1] =	wrdreg $0xFFFFFFFF  }
0xc2: {  	_ =	task.clear_ibuf [dreg:s7], $0x2FFFF;
	_ =	strace $0x9FFFFFFF  }
0xc3: {  	(tm) =	ssettm $0x7FFFFFFF  }
tec
execute0_lowered:
.L_overlay_start_1:
0x0: {  	(tag) =	ssettag $0x1  }
0x1: {  	s1 =	rddreg [dreg:$0x0]  }
0x2: {  	s6 =	rddreg [dreg:$0x1]  }
0x3: {  	s2 =	rddreg [dreg:$0x2];
	s3 =	simm.s32 $0x0;
	s5 =	srdreg.scid  }
0x4: {  	s4 =	stileid.u32;
	s22 =	simm.s32 $0x80;
	s23 =	simm.s32 $0x6800  }
0x5: {  	s24 =	simm.s32 $0x1;
	s25 =	simm.s32 $0x2;
	s26 =	simm.s32 $0x2700  }
0x6: {  	s28 =	simm.s32 $0x2780;
	s29 =	simm.s32 $0x0;
	[smem:$0x7FF] =	sst s3  }
0x7: {  	s14 =	sadd.s32 $0xCC00, s6;
	s15 =	sadd.s32 $0x2C00, s6;
	s13 =	sand.u32 $0x1, s5  }
0x8: {  	s5 =	sadd.s32 $0x16C00, s6;
	s8 =	smul.u32 $0x4E000, s4;
	s16 =	sadd.s32 $0x17400, s6  }
0x9: {  	s17 =	smul.u32 $0x2700, s4;
	p0 =	sne.s32 s4, $0xF;
	_ =	strace $0x8000004A  }
0xa: {  	s7 =	ssub.s32 $0x2, s13;
	s9 =	sshll.u32 s13, $0x4;
	s20 =	smul.u32 $0x138800, s13  }
0xb: {  	s21 =	smul.u32 $0x27100, s13;
	s31 =	sshrl.u32 s7, $0x1;
	s8 =	sshrl.u32 s8, $0x2  }
0xc: {  	s9 =	sor.u32 s4, s9;
	s18 =	ssub.s32 s7, s31;
	s6 =	sadd.s32 s8, s2  }
0xd: {  	s11 =	smul.u32 $0x2800, s9;
	s20 =	sshrl.u32 s20, $0x3;
	s17 =	sadd.s32 s17, s21  }
0xe: {  	s21 =	simm.s32 $0x1400;
	s7 =	sadd.s32 $0x4000, s6;
	s8 =	sadd.s32 $0x8000, s6  }
0xf: {  	s9 =	sadd.s32 $0xC000, s6;
	s10 =	sadd.s32 $0x10000, s6;
	s20 =	sadd.s32 s16, s20  }
0x10: {  	s16 =	sadd.s32 s16, s17;
	s18 =	smax.u32 s18, $0x1;
	s19 =	sshrl.u32 s11, $0x3  }
0x11: {  	s11 =	sadd.s32 $0x138000, s2;
	s17 =	sadd.s32 $0x27000, s20;
	s20 =	simm.s32 $0x3  }
0x12: {  	s12 =	sadd.s32 s14, s19;
	s13 =	sadd.s32 s15, s19;
	s19 =	sadd.s32 $0x280, s19  }
0x13: {  	s14 =	sadd.s32 s14, s19;
	s15 =	sadd.s32 s15, s19;
	s19 =	simm.s32 $0x2800  }
.LBB2_1:
0x14: {  	[tilespmem:s19], [sflag:$0x3] =	stream.linear.gather [hbm4b:s5+s3], $0x4000, $0x38;
	[tilespmem:$0x1E480] =	vst v63  }
0x15: {  	_ =	swait.ge [sflag:s20], $0x4000  }
0x16: {  	[sflag:s20] =	ssyncset.done $0x0  }
0x17: {  	[sflag:s20] =	ssyncadd.s32 $0xFFFFC000  }
0x18: {  	[spmem:s6] =	stream.linear.scatter [tilespmem:s19], [sflag:$0x3], $0x4000, $0x38;
	[tilespmem:$0x1E480] =	vst v63  }
0x19: {  	_ =	swait.ge [sflag:s20], $0x4000  }
0x1a: {  	[sflag:s20] =	ssyncset.done $0x0  }
0x1b: {  	[sflag:s20] =	ssyncadd.s32 $0xFFFFC000  }
0x1c: {  	[spmem:s7] =	stream.linear.scatter [tilespmem:s19], [sflag:$0x3], $0x4000, $0x38;
	[tilespmem:$0x1E480] =	vst v63  }
0x1d: {  	_ =	swait.ge [sflag:s20], $0x4000  }
0x1e: {  	[sflag:s20] =	ssyncset.done $0x0  }
0x1f: {  	[sflag:s20] =	ssyncadd.s32 $0xFFFFC000  }
0x20: {  	[spmem:s8] =	stream.linear.scatter [tilespmem:s19], [sflag:$0x3], $0x4000, $0x38;
	[tilespmem:$0x1E480] =	vst v63  }
0x21: {  	_ =	swait.ge [sflag:s20], $0x4000  }
0x22: {  	[sflag:s20] =	ssyncset.done $0x0  }
0x23: {  	[sflag:s20] =	ssyncadd.s32 $0xFFFFC000  }
0x24: {  	[spmem:s9] =	stream.linear.scatter [tilespmem:s19], [sflag:$0x3], $0x4000, $0x38;
	[tilespmem:$0x1E480] =	vst v63  }
0x25: {  	_ =	swait.ge [sflag:s20], $0x4000  }
0x26: {  	[sflag:s20] =	ssyncset.done $0x0  }
0x27: {  	[sflag:s20] =	ssyncadd.s32 $0xFFFFC000  }
0x28: {  	[spmem:s10] =	stream.linear.scatter [tilespmem:s19], [sflag:$0x3], $0x3800, $0x38;
	[tilespmem:$0x1E480] =	vst v63  }
0x29: {  	_ =	swait.ge [sflag:s20], $0x3800  }
0x2a: {  	[sflag:s20] =	ssyncset.done $0x0  }
0x2b: {  	s30 =	simm.s32 @!p0 $0x2800;
	[sflag:s20] =	ssyncadd.s32 $0xFFFFC800  }
0x2c: {  	[spmem:s11] =	stream.linear.scatter @!p0 [tilespmem:s30], [sflag:$0x3], $0x800, $0x38;
	[tilespmem:$0x1E480] =	vst v63  }
0x2d: {  	s30 =	simm.s32 @!p0 $0x3  }
0x2e: {  	_ =	swait.ge @!p0 [sflag:s30], $0x800  }
0x2f: {  	[sflag:s30] =	ssyncset.done @!p0 $0x0  }
0x30: {  	[sflag:s30] =	ssyncadd.s32 @!p0 $0xFFFFF800  }
0x31: {  	[bflag:$0x0] =	sbarrier.arrive $0xFFFF  }
0x32: {  	[tilespmem:s3], [sflag:$0x3] =	stream.linear.gather [hbm4b:s12+s3], $0x1400, $0x38;
	[tilespmem:$0x1E480] =	vst v63  }
0x33: {  	_ =	swait.ge [sflag:s20], $0x1400  }
0x34: {  	[sflag:s20] =	ssyncset.done $0x0  }
0x35: {  	[sflag:s20] =	ssyncadd.s32 $0xFFFFEC00  }
0x36: {  	[tilespmem:s21], [sflag:$0x3] =	stream.linear.gather [hbm4b:s13+s3], $0x1400, $0x38;
	[tilespmem:$0x1E480] =	vst v63  }
0x37: {  	_ =	swait.ge [sflag:s20], $0x1400  }
0x38: {  	[sflag:s20] =	ssyncset.done $0x0  }
0x39: {  	[sflag:s20] =	ssyncadd.s32 $0xFFFFEC00  }
0x3a: {  	[tilespmem:s19], [sflag:$0x1] =	stream.indirect.gather [hbm4b:s1+s22], $0x80, s3, s22, $0xb8;
	[tilespmem:$0x1E480] =	vst v63  }
0x3b: {  	_ = 	snop  }
0x3c: {  	[tilespmem:s23], [sflag:$0x2] =	stream.indirect.gather [hbm4b:s1+s22], $0x80, s22, s22, $0xb8;
	[tilespmem:$0x1E480] =	vst v63  }
0x3d: {  	_ =	swait.ge [sflag:s24], $0x4000  }
0x3e: {  	[sflag:s24] =	ssyncset.done $0x0  }
0x3f: {  	s30 =	simm.s32 $0x1400;
	[sflag:s24] =	ssyncadd.s32 $0xFFFFC000  }
0x40: {  	[spmem:s2] =	stream.indirect.scatter.add.f32 [tilespmem:s19], [sflag:$0x3], $0x80, s30, s22, $0xb8;
	[tilespmem:$0x1E480] =	vst v63  }
0x41: {  	_ =	swait.ge [sflag:s20], $0x4000  }
0x42: {  	[sflag:s20] =	ssyncset.done $0x0  }
0x43: {  	s30 =	simm.s32 $0x100;
	[sflag:s20] =	ssyncadd.s32 $0xFFFFC000  }
0x44: {  	[tilespmem:s19], [sflag:$0x1] =	stream.indirect.gather [hbm4b:s1+s22], $0x80, s30, s22, $0xb8;
	[tilespmem:$0x1E480] =	vst v63  }
0x45: {  	_ =	swait.ge [sflag:s25], $0x4000  }
0x46: {  	[sflag:s25] =	ssyncset.done $0x0  }
0x47: {  	s30 =	simm.s32 $0x1480;
	[sflag:s25] =	ssyncadd.s32 $0xFFFFC000  }
0x48: {  	[spmem:s2] =	stream.indirect.scatter.add.f32 [tilespmem:s23], [sflag:$0x3], $0x80, s30, s22, $0xb8;
	[tilespmem:$0x1E480] =	vst v63  }
0x49: {  	_ =	swait.ge [sflag:s20], $0x4000  }
0x4a: {  	[sflag:s20] =	ssyncset.done $0x0  }
0x4b: {  	s31 =	simm.s32 $0x180;
	s30 =	simm.s32 $0x400;
	[sflag:s20] =	ssyncadd.s32 $0xFFFFC000  }
.LBB2_2:
0x4c: {  	[tilespmem:s23], [sflag:$0x2] =	stream.indirect.gather [hbm4b:s1+s22], $0x80, s31, s22, $0xb8;
	[tilespmem:$0x1E480] =	vst v63  }
0x4d: {  	s31 =	smov.u32 s30  }
0x4e: {  	p1 =	sne.s32 s30, $0x4800;
	s30 =	sadd.s32 $0x400, s30;
	_ =	swait.ge [sflag:s24], $0x4000  }
0x4f: {  	s31 =	sshra.s32 s31, $0x2;
	[sflag:s24] =	ssyncset.done $0x0  }
0x50: {  	s0 =	sadd.s32 $0x1400, s31;
	[sflag:s24] =	ssyncadd.s32 $0xFFFFC000  }
0x51: {  	[spmem:s2] =	stream.indirect.scatter.add.f32 [tilespmem:s19], [sflag:$0x3], $0x80, s0, s22, $0xb8;
	[tilespmem:$0x1E480] =	vst v63  }
0x52: {  	_ =	swait.ge [sflag:s20], $0x4000  }
0x53: {  	[sflag:s20] =	ssyncset.done $0x0  }
0x54: {  	s0 =	sadd.s32 $0x100, s31;
	[sflag:s20] =	ssyncadd.s32 $0xFFFFC000  }
0x55: {  	[tilespmem:s19], [sflag:$0x1] =	stream.indirect.gather [hbm4b:s1+s22], $0x80, s0, s22, $0xb8;
	[tilespmem:$0x1E480] =	vst v63  }
0x56: {  	_ =	swait.ge [sflag:s25], $0x4000  }
0x57: {  	[sflag:s25] =	ssyncset.done $0x0  }
.Ltmp0:
0x58: {  	s0 =	sadd.s32 $0x1480, s31;
	[sflag:s25] =	ssyncadd.s32 $0xFFFFC000;
	(pc) =	sbr.rel @p1 .LBB2_2-.Ltmp0, $4  }
0x59: {  	[spmem:s2] =	stream.indirect.scatter.add.f32 [tilespmem:s23], [sflag:$0x3], $0x80, s0, s22, $0xb8;
	[tilespmem:$0x1E480] =	vst v63  }
0x5a: {  	_ =	swait.ge [sflag:s20], $0x4000  }
0x5b: {  	[sflag:s20] =	ssyncset.done $0x0  }
0x5c: {  	s31 =	sadd.s32 $0x180, s31;
	[sflag:s20] =	ssyncadd.s32 $0xFFFFC000  }
0x5d: {  	[tilespmem:s23], [sflag:$0x2] =	stream.indirect.gather [hbm4b:s1+s22], $0x80, s31, s22, $0xb8;
	[tilespmem:$0x1E480] =	vst v63  }
0x5e: {  	_ =	swait.ge [sflag:s24], $0x4000  }
0x5f: {  	[sflag:s24] =	ssyncset.done $0x0  }
0x60: {  	[sflag:s24] =	ssyncadd.s32 $0xFFFFC000  }
0x61: {  	[spmem:s2] =	stream.indirect.scatter.add.f32 [tilespmem:s19], [sflag:$0x3], $0x80, s26, s22, $0xb8;
	[tilespmem:$0x1E480] =	vst v63  }
0x62: {  	_ =	swait.ge [sflag:s20], $0x4000  }
0x63: {  	[sflag:s20] =	ssyncset.done $0x0  }
0x64: {  	[sflag:s20] =	ssyncadd.s32 $0xFFFFC000  }
0x65: {  	_ =	swait.ge [sflag:s25], $0x4000  }
0x66: {  	[sflag:s25] =	ssyncset.done $0x0  }
0x67: {  	[sflag:s25] =	ssyncadd.s32 $0xFFFFC000  }
0x68: {  	[spmem:s2] =	stream.indirect.scatter.add.f32 [tilespmem:s23], [sflag:$0x3], $0x80, s28, s22, $0xb8;
	[tilespmem:$0x1E480] =	vst v63  }
0x69: {  	_ =	swait.ge [sflag:s20], $0x4000  }
0x6a: {  	[sflag:s20] =	ssyncset.done $0x0  }
0x6b: {  	s0 =	simm.s32 $0x0;
	[sflag:s20] =	ssyncadd.s32 $0xFFFFC000  }
0x6c: {  	[tilespmem:s0], [sflag:$0x3] =	stream.linear.gather [hbm4b:s14+s0], $0x1400, $0x38;
	[tilespmem:$0x1E480] =	vst v63  }
0x6d: {  	_ =	swait.ge [sflag:s20], $0x1400  }
0x6e: {  	[sflag:s20] =	ssyncset.done $0x0  }
0x6f: {  	[sflag:s20] =	ssyncadd.s32 $0xFFFFEC00  }
0x70: {  	[tilespmem:s21], [sflag:$0x3] =	stream.linear.gather [hbm4b:s15+s0], $0x1400, $0x38;
	[tilespmem:$0x1E480] =	vst v63  }
0x71: {  	_ =	swait.ge [sflag:s20], $0x1400  }
0x72: {  	[sflag:s20] =	ssyncset.done $0x0  }
0x73: {  	[sflag:s20] =	ssyncadd.s32 $0xFFFFEC00  }
0x74: {  	[tilespmem:s19], [sflag:$0x1] =	stream.indirect.gather [hbm4b:s1+s22], $0x80, s0, s22, $0xb8;
	[tilespmem:$0x1E480] =	vst v63  }
0x75: {  	_ = 	snop  }
0x76: {  	[tilespmem:s23], [sflag:$0x2] =	stream.indirect.gather [hbm4b:s1+s22], $0x80, s22, s22, $0xb8;
	[tilespmem:$0x1E480] =	vst v63  }
0x77: {  	_ =	swait.ge [sflag:s24], $0x4000  }
0x78: {  	[sflag:s24] =	ssyncset.done $0x0  }
0x79: {  	s0 =	simm.s32 $0x1400;
	[sflag:s24] =	ssyncadd.s32 $0xFFFFC000  }
0x7a: {  	[spmem:s2] =	stream.indirect.scatter.add.f32 [tilespmem:s19], [sflag:$0x3], $0x80, s0, s22, $0xb8;
	[tilespmem:$0x1E480] =	vst v63  }
0x7b: {  	_ =	swait.ge [sflag:s20], $0x4000  }
0x7c: {  	[sflag:s20] =	ssyncset.done $0x0  }
0x7d: {  	s0 =	simm.s32 $0x100;
	[sflag:s20] =	ssyncadd.s32 $0xFFFFC000  }
0x7e: {  	[tilespmem:s19], [sflag:$0x1] =	stream.indirect.gather [hbm4b:s1+s22], $0x80, s0, s22, $0xb8;
	[tilespmem:$0x1E480] =	vst v63  }
0x7f: {  	_ =	swait.ge [sflag:s25], $0x4000  }
0x80: {  	[sflag:s25] =	ssyncset.done $0x0  }
0x81: {  	s0 =	simm.s32 $0x1480;
	[sflag:s25] =	ssyncadd.s32 $0xFFFFC000  }
0x82: {  	[spmem:s2] =	stream.indirect.scatter.add.f32 [tilespmem:s23], [sflag:$0x3], $0x80, s0, s22, $0xb8;
	[tilespmem:$0x1E480] =	vst v63  }
0x83: {  	_ =	swait.ge [sflag:s20], $0x4000  }
0x84: {  	[sflag:s20] =	ssyncset.done $0x0  }
0x85: {  	s30 =	simm.s32 $0x400;
	s31 =	simm.s32 $0x180;
	[sflag:s20] =	ssyncadd.s32 $0xFFFFC000  }
.LBB2_4:
0x86: {  	[tilespmem:s23], [sflag:$0x2] =	stream.indirect.gather [hbm4b:s1+s22], $0x80, s31, s22, $0xb8;
	[tilespmem:$0x1E480] =	vst v63  }
0x87: {  	s0 =	smov.u32 s30  }
0x88: {  	p1 =	sne.s32 s30, $0x4800;
	s30 =	sadd.s32 $0x400, s30;
	_ =	swait.ge [sflag:s24], $0x4000  }
0x89: {  	s0 =	sshra.s32 s0, $0x2;
	[sflag:s24] =	ssyncset.done $0x0  }
0x8a: {  	s31 =	sadd.s32 $0x1400, s0;
	[sflag:s24] =	ssyncadd.s32 $0xFFFFC000  }
0x8b: {  	[spmem:s2] =	stream.indirect.scatter.add.f32 [tilespmem:s19], [sflag:$0x3], $0x80, s31, s22, $0xb8;
	[tilespmem:$0x1E480] =	vst v63  }
0x8c: {  	_ =	swait.ge [sflag:s20], $0x4000  }
0x8d: {  	[sflag:s20] =	ssyncset.done $0x0  }
0x8e: {  	s31 =	sadd.s32 $0x100, s0;
	[sflag:s20] =	ssyncadd.s32 $0xFFFFC000  }
0x8f: {  	[tilespmem:s19], [sflag:$0x1] =	stream.indirect.gather [hbm4b:s1+s22], $0x80, s31, s22, $0xb8;
	[tilespmem:$0x1E480] =	vst v63  }
0x90: {  	_ =	swait.ge [sflag:s25], $0x4000  }
0x91: {  	[sflag:s25] =	ssyncset.done $0x0  }
.Ltmp1:
0x92: {  	s31 =	sadd.s32 $0x1480, s0;
	[sflag:s25] =	ssyncadd.s32 $0xFFFFC000;
	(pc) =	sbr.rel @p1 .LBB2_4-.Ltmp1, $4  }
0x93: {  	[spmem:s2] =	stream.indirect.scatter.add.f32 [tilespmem:s23], [sflag:$0x3], $0x80, s31, s22, $0xb8;
	[tilespmem:$0x1E480] =	vst v63  }
0x94: {  	_ =	swait.ge [sflag:s20], $0x4000  }
0x95: {  	[sflag:s20] =	ssyncset.done $0x0  }
0x96: {  	s31 =	sadd.s32 $0x180, s0;
	[sflag:s20] =	ssyncadd.s32 $0xFFFFC000  }
0x97: {  	[tilespmem:s23], [sflag:$0x2] =	stream.indirect.gather [hbm4b:s1+s22], $0x80, s31, s22, $0xb8;
	[tilespmem:$0x1E480] =	vst v63  }
0x98: {  	_ =	swait.ge [sflag:s24], $0x4000  }
0x99: {  	[sflag:s24] =	ssyncset.done $0x0  }
0x9a: {  	[sflag:s24] =	ssyncadd.s32 $0xFFFFC000  }
0x9b: {  	[spmem:s2] =	stream.indirect.scatter.add.f32 [tilespmem:s19], [sflag:$0x3], $0x80, s26, s22, $0xb8;
	[tilespmem:$0x1E480] =	vst v63  }
0x9c: {  	_ =	swait.ge [sflag:s20], $0x4000  }
0x9d: {  	[sflag:s20] =	ssyncset.done $0x0  }
0x9e: {  	[sflag:s20] =	ssyncadd.s32 $0xFFFFC000  }
0x9f: {  	_ =	swait.ge [sflag:s25], $0x4000  }
0xa0: {  	[sflag:s25] =	ssyncset.done $0x0  }
0xa1: {  	[sflag:s25] =	ssyncadd.s32 $0xFFFFC000  }
0xa2: {  	[spmem:s2] =	stream.indirect.scatter.add.f32 [tilespmem:s23], [sflag:$0x3], $0x80, s28, s22, $0xb8;
	[tilespmem:$0x1E480] =	vst v63  }
0xa3: {  	_ =	swait.ge [sflag:s20], $0x4000  }
0xa4: {  	[sflag:s20] =	ssyncset.done $0x0  }
0xa5: {  	s0 =	sshll.u32 s4, $0x6;
	[sflag:s20] =	ssyncadd.s32 $0xFFFFC000  }
0xa6: {  	s30 =	sshrl.u32 s6, $0x3;
	s0 =	sor.u32 $0x1C03, s0;
	[bflag:$0x0] =	sbarrier.arrive $0xFFFF  }
0xa7: {  	[hbm:s16], [sflag:s0] =	dma.local [spmem:s30], $0x2700  }
0xa8: {  	_ =	swait.ge [sflag:s20], $0x2700  }
0xa9: {  	s29 =	sadd.s32 $0x1, s29;
	[sflag:s20] =	ssyncset.done $0x0  }
0xaa: {  	p1 =	sne.s32 s29, s18;
	s30 =	sshrl.u32 @!p0 s11, $0x3;
	[sflag:s20] =	ssyncadd.s32 $0xFFFFD900  }
0xab: {  	[hbm:s17], [sflag:s0] =	dma.local @!p0 [spmem:s30], $0x100  }
.Ltmp2:
0xac: {  	_ = 	snop;
	(pc) =	sbr.rel @p1 .LBB2_1-.Ltmp2, $4  }
0xad: {  	s0 =	simm.s32 @!p0 $0x3  }
0xae: {  	_ =	swait.ge @!p0 [sflag:s0], $0x100  }
0xaf: {  	[sflag:s0] =	ssyncset.done @!p0 $0x0  }
0xb0: {  	[sflag:s0] =	ssyncadd.s32 @!p0 $0xFFFFFF00  }
0xb1: {  	_ =	sfence.sel $0x180000  }
0xb2: {  	[bflag:$0x0] =	sbarrier.arrive $0xFFFF  }
0xb3: {  	_ =	strace $0x9000004A  }
0xb4: {  	[bflag:$0x2] =	sbarrier.arrive $0xFFFF  }
0xb5: {  	p0 =	sne.s32 s4, $0x0;
	s0 =	rddreg [dreg:$0x3]  }
0xb6: {  	s0 =	sadd.s32 @!p0 $0x100000, s0  }
0xb7: {  	[sflag:s0] =	ssyncadd.tile.s32 @!p0 $0x1;
	_ =	shalt  }
.Lfunc_end2:
_tile_overlayer_lowered:
.L_overlay_start_2:
0xb8: {  	(tag) =	ssettag $0x2  }
0xb9: {  	s0 =	rddreg [dreg:$0x0];
	s2 =	stileid.u32  }
0xba: {  	s1 =	rddreg [dreg:$0x1];
	p0 =	sne.s32 s2, $0x0  }
0xbb: {  	s3 =	rddreg [dreg:$0x2];
	[bflag:$0x3] =	sbarrier.arrive $0xFFFF;
	s2 =	simm.s32 @!p0 $0x1C03  }
0xbc: {  	[timem:s3], [sflag:s2] =	dma.local @!p0 [hbm:s0], s1  }
0xbd: {  	s0 =	simm.s32 @!p0 $0x3  }
0xbe: {  	_ =	swait.ge @!p0 [sflag:s0], s1  }
0xbf: {  	s1 =	ssub.s32 @!p0 $0x0, s1;
	[sflag:s0] =	ssyncset.done @!p0 $0x0  }
0xc0: {  	[sflag:s0] =	ssyncadd.s32 @!p0 s1  }
0xc1: {  	[bflag:$0x3] =	sbarrier.arrive $0xFFFF  }
0xc2: {  	_ =	shalt  }

// kernel: kernel.14.cloned.1.call-start
scs
__scs_entry_jumppad:
0x0: {  	(pc) =	sbr.rel $0x88, $3  }
0x1: {  	(tag) =	ssettag $0x0;
	lr =	simm.s32 $0x1  }
0x2: {  	[smem:$0x3F99] =	sst lr;
	_ =	strace $0xD0000000  }
0x3: {  	_ = 	snop  }
0x4: {  	_ = 	snop  }
0x5: {  	_ = 	snop  }
0x6: {  	_ = 	snop  }
0x7: {  	_ = 	snop  }
__scs_overlays_trampoline_lowered:
0x8: {  	[smem:$0x3FA8] =	sst s0  }
0x9: {  	[smem:$0x3FA9] =	sst s1  }
0xa: {  	[smem:$0x3FAA] =	sst s2  }
0xb: {  	[smem:$0x3FAB] =	sst s3  }
0xc: {  	[smem:$0x3FAC] =	sst s4  }
0xd: {  	[smem:$0x3FAD] =	sst s5  }
0xe: {  	[smem:$0x3FAE] =	sst s6  }
0xf: {  	[smem:$0x3FAF] =	sst s7  }
0x10: {  	[smem:$0x3FB0] =	sst s8  }
0x11: {  	[smem:$0x3FB1] =	sst s9;
	s0 =	simm.s32 @!p0 $0x0  }
0x12: {  	s1 =	sld [smem:$0x3F97];
	s0 =	simm.s32 @p0 $0x1  }
0x13: {  	[smem:$0x3FB2] =	sst s0;
	s0 =	simm.s32 @!p1 $0x0  }
0x14: {  	s2 =	sld [smem:$0x3F96];
	s0 =	simm.s32 @p1 $0x1  }
0x15: {  	[smem:$0x3FB3] =	sst s0;
	s0 =	simm.s32 @!p2 $0x0  }
0x16: {  	s3 =	sld [smem:$0x3FDB];
	s0 =	simm.s32 @p2 $0x1  }
0x17: {  	s4 =	simm.s32 $0x1BF5;
	[smem:$0x3FB5] =	sst s0  }
0x18: {  	s0 =	sld [smem:$0x3F98];
	_ =	swait.ge [sflag:s4], $0x0  }
0x19: {  	s7 =	sld [smem:$0x3F99]  }
0x1a: {  	s8 =	sadd.s32 $0xFFFFE003, lr  }
0x1b: {  	s9 =	sadd.s32 $0xFFFFFEF7, lr;
	s5 =	simm.s32 $0xFFFFFFFF;
	p2 =	slt.u32 s8, $0xFFFFF086  }
0x1c: {  	p1 =	slt.u32 s9, $0xF7A;
	s5 =	simm.s32 @!p2 $0x0  }
0x1d: {  	s5 =	simm.s32 @p1 $0x1;
	p0 =	seq.s32 s7, s2  }
0x1e: {  	s7 =	smul.u32 @!p0 $0xF7A, s2;
	p2 =	seq.s32 @!p0 s5, $0x0  }
0x1f: {  	s9 =	smul.u32 $0xF7A, s1;
	s8 =	simm.s32 @!p0 $0x1BF5;
	p2 =	por !p2, p0  }
0x20: {  	[sflag:s8] =	ssyncset.s32 @!p0 $0xFFFFF086;
	s6 =	sadd.s32 @!p0 s3, s7;
	s7 =	simm.s32 @!p0 $0x108  }
0x21: {  	s3 =	sadd.s32 s3, s9;
	s6 =	sadd.s32 @!p0 $0x88, s6;
	s7 =	simm.s32 @p2 $0x1082  }
0x22: {  	[simem:s7], [sflag:s8] =	dma.local @!p0 [hbm:s6], $0xF7A  }
0x23: {  	s9 =	sor.u32 $0xD0000000, s2;
	s6 =	simm.s32 $0x108;
	_ =	swait.ge @!p0 [sflag:s8], $0x0  }
0x24: {  	s3 =	sadd.s32 $0x88, s3;
	s6 =	simm.s32 @!p1 $0x1082;
	[sflag:s4] =	ssyncset.s32 $0xFFFFF086  }
0x25: {  	[simem:s6], [sflag:s4] =	dma.local [hbm:s3], $0xF7A  }
0x26: {  	[smem:$0x3F99] =	sst s1;
	(tag) =	ssettag s2;
	_ =	strace s9  }
0x27: {  	s1 =	sld [smem:$0x3FA9]  }
0x28: {  	s2 =	sld [smem:$0x3FAA]  }
0x29: {  	s4 =	sld [smem:$0x3FAC]  }
0x2a: {  	p0 =	seq.s32 s5, $0x0;
	s5 =	sld [smem:$0x3FAD]  }
0x2b: {  	s6 =	sld [smem:$0x3FAE]  }
0x2c: {  	s7 =	sld [smem:$0x3FAF]  }
0x2d: {  	s3 =	simm.s32 $0x108;
	s8 =	sld [smem:$0x3FB0]  }
0x2e: {  	s3 =	simm.s32 @!p0 $0x1082;
	s9 =	sld [smem:$0x3FB1]  }
0x2f: {  	lr =	sadd.s32 s0, s3;
	s0 =	sld [smem:$0x3FA8]  }
0x30: {  	s3 =	sld [smem:$0x3FAB]  }
0x31: {  	[smem:$0x3FB4] =	sst s10  }
0x32: {  	s10 =	sld [smem:$0x3FB2];
	_ =	sdelay $0x3  }
0x33: {  	p0 =	seq.s32 s10, $0x1;
	s10 =	sld [smem:$0x3FB4];
	_ =	sdelay $0x3  }
0x34: {  	[smem:$0x3FB4] =	sst s10  }
0x35: {  	s10 =	sld [smem:$0x3FB3];
	_ =	sdelay $0x3  }
0x36: {  	p1 =	seq.s32 s10, $0x1;
	s10 =	sld [smem:$0x3FB4];
	_ =	sdelay $0x3  }
0x37: {  	[smem:$0x3FB4] =	sst s10  }
0x38: {  	s10 =	sld [smem:$0x3FB5]  }
0x39: {  	_ = 	snop;
	(pc) =	sbr.ind lr, $3  }
0x3a: {  	_ = 	snop  }
0x3b: {  	_ = 	snop  }
0x3c: {  	p2 =	seq.s32 s10, $0x1;
	s10 =	sld [smem:$0x3FB4]  }
0x3d: {  	_ =	shalt  }
0x3e: {  	_ =	shalt  }
0x3f: {  	_ =	shalt  }
0x40: {  	_ =	shalt  }
0x41: {  	_ =	shalt  }
0x42: {  	_ =	shalt  }
0x43: {  	_ =	shalt  }
0x44: {  	_ =	shalt  }
0x45: {  	_ =	shalt  }
0x46: {  	_ =	shalt  }
0x47: {  	_ =	shalt  }
0x48: {  	_ =	shalt  }
0x49: {  	_ =	shalt  }
0x4a: {  	_ =	shalt  }
0x4b: {  	_ =	shalt  }
0x4c: {  	_ =	shalt  }
0x4d: {  	_ =	shalt  }
0x4e: {  	_ =	shalt  }
0x4f: {  	_ =	shalt  }
0x50: {  	_ =	shalt  }
0x51: {  	_ =	shalt  }
0x52: {  	_ =	shalt  }
0x53: {  	_ =	shalt  }
0x54: {  	_ =	shalt  }
0x55: {  	_ =	shalt  }
0x56: {  	_ =	shalt  }
0x57: {  	_ =	shalt  }
0x58: {  	_ =	shalt  }
0x59: {  	_ =	shalt  }
0x5a: {  	_ =	shalt  }
0x5b: {  	_ =	shalt  }
0x5c: {  	_ =	shalt  }
0x5d: {  	_ =	shalt  }
0x5e: {  	_ =	shalt  }
0x5f: {  	_ =	shalt  }
0x60: {  	_ =	shalt  }
0x61: {  	_ =	shalt  }
0x62: {  	_ =	shalt  }
0x63: {  	_ =	shalt  }
0x64: {  	_ =	shalt  }
0x65: {  	_ =	shalt  }
0x66: {  	_ =	shalt  }
0x67: {  	_ =	shalt  }
0x68: {  	_ =	shalt  }
0x69: {  	_ =	shalt  }
0x6a: {  	_ =	shalt  }
0x6b: {  	_ =	shalt  }
0x6c: {  	_ =	shalt  }
0x6d: {  	_ =	shalt  }
0x6e: {  	_ =	shalt  }
0x6f: {  	_ =	shalt  }
0x70: {  	_ =	shalt  }
0x71: {  	_ =	shalt  }
0x72: {  	_ =	shalt  }
0x73: {  	_ =	shalt  }
0x74: {  	_ =	shalt  }
0x75: {  	_ =	shalt  }
0x76: {  	_ =	shalt  }
0x77: {  	_ =	shalt  }
0x78: {  	_ =	shalt  }
0x79: {  	_ =	shalt  }
0x7a: {  	_ =	shalt  }
0x7b: {  	_ =	shalt  }
0x7c: {  	_ =	shalt  }
0x7d: {  	_ =	shalt  }
0x7e: {  	_ =	shalt  }
0x7f: {  	_ =	shalt  }
0x80: {  	_ =	shalt  }
0x81: {  	_ =	shalt  }
0x82: {  	_ =	shalt  }
0x83: {  	_ =	shalt  }
0x84: {  	_ =	shalt  }
0x85: {  	_ =	shalt  }
0x86: {  	_ =	shalt  }
0x87: {  	_ =	shalt  }
.Lfunc_end0:
.L_simem_size_0:
called_computation.2_lowered:
.L_overlay_start_0:
0x88: {  	s2 =	sld [smem:$0x3FD9]  }
0x89: {  	s3 =	sld [smem:$0x3FFE];
	_ =	sdelay $0x1  }
0x8a: {  	s1 =	srdreg.scid  }
0x8b: {  	s0 =	sand.u32 $0x1, s1  }
0x8c: {  	s17 =	sshll.u32 s0, $0xA;
	s2 =	sadd.s32 s3, s2  }
0x8d: {  	s2 =	sadd.s32 s2, s17  }
0x8e: {  	[smem:$0x3FC0] =	sst s2  }
0x8f: {  	_ = 	snop  }
0x90: {  	s2 =	sld [smem:$0x3FD0];
	(tm) =	ssettm $0x1  }
0x91: {  	s18 =	sld [smem:$0x3FFB];
	_ =	sdelay $0x3  }
0x92: {  	_ =	strace s18  }
0x93: {  	s3 =	sld [smem:$0x3FFC];
	_ =	sdelay $0x3  }
0x94: {  	_ =	strace s3  }
0x95: {  	s3 =	sld [smem:$0x3FFD];
	_ =	sdelay $0x3  }
0x96: {  	_ =	strace s3  }
0x97: {  	_ =	strace $0x8FFFFFFF  }
0x98: {  	s19 =	sld [smem:$0x3FDB];
	_ =	sdelay $0x1  }
0x99: {  	s4 =	simm.s32 $_scs_section_size  }
0x9a: {  	s5 =	simm.s32 $_size__tile_overlayer_lowered;
	s6 =	simm.s32 $_tile_overlayer_lowered  }
0x9b: {  	s22 =	simm.s32 $0x1BFF;
	s21 =	sshll.u32 s6, $0x1;
	s3 =	sadd.s32 s4, s19  }
0x9c: {  	s7 =	simm.s32 $0x0;
	s20 =	sshll.u32 s5, $0x1;
	s5 =	sadd.s32 s21, s3  }
0x9d: {  	[timem:s7], [sflag:s22] =	dma.local [hbm:s5], s20  }
0x9e: {  	_ =	swait.ge [sflag:s22], s20  }
0x9f: {  	s4 =	ssub.s32 $0x0, s20;
	[sflag:s22] =	ssyncset.done $0x0  }
0xa0: {  	[sflag:s22] =	ssyncadd.s32 s4;
	_ =	sdelay $0x1  }
0xa1: {  	s23 =	simm.s32 $0x1B8B  }
0xa2: {  	_ =	swait.ge [sflag:s23], $0x1  }
0xa3: {  	[sflag:s23] =	ssyncset.done $0x0  }
0xa4: {  	s25 =	simm.s32 $0x1B8E;
	s24 =	sld [smem:$0x3FFE];
	[sflag:s23] =	ssyncadd.s32 $0xFFFFFFFF  }
0xa5: {  	s26 =	simm.s32 $execute0_lowered;
	[smem:$0x3FD2] =	sst s25  }
0xa6: {  	s5 =	sshll.u32 s26, $0x1;
	_ =	strace $0x8000004C;
	[dreg:$0x1] =	wrdreg $0xFFFFFFFF  }
0xa7: {  	s28 =	simm.s32 $_size_execute0_lowered;
	s3 =	sadd.s32 s3, s5;
	[dreg:$0x0] =	wrdreg $0x0  }
0xa8: {  	s5 =	sshll.u32 s28, $0x1;
	[dreg:$0x2] =	wrdreg s3  }
0xa9: {  	[dreg:$0x3] =	wrdreg s5  }
0xaa: {  	[dreg:$0x4] =	wrdreg $0xC0  }
0xab: {  	_ =	task [dreg:s7], $0x5FFFF  }
0xac: {  	[dreg:$0x1] =	wrdreg $0xFFFFFFFF  }
0xad: {  	[dreg:$0x0] =	wrdreg $0x60  }
0xae: {  	[dreg:$0x2] =	wrdreg s2  }
0xaf: {  	[dreg:$0x3] =	wrdreg s24  }
0xb0: {  	[dreg:$0x4] =	wrdreg $0xA8000  }
0xb1: {  	[dreg:$0x5] =	wrdreg $0x9  }
0xb2: {  	_ =	task.clear_ibuf [dreg:s7], $0x6FFFF;
	_ =	strace $0x9000004C  }
0xb3: {  	s29 =	simm.s32 $0x9;
	_ =	strace $0x8000004E  }
0xb4: {  	_ =	swait.ge [sflag:s29], $0x1  }
0xb5: {  	[sflag:s29] =	ssyncadd.s32 $0xFFFFFFFF  }
0xb6: {  	_ =	strace $0x9000004E  }
0xb7: {  	_ =	sfence  }
0xb8: {  	s30 =	sld [smem:$0x0];
	_ =	sdelay $0x2  }
0xb9: {  	s31 =	sshll.u32 s1, $0xD;
	s1 =	sshrl.u32 s1, $0x2  }
0xba: {  	s3 =	sand.u32 $0x4000, s31;
	s1 =	sadd.s32 s1, s30  }
0xbb: {  	s0 =	sor.u32 s3, s0;
	s1 =	sshll.u32 s1, $0x11  }
0xbc: {  	s0 =	sor.u32 s1, s0  }
0xbd: {  	s0 =	sadd.s32 $0x8F2B, s0  }
0xbe: {  	[sflag:s0] =	ssyncadd.remote.s32 $0x1  }
0xbf: {  	_ =	sfence.sel $0xFFFF  }
0xc0: {  	[dreg:$0x0] =	wrdreg $0xFFFFFFFF;
	(pc) =	sbr.abs _section_cstart, $3  }
0xc1: {  	[dreg:$0x1] =	wrdreg $0xFFFFFFFF  }
0xc2: {  	_ =	task.clear_ibuf [dreg:s7], $0x2FFFF;
	_ =	strace $0x9FFFFFFF  }
0xc3: {  	(tm) =	ssettm $0x7FFFFFFF  }
tec
execute0_lowered:
.L_overlay_start_1:
0x0: {  	(tag) =	ssettag $0x1  }
0x1: {  	s1 =	rddreg [dreg:$0x0]  }
0x2: {  	s6 =	rddreg [dreg:$0x1]  }
0x3: {  	s2 =	rddreg [dreg:$0x2];
	s3 =	simm.s32 $0x0;
	s5 =	srdreg.scid  }
0x4: {  	s4 =	stileid.u32;
	s22 =	simm.s32 $0x80;
	s23 =	simm.s32 $0x6800  }
0x5: {  	s24 =	simm.s32 $0x1;
	s25 =	simm.s32 $0x2;
	s26 =	simm.s32 $0x2700  }
0x6: {  	s28 =	simm.s32 $0x2780;
	s29 =	simm.s32 $0x0;
	[smem:$0x7FF] =	sst s3  }
0x7: {  	s14 =	sadd.s32 $0xCC00, s6;
	s15 =	sadd.s32 $0x2C00, s6;
	s13 =	sand.u32 $0x1, s5  }
0x8: {  	s5 =	sadd.s32 $0x16C00, s6;
	s8 =	smul.u32 $0x4E000, s4;
	s16 =	sadd.s32 $0x17400, s6  }
0x9: {  	s17 =	smul.u32 $0x2700, s4;
	p0 =	sne.s32 s4, $0xF;
	_ =	strace $0x8000004D  }
0xa: {  	s7 =	ssub.s32 $0x2, s13;
	s9 =	sshll.u32 s13, $0x4;
	s20 =	smul.u32 $0x138800, s13  }
0xb: {  	s21 =	smul.u32 $0x27100, s13;
	s31 =	sshrl.u32 s7, $0x1;
	s8 =	sshrl.u32 s8, $0x2  }
0xc: {  	s9 =	sor.u32 s4, s9;
	s18 =	ssub.s32 s7, s31;
	s6 =	sadd.s32 s8, s2  }
0xd: {  	s11 =	smul.u32 $0x2800, s9;
	s20 =	sshrl.u32 s20, $0x3;
	s17 =	sadd.s32 s17, s21  }
0xe: {  	s21 =	simm.s32 $0x1400;
	s7 =	sadd.s32 $0x4000, s6;
	s8 =	sadd.s32 $0x8000, s6  }
0xf: {  	s9 =	sadd.s32 $0xC000, s6;
	s10 =	sadd.s32 $0x10000, s6;
	s20 =	sadd.s32 s16, s20  }
0x10: {  	s16 =	sadd.s32 s16, s17;
	s18 =	smax.u32 s18, $0x1;
	s19 =	sshrl.u32 s11, $0x3  }
0x11: {  	s11 =	sadd.s32 $0x138000, s2;
	s17 =	sadd.s32 $0x27000, s20;
	s20 =	simm.s32 $0x3  }
0x12: {  	s12 =	sadd.s32 s14, s19;
	s13 =	sadd.s32 s15, s19;
	s19 =	sadd.s32 $0x280, s19  }
0x13: {  	s14 =	sadd.s32 s14, s19;
	s15 =	sadd.s32 s15, s19;
	s19 =	simm.s32 $0x2800  }
.LBB2_1:
0x14: {  	[tilespmem:s19], [sflag:$0x3] =	stream.linear.gather [hbm4b:s5+s3], $0x4000, $0x38;
	[tilespmem:$0x1E480] =	vst v63  }
0x15: {  	_ =	swait.ge [sflag:s20], $0x4000  }
0x16: {  	[sflag:s20] =	ssyncset.done $0x0  }
0x17: {  	[sflag:s20] =	ssyncadd.s32 $0xFFFFC000  }
0x18: {  	[spmem:s6] =	stream.linear.scatter [tilespmem:s19], [sflag:$0x3], $0x4000, $0x38;
	[tilespmem:$0x1E480] =	vst v63  }
0x19: {  	_ =	swait.ge [sflag:s20], $0x4000  }
0x1a: {  	[sflag:s20] =	ssyncset.done $0x0  }
0x1b: {  	[sflag:s20] =	ssyncadd.s32 $0xFFFFC000  }
0x1c: {  	[spmem:s7] =	stream.linear.scatter [tilespmem:s19], [sflag:$0x3], $0x4000, $0x38;
	[tilespmem:$0x1E480] =	vst v63  }
0x1d: {  	_ =	swait.ge [sflag:s20], $0x4000  }
0x1e: {  	[sflag:s20] =	ssyncset.done $0x0  }
0x1f: {  	[sflag:s20] =	ssyncadd.s32 $0xFFFFC000  }
0x20: {  	[spmem:s8] =	stream.linear.scatter [tilespmem:s19], [sflag:$0x3], $0x4000, $0x38;
	[tilespmem:$0x1E480] =	vst v63  }
0x21: {  	_ =	swait.ge [sflag:s20], $0x4000  }
0x22: {  	[sflag:s20] =	ssyncset.done $0x0  }
0x23: {  	[sflag:s20] =	ssyncadd.s32 $0xFFFFC000  }
0x24: {  	[spmem:s9] =	stream.linear.scatter [tilespmem:s19], [sflag:$0x3], $0x4000, $0x38;
	[tilespmem:$0x1E480] =	vst v63  }
0x25: {  	_ =	swait.ge [sflag:s20], $0x4000  }
0x26: {  	[sflag:s20] =	ssyncset.done $0x0  }
0x27: {  	[sflag:s20] =	ssyncadd.s32 $0xFFFFC000  }
0x28: {  	[spmem:s10] =	stream.linear.scatter [tilespmem:s19], [sflag:$0x3], $0x3800, $0x38;
	[tilespmem:$0x1E480] =	vst v63  }
0x29: {  	_ =	swait.ge [sflag:s20], $0x3800  }
0x2a: {  	[sflag:s20] =	ssyncset.done $0x0  }
0x2b: {  	s30 =	simm.s32 @!p0 $0x2800;
	[sflag:s20] =	ssyncadd.s32 $0xFFFFC800  }
0x2c: {  	[spmem:s11] =	stream.linear.scatter @!p0 [tilespmem:s30], [sflag:$0x3], $0x800, $0x38;
	[tilespmem:$0x1E480] =	vst v63  }
0x2d: {  	s30 =	simm.s32 @!p0 $0x3  }
0x2e: {  	_ =	swait.ge @!p0 [sflag:s30], $0x800  }
0x2f: {  	[sflag:s30] =	ssyncset.done @!p0 $0x0  }
0x30: {  	[sflag:s30] =	ssyncadd.s32 @!p0 $0xFFFFF800  }
0x31: {  	[bflag:$0x0] =	sbarrier.arrive $0xFFFF  }
0x32: {  	[tilespmem:s3], [sflag:$0x3] =	stream.linear.gather [hbm4b:s12+s3], $0x1400, $0x38;
	[tilespmem:$0x1E480] =	vst v63  }
0x33: {  	_ =	swait.ge [sflag:s20], $0x1400  }
0x34: {  	[sflag:s20] =	ssyncset.done $0x0  }
0x35: {  	[sflag:s20] =	ssyncadd.s32 $0xFFFFEC00  }
0x36: {  	[tilespmem:s21], [sflag:$0x3] =	stream.linear.gather [hbm4b:s13+s3], $0x1400, $0x38;
	[tilespmem:$0x1E480] =	vst v63  }
0x37: {  	_ =	swait.ge [sflag:s20], $0x1400  }
0x38: {  	[sflag:s20] =	ssyncset.done $0x0  }
0x39: {  	[sflag:s20] =	ssyncadd.s32 $0xFFFFEC00  }
0x3a: {  	[tilespmem:s19], [sflag:$0x1] =	stream.indirect.gather [hbm4b:s1+s22], $0x80, s3, s22, $0xb8;
	[tilespmem:$0x1E480] =	vst v63  }
0x3b: {  	_ = 	snop  }
0x3c: {  	[tilespmem:s23], [sflag:$0x2] =	stream.indirect.gather [hbm4b:s1+s22], $0x80, s22, s22, $0xb8;
	[tilespmem:$0x1E480] =	vst v63  }
0x3d: {  	_ =	swait.ge [sflag:s24], $0x4000  }
0x3e: {  	[sflag:s24] =	ssyncset.done $0x0  }
0x3f: {  	s30 =	simm.s32 $0x1400;
	[sflag:s24] =	ssyncadd.s32 $0xFFFFC000  }
0x40: {  	[spmem:s2] =	stream.indirect.scatter.add.f32 [tilespmem:s19], [sflag:$0x3], $0x80, s30, s22, $0xb8;
	[tilespmem:$0x1E480] =	vst v63  }
0x41: {  	_ =	swait.ge [sflag:s20], $0x4000  }
0x42: {  	[sflag:s20] =	ssyncset.done $0x0  }
0x43: {  	s30 =	simm.s32 $0x100;
	[sflag:s20] =	ssyncadd.s32 $0xFFFFC000  }
0x44: {  	[tilespmem:s19], [sflag:$0x1] =	stream.indirect.gather [hbm4b:s1+s22], $0x80, s30, s22, $0xb8;
	[tilespmem:$0x1E480] =	vst v63  }
0x45: {  	_ =	swait.ge [sflag:s25], $0x4000  }
0x46: {  	[sflag:s25] =	ssyncset.done $0x0  }
0x47: {  	s30 =	simm.s32 $0x1480;
	[sflag:s25] =	ssyncadd.s32 $0xFFFFC000  }
0x48: {  	[spmem:s2] =	stream.indirect.scatter.add.f32 [tilespmem:s23], [sflag:$0x3], $0x80, s30, s22, $0xb8;
	[tilespmem:$0x1E480] =	vst v63  }
0x49: {  	_ =	swait.ge [sflag:s20], $0x4000  }
0x4a: {  	[sflag:s20] =	ssyncset.done $0x0  }
0x4b: {  	s31 =	simm.s32 $0x180;
	s30 =	simm.s32 $0x400;
	[sflag:s20] =	ssyncadd.s32 $0xFFFFC000  }
.LBB2_2:
0x4c: {  	[tilespmem:s23], [sflag:$0x2] =	stream.indirect.gather [hbm4b:s1+s22], $0x80, s31, s22, $0xb8;
	[tilespmem:$0x1E480] =	vst v63  }
0x4d: {  	s31 =	smov.u32 s30  }
0x4e: {  	p1 =	sne.s32 s30, $0x4800;
	s30 =	sadd.s32 $0x400, s30;
	_ =	swait.ge [sflag:s24], $0x4000  }
0x4f: {  	s31 =	sshra.s32 s31, $0x2;
	[sflag:s24] =	ssyncset.done $0x0  }
0x50: {  	s0 =	sadd.s32 $0x1400, s31;
	[sflag:s24] =	ssyncadd.s32 $0xFFFFC000  }
0x51: {  	[spmem:s2] =	stream.indirect.scatter.add.f32 [tilespmem:s19], [sflag:$0x3], $0x80, s0, s22, $0xb8;
	[tilespmem:$0x1E480] =	vst v63  }
0x52: {  	_ =	swait.ge [sflag:s20], $0x4000  }
0x53: {  	[sflag:s20] =	ssyncset.done $0x0  }
0x54: {  	s0 =	sadd.s32 $0x100, s31;
	[sflag:s20] =	ssyncadd.s32 $0xFFFFC000  }
0x55: {  	[tilespmem:s19], [sflag:$0x1] =	stream.indirect.gather [hbm4b:s1+s22], $0x80, s0, s22, $0xb8;
	[tilespmem:$0x1E480] =	vst v63  }
0x56: {  	_ =	swait.ge [sflag:s25], $0x4000  }
0x57: {  	[sflag:s25] =	ssyncset.done $0x0  }
.Ltmp0:
0x58: {  	s0 =	sadd.s32 $0x1480, s31;
	[sflag:s25] =	ssyncadd.s32 $0xFFFFC000;
	(pc) =	sbr.rel @p1 .LBB2_2-.Ltmp0, $4  }
0x59: {  	[spmem:s2] =	stream.indirect.scatter.add.f32 [tilespmem:s23], [sflag:$0x3], $0x80, s0, s22, $0xb8;
	[tilespmem:$0x1E480] =	vst v63  }
0x5a: {  	_ =	swait.ge [sflag:s20], $0x4000  }
0x5b: {  	[sflag:s20] =	ssyncset.done $0x0  }
0x5c: {  	s31 =	sadd.s32 $0x180, s31;
	[sflag:s20] =	ssyncadd.s32 $0xFFFFC000  }
0x5d: {  	[tilespmem:s23], [sflag:$0x2] =	stream.indirect.gather [hbm4b:s1+s22], $0x80, s31, s22, $0xb8;
	[tilespmem:$0x1E480] =	vst v63  }
0x5e: {  	_ =	swait.ge [sflag:s24], $0x4000  }
0x5f: {  	[sflag:s24] =	ssyncset.done $0x0  }
0x60: {  	[sflag:s24] =	ssyncadd.s32 $0xFFFFC000  }
0x61: {  	[spmem:s2] =	stream.indirect.scatter.add.f32 [tilespmem:s19], [sflag:$0x3], $0x80, s26, s22, $0xb8;
	[tilespmem:$0x1E480] =	vst v63  }
0x62: {  	_ =	swait.ge [sflag:s20], $0x4000  }
0x63: {  	[sflag:s20] =	ssyncset.done $0x0  }
0x64: {  	[sflag:s20] =	ssyncadd.s32 $0xFFFFC000  }
0x65: {  	_ =	swait.ge [sflag:s25], $0x4000  }
0x66: {  	[sflag:s25] =	ssyncset.done $0x0  }
0x67: {  	[sflag:s25] =	ssyncadd.s32 $0xFFFFC000  }
0x68: {  	[spmem:s2] =	stream.indirect.scatter.add.f32 [tilespmem:s23], [sflag:$0x3], $0x80, s28, s22, $0xb8;
	[tilespmem:$0x1E480] =	vst v63  }
0x69: {  	_ =	swait.ge [sflag:s20], $0x4000  }
0x6a: {  	[sflag:s20] =	ssyncset.done $0x0  }
0x6b: {  	s0 =	simm.s32 $0x0;
	[sflag:s20] =	ssyncadd.s32 $0xFFFFC000  }
0x6c: {  	[tilespmem:s0], [sflag:$0x3] =	stream.linear.gather [hbm4b:s14+s0], $0x1400, $0x38;
	[tilespmem:$0x1E480] =	vst v63  }
0x6d: {  	_ =	swait.ge [sflag:s20], $0x1400  }
0x6e: {  	[sflag:s20] =	ssyncset.done $0x0  }
0x6f: {  	[sflag:s20] =	ssyncadd.s32 $0xFFFFEC00  }
0x70: {  	[tilespmem:s21], [sflag:$0x3] =	stream.linear.gather [hbm4b:s15+s0], $0x1400, $0x38;
	[tilespmem:$0x1E480] =	vst v63  }
0x71: {  	_ =	swait.ge [sflag:s20], $0x1400  }
0x72: {  	[sflag:s20] =	ssyncset.done $0x0  }
0x73: {  	[sflag:s20] =	ssyncadd.s32 $0xFFFFEC00  }
0x74: {  	[tilespmem:s19], [sflag:$0x1] =	stream.indirect.gather [hbm4b:s1+s22], $0x80, s0, s22, $0xb8;
	[tilespmem:$0x1E480] =	vst v63  }
0x75: {  	_ = 	snop  }
0x76: {  	[tilespmem:s23], [sflag:$0x2] =	stream.indirect.gather [hbm4b:s1+s22], $0x80, s22, s22, $0xb8;
	[tilespmem:$0x1E480] =	vst v63  }
0x77: {  	_ =	swait.ge [sflag:s24], $0x4000  }
0x78: {  	[sflag:s24] =	ssyncset.done $0x0  }
0x79: {  	s0 =	simm.s32 $0x1400;
	[sflag:s24] =	ssyncadd.s32 $0xFFFFC000  }
0x7a: {  	[spmem:s2] =	stream.indirect.scatter.add.f32 [tilespmem:s19], [sflag:$0x3], $0x80, s0, s22, $0xb8;
	[tilespmem:$0x1E480] =	vst v63  }
0x7b: {  	_ =	swait.ge [sflag:s20], $0x4000  }
0x7c: {  	[sflag:s20] =	ssyncset.done $0x0  }
0x7d: {  	s0 =	simm.s32 $0x100;
	[sflag:s20] =	ssyncadd.s32 $0xFFFFC000  }
0x7e: {  	[tilespmem:s19], [sflag:$0x1] =	stream.indirect.gather [hbm4b:s1+s22], $0x80, s0, s22, $0xb8;
	[tilespmem:$0x1E480] =	vst v63  }
0x7f: {  	_ =	swait.ge [sflag:s25], $0x4000  }
0x80: {  	[sflag:s25] =	ssyncset.done $0x0  }
0x81: {  	s0 =	simm.s32 $0x1480;
	[sflag:s25] =	ssyncadd.s32 $0xFFFFC000  }
0x82: {  	[spmem:s2] =	stream.indirect.scatter.add.f32 [tilespmem:s23], [sflag:$0x3], $0x80, s0, s22, $0xb8;
	[tilespmem:$0x1E480] =	vst v63  }
0x83: {  	_ =	swait.ge [sflag:s20], $0x4000  }
0x84: {  	[sflag:s20] =	ssyncset.done $0x0  }
0x85: {  	s30 =	simm.s32 $0x400;
	s31 =	simm.s32 $0x180;
	[sflag:s20] =	ssyncadd.s32 $0xFFFFC000  }
.LBB2_4:
0x86: {  	[tilespmem:s23], [sflag:$0x2] =	stream.indirect.gather [hbm4b:s1+s22], $0x80, s31, s22, $0xb8;
	[tilespmem:$0x1E480] =	vst v63  }
0x87: {  	s0 =	smov.u32 s30  }
0x88: {  	p1 =	sne.s32 s30, $0x4800;
	s30 =	sadd.s32 $0x400, s30;
	_ =	swait.ge [sflag:s24], $0x4000  }
0x89: {  	s0 =	sshra.s32 s0, $0x2;
	[sflag:s24] =	ssyncset.done $0x0  }
0x8a: {  	s31 =	sadd.s32 $0x1400, s0;
	[sflag:s24] =	ssyncadd.s32 $0xFFFFC000  }
0x8b: {  	[spmem:s2] =	stream.indirect.scatter.add.f32 [tilespmem:s19], [sflag:$0x3], $0x80, s31, s22, $0xb8;
	[tilespmem:$0x1E480] =	vst v63  }
0x8c: {  	_ =	swait.ge [sflag:s20], $0x4000  }
0x8d: {  	[sflag:s20] =	ssyncset.done $0x0  }
0x8e: {  	s31 =	sadd.s32 $0x100, s0;
	[sflag:s20] =	ssyncadd.s32 $0xFFFFC000  }
0x8f: {  	[tilespmem:s19], [sflag:$0x1] =	stream.indirect.gather [hbm4b:s1+s22], $0x80, s31, s22, $0xb8;
	[tilespmem:$0x1E480] =	vst v63  }
0x90: {  	_ =	swait.ge [sflag:s25], $0x4000  }
0x91: {  	[sflag:s25] =	ssyncset.done $0x0  }
.Ltmp1:
0x92: {  	s31 =	sadd.s32 $0x1480, s0;
	[sflag:s25] =	ssyncadd.s32 $0xFFFFC000;
	(pc) =	sbr.rel @p1 .LBB2_4-.Ltmp1, $4  }
0x93: {  	[spmem:s2] =	stream.indirect.scatter.add.f32 [tilespmem:s23], [sflag:$0x3], $0x80, s31, s22, $0xb8;
	[tilespmem:$0x1E480] =	vst v63  }
0x94: {  	_ =	swait.ge [sflag:s20], $0x4000  }
0x95: {  	[sflag:s20] =	ssyncset.done $0x0  }
0x96: {  	s31 =	sadd.s32 $0x180, s0;
	[sflag:s20] =	ssyncadd.s32 $0xFFFFC000  }
0x97: {  	[tilespmem:s23], [sflag:$0x2] =	stream.indirect.gather [hbm4b:s1+s22], $0x80, s31, s22, $0xb8;
	[tilespmem:$0x1E480] =	vst v63  }
0x98: {  	_ =	swait.ge [sflag:s24], $0x4000  }
0x99: {  	[sflag:s24] =	ssyncset.done $0x0  }
0x9a: {  	[sflag:s24] =	ssyncadd.s32 $0xFFFFC000  }
0x9b: {  	[spmem:s2] =	stream.indirect.scatter.add.f32 [tilespmem:s19], [sflag:$0x3], $0x80, s26, s22, $0xb8;
	[tilespmem:$0x1E480] =	vst v63  }
0x9c: {  	_ =	swait.ge [sflag:s20], $0x4000  }
0x9d: {  	[sflag:s20] =	ssyncset.done $0x0  }
0x9e: {  	[sflag:s20] =	ssyncadd.s32 $0xFFFFC000  }
0x9f: {  	_ =	swait.ge [sflag:s25], $0x4000  }
0xa0: {  	[sflag:s25] =	ssyncset.done $0x0  }
0xa1: {  	[sflag:s25] =	ssyncadd.s32 $0xFFFFC000  }
0xa2: {  	[spmem:s2] =	stream.indirect.scatter.add.f32 [tilespmem:s23], [sflag:$0x3], $0x80, s28, s22, $0xb8;
	[tilespmem:$0x1E480] =	vst v63  }
0xa3: {  	_ =	swait.ge [sflag:s20], $0x4000  }
0xa4: {  	[sflag:s20] =	ssyncset.done $0x0  }
0xa5: {  	s0 =	sshll.u32 s4, $0x6;
	[sflag:s20] =	ssyncadd.s32 $0xFFFFC000  }
0xa6: {  	s30 =	sshrl.u32 s6, $0x3;
	s0 =	sor.u32 $0x1C03, s0;
	[bflag:$0x0] =	sbarrier.arrive $0xFFFF  }
0xa7: {  	[hbm:s16], [sflag:s0] =	dma.local [spmem:s30], $0x2700  }
0xa8: {  	_ =	swait.ge [sflag:s20], $0x2700  }
0xa9: {  	s29 =	sadd.s32 $0x1, s29;
	[sflag:s20] =	ssyncset.done $0x0  }
0xaa: {  	p1 =	sne.s32 s29, s18;
	s30 =	sshrl.u32 @!p0 s11, $0x3;
	[sflag:s20] =	ssyncadd.s32 $0xFFFFD900  }
0xab: {  	[hbm:s17], [sflag:s0] =	dma.local @!p0 [spmem:s30], $0x100  }
.Ltmp2:
0xac: {  	_ = 	snop;
	(pc) =	sbr.rel @p1 .LBB2_1-.Ltmp2, $4  }
0xad: {  	s0 =	simm.s32 @!p0 $0x3  }
0xae: {  	_ =	swait.ge @!p0 [sflag:s0], $0x100  }
0xaf: {  	[sflag:s0] =	ssyncset.done @!p0 $0x0  }
0xb0: {  	[sflag:s0] =	ssyncadd.s32 @!p0 $0xFFFFFF00  }
0xb1: {  	_ =	sfence.sel $0x180000  }
0xb2: {  	[bflag:$0x0] =	sbarrier.arrive $0xFFFF  }
0xb3: {  	_ =	strace $0x9000004D  }
0xb4: {  	[bflag:$0x2] =	sbarrier.arrive $0xFFFF  }
0xb5: {  	p0 =	sne.s32 s4, $0x0;
	s0 =	rddreg [dreg:$0x3]  }
0xb6: {  	s0 =	sadd.s32 @!p0 $0x100000, s0  }
0xb7: {  	[sflag:s0] =	ssyncadd.tile.s32 @!p0 $0x1;
	_ =	shalt  }
.Lfunc_end2:
_tile_overlayer_lowered:
.L_overlay_start_2:
0xb8: {  	(tag) =	ssettag $0x2  }
0xb9: {  	s0 =	rddreg [dreg:$0x0];
	s2 =	stileid.u32  }
0xba: {  	s1 =	rddreg [dreg:$0x1];
	p0 =	sne.s32 s2, $0x0  }
0xbb: {  	s3 =	rddreg [dreg:$0x2];
	[bflag:$0x3] =	sbarrier.arrive $0xFFFF;
	s2 =	simm.s32 @!p0 $0x1C03  }
0xbc: {  	[timem:s3], [sflag:s2] =	dma.local @!p0 [hbm:s0], s1  }
0xbd: {  	s0 =	simm.s32 @!p0 $0x3  }
0xbe: {  	_ =	swait.ge @!p0 [sflag:s0], s1  }
0xbf: {  	s1 =	ssub.s32 @!p0 $0x0, s1;
	[sflag:s0] =	ssyncset.done @!p0 $0x0  }
0xc0: {  	[sflag:s0] =	ssyncadd.s32 @!p0 s1  }
0xc1: {  	[bflag:$0x3] =	sbarrier.arrive $0xFFFF  }
0xc2: {  	_ =	shalt  }

// kernel: kernel.8.cloned.1.call-start
scs
__scs_entry_jumppad:
0x0: {  	(pc) =	sbr.rel $0x88, $3  }
0x1: {  	(tag) =	ssettag $0x0;
	lr =	simm.s32 $0x1  }
0x2: {  	[smem:$0x3F99] =	sst lr;
	_ =	strace $0xD0000000  }
0x3: {  	_ = 	snop  }
0x4: {  	_ = 	snop  }
0x5: {  	_ = 	snop  }
0x6: {  	_ = 	snop  }
0x7: {  	_ = 	snop  }
__scs_overlays_trampoline_lowered:
0x8: {  	[smem:$0x3FA8] =	sst s0  }
0x9: {  	[smem:$0x3FA9] =	sst s1  }
0xa: {  	[smem:$0x3FAA] =	sst s2  }
0xb: {  	[smem:$0x3FAB] =	sst s3  }
0xc: {  	[smem:$0x3FAC] =	sst s4  }
0xd: {  	[smem:$0x3FAD] =	sst s5  }
0xe: {  	[smem:$0x3FAE] =	sst s6  }
0xf: {  	[smem:$0x3FAF] =	sst s7  }
0x10: {  	[smem:$0x3FB0] =	sst s8  }
0x11: {  	[smem:$0x3FB1] =	sst s9;
	s0 =	simm.s32 @!p0 $0x0  }
0x12: {  	s1 =	sld [smem:$0x3F97];
	s0 =	simm.s32 @p0 $0x1  }
0x13: {  	[smem:$0x3FB2] =	sst s0;
	s0 =	simm.s32 @!p1 $0x0  }
0x14: {  	s2 =	sld [smem:$0x3F96];
	s0 =	simm.s32 @p1 $0x1  }
0x15: {  	[smem:$0x3FB3] =	sst s0;
	s0 =	simm.s32 @!p2 $0x0  }
0x16: {  	s3 =	sld [smem:$0x3FDB];
	s0 =	simm.s32 @p2 $0x1  }
0x17: {  	s4 =	simm.s32 $0x1BF5;
	[smem:$0x3FB5] =	sst s0  }
0x18: {  	s0 =	sld [smem:$0x3F98];
	_ =	swait.ge [sflag:s4], $0x0  }
0x19: {  	s7 =	sld [smem:$0x3F99]  }
0x1a: {  	s8 =	sadd.s32 $0xFFFFE003, lr  }
0x1b: {  	s9 =	sadd.s32 $0xFFFFFEF7, lr;
	s5 =	simm.s32 $0xFFFFFFFF;
	p2 =	slt.u32 s8, $0xFFFFF086  }
0x1c: {  	p1 =	slt.u32 s9, $0xF7A;
	s5 =	simm.s32 @!p2 $0x0  }
0x1d: {  	s5 =	simm.s32 @p1 $0x1;
	p0 =	seq.s32 s7, s2  }
0x1e: {  	s7 =	smul.u32 @!p0 $0xF7A, s2;
	p2 =	seq.s32 @!p0 s5, $0x0  }
0x1f: {  	s9 =	smul.u32 $0xF7A, s1;
	s8 =	simm.s32 @!p0 $0x1BF5;
	p2 =	por !p2, p0  }
0x20: {  	[sflag:s8] =	ssyncset.s32 @!p0 $0xFFFFF086;
	s6 =	sadd.s32 @!p0 s3, s7;
	s7 =	simm.s32 @!p0 $0x108  }
0x21: {  	s3 =	sadd.s32 s3, s9;
	s6 =	sadd.s32 @!p0 $0x88, s6;
	s7 =	simm.s32 @p2 $0x1082  }
0x22: {  	[simem:s7], [sflag:s8] =	dma.local @!p0 [hbm:s6], $0xF7A  }
0x23: {  	s9 =	sor.u32 $0xD0000000, s2;
	s6 =	simm.s32 $0x108;
	_ =	swait.ge @!p0 [sflag:s8], $0x0  }
0x24: {  	s3 =	sadd.s32 $0x88, s3;
	s6 =	simm.s32 @!p1 $0x1082;
	[sflag:s4] =	ssyncset.s32 $0xFFFFF086  }
0x25: {  	[simem:s6], [sflag:s4] =	dma.local [hbm:s3], $0xF7A  }
0x26: {  	[smem:$0x3F99] =	sst s1;
	(tag) =	ssettag s2;
	_ =	strace s9  }
0x27: {  	s1 =	sld [smem:$0x3FA9]  }
0x28: {  	s2 =	sld [smem:$0x3FAA]  }
0x29: {  	s4 =	sld [smem:$0x3FAC]  }
0x2a: {  	p0 =	seq.s32 s5, $0x0;
	s5 =	sld [smem:$0x3FAD]  }
0x2b: {  	s6 =	sld [smem:$0x3FAE]  }
0x2c: {  	s7 =	sld [smem:$0x3FAF]  }
0x2d: {  	s3 =	simm.s32 $0x108;
	s8 =	sld [smem:$0x3FB0]  }
0x2e: {  	s3 =	simm.s32 @!p0 $0x1082;
	s9 =	sld [smem:$0x3FB1]  }
0x2f: {  	lr =	sadd.s32 s0, s3;
	s0 =	sld [smem:$0x3FA8]  }
0x30: {  	s3 =	sld [smem:$0x3FAB]  }
0x31: {  	[smem:$0x3FB4] =	sst s10  }
0x32: {  	s10 =	sld [smem:$0x3FB2];
	_ =	sdelay $0x3  }
0x33: {  	p0 =	seq.s32 s10, $0x1;
	s10 =	sld [smem:$0x3FB4];
	_ =	sdelay $0x3  }
0x34: {  	[smem:$0x3FB4] =	sst s10  }
0x35: {  	s10 =	sld [smem:$0x3FB3];
	_ =	sdelay $0x3  }
0x36: {  	p1 =	seq.s32 s10, $0x1;
	s10 =	sld [smem:$0x3FB4];
	_ =	sdelay $0x3  }
0x37: {  	[smem:$0x3FB4] =	sst s10  }
0x38: {  	s10 =	sld [smem:$0x3FB5]  }
0x39: {  	_ = 	snop;
	(pc) =	sbr.ind lr, $3  }
0x3a: {  	_ = 	snop  }
0x3b: {  	_ = 	snop  }
0x3c: {  	p2 =	seq.s32 s10, $0x1;
	s10 =	sld [smem:$0x3FB4]  }
0x3d: {  	_ =	shalt  }
0x3e: {  	_ =	shalt  }
0x3f: {  	_ =	shalt  }
0x40: {  	_ =	shalt  }
0x41: {  	_ =	shalt  }
0x42: {  	_ =	shalt  }
0x43: {  	_ =	shalt  }
0x44: {  	_ =	shalt  }
0x45: {  	_ =	shalt  }
0x46: {  	_ =	shalt  }
0x47: {  	_ =	shalt  }
0x48: {  	_ =	shalt  }
0x49: {  	_ =	shalt  }
0x4a: {  	_ =	shalt  }
0x4b: {  	_ =	shalt  }
0x4c: {  	_ =	shalt  }
0x4d: {  	_ =	shalt  }
0x4e: {  	_ =	shalt  }
0x4f: {  	_ =	shalt  }
0x50: {  	_ =	shalt  }
0x51: {  	_ =	shalt  }
0x52: {  	_ =	shalt  }
0x53: {  	_ =	shalt  }
0x54: {  	_ =	shalt  }
0x55: {  	_ =	shalt  }
0x56: {  	_ =	shalt  }
0x57: {  	_ =	shalt  }
0x58: {  	_ =	shalt  }
0x59: {  	_ =	shalt  }
0x5a: {  	_ =	shalt  }
0x5b: {  	_ =	shalt  }
0x5c: {  	_ =	shalt  }
0x5d: {  	_ =	shalt  }
0x5e: {  	_ =	shalt  }
0x5f: {  	_ =	shalt  }
0x60: {  	_ =	shalt  }
0x61: {  	_ =	shalt  }
0x62: {  	_ =	shalt  }
0x63: {  	_ =	shalt  }
0x64: {  	_ =	shalt  }
0x65: {  	_ =	shalt  }
0x66: {  	_ =	shalt  }
0x67: {  	_ =	shalt  }
0x68: {  	_ =	shalt  }
0x69: {  	_ =	shalt  }
0x6a: {  	_ =	shalt  }
0x6b: {  	_ =	shalt  }
0x6c: {  	_ =	shalt  }
0x6d: {  	_ =	shalt  }
0x6e: {  	_ =	shalt  }
0x6f: {  	_ =	shalt  }
0x70: {  	_ =	shalt  }
0x71: {  	_ =	shalt  }
0x72: {  	_ =	shalt  }
0x73: {  	_ =	shalt  }
0x74: {  	_ =	shalt  }
0x75: {  	_ =	shalt  }
0x76: {  	_ =	shalt  }
0x77: {  	_ =	shalt  }
0x78: {  	_ =	shalt  }
0x79: {  	_ =	shalt  }
0x7a: {  	_ =	shalt  }
0x7b: {  	_ =	shalt  }
0x7c: {  	_ =	shalt  }
0x7d: {  	_ =	shalt  }
0x7e: {  	_ =	shalt  }
0x7f: {  	_ =	shalt  }
0x80: {  	_ =	shalt  }
0x81: {  	_ =	shalt  }
0x82: {  	_ =	shalt  }
0x83: {  	_ =	shalt  }
0x84: {  	_ =	shalt  }
0x85: {  	_ =	shalt  }
0x86: {  	_ =	shalt  }
0x87: {  	_ =	shalt  }
.Lfunc_end0:
.L_simem_size_0:
called_computation_lowered:
.L_overlay_start_0:
0x88: {  	s2 =	sld [smem:$0x3FD9]  }
0x89: {  	s3 =	sld [smem:$0x3FFE];
	_ =	sdelay $0x1  }
0x8a: {  	s1 =	srdreg.scid  }
0x8b: {  	s0 =	sand.u32 $0x1, s1  }
0x8c: {  	s17 =	sshll.u32 s0, $0xA;
	s2 =	sadd.s32 s3, s2  }
0x8d: {  	s2 =	sadd.s32 s2, s17  }
0x8e: {  	[smem:$0x3FC0] =	sst s2  }
0x8f: {  	_ = 	snop  }
0x90: {  	s2 =	sld [smem:$0x3FD0];
	(tm) =	ssettm $0x1  }
0x91: {  	s18 =	sld [smem:$0x3FFB];
	_ =	sdelay $0x3  }
0x92: {  	_ =	strace s18  }
0x93: {  	s3 =	sld [smem:$0x3FFC];
	_ =	sdelay $0x3  }
0x94: {  	_ =	strace s3  }
0x95: {  	s3 =	sld [smem:$0x3FFD];
	_ =	sdelay $0x3  }
0x96: {  	_ =	strace s3  }
0x97: {  	_ =	strace $0x8FFFFFFF  }
0x98: {  	s19 =	sld [smem:$0x3FDB];
	_ =	sdelay $0x1  }
0x99: {  	s4 =	simm.s32 $_scs_section_size  }
0x9a: {  	s5 =	simm.s32 $_size__tile_overlayer_lowered;
	s6 =	simm.s32 $_tile_overlayer_lowered  }
0x9b: {  	s22 =	simm.s32 $0x1BFF;
	s21 =	sshll.u32 s6, $0x1;
	s3 =	sadd.s32 s4, s19  }
0x9c: {  	s7 =	simm.s32 $0x0;
	s20 =	sshll.u32 s5, $0x1;
	s5 =	sadd.s32 s21, s3  }
0x9d: {  	[timem:s7], [sflag:s22] =	dma.local [hbm:s5], s20  }
0x9e: {  	_ =	swait.ge [sflag:s22], s20  }
0x9f: {  	s4 =	ssub.s32 $0x0, s20;
	[sflag:s22] =	ssyncset.done $0x0  }
0xa0: {  	[sflag:s22] =	ssyncadd.s32 s4;
	_ =	sdelay $0x1  }
0xa1: {  	s23 =	simm.s32 $0x1B8B  }
0xa2: {  	_ =	swait.ge [sflag:s23], $0x1  }
0xa3: {  	[sflag:s23] =	ssyncset.done $0x0  }
0xa4: {  	s25 =	simm.s32 $0x1B8E;
	s24 =	sld [smem:$0x3FFE];
	[sflag:s23] =	ssyncadd.s32 $0xFFFFFFFF  }
0xa5: {  	s26 =	simm.s32 $execute0_lowered;
	[smem:$0x3FD2] =	sst s25  }
0xa6: {  	s5 =	sshll.u32 s26, $0x1;
	_ =	strace $0x80000046;
	[dreg:$0x1] =	wrdreg $0xFFFFFFFF  }
0xa7: {  	s28 =	simm.s32 $_size_execute0_lowered;
	s3 =	sadd.s32 s3, s5;
	[dreg:$0x0] =	wrdreg $0x0  }
0xa8: {  	s5 =	sshll.u32 s28, $0x1;
	[dreg:$0x2] =	wrdreg s3  }
0xa9: {  	[dreg:$0x3] =	wrdreg s5  }
0xaa: {  	[dreg:$0x4] =	wrdreg $0xC0  }
0xab: {  	_ =	task [dreg:s7], $0x5FFFF  }
0xac: {  	[dreg:$0x1] =	wrdreg $0xFFFFFFFF  }
0xad: {  	[dreg:$0x0] =	wrdreg $0x60  }
0xae: {  	[dreg:$0x2] =	wrdreg s24  }
0xaf: {  	[dreg:$0x3] =	wrdreg s2  }
0xb0: {  	[dreg:$0x4] =	wrdreg $0x16C000  }
0xb1: {  	[dreg:$0x5] =	wrdreg $0x9  }
0xb2: {  	_ =	task.clear_ibuf [dreg:s7], $0x6FFFF;
	_ =	strace $0x90000046  }
0xb3: {  	s29 =	simm.s32 $0x9;
	_ =	strace $0x80000048  }
0xb4: {  	_ =	swait.ge [sflag:s29], $0x1  }
0xb5: {  	[sflag:s29] =	ssyncadd.s32 $0xFFFFFFFF  }
0xb6: {  	_ =	strace $0x90000048  }
0xb7: {  	_ =	sfence  }
0xb8: {  	s30 =	sld [smem:$0x0];
	_ =	sdelay $0x2  }
0xb9: {  	s31 =	sshll.u32 s1, $0xD;
	s1 =	sshrl.u32 s1, $0x2  }
0xba: {  	s3 =	sand.u32 $0x4000, s31;
	s1 =	sadd.s32 s1, s30  }
0xbb: {  	s0 =	sor.u32 s3, s0;
	s1 =	sshll.u32 s1, $0x11  }
0xbc: {  	s0 =	sor.u32 s1, s0  }
0xbd: {  	s0 =	sadd.s32 $0x8F2B, s0  }
0xbe: {  	[sflag:s0] =	ssyncadd.remote.s32 $0x1  }
0xbf: {  	_ =	sfence.sel $0xFFFF  }
0xc0: {  	[dreg:$0x0] =	wrdreg $0xFFFFFFFF;
	(pc) =	sbr.abs _section_cstart, $3  }
0xc1: {  	[dreg:$0x1] =	wrdreg $0xFFFFFFFF  }
0xc2: {  	_ =	task.clear_ibuf [dreg:s7], $0x2FFFF;
	_ =	strace $0x9FFFFFFF  }
0xc3: {  	(tm) =	ssettm $0x7FFFFFFF  }
tec
execute0_lowered:
.L_overlay_start_1:
0x0: {  	(tag) =	ssettag $0x1  }
0x1: {  	s0 =	rddreg [dreg:$0x0]  }
0x2: {  	s1 =	srdreg.scid;
	s4 =	rddreg [dreg:$0x1]  }
0x3: {  	s2 =	rddreg [dreg:$0x2];
	s10 =	stileid.u32  }
0x4: {  	s3 =	simm.s32 $0x0;
	s19 =	simm.s32 $0x2800;
	s20 =	simm.s32 $0x1  }
0x5: {  	s21 =	simm.s32 $0x16800;
	s22 =	simm.s32 $0x80;
	s23 =	simm.s32 $0x16880  }
0x6: {  	s24 =	simm.s32 $0x6800;
	s28 =	simm.s32 $0x16980;
	s29 =	simm.s32 $0xE800  }
0x7: {  	s30 =	simm.s32 $0x16A00;
	s31 =	simm.s32 $0x12800;
	s1 =	sand.u32 $0x1, s1  }
0x8: {  	[smem:$0x7FF] =	sst s3;
	s6 =	smul.u32 $0xA000, s10;
	s25 =	sadd.s32 $0x16C00, s0  }
0x9: {  	s17 =	smul.u32 $0x500, s10;
	s11 =	sadd.s32 $0x16C40, s0;
	s12 =	sadd.s32 $0x16C50, s0  }
0xa: {  	s13 =	sadd.s32 $0x16C60, s0;
	s14 =	sadd.s32 $0x16C70, s0;
	s15 =	sadd.s32 $0x16C80, s0  }
0xb: {  	s16 =	sadd.s32 $0x16C90, s0;
	s5 =	sshll.u32 s1, $0x4;
	_ =	strace $0x80000047  }
0xc: {  	[dreg:$0x4] =	wrdreg s25;
	s8 =	ssub.s32 $0x2, s1;
	s1 =	smul.u32 $0x5000, s1  }
0xd: {  	s25 =	simm.s32 $0x16900;
	s5 =	sor.u32 s10, s5;
	s9 =	sshrl.u32 s8, $0x1  }
0xe: {  	s6 =	sshrl.u32 s6, $0x2;
	s10 =	sadd.s32 $0x16C30, s0;
	s5 =	smul.u32 $0x500, s5  }
0xf: {  	s18 =	ssub.s32 s8, s9;
	s6 =	sadd.s32 s6, s2;
	s26 =	sadd.s32 s17, s1  }
0x10: {  	s8 =	sadd.s32 $0x16C10, s0;
	s9 =	sadd.s32 $0x16C20, s0;
	s17 =	sadd.s32 s4, s26  }
0x11: {  	s18 =	smax.u32 s18, $0x1;
	s26 =	simm.s32 $0xA800;
	s7 =	sadd.s32 s5, s0  }
0x12: {  	v0 =	vlaneseq.u32;
	v1 =	vimm.f32 $1.000000000e+00;
	s5 =	sadd.s32 $0x16E00, s0;
	s0 =	simm.s32 $0x0;
	s7 =	sadd.s32 $0x2C00, s7  }
.LBB2_1:
0x13: {  	[tilespmem:s19], [sflag:$0x1] =	stream.linear.gather [hbm4b:s5+s3], $0x2800, $0x38;
	[tilespmem:$0x19400] =	vst v63  }
0x14: {  	_ =	swait.ge [sflag:s20], $0x2800  }
0x15: {  	[sflag:s20] =	ssyncset.done $0x0  }
0x16: {  	[sflag:s20] =	ssyncadd.s32 $0xFFFFD800  }
0x17: {  	[spmem:s6] =	stream.linear.scatter [tilespmem:s19], [sflag:$0x1], $0x2800, $0x38;
	[tilespmem:$0x19400] =	vst v63  }
0x18: {  	_ =	swait.ge [sflag:s20], $0x2800  }
0x19: {  	[sflag:s20] =	ssyncset.done $0x0  }
0x1a: {  	[sflag:s20] =	ssyncadd.s32 $0xFFFFD800  }
0x1b: {  	[tilespmem:s3], [sflag:$0x1] =	stream.linear.gather [hbm4b:s7+s3], $0x2800, $0x38;
	[tilespmem:$0x19400] =	vst v63  }
0x1c: {  	_ =	swait.ge [sflag:s20], $0x2800  }
0x1d: {  	[sflag:s20] =	ssyncset.done $0x0  }
0x1e: {  	[sflag:s20] =	ssyncadd.s32 $0xFFFFD800  }
0x1f: {  	[bflag:$0x0] =	sbarrier.arrive $0xFFFF  }
0x20: {  	[tilespmem:s19], [sflag:$0x1] =	stream.linear.gather [hbm4b:s5+s3], $0x14000, $0x38;
	[tilespmem:$0x19400] =	vst v63  }
0x21: {  	_ =	swait.ge [sflag:s20], $0x14000  }
0x22: {  	[sflag:s20] =	ssyncset.done $0x0  }
0x23: {  	s4 =	simm.s32 $0x0;
	s1 =	simm.s32 $0x40;
	[sflag:s20] =	ssyncadd.s32 $0xFFFEC000  }
.LBB2_2:
0x24: {  	p0 =	sne.s32 s1, $0x9FC0;
	v2 =	vld [tilespmem:s4+$0x0];
	_ =	sdelay $0x4  }
0x25: {  	v3 =	vshll.u32 v2, $0x4  }
0x26: {  	vm0 =	vlt.u32 v2, $0x1390;
	v2 =	vor.u32 v0, v3  }
0x27: {  	v2 =	vsel vm0, v2, v0  }
.Ltmp0:
0x28: {  	(pc) =	sbr.rel @p0 .LBB2_2-.Ltmp0, $2  }
0x29: {  	_ =	sdelay $0x2  }
0x2a: {  	s4 =	sshra.s32 s1, $0x2;
	s1 =	sadd.s32 $0x40, s1;
	[tilespmem:v2+s19+$0x0] =	vst.idx.add.f32.msk vm0, v1  }
0x2b: {  	v2 =	vld [tilespmem:s4+$0x0];
	_ =	sdelay $0x4  }
0x2c: {  	v3 =	vshll.u32 v2, $0x4  }
0x2d: {  	vm0 =	vlt.u32 v2, $0x1390;
	v2 =	vor.u32 v0, v3  }
0x2e: {  	v2 =	vsel vm0, v2, v0;
	_ =	sdelay $0x4  }
0x2f: {  	s1 =	simm.s32 $0x0;
	s4 =	rddreg [dreg:$0x4];
	[tilespmem:v2+s19+$0x0] =	vst.idx.add.f32.msk vm0, v1  }
0x30: {  	[tilespmem:s21], [sflag:$0x1] =	stream.linear.gather [hbm4b:s4+s1], $0x80, $0x38;
	[tilespmem:$0x19400] =	vst v63  }
0x31: {  	_ =	swait.ge [sflag:s20], $0x80  }
0x32: {  	[sflag:s20] =	ssyncset.done $0x0  }
0x33: {  	[sflag:s20] =	ssyncadd.s32 $0xFFFFFF80  }
0x34: {  	[spmem:s2] =	stream.indirect.scatter.add.f32 [tilespmem:s19], [sflag:$0x1], $0x80, s21, s22, $0xb8;
	[tilespmem:$0x19400] =	vst v63  }
0x35: {  	_ =	swait.ge [sflag:s20], $0x4000  }
0x36: {  	[sflag:s20] =	ssyncset.done $0x0  }
0x37: {  	[sflag:s20] =	ssyncadd.s32 $0xFFFFC000  }
0x38: {  	[tilespmem:s23], [sflag:$0x1] =	stream.linear.gather [hbm4b:s8+s1], $0x80, $0x38;
	[tilespmem:$0x19400] =	vst v63  }
0x39: {  	_ =	swait.ge [sflag:s20], $0x80  }
0x3a: {  	[sflag:s20] =	ssyncset.done $0x0  }
0x3b: {  	[sflag:s20] =	ssyncadd.s32 $0xFFFFFF80  }
0x3c: {  	[spmem:s2] =	stream.indirect.scatter.add.f32 [tilespmem:s24], [sflag:$0x1], $0x80, s23, s22, $0xb8;
	[tilespmem:$0x19400] =	vst v63  }
0x3d: {  	_ =	swait.ge [sflag:s20], $0x4000  }
0x3e: {  	[sflag:s20] =	ssyncset.done $0x0  }
0x3f: {  	[sflag:s20] =	ssyncadd.s32 $0xFFFFC000  }
0x40: {  	[tilespmem:s25], [sflag:$0x1] =	stream.linear.gather [hbm4b:s9+s1], $0x80, $0x38;
	[tilespmem:$0x19400] =	vst v63  }
0x41: {  	_ =	swait.ge [sflag:s20], $0x80  }
0x42: {  	[sflag:s20] =	ssyncset.done $0x0  }
0x43: {  	[sflag:s20] =	ssyncadd.s32 $0xFFFFFF80  }
0x44: {  	[spmem:s2] =	stream.indirect.scatter.add.f32 [tilespmem:s26], [sflag:$0x1], $0x80, s25, s22, $0xb8;
	[tilespmem:$0x19400] =	vst v63  }
0x45: {  	_ =	swait.ge [sflag:s20], $0x4000  }
0x46: {  	[sflag:s20] =	ssyncset.done $0x0  }
0x47: {  	[sflag:s20] =	ssyncadd.s32 $0xFFFFC000  }
0x48: {  	[tilespmem:s28], [sflag:$0x1] =	stream.linear.gather [hbm4b:s10+s1], $0x80, $0x38;
	[tilespmem:$0x19400] =	vst v63  }
0x49: {  	_ =	swait.ge [sflag:s20], $0x80  }
0x4a: {  	[sflag:s20] =	ssyncset.done $0x0  }
0x4b: {  	[sflag:s20] =	ssyncadd.s32 $0xFFFFFF80  }
0x4c: {  	[spmem:s2] =	stream.indirect.scatter.add.f32 [tilespmem:s29], [sflag:$0x1], $0x80, s28, s22, $0xb8;
	[tilespmem:$0x19400] =	vst v63  }
0x4d: {  	_ =	swait.ge [sflag:s20], $0x4000  }
0x4e: {  	[sflag:s20] =	ssyncset.done $0x0  }
0x4f: {  	[sflag:s20] =	ssyncadd.s32 $0xFFFFC000  }
0x50: {  	[tilespmem:s30], [sflag:$0x1] =	stream.linear.gather [hbm4b:s11+s1], $0x80, $0x38;
	[tilespmem:$0x19400] =	vst v63  }
0x51: {  	_ =	swait.ge [sflag:s20], $0x80  }
0x52: {  	[sflag:s20] =	ssyncset.done $0x0  }
0x53: {  	[sflag:s20] =	ssyncadd.s32 $0xFFFFFF80  }
0x54: {  	[spmem:s2] =	stream.indirect.scatter.add.f32 [tilespmem:s31], [sflag:$0x1], $0x80, s30, s22, $0xb8;
	[tilespmem:$0x19400] =	vst v63  }
0x55: {  	_ =	swait.ge [sflag:s20], $0x4000  }
0x56: {  	[sflag:s20] =	ssyncset.done $0x0  }
0x57: {  	[sflag:s20] =	ssyncadd.s32 $0xFFFFC000  }
0x58: {  	[tilespmem:s19], [sflag:$0x1] =	stream.linear.gather [hbm4b:s5+s1], $0x14000, $0x38;
	[tilespmem:$0x19400] =	vst v63  }
0x59: {  	_ =	swait.ge [sflag:s20], $0x14000  }
0x5a: {  	[sflag:s20] =	ssyncset.done $0x0  }
0x5b: {  	s4 =	simm.s32 $0x0;
	s1 =	simm.s32 $0x40;
	[sflag:s20] =	ssyncadd.s32 $0xFFFEC000  }
.LBB2_4:
0x5c: {  	p0 =	sne.s32 s1, $0x9FC0;
	v2 =	vld [tilespmem:s4+$0x0];
	_ =	sdelay $0x4  }
0x5d: {  	v2 =	vadd.s32 $0xFFFFEC70, v2  }
0x5e: {  	v3 =	vshll.u32 v2, $0x4  }
0x5f: {  	vm0 =	vlt.u32 v2, $0x1390;
	v2 =	vor.u32 v0, v3  }
0x60: {  	v2 =	vsel vm0, v2, v0  }
.Ltmp1:
0x61: {  	(pc) =	sbr.rel @p0 .LBB2_4-.Ltmp1, $2  }
0x62: {  	_ =	sdelay $0x2  }
0x63: {  	s4 =	sshra.s32 s1, $0x2;
	s1 =	sadd.s32 $0x40, s1;
	[tilespmem:v2+s19+$0x0] =	vst.idx.add.f32.msk vm0, v1  }
0x64: {  	v2 =	vld [tilespmem:s4+$0x0];
	_ =	sdelay $0x4  }
0x65: {  	v2 =	vadd.s32 $0xFFFFEC70, v2  }
0x66: {  	v3 =	vshll.u32 v2, $0x4  }
0x67: {  	vm0 =	vlt.u32 v2, $0x1390;
	v2 =	vor.u32 v0, v3  }
0x68: {  	v2 =	vsel vm0, v2, v0;
	_ =	sdelay $0x4  }
0x69: {  	[tilespmem:v2+s19+$0x0] =	vst.idx.add.f32.msk vm0, v1  }
0x6a: {  	[tilespmem:s21], [sflag:$0x1] =	stream.linear.gather [hbm4b:s12+s3], $0x80, $0x38;
	[tilespmem:$0x19400] =	vst v63  }
0x6b: {  	_ =	swait.ge [sflag:s20], $0x80  }
0x6c: {  	[sflag:s20] =	ssyncset.done $0x0  }
0x6d: {  	[sflag:s20] =	ssyncadd.s32 $0xFFFFFF80  }
0x6e: {  	[spmem:s2] =	stream.indirect.scatter.add.f32 [tilespmem:s19], [sflag:$0x1], $0x80, s21, s22, $0xb8;
	[tilespmem:$0x19400] =	vst v63  }
0x6f: {  	_ =	swait.ge [sflag:s20], $0x4000  }
0x70: {  	[sflag:s20] =	ssyncset.done $0x0  }
0x71: {  	[sflag:s20] =	ssyncadd.s32 $0xFFFFC000  }
0x72: {  	[tilespmem:s23], [sflag:$0x1] =	stream.linear.gather [hbm4b:s13+s3], $0x80, $0x38;
	[tilespmem:$0x19400] =	vst v63  }
0x73: {  	_ =	swait.ge [sflag:s20], $0x80  }
0x74: {  	[sflag:s20] =	ssyncset.done $0x0  }
0x75: {  	[sflag:s20] =	ssyncadd.s32 $0xFFFFFF80  }
0x76: {  	[spmem:s2] =	stream.indirect.scatter.add.f32 [tilespmem:s24], [sflag:$0x1], $0x80, s23, s22, $0xb8;
	[tilespmem:$0x19400] =	vst v63  }
0x77: {  	_ =	swait.ge [sflag:s20], $0x4000  }
0x78: {  	[sflag:s20] =	ssyncset.done $0x0  }
0x79: {  	[sflag:s20] =	ssyncadd.s32 $0xFFFFC000  }
0x7a: {  	[tilespmem:s25], [sflag:$0x1] =	stream.linear.gather [hbm4b:s14+s3], $0x80, $0x38;
	[tilespmem:$0x19400] =	vst v63  }
0x7b: {  	_ =	swait.ge [sflag:s20], $0x80  }
0x7c: {  	[sflag:s20] =	ssyncset.done $0x0  }
0x7d: {  	[sflag:s20] =	ssyncadd.s32 $0xFFFFFF80  }
0x7e: {  	[spmem:s2] =	stream.indirect.scatter.add.f32 [tilespmem:s26], [sflag:$0x1], $0x80, s25, s22, $0xb8;
	[tilespmem:$0x19400] =	vst v63  }
0x7f: {  	_ =	swait.ge [sflag:s20], $0x4000  }
0x80: {  	[sflag:s20] =	ssyncset.done $0x0  }
0x81: {  	[sflag:s20] =	ssyncadd.s32 $0xFFFFC000  }
0x82: {  	[tilespmem:s28], [sflag:$0x1] =	stream.linear.gather [hbm4b:s15+s3], $0x80, $0x38;
	[tilespmem:$0x19400] =	vst v63  }
0x83: {  	_ =	swait.ge [sflag:s20], $0x80  }
0x84: {  	[sflag:s20] =	ssyncset.done $0x0  }
0x85: {  	[sflag:s20] =	ssyncadd.s32 $0xFFFFFF80  }
0x86: {  	[spmem:s2] =	stream.indirect.scatter.add.f32 [tilespmem:s29], [sflag:$0x1], $0x80, s28, s22, $0xb8;
	[tilespmem:$0x19400] =	vst v63  }
0x87: {  	_ =	swait.ge [sflag:s20], $0x4000  }
0x88: {  	[sflag:s20] =	ssyncset.done $0x0  }
0x89: {  	[sflag:s20] =	ssyncadd.s32 $0xFFFFC000  }
0x8a: {  	[tilespmem:s30], [sflag:$0x1] =	stream.linear.gather [hbm4b:s16+s3], $0x80, $0x38;
	[tilespmem:$0x19400] =	vst v63  }
0x8b: {  	_ =	swait.ge [sflag:s20], $0x80  }
0x8c: {  	[sflag:s20] =	ssyncset.done $0x0  }
0x8d: {  	[sflag:s20] =	ssyncadd.s32 $0xFFFFFF80  }
0x8e: {  	[spmem:s2] =	stream.indirect.scatter.add.f32 [tilespmem:s31], [sflag:$0x1], $0x80, s30, s22, $0xb8;
	[tilespmem:$0x19400] =	vst v63  }
0x8f: {  	_ =	swait.ge [sflag:s20], $0x4000  }
0x90: {  	[sflag:s20] =	ssyncset.done $0x0  }
0x91: {  	[sflag:s20] =	ssyncadd.s32 $0xFFFFC000  }
0x92: {  	[bflag:$0x0] =	sbarrier.arrive $0xFFFF  }
0x93: {  	[tilespmem:s19], [sflag:$0x1] =	stream.linear.gather [spmem:s6], $0x2800, $0x38;
	[tilespmem:$0x19400] =	vst v63  }
0x94: {  	s0 =	sadd.s32 $0x1, s0;
	_ =	swait.ge [sflag:s20], $0x2800  }
0x95: {  	p0 =	sne.s32 s0, s18;
	[sflag:s20] =	ssyncset.done $0x0  }
.Ltmp2:
0x96: {  	[sflag:s20] =	ssyncadd.s32 $0xFFFFD800;
	(pc) =	sbr.rel @p0 .LBB2_1-.Ltmp2, $4  }
0x97: {  	[hbm4b:s17+s3] =	stream.linear.scatter [tilespmem:s19], [sflag:$0x1], $0x2800, $0x38;
	[tilespmem:$0x19400] =	vst v63  }
0x98: {  	_ =	swait.ge [sflag:s20], $0x2800  }
0x99: {  	[sflag:s20] =	ssyncset.done $0x0  }
0x9a: {  	[sflag:s20] =	ssyncadd.s32 $0xFFFFD800  }
0x9b: {  	_ =	sfence.sel $0x180000  }
0x9c: {  	[bflag:$0x0] =	sbarrier.arrive $0xFFFF  }
0x9d: {  	_ =	strace $0x90000047  }
0x9e: {  	s0 =	stileid.u32;
	[bflag:$0x2] =	sbarrier.arrive $0xFFFF  }
0x9f: {  	p0 =	sne.s32 s0, $0x0;
	s0 =	rddreg [dreg:$0x3]  }
0xa0: {  	s0 =	sadd.s32 @!p0 $0x100000, s0  }
0xa1: {  	[sflag:s0] =	ssyncadd.tile.s32 @!p0 $0x1;
	_ =	shalt  }
.Lfunc_end2:
_tile_overlayer_lowered:
.L_overlay_start_2:
0xa2: {  	(tag) =	ssettag $0x2  }
0xa3: {  	s0 =	rddreg [dreg:$0x0];
	s2 =	stileid.u32  }
0xa4: {  	s1 =	rddreg [dreg:$0x1];
	p0 =	sne.s32 s2, $0x0  }
0xa5: {  	s3 =	rddreg [dreg:$0x2];
	[bflag:$0x3] =	sbarrier.arrive $0xFFFF;
	s2 =	simm.s32 @!p0 $0x1C01  }
0xa6: {  	[timem:s3], [sflag:s2] =	dma.local @!p0 [hbm:s0], s1  }
0xa7: {  	s0 =	simm.s32 @!p0 $0x1  }
0xa8: {  	_ =	swait.ge @!p0 [sflag:s0], s1  }
0xa9: {  	s1 =	ssub.s32 @!p0 $0x0, s1;
	[sflag:s0] =	ssyncset.done @!p0 $0x0  }
0xaa: {  	[sflag:s0] =	ssyncadd.s32 @!p0 s1  }
0xab: {  	[bflag:$0x3] =	sbarrier.arrive $0xFFFF  }
0xac: {  	_ =	shalt  }

</sc_bundles>
